<compile_context>
chip_gen: v7x
topology: tpu7x:2x2x1
jax: 0.10.2.dev20260603
libtpu: 0.0.44.dev20260713+nightly
codegen_flags: <defaults>
</compile_context>

<pallas_src>
import functools

import jax
import jax.numpy as jnp
from jax import lax
from jax.experimental import pallas as pl
from jax.experimental.pallas import tpu as pltpu
from jax.experimental.pallas import tpu_sc as plsc

N = 10000
E = 320000
D_IN = 92
D = 64
D2 = 128
D_EDGE = 41
FC = 128
L = 3
EPS = 1e-5

NC = 2
NS = 16
NW = NC * NS
CHUNK = 128
NCHUNK = E // CHUNK
SC_ITERS = (NCHUNK + NW - 1) // NW
ZROWS = 624
ZLAST = N - ZROWS * (NS - 1)

TN = 2000
NT = N // TN
TE = 2000
ET = E // TE

_RBF_STEP = 8.0 / (D_EDGE - 1)
_RBF_GAMMA = 1.0 / (_RBF_STEP * _RBF_STEP)



def _sc_gather_body(hsrc, hdst, src2d, dst2d, g_out, idxa, idxb, rows, sem):
    c = lax.axis_index("c")
    s = lax.axis_index("s")
    w = s * NC + c

    def body(i, carry):
        chunk = w + NW * i

        @pl.when(chunk < NCHUNK)
        def _():
            pltpu.sync_copy(src2d.at[chunk], idxa)
            pltpu.sync_copy(dst2d.at[chunk], idxb)
            pltpu.async_copy(hsrc.at[idxa], rows, sem).wait()
            pltpu.async_copy(hdst.at[idxb], rows, sem, add=True).wait()
            pltpu.sync_copy(rows, g_out.at[pl.ds(chunk * CHUNK, CHUNK), :])

        return carry

    lax.fori_loop(0, SC_ITERS, body, 0)


@functools.lru_cache(maxsize=None)
def _sc_gather():
    return pl.kernel(
        _sc_gather_body,
        out_type=jax.ShapeDtypeStruct((E, D2), jnp.float32),
        mesh=plsc.VectorSubcoreMesh(core_axis_name="c", subcore_axis_name="s"),
        scratch_types=[
            pltpu.VMEM((CHUNK,), jnp.int32),
            pltpu.VMEM((CHUNK,), jnp.int32),
            pltpu.VMEM((CHUNK, D2), jnp.float32),
            pltpu.SemaphoreType.DMA,
        ],
    )


def _sc_scatter_body(mg, dst2d, out_flat, idxw, rows, zrow, acc, sem):
    c = lax.axis_index("c")
    s = lax.axis_index("s")
    w = s * NC + c

    def zbody(i, carry):
        zrow[i // 4, pl.ds((i % 4) * 16, 16)] = jnp.zeros((16,), jnp.float32)
        return carry

    lax.fori_loop(0, 16 * 4, zbody, 0)
    off = s * ZROWS
    nz = jnp.where(s == NS - 1, ZLAST // 16, ZROWS // 16)

    def zcopy(j, carry):
        pltpu.sync_copy(zrow, acc.at[pl.ds(off + j * 16, 16), :])
        return carry

    lax.fori_loop(0, nz, zcopy, 0)
    plsc.subcore_barrier()

    def body(i, carry):
        chunk = w + NW * i

        @pl.when(chunk < NCHUNK)
        def _():
            pltpu.sync_copy(dst2d.at[chunk], idxw)
            pltpu.sync_copy(mg.at[pl.ds(chunk * CHUNK, CHUNK), :], rows)
            pltpu.async_copy(rows, acc.at[idxw], sem, add=True).wait()

        return carry

    lax.fori_loop(0, SC_ITERS, body, 0)
    plsc.subcore_barrier()

    @pl.when(s < NS - 1)
    def _():
        pltpu.sync_copy(
            acc.at[pl.ds(off, ZROWS), :],
            out_flat.at[pl.ds(c * N + off, ZROWS), :],
        )

    @pl.when(s == NS - 1)
    def _():
        pltpu.sync_copy(
            acc.at[pl.ds(off, ZLAST), :],
            out_flat.at[pl.ds(c * N + off, ZLAST), :],
        )


@functools.lru_cache(maxsize=None)
def _sc_scatter():
    return pl.kernel(
        _sc_scatter_body,
        out_type=jax.ShapeDtypeStruct((2 * N, D), jnp.float32),
        mesh=plsc.VectorSubcoreMesh(core_axis_name="c", subcore_axis_name="s"),
        scratch_types=[
            pltpu.VMEM((CHUNK,), jnp.int32),
            pltpu.VMEM((CHUNK, D), jnp.float32),
            pltpu.VMEM((16, D), jnp.float32),
            pltpu.VMEM_SHARED((N, D), jnp.float32),
            pltpu.SemaphoreType.DMA,
        ],
    )



def _embed_body(x_ref, w_ref, b_ref, o_ref):
    o_ref[...] = (
        jnp.dot(x_ref[...], w_ref[...], preferred_element_type=jnp.float32)
        + b_ref[...]
    )


@functools.lru_cache(maxsize=None)
def _embed():
    return pl.pallas_call(
        _embed_body,
        grid=(NT,),
        in_specs=[
            pl.BlockSpec((TN, D_IN), lambda i: (i, 0)),
            pl.BlockSpec((D_IN, D), lambda i: (0, 0)),
            pl.BlockSpec((1, D), lambda i: (0, 0)),
        ],
        out_specs=pl.BlockSpec((TN, D), lambda i: (i, 0)),
        out_shape=jax.ShapeDtypeStruct((N, D), jnp.float32),
    )


def _dense_body(h_ref, w_ref, b_ref, s_ref, d_ref):
    hb = jnp.dot(h_ref[...], w_ref[...], preferred_element_type=jnp.float32)
    hb = hb + b_ref[...]
    s_ref[...] = hb[:, :D2]
    d_ref[...] = hb[:, D2:]


@functools.lru_cache(maxsize=None)
def _dense():
    return pl.pallas_call(
        _dense_body,
        grid=(NT,),
        in_specs=[
            pl.BlockSpec((TN, D), lambda i: (i, 0)),
            pl.BlockSpec((D, 2 * D2), lambda i: (0, 0)),
            pl.BlockSpec((1, 2 * D2), lambda i: (0, 0)),
        ],
        out_specs=[
            pl.BlockSpec((TN, D2), lambda i: (i, 0)),
            pl.BlockSpec((TN, D2), lambda i: (i, 0)),
        ],
        out_shape=[
            jax.ShapeDtypeStruct((N, D2), jnp.float32),
            jax.ShapeDtypeStruct((N, D2), jnp.float32),
        ],
    )


def _edge_m(g_ref, r_ref, wpad_ref, bed_ref):
    rr = r_ref[...]
    bl = jnp.sqrt(jnp.sum(rr * rr, axis=1, keepdims=True))
    k = lax.broadcasted_iota(jnp.int32, (1, D2), 1).astype(jnp.float32)
    phi = jnp.exp(-_RBF_GAMMA * (bl - k * _RBF_STEP) ** 2)
    eproj = (
        jnp.dot(phi, wpad_ref[...], preferred_element_type=jnp.float32)
        + bed_ref[...]
    )
    return g_ref[...] + eproj


def _edge_body(g_ref, r_ref, wpad_ref, bed_ref, gm_ref, bm_ref, mg_ref,
               accs, accq, svec, tvec):
    p = pl.program_id(0)
    e = pl.program_id(1)

    @pl.when(jnp.logical_and(p == 0, e == 0))
    def _():
        accs[...] = jnp.zeros_like(accs)
        accq[...] = jnp.zeros_like(accq)

    m = _edge_m(g_ref, r_ref, wpad_ref, bed_ref)

    @pl.when(p == 0)
    def _():
        accs[...] += jnp.sum(m, axis=0, keepdims=True)
        accq[...] += jnp.sum(m * m, axis=0, keepdims=True)

    @pl.when(jnp.logical_and(p == 0, e == ET - 1))
    def _():
        mean = accs[...] * (1.0 / E)
        var = accq[...] * (1.0 / E) - mean * mean
        rstd = lax.rsqrt(var + EPS)
        svec[...] = gm_ref[...] * rstd
        tvec[...] = bm_ref[...] - mean * gm_ref[...] * rstd

    @pl.when(p == 1)
    def _():
        mn = m * svec[...] + tvec[...]
        mg_ref[...] = jax.nn.sigmoid(mn[:, :D]) * jax.nn.softplus(mn[:, D:])


@functools.lru_cache(maxsize=None)
def _edge():
    return pl.pallas_call(
        _edge_body,
        grid=(2, ET),
        in_specs=[
            pl.BlockSpec((TE, D2), lambda p, e: (e, 0)),
            pl.BlockSpec((TE, 3), lambda p, e: (e, 0)),
            pl.BlockSpec((D2, D2), lambda p, e: (0, 0)),
            pl.BlockSpec((1, D2), lambda p, e: (0, 0)),
            pl.BlockSpec((1, D2), lambda p, e: (0, 0)),
            pl.BlockSpec((1, D2), lambda p, e: (0, 0)),
        ],
        out_specs=pl.BlockSpec((TE, D), lambda p, e: (e, 0)),
        out_shape=jax.ShapeDtypeStruct((E, D), jnp.float32),
        scratch_shapes=[
            pltpu.VMEM((1, D2), jnp.float32),
            pltpu.VMEM((1, D2), jnp.float32),
            pltpu.VMEM((1, D2), jnp.float32),
            pltpu.VMEM((1, D2), jnp.float32),
        ],
    )


def _update_body(a0_ref, a1_ref, h_ref, gb_ref, bb_ref, h_out, hsum_out,
                 accs, accq, svec, tvec, hacc):
    p = pl.program_id(0)
    n = pl.program_id(1)

    @pl.when(jnp.logical_and(p == 0, n == 0))
    def _():
        accs[...] = jnp.zeros_like(accs)
        accq[...] = jnp.zeros_like(accq)
        hacc[...] = jnp.zeros_like(hacc)

    a = a0_ref[...] + a1_ref[...]

    @pl.when(p == 0)
    def _():
        accs[...] += jnp.sum(a, axis=0, keepdims=True)
        accq[...] += jnp.sum(a * a, axis=0, keepdims=True)

    @pl.when(jnp.logical_and(p == 0, n == NT - 1))
    def _():
        mean = accs[...] * (1.0 / N)
        var = accq[...] * (1.0 / N) - mean * mean
        rstd = lax.rsqrt(var + EPS)
        svec[...] = gb_ref[...] * rstd
        tvec[...] = bb_ref[...] - mean * gb_ref[...] * rstd

    @pl.when(p == 1)
    def _():
        hn = jax.nn.softplus(h_ref[...] + a * svec[...] + tvec[...])
        h_out[...] = hn
        hacc[...] += jnp.sum(hn, axis=0, keepdims=True)
        hsum_out[...] = hacc[...]


@functools.lru_cache(maxsize=None)
def _update():
    return pl.pallas_call(
        _update_body,
        grid=(2, NT),
        in_specs=[
            pl.BlockSpec((TN, D), lambda p, n: (n, 0)),
            pl.BlockSpec((TN, D), lambda p, n: (NT + n, 0)),
            pl.BlockSpec((TN, D), lambda p, n: (n, 0)),
            pl.BlockSpec((1, D), lambda p, n: (0, 0)),
            pl.BlockSpec((1, D), lambda p, n: (0, 0)),
        ],
        out_specs=[
            pl.BlockSpec((TN, D), lambda p, n: (n, 0)),
            pl.BlockSpec((1, D), lambda p, n: (0, 0)),
        ],
        out_shape=[
            jax.ShapeDtypeStruct((N, D), jnp.float32),
            jax.ShapeDtypeStruct((1, D), jnp.float32),
        ],
        scratch_shapes=[
            pltpu.VMEM((1, D), jnp.float32),
            pltpu.VMEM((1, D), jnp.float32),
            pltpu.VMEM((1, D), jnp.float32),
            pltpu.VMEM((1, D), jnp.float32),
            pltpu.VMEM((1, D), jnp.float32),
        ],
    )


def _readout_body(hs_ref, wfc_ref, bfc_ref, woutt_ref, bout_ref, o_ref):
    f = jax.nn.softplus(hs_ref[...] * (1.0 / N))
    f = jax.nn.softplus(
        jnp.dot(f, wfc_ref[...], preferred_element_type=jnp.float32)
        + bfc_ref[...]
    )
    f = jax.nn.softplus(f)
    o_ref[...] = jnp.sum(f * woutt_ref[...], axis=1, keepdims=True) + bout_ref[...]


@functools.lru_cache(maxsize=None)
def _readout():
    return pl.pallas_call(
        _readout_body,
        in_specs=[
            pl.BlockSpec((1, D), lambda: (0, 0)),
            pl.BlockSpec((D, FC), lambda: (0, 0)),
            pl.BlockSpec((1, FC), lambda: (0, 0)),
            pl.BlockSpec((1, FC), lambda: (0, 0)),
            pl.BlockSpec((1, 1), lambda: (0, 0)),
        ],
        out_specs=pl.BlockSpec((1, 1), lambda: (0, 0)),
        out_shape=jax.ShapeDtypeStruct((1, 1), jnp.float32),
    )



def kernel(atom_features, r, edge_index, W_emb, b_emb, W_src, b_src, W_dst,
           b_dst, W_edge, b_edge, g_msg, be_msg, g_bn, be_bn, W_fc, b_fc,
           W_out, b_out):
    p = jnp.argsort(edge_index[1])
    p = p.reshape(CHUNK, NCHUNK).T.reshape(E)
    src_p = edge_index[0][p]
    dst_p = edge_index[1][p]
    r_p = r[p]
    src2d = src_p.reshape(NCHUNK, CHUNK)
    dst2d = dst_p.reshape(NCHUNK, CHUNK)

    h = _embed()(atom_features, W_emb, b_emb.reshape(1, D))
    hsum = None
    for l in range(L):
        wcat = jnp.concatenate([W_src[l], W_dst[l]], axis=1)
        bcat = jnp.concatenate([b_src[l], b_dst[l]]).reshape(1, 2 * D2)
        hsrc, hdst = _dense()(h, wcat, bcat)
        g = _sc_gather()(hsrc, hdst, src2d, dst2d)
        wpad = jnp.pad(W_edge[l], ((0, D2 - D_EDGE), (0, 0)))
        mg = _edge()(g, r_p, wpad, b_edge[l].reshape(1, D2),
                     g_msg[l].reshape(1, D2), be_msg[l].reshape(1, D2))
        agg2 = _sc_scatter()(mg, dst2d)
        h, hsum = _update()(agg2, agg2, h, g_bn[l].reshape(1, D),
                            be_bn[l].reshape(1, D))
    out = _readout()(hsum, W_fc, b_fc.reshape(1, FC), W_out.reshape(1, FC),
                     b_out.reshape(1, 1))
    return out[0, 0]

# --- scband reference (transcript-rebuilt; emitter-appended) ---
"""Pipeline reference for scband-cgcnn-85710367359497 (READ-ONLY COPY).

The authoritative reference and input builder live on the scoring server;
editing this copy changes nothing except your own understanding.
"""

import jax, jax.numpy as jnp
import numpy as np

N = 10000
E = 320000
D_IN = 92
D = 64
D_EDGE = 41
FC = 128
L = 3
EPS = 1e-5


def setup_inputs(seed: int = 0) -> dict:
    key = jax.random.key(seed)
    ks = jax.random.split(key, 16)
    inp = {}
    inp["atom_features"] = jax.random.normal(ks[0], (N, D_IN), dtype=jnp.float32)
    inp["r"] = jax.random.normal(ks[1], (E, 3), dtype=jnp.float32)
    inp["edge_index"] = jax.random.randint(ks[2], (2, E), 0, N, dtype=jnp.int32)
    # learned parameters
    inp["W_emb"] = 0.05 * jax.random.normal(ks[3], (D_IN, D), dtype=jnp.float32)
    inp["b_emb"] = jnp.zeros((D,), dtype=jnp.float32)
    inp["W_src"] = 0.05 * jax.random.normal(ks[4], (L, D, 2 * D), dtype=jnp.float32)
    inp["b_src"] = jnp.zeros((L, 2 * D), dtype=jnp.float32)
    inp["W_dst"] = 0.05 * jax.random.normal(ks[5], (L, D, 2 * D), dtype=jnp.float32)
    inp["b_dst"] = jnp.zeros((L, 2 * D), dtype=jnp.float32)
    inp["W_edge"] = 0.05 * jax.random.normal(ks[6], (L, D_EDGE, 2 * D), dtype=jnp.float32)
    inp["b_edge"] = jnp.zeros((L, 2 * D), dtype=jnp.float32)
    inp["g_msg"] = jnp.ones((L, 2 * D), dtype=jnp.float32)
    inp["be_msg"] = jnp.zeros((L, 2 * D), dtype=jnp.float32)
    inp["g_bn"] = jnp.ones((L, D), dtype=jnp.float32)
    inp["be_bn"] = jnp.zeros((L, D), dtype=jnp.float32)
    inp["W_fc"] = 0.05 * jax.random.normal(ks[7], (D, FC), dtype=jnp.float32)
    inp["b_fc"] = jnp.zeros((FC,), dtype=jnp.float32)
    inp["W_out"] = 0.05 * jax.random.normal(ks[8], (FC, 1), dtype=jnp.float32)
    inp["b_out"] = jnp.zeros((1,), dtype=jnp.float32)
    return inp


def _batchnorm(x, gamma, beta):
    mu = jnp.mean(x, axis=0)
    var = jnp.var(x, axis=0)
    return gamma * (x - mu) * jax.lax.rsqrt(var + EPS) + beta


def _rbf(bondlength):
    centers = jnp.linspace(0.0, 8.0, D_EDGE)
    lengthscale = centers[1] - centers[0]
    gamma = 1.0 / (lengthscale ** 2)
    return jnp.exp(-gamma * (bondlength[:, None] - centers[None, :]) ** 2)


def reference(atom_features, r, edge_index, W_emb, b_emb, W_src, b_src, W_dst, b_dst,
              W_edge, b_edge, g_msg, be_msg, g_bn, be_bn, W_fc, b_fc, W_out, b_out):
    src = edge_index[0]
    dst = edge_index[1]
    # bond length and RBF edge features
    bondlength = jnp.linalg.norm(r, axis=1)
    edge_feats = _rbf(bondlength)
    # atom embedding
    h = atom_features @ W_emb + b_emb
    # CGCNN conv layers
    for l in range(L):
        h_src = h @ W_src[l] + b_src[l]
        h_dst = h @ W_dst[l] + b_dst[l]
        m = jnp.take(h_src, src, axis=0) + jnp.take(h_dst, dst, axis=0) + (edge_feats @ W_edge[l] + b_edge[l])
        m = _batchnorm(m, g_msg[l], be_msg[l])
        h_f, h_s = jnp.split(m, 2, axis=1)
        m = jax.nn.sigmoid(h_f) * jax.nn.softplus(h_s)
        agg = jnp.zeros((N, D), dtype=m.dtype).at[dst].add(m)
        agg = _batchnorm(agg, g_bn[l], be_bn[l])
        h = jax.nn.softplus(h + agg)
    # avg pooling readout (single graph)
    features = jnp.mean(h, axis=0)
    features = jax.nn.softplus(features)
    features = jax.nn.softplus(features @ W_fc + b_fc)
    features = jax.nn.softplus(features)
    out = features @ W_out + b_out
    return jnp.squeeze(out)

if __name__ == "__main__":
    import jax
    _d = setup_inputs()
    print(jax.jit(kernel)(*tuple(_d.values())))

</pallas_src>

<mosaic_0001>
#map = affine_map<(d0, d1) -> (0, 0)>
module attributes {stable_mosaic.version = 14 : i64} {
  func.func @_sc_gather_body(%arg0: i32, %arg1: i32, %arg2: memref<10000x128xf32, #tpu.memory_space<hbm>>, %arg3: memref<10000x128xf32, #tpu.memory_space<hbm>>, %arg4: memref<2500x128xi32, #tpu.memory_space<hbm>>, %arg5: memref<2500x128xi32, #tpu.memory_space<hbm>>, %arg6: memref<320000x128xf32, #tpu.memory_space<hbm>>, %arg7: memref<128xi32, #tpu.memory_space<vmem>>, %arg8: memref<128xi32, #tpu.memory_space<vmem>>, %arg9: memref<128x128xf32, #tpu.memory_space<vmem>>, %arg10: memref<!tpu.dma_semaphore, #tpu.memory_space<semaphore_mem>>) attributes {dimension_semantics = [#tpu.dimension_semantics<core_parallel>, #tpu.dimension_semantics<subcore_parallel>], iteration_bounds = array<i64: 2, 16>, scalar_prefetch = 0 : i64, scratch_operands = 4 : i64, tpu.core_type = #tpu.core_type<sc_vector_subcore>, window_params = [{transform_indices = #map}, {transform_indices = #map}, {transform_indices = #map}, {transform_indices = #map}, {transform_indices = #map}]} {
    %mul3A = arith.constant 2 : i32
    %mul3A_0 = arith.muli %arg1, %mul3A : i32
    %add3A = arith.addi %mul3A_0, %arg0 : i32
    %scan3A = arith.constant 0 : i32
    %scan3A_1 = arith.constant 0 : i32
    %scan3A_2 = arith.constant 79 : i32
    %scan3A_3 = arith.addi %scan3A_1, %scan3A_2 : i32
    %scan3A_4 = arith.constant 1 : i32
    scf.for %scan3A_6 = %scan3A_1 to %scan3A_3 step %scan3A_4  : i32 {
      %mul3A_7 = arith.constant 32 : i32
      %mul3A_8 = arith.muli %mul3A_7, %scan3A_6 : i32
      %add3A_9 = arith.addi %add3A, %mul3A_8 : i32
      %lt3A = arith.constant 2500 : i32
      %lt3A_10 = arith.cmpi slt, %add3A_9, %lt3A : i32
      %convert_element_type3A = arith.extui %lt3A_10 : i1 to i32
      %cond3A = arith.constant 0 : i32
      %cond3A_11 = arith.cmpi ne, %convert_element_type3A, %cond3A : i32
      scf.if %cond3A_11 {
        "tpu.region"() ({
          %run_scoped3A = tpu.sem_alloc : memref<!tpu.dma_semaphore, #tpu.memory_space<semaphore_mem>>
          %dma_start3A_24 = arith.constant 0 : i32
          %dma_start3A_25 = tpu.memref_slice %arg4[%add3A_9, %dma_start3A_24] : memref<2500x128xi32, #tpu.memory_space<hbm>> -> memref<1x128xi32, #tpu.memory_space<hbm>>
          %dma_start3A_26 = tpu.memref_squeeze %dma_start3A_25 : memref<1x128xi32, #tpu.memory_space<hbm>> -> memref<128xi32, #tpu.memory_space<hbm>>
          %dma_start3A_27 = arith.constant 0 : i32
          %dma_start3A_28 = tpu.memref_slice %arg4[%add3A_9, %dma_start3A_27] : memref<2500x128xi32, #tpu.memory_space<hbm>> -> memref<1x128xi32, #tpu.memory_space<hbm>>
          %dma_start3A_29 = tpu.memref_squeeze %dma_start3A_28 : memref<1x128xi32, #tpu.memory_space<hbm>> -> memref<128xi32, #tpu.memory_space<hbm>>
          tpu.enqueue_dma source(%dma_start3A_29 : memref<128xi32, #tpu.memory_space<hbm>>) target(%arg7 : memref<128xi32, #tpu.memory_space<vmem>>) target_semaphore(%run_scoped3A : memref<!tpu.dma_semaphore, #tpu.memory_space<semaphore_mem>>)
          %dma_wait3A_30 = arith.constant 0 : i32
          %dma_wait3A_31 = tpu.memref_slice %arg4[%add3A_9, %dma_wait3A_30] : memref<2500x128xi32, #tpu.memory_space<hbm>> -> memref<1x128xi32, #tpu.memory_space<hbm>>
          %dma_wait3A_32 = tpu.memref_squeeze %dma_wait3A_31 : memref<1x128xi32, #tpu.memory_space<hbm>> -> memref<128xi32, #tpu.memory_space<hbm>>
          %dma_wait3A_33 = arith.constant 0 : i32
          %dma_wait3A_34 = tpu.memref_slice %arg4[%add3A_9, %dma_wait3A_33] : memref<2500x128xi32, #tpu.memory_space<hbm>> -> memref<1x128xi32, #tpu.memory_space<hbm>>
          %dma_wait3A_35 = tpu.memref_squeeze %dma_wait3A_34 : memref<1x128xi32, #tpu.memory_space<hbm>> -> memref<128xi32, #tpu.memory_space<hbm>>
          tpu.wait_dma2 semaphore(%run_scoped3A : memref<!tpu.dma_semaphore, #tpu.memory_space<semaphore_mem>>) src(%dma_wait3A_35 : memref<128xi32, #tpu.memory_space<hbm>>) dst(%arg7 : memref<128xi32, #tpu.memory_space<vmem>>)
          tpu.yield
        }) : () -> ()
        "tpu.region"() ({
          %run_scoped3A = tpu.sem_alloc : memref<!tpu.dma_semaphore, #tpu.memory_space<semaphore_mem>>
          %dma_start3A_24 = arith.constant 0 : i32
          %dma_start3A_25 = tpu.memref_slice %arg5[%add3A_9, %dma_start3A_24] : memref<2500x128xi32, #tpu.memory_space<hbm>> -> memref<1x128xi32, #tpu.memory_space<hbm>>
          %dma_start3A_26 = tpu.memref_squeeze %dma_start3A_25 : memref<1x128xi32, #tpu.memory_space<hbm>> -> memref<128xi32, #tpu.memory_space<hbm>>
          %dma_start3A_27 = arith.constant 0 : i32
          %dma_start3A_28 = tpu.memref_slice %arg5[%add3A_9, %dma_start3A_27] : memref<2500x128xi32, #tpu.memory_space<hbm>> -> memref<1x128xi32, #tpu.memory_space<hbm>>
          %dma_start3A_29 = tpu.memref_squeeze %dma_start3A_28 : memref<1x128xi32, #tpu.memory_space<hbm>> -> memref<128xi32, #tpu.memory_space<hbm>>
          tpu.enqueue_dma source(%dma_start3A_29 : memref<128xi32, #tpu.memory_space<hbm>>) target(%arg8 : memref<128xi32, #tpu.memory_space<vmem>>) target_semaphore(%run_scoped3A : memref<!tpu.dma_semaphore, #tpu.memory_space<semaphore_mem>>)
          %dma_wait3A_30 = arith.constant 0 : i32
          %dma_wait3A_31 = tpu.memref_slice %arg5[%add3A_9, %dma_wait3A_30] : memref<2500x128xi32, #tpu.memory_space<hbm>> -> memref<1x128xi32, #tpu.memory_space<hbm>>
          %dma_wait3A_32 = tpu.memref_squeeze %dma_wait3A_31 : memref<1x128xi32, #tpu.memory_space<hbm>> -> memref<128xi32, #tpu.memory_space<hbm>>
          %dma_wait3A_33 = arith.constant 0 : i32
          %dma_wait3A_34 = tpu.memref_slice %arg5[%add3A_9, %dma_wait3A_33] : memref<2500x128xi32, #tpu.memory_space<hbm>> -> memref<1x128xi32, #tpu.memory_space<hbm>>
          %dma_wait3A_35 = tpu.memref_squeeze %dma_wait3A_34 : memref<1x128xi32, #tpu.memory_space<hbm>> -> memref<128xi32, #tpu.memory_space<hbm>>
          tpu.wait_dma2 semaphore(%run_scoped3A : memref<!tpu.dma_semaphore, #tpu.memory_space<semaphore_mem>>) src(%dma_wait3A_35 : memref<128xi32, #tpu.memory_space<hbm>>) dst(%arg8 : memref<128xi32, #tpu.memory_space<vmem>>)
          tpu.yield
        }) : () -> ()
        %dma_start3A = arith.constant 0 : i32
        %dma_start3A_12 = arith.constant 0 : i32
        %dma_start3A_13 = tpu.memref_slice %arg2[%dma_start3A, %dma_start3A_12] : memref<10000x128xf32, #tpu.memory_space<hbm>> -> memref<10000x128xf32, #tpu.memory_space<hbm>>
        tpu.enqueue_indirect_dma source(%dma_start3A_13 : memref<10000x128xf32, #tpu.memory_space<hbm>>) target(%arg9 : memref<128x128xf32, #tpu.memory_space<vmem>>) offsets(%arg7 : memref<128xi32, #tpu.memory_space<vmem>>) semaphore(%arg10 : memref<!tpu.dma_semaphore, #tpu.memory_space<semaphore_mem>>)
        %dma_wait3A = arith.constant 0 : i32
        %dma_wait3A_14 = arith.constant 0 : i32
        %dma_wait3A_15 = tpu.memref_slice %arg2[%dma_wait3A, %dma_wait3A_14] : memref<10000x128xf32, #tpu.memory_space<hbm>> -> memref<10000x128xf32, #tpu.memory_space<hbm>>
        tpu.wait_indirect_dma semaphore(%arg10 : memref<!tpu.dma_semaphore, #tpu.memory_space<semaphore_mem>>) src(%dma_wait3A_15 : memref<10000x128xf32, #tpu.memory_space<hbm>>) dst(%arg9 : memref<128x128xf32, #tpu.memory_space<vmem>>)
        %dma_start3A_16 = arith.constant 0 : i32
        %dma_start3A_17 = arith.constant 0 : i32
        %dma_start3A_18 = tpu.memref_slice %arg3[%dma_start3A_16, %dma_start3A_17] : memref<10000x128xf32, #tpu.memory_space<hbm>> -> memref<10000x128xf32, #tpu.memory_space<hbm>>
        tpu.enqueue_indirect_dma source(%dma_start3A_18 : memref<10000x128xf32, #tpu.memory_space<hbm>>) target(%arg9 : memref<128x128xf32, #tpu.memory_space<vmem>>) offsets(%arg8 : memref<128xi32, #tpu.memory_space<vmem>>) semaphore(%arg10 : memref<!tpu.dma_semaphore, #tpu.memory_space<semaphore_mem>>) {add = true}
        %dma_wait3A_19 = arith.constant 0 : i32
        %dma_wait3A_20 = arith.constant 0 : i32
        %dma_wait3A_21 = tpu.memref_slice %arg3[%dma_wait3A_19, %dma_wait3A_20] : memref<10000x128xf32, #tpu.memory_space<hbm>> -> memref<10000x128xf32, #tpu.memory_space<hbm>>
        tpu.wait_indirect_dma semaphore(%arg10 : memref<!tpu.dma_semaphore, #tpu.memory_space<semaphore_mem>>) src(%dma_wait3A_21 : memref<10000x128xf32, #tpu.memory_space<hbm>>) dst(%arg9 : memref<128x128xf32, #tpu.memory_space<vmem>>)
        %mul3A_22 = arith.constant 128 : i32
        %mul3A_23 = arith.muli %add3A_9, %mul3A_22 : i32
        "tpu.region"() ({
          %run_scoped3A = tpu.sem_alloc : memref<!tpu.dma_semaphore, #tpu.memory_space<semaphore_mem>>
          %dma_start3A_24 = arith.constant 0 : i32
          %dma_start3A_25 = tpu.memref_slice %arg6[%mul3A_23, %dma_start3A_24] : memref<320000x128xf32, #tpu.memory_space<hbm>> -> memref<128x128xf32, #tpu.memory_space<hbm>>
          %dma_start3A_26 = arith.constant 0 : i32
          %dma_start3A_27 = tpu.memref_slice %arg6[%mul3A_23, %dma_start3A_26] : memref<320000x128xf32, #tpu.memory_space<hbm>> -> memref<128x128xf32, #tpu.memory_space<hbm>>
          tpu.enqueue_dma source(%arg9 : memref<128x128xf32, #tpu.memory_space<vmem>>) target(%dma_start3A_27 : memref<128x128xf32, #tpu.memory_space<hbm>>) target_semaphore(%run_scoped3A : memref<!tpu.dma_semaphore, #tpu.memory_space<semaphore_mem>>)
          %dma_wait3A_28 = arith.constant 0 : i32
          %dma_wait3A_29 = tpu.memref_slice %arg6[%mul3A_23, %dma_wait3A_28] : memref<320000x128xf32, #tpu.memory_space<hbm>> -> memref<128x128xf32, #tpu.memory_space<hbm>>
          %dma_wait3A_30 = arith.constant 0 : i32
          %dma_wait3A_31 = tpu.memref_slice %arg6[%mul3A_23, %dma_wait3A_30] : memref<320000x128xf32, #tpu.memory_space<hbm>> -> memref<128x128xf32, #tpu.memory_space<hbm>>
          tpu.wait_dma2 semaphore(%run_scoped3A : memref<!tpu.dma_semaphore, #tpu.memory_space<semaphore_mem>>) src(%arg9 : memref<128x128xf32, #tpu.memory_space<vmem>>) dst(%dma_wait3A_31 : memref<128x128xf32, #tpu.memory_space<hbm>>)
          tpu.yield
        }) : () -> ()
      } else {
      }
    }
    %scan3A_5 = arith.constant 79 : i32
    return
  }
}

#map = affine_map<(d0, d1) -> (0, 0)>
module attributes {stable_mosaic.version = 14 : i64} {
  func.func @_sc_scatter_body(%arg0: i32, %arg1: i32, %arg2: memref<320000x64xf32, #tpu.memory_space<hbm>>, %arg3: memref<2500x128xi32, #tpu.memory_space<hbm>>, %arg4: memref<20000x64xf32, #tpu.memory_space<hbm>>, %arg5: memref<128xi32, #tpu.memory_space<vmem>>, %arg6: memref<128x64xf32, #tpu.memory_space<vmem>>, %arg7: memref<16x64xf32, #tpu.memory_space<vmem>>, %arg8: memref<10000x64xf32, #tpu.memory_space<vmem_shared>>, %arg9: memref<!tpu.dma_semaphore, #tpu.memory_space<semaphore_mem>>) attributes {dimension_semantics = [#tpu.dimension_semantics<core_parallel>, #tpu.dimension_semantics<subcore_parallel>], iteration_bounds = array<i64: 2, 16>, scalar_prefetch = 0 : i64, scratch_operands = 5 : i64, tpu.core_type = #tpu.core_type<sc_vector_subcore>, window_params = [{transform_indices = #map}, {transform_indices = #map}, {transform_indices = #map}]} {
    %mul3A = arith.constant 2 : i32
    %mul3A_0 = arith.muli %arg1, %mul3A : i32
    %add3A = arith.addi %mul3A_0, %arg0 : i32
    %scan3A = arith.constant 0 : i32
    %scan3A_1 = arith.constant 0 : i32
    %scan3A_2 = arith.constant 64 : i32
    %scan3A_3 = arith.addi %scan3A_1, %scan3A_2 : i32
    %scan3A_4 = arith.constant 1 : i32
    scf.for %scan3A_33 = %scan3A_1 to %scan3A_3 step %scan3A_4  : i32 {
      %broadcast_in_dim3A = arith.constant 0.000000e+00 : f32
      %broadcast_in_dim3A_34 = vector.broadcast %broadcast_in_dim3A : f32 to vector<16xf32>
      %jit3A_35 = arith.constant 4 : i32
      %div3A = arith.divsi %scan3A_33, %jit3A_35 : i32
      %sign3A = arith.constant 0 : i32
      %sign3A_36 = arith.cmpi sgt, %scan3A_33, %sign3A : i32
      %sign3A_37 = arith.extui %sign3A_36 : i1 to i32
      %sign3A_38 = arith.constant 0 : i32
      %sign3A_39 = arith.cmpi slt, %scan3A_33, %sign3A_38 : i32
      %sign3A_40 = arith.extui %sign3A_39 : i1 to i32
      %sign3A_41 = arith.subi %sign3A_37, %sign3A_40 : i32
      %sign3A_42 = arith.constant 0 : i32
      %sign3A_43 = arith.cmpi sgt, %jit3A_35, %sign3A_42 : i32
      %sign3A_44 = arith.extui %sign3A_43 : i1 to i32
      %sign3A_45 = arith.constant 0 : i32
      %sign3A_46 = arith.cmpi slt, %jit3A_35, %sign3A_45 : i32
      %sign3A_47 = arith.extui %sign3A_46 : i1 to i32
      %sign3A_48 = arith.subi %sign3A_44, %sign3A_47 : i32
      %ne3A = arith.cmpi ne, %sign3A_41, %sign3A_48 : i32
      %rem3A = arith.remsi %scan3A_33, %jit3A_35 : i32
      %ne3A_49 = arith.constant 0 : i32
      %ne3A_50 = arith.cmpi ne, %rem3A, %ne3A_49 : i32
      %and3A = arith.andi %ne3A, %ne3A_50 : i1
      %sub3A = arith.constant 1 : i32
      %sub3A_51 = arith.subi %div3A, %sub3A : i32
      %select_n3A_52 = arith.select %and3A, %sub3A_51, %div3A : i32
      %jit3A_53 = arith.constant 4 : i32
      %eq3A_54 = arith.constant 0 : i32
      %eq3A_55 = arith.cmpi eq, %jit3A_53, %eq3A_54 : i32
      %jit3A_56 = arith.constant 1 : i32
      %select_n3A_57 = arith.select %eq3A_55, %jit3A_56, %jit3A_53 : i32
      %rem3A_58 = arith.remsi %scan3A_33, %select_n3A_57 : i32
      %ne3A_59 = arith.constant 0 : i32
      %ne3A_60 = arith.cmpi ne, %rem3A_58, %ne3A_59 : i32
      %lt3A_61 = arith.constant 0 : i32
      %lt3A_62 = arith.cmpi slt, %rem3A_58, %lt3A_61 : i32
      %lt3A_63 = arith.constant 0 : i32
      %lt3A_64 = arith.cmpi slt, %select_n3A_57, %lt3A_63 : i32
      %ne3A_65 = arith.xori %lt3A_62, %lt3A_64 : i1
      %and3A_66 = arith.andi %ne3A_65, %ne3A_60 : i1
      %add3A_67 = arith.addi %rem3A_58, %select_n3A_57 : i32
      %select_n3A_68 = arith.select %and3A_66, %add3A_67, %rem3A_58 : i32
      %mul3A_69 = arith.constant 16 : i32
      %mul3A_70 = arith.muli %select_n3A_68, %mul3A_69 : i32
      %swap3A = arith.index_cast %select_n3A_52 : i32 to index
      %swap3A_71 = arith.index_cast %mul3A_70 : i32 to index
      %swap3A_72 = tpu.vector_load %arg7[%swap3A, %swap3A_71] {strides = array<i32>} : memref<16x64xf32, #tpu.memory_space<vmem>>, vector<1x16xf32>,
      %swap3A_73 = vector.shape_cast %swap3A_72 : vector<1x16xf32> to vector<16xf32>
      %swap3A_74 = vector.shape_cast %broadcast_in_dim3A_34 : vector<16xf32> to vector<1x16xf32>
      tpu.vector_store %arg7[%swap3A, %swap3A_71], %swap3A_74 {strides = array<i32>} : memref<16x64xf32, #tpu.memory_space<vmem>>, vector<1x16xf32>,
    }
    %scan3A_5 = arith.constant 64 : i32
    %mul3A_6 = arith.constant 624 : i32
    %mul3A_7 = arith.muli %arg1, %mul3A_6 : i32
    %eq3A = arith.constant 15 : i32
    %eq3A_8 = arith.cmpi eq, %arg1, %eq3A : i32
    %jit3A = arith.constant 40 : i32
    %jit3A_9 = arith.constant 39 : i32
    %select_n3A = arith.select %eq3A_8, %jit3A, %jit3A_9 : i32
    %while3A = arith.constant 0 : i32
    %while3A_10 = arith.constant 0 : i32
    %while3A_11 = arith.subi %select_n3A, %while3A_10 : i32
    %while3A_12 = arith.addi %while3A_10, %while3A_11 : i32
    %while3A_13 = arith.constant 1 : i32
    %while3A_14 = arith.divsi %while3A_11, %while3A_13 : i32
    %while3A_15 = arith.muli %while3A_14, %while3A_13 : i32
    %while3A_16 = arith.addi %while3A_10, %while3A_15 : i32
    %while3A_17 = arith.constant 1 : i32
    scf.for %while3A_33 = %while3A_10 to %while3A_16 step %while3A_17  : i32 {
      %mul3A_34 = arith.constant 16 : i32
      %mul3A_35 = arith.muli %while3A_33, %mul3A_34 : i32
      %add3A_36 = arith.addi %mul3A_7, %mul3A_35 : i32
      "tpu.region"() ({
        %run_scoped3A = tpu.sem_alloc : memref<!tpu.dma_semaphore, #tpu.memory_space<semaphore_mem>>
        %dma_start3A = arith.constant 0 : i32
        %dma_start3A_37 = tpu.memref_slice %arg8[%add3A_36, %dma_start3A] : memref<10000x64xf32, #tpu.memory_space<vmem_shared>> -> memref<16x64xf32, #tpu.memory_space<vmem_shared>>
        %dma_start3A_38 = arith.constant 0 : i32
        %dma_start3A_39 = tpu.memref_slice %arg8[%add3A_36, %dma_start3A_38] : memref<10000x64xf32, #tpu.memory_space<vmem_shared>> -> memref<16x64xf32, #tpu.memory_space<vmem_shared>>
        tpu.enqueue_dma source(%arg7 : memref<16x64xf32, #tpu.memory_space<vmem>>) target(%dma_start3A_39 : memref<16x64xf32, #tpu.memory_space<vmem_shared>>) target_semaphore(%run_scoped3A : memref<!tpu.dma_semaphore, #tpu.memory_space<semaphore_mem>>)
        %dma_wait3A = arith.constant 0 : i32
        %dma_wait3A_40 = tpu.memref_slice %arg8[%add3A_36, %dma_wait3A] : memref<10000x64xf32, #tpu.memory_space<vmem_shared>> -> memref<16x64xf32, #tpu.memory_space<vmem_shared>>
        %dma_wait3A_41 = arith.constant 0 : i32
        %dma_wait3A_42 = tpu.memref_slice %arg8[%add3A_36, %dma_wait3A_41] : memref<10000x64xf32, #tpu.memory_space<vmem_shared>> -> memref<16x64xf32, #tpu.memory_space<vmem_shared>>
        tpu.wait_dma2 semaphore(%run_scoped3A : memref<!tpu.dma_semaphore, #tpu.memory_space<semaphore_mem>>) src(%arg7 : memref<16x64xf32, #tpu.memory_space<vmem>>) dst(%dma_wait3A_42 : memref<16x64xf32, #tpu.memory_space<vmem_shared>>)
        tpu.yield
      }) : () -> ()
    }
    %while3A_18 = arith.constant 1 : i32
    scf.for %while3A_33 = %while3A_16 to %while3A_12 step %while3A_18  : i32 {
      %mul3A_34 = arith.constant 16 : i32
      %mul3A_35 = arith.muli %while3A_33, %mul3A_34 : i32
      %add3A_36 = arith.addi %mul3A_7, %mul3A_35 : i32
      "tpu.region"() ({
        %run_scoped3A = tpu.sem_alloc : memref<!tpu.dma_semaphore, #tpu.memory_space<semaphore_mem>>
        %dma_start3A = arith.constant 0 : i32
        %dma_start3A_37 = tpu.memref_slice %arg8[%add3A_36, %dma_start3A] : memref<10000x64xf32, #tpu.memory_space<vmem_shared>> -> memref<16x64xf32, #tpu.memory_space<vmem_shared>>
        %dma_start3A_38 = arith.constant 0 : i32
        %dma_start3A_39 = tpu.memref_slice %arg8[%add3A_36, %dma_start3A_38] : memref<10000x64xf32, #tpu.memory_space<vmem_shared>> -> memref<16x64xf32, #tpu.memory_space<vmem_shared>>
        tpu.enqueue_dma source(%arg7 : memref<16x64xf32, #tpu.memory_space<vmem>>) target(%dma_start3A_39 : memref<16x64xf32, #tpu.memory_space<vmem_shared>>) target_semaphore(%run_scoped3A : memref<!tpu.dma_semaphore, #tpu.memory_space<semaphore_mem>>)
        %dma_wait3A = arith.constant 0 : i32
        %dma_wait3A_40 = tpu.memref_slice %arg8[%add3A_36, %dma_wait3A] : memref<10000x64xf32, #tpu.memory_space<vmem_shared>> -> memref<16x64xf32, #tpu.memory_space<vmem_shared>>
        %dma_wait3A_41 = arith.constant 0 : i32
        %dma_wait3A_42 = tpu.memref_slice %arg8[%add3A_36, %dma_wait3A_41] : memref<10000x64xf32, #tpu.memory_space<vmem_shared>> -> memref<16x64xf32, #tpu.memory_space<vmem_shared>>
        tpu.wait_dma2 semaphore(%run_scoped3A : memref<!tpu.dma_semaphore, #tpu.memory_space<semaphore_mem>>) src(%arg7 : memref<16x64xf32, #tpu.memory_space<vmem>>) dst(%dma_wait3A_42 : memref<16x64xf32, #tpu.memory_space<vmem_shared>>)
        tpu.yield
      }) : () -> ()
    }
    %barrier3A = arith.constant 0 : index
    tpu.barrier barrier_id(%barrier3A)
    %scan3A_19 = arith.constant 0 : i32
    %scan3A_20 = arith.constant 0 : i32
    %scan3A_21 = arith.constant 79 : i32
    %scan3A_22 = arith.addi %scan3A_20, %scan3A_21 : i32
    %scan3A_23 = arith.constant 1 : i32
    scf.for %scan3A_33 = %scan3A_20 to %scan3A_22 step %scan3A_23  : i32 {
      %mul3A_34 = arith.constant 32 : i32
      %mul3A_35 = arith.muli %mul3A_34, %scan3A_33 : i32
      %add3A_36 = arith.addi %add3A, %mul3A_35 : i32
      %lt3A_37 = arith.constant 2500 : i32
      %lt3A_38 = arith.cmpi slt, %add3A_36, %lt3A_37 : i32
      %convert_element_type3A_39 = arith.extui %lt3A_38 : i1 to i32
      %cond3A_40 = arith.constant 0 : i32
      %cond3A_41 = arith.cmpi ne, %convert_element_type3A_39, %cond3A_40 : i32
      scf.if %cond3A_41 {
        "tpu.region"() ({
          %run_scoped3A = tpu.sem_alloc : memref<!tpu.dma_semaphore, #tpu.memory_space<semaphore_mem>>
          %dma_start3A_48 = arith.constant 0 : i32
          %dma_start3A_49 = tpu.memref_slice %arg3[%add3A_36, %dma_start3A_48] : memref<2500x128xi32, #tpu.memory_space<hbm>> -> memref<1x128xi32, #tpu.memory_space<hbm>>
          %dma_start3A_50 = tpu.memref_squeeze %dma_start3A_49 : memref<1x128xi32, #tpu.memory_space<hbm>> -> memref<128xi32, #tpu.memory_space<hbm>>
          %dma_start3A_51 = arith.constant 0 : i32
          %dma_start3A_52 = tpu.memref_slice %arg3[%add3A_36, %dma_start3A_51] : memref<2500x128xi32, #tpu.memory_space<hbm>> -> memref<1x128xi32, #tpu.memory_space<hbm>>
          %dma_start3A_53 = tpu.memref_squeeze %dma_start3A_52 : memref<1x128xi32, #tpu.memory_space<hbm>> -> memref<128xi32, #tpu.memory_space<hbm>>
          tpu.enqueue_dma source(%dma_start3A_53 : memref<128xi32, #tpu.memory_space<hbm>>) target(%arg5 : memref<128xi32, #tpu.memory_space<vmem>>) target_semaphore(%run_scoped3A : memref<!tpu.dma_semaphore, #tpu.memory_space<semaphore_mem>>)
          %dma_wait3A_54 = arith.constant 0 : i32
          %dma_wait3A_55 = tpu.memref_slice %arg3[%add3A_36, %dma_wait3A_54] : memref<2500x128xi32, #tpu.memory_space<hbm>> -> memref<1x128xi32, #tpu.memory_space<hbm>>
          %dma_wait3A_56 = tpu.memref_squeeze %dma_wait3A_55 : memref<1x128xi32, #tpu.memory_space<hbm>> -> memref<128xi32, #tpu.memory_space<hbm>>
          %dma_wait3A_57 = arith.constant 0 : i32
          %dma_wait3A_58 = tpu.memref_slice %arg3[%add3A_36, %dma_wait3A_57] : memref<2500x128xi32, #tpu.memory_space<hbm>> -> memref<1x128xi32, #tpu.memory_space<hbm>>
          %dma_wait3A_59 = tpu.memref_squeeze %dma_wait3A_58 : memref<1x128xi32, #tpu.memory_space<hbm>> -> memref<128xi32, #tpu.memory_space<hbm>>
          tpu.wait_dma2 semaphore(%run_scoped3A : memref<!tpu.dma_semaphore, #tpu.memory_space<semaphore_mem>>) src(%dma_wait3A_59 : memref<128xi32, #tpu.memory_space<hbm>>) dst(%arg5 : memref<128xi32, #tpu.memory_space<vmem>>)
          tpu.yield
        }) : () -> ()
        %mul3A_42 = arith.constant 128 : i32
        %mul3A_43 = arith.muli %add3A_36, %mul3A_42 : i32
        "tpu.region"() ({
          %run_scoped3A = tpu.sem_alloc : memref<!tpu.dma_semaphore, #tpu.memory_space<semaphore_mem>>
          %dma_start3A_48 = arith.constant 0 : i32
          %dma_start3A_49 = tpu.memref_slice %arg2[%mul3A_43, %dma_start3A_48] : memref<320000x64xf32, #tpu.memory_space<hbm>> -> memref<128x64xf32, #tpu.memory_space<hbm>>
          %dma_start3A_50 = arith.constant 0 : i32
          %dma_start3A_51 = tpu.memref_slice %arg2[%mul3A_43, %dma_start3A_50] : memref<320000x64xf32, #tpu.memory_space<hbm>> -> memref<128x64xf32, #tpu.memory_space<hbm>>
          tpu.enqueue_dma source(%dma_start3A_51 : memref<128x64xf32, #tpu.memory_space<hbm>>) target(%arg6 : memref<128x64xf32, #tpu.memory_space<vmem>>) target_semaphore(%run_scoped3A : memref<!tpu.dma_semaphore, #tpu.memory_space<semaphore_mem>>)
          %dma_wait3A_52 = arith.constant 0 : i32
          %dma_wait3A_53 = tpu.memref_slice %arg2[%mul3A_43, %dma_wait3A_52] : memref<320000x64xf32, #tpu.memory_space<hbm>> -> memref<128x64xf32, #tpu.memory_space<hbm>>
          %dma_wait3A_54 = arith.constant 0 : i32
          %dma_wait3A_55 = tpu.memref_slice %arg2[%mul3A_43, %dma_wait3A_54] : memref<320000x64xf32, #tpu.memory_space<hbm>> -> memref<128x64xf32, #tpu.memory_space<hbm>>
          tpu.wait_dma2 semaphore(%run_scoped3A : memref<!tpu.dma_semaphore, #tpu.memory_space<semaphore_mem>>) src(%dma_wait3A_55 : memref<128x64xf32, #tpu.memory_space<hbm>>) dst(%arg6 : memref<128x64xf32, #tpu.memory_space<vmem>>)
          tpu.yield
        }) : () -> ()
        %dma_start3A = arith.constant 0 : i32
        %dma_start3A_44 = arith.constant 0 : i32
        %dma_start3A_45 = tpu.memref_slice %arg8[%dma_start3A, %dma_start3A_44] : memref<10000x64xf32, #tpu.memory_space<vmem_shared>> -> memref<10000x64xf32, #tpu.memory_space<vmem_shared>>
        tpu.enqueue_indirect_dma source(%arg6 : memref<128x64xf32, #tpu.memory_space<vmem>>) target(%dma_start3A_45 : memref<10000x64xf32, #tpu.memory_space<vmem_shared>>) offsets(%arg5 : memref<128xi32, #tpu.memory_space<vmem>>) semaphore(%arg9 : memref<!tpu.dma_semaphore, #tpu.memory_space<semaphore_mem>>) {add = true}
        %dma_wait3A = arith.constant 0 : i32
        %dma_wait3A_46 = arith.constant 0 : i32
        %dma_wait3A_47 = tpu.memref_slice %arg8[%dma_wait3A, %dma_wait3A_46] : memref<10000x64xf32, #tpu.memory_space<vmem_shared>> -> memref<10000x64xf32, #tpu.memory_space<vmem_shared>>
        tpu.wait_indirect_dma semaphore(%arg9 : memref<!tpu.dma_semaphore, #tpu.memory_space<semaphore_mem>>) src(%arg6 : memref<128x64xf32, #tpu.memory_space<vmem>>) dst(%dma_wait3A_47 : memref<10000x64xf32, #tpu.memory_space<vmem_shared>>)
      } else {
      }
    }
    %scan3A_24 = arith.constant 79 : i32
    %barrier3A_25 = arith.constant 0 : index
    tpu.barrier barrier_id(%barrier3A_25)
    %lt3A = arith.constant 15 : i32
    %lt3A_26 = arith.cmpi slt, %arg1, %lt3A : i32
    %convert_element_type3A = arith.extui %lt3A_26 : i1 to i32
    %cond3A = arith.constant 0 : i32
    %cond3A_27 = arith.cmpi ne, %convert_element_type3A, %cond3A : i32
    scf.if %cond3A_27 {
      %mul3A_33 = arith.constant 10000 : i32
      %mul3A_34 = arith.muli %arg0, %mul3A_33 : i32
      %add3A_35 = arith.addi %mul3A_34, %mul3A_7 : i32
      "tpu.region"() ({
        %run_scoped3A = tpu.sem_alloc : memref<!tpu.dma_semaphore, #tpu.memory_space<semaphore_mem>>
        %dma_start3A = arith.constant 0 : i32
        %dma_start3A_36 = tpu.memref_slice %arg4[%add3A_35, %dma_start3A] : memref<20000x64xf32, #tpu.memory_space<hbm>> -> memref<624x64xf32, #tpu.memory_space<hbm>>
        %dma_start3A_37 = arith.constant 0 : i32
        %dma_start3A_38 = tpu.memref_slice %arg8[%mul3A_7, %dma_start3A_37] : memref<10000x64xf32, #tpu.memory_space<vmem_shared>> -> memref<624x64xf32, #tpu.memory_space<vmem_shared>>
        tpu.enqueue_dma source(%dma_start3A_38 : memref<624x64xf32, #tpu.memory_space<vmem_shared>>) target(%dma_start3A_36 : memref<624x64xf32, #tpu.memory_space<hbm>>) target_semaphore(%run_scoped3A : memref<!tpu.dma_semaphore, #tpu.memory_space<semaphore_mem>>)
        %dma_wait3A = arith.constant 0 : i32
        %dma_wait3A_39 = tpu.memref_slice %arg4[%add3A_35, %dma_wait3A] : memref<20000x64xf32, #tpu.memory_space<hbm>> -> memref<624x64xf32, #tpu.memory_space<hbm>>
        %dma_wait3A_40 = arith.constant 0 : i32
        %dma_wait3A_41 = tpu.memref_slice %arg8[%mul3A_7, %dma_wait3A_40] : memref<10000x64xf32, #tpu.memory_space<vmem_shared>> -> memref<624x64xf32, #tpu.memory_space<vmem_shared>>
        tpu.wait_dma2 semaphore(%run_scoped3A : memref<!tpu.dma_semaphore, #tpu.memory_space<semaphore_mem>>) src(%dma_wait3A_41 : memref<624x64xf32, #tpu.memory_space<vmem_shared>>) dst(%dma_wait3A_39 : memref<624x64xf32, #tpu.memory_space<hbm>>)
        tpu.yield
      }) : () -> ()
    } else {
    }
    %eq3A_28 = arith.constant 15 : i32
    %eq3A_29 = arith.cmpi eq, %arg1, %eq3A_28 : i32
    %convert_element_type3A_30 = arith.extui %eq3A_29 : i1 to i32
    %cond3A_31 = arith.constant 0 : i32
    %cond3A_32 = arith.cmpi ne, %convert_element_type3A_30, %cond3A_31 : i32
    scf.if %cond3A_32 {
      %mul3A_33 = arith.constant 10000 : i32
      %mul3A_34 = arith.muli %arg0, %mul3A_33 : i32
      %add3A_35 = arith.addi %mul3A_34, %mul3A_7 : i32
      "tpu.region"() ({
        %run_scoped3A = tpu.sem_alloc : memref<!tpu.dma_semaphore, #tpu.memory_space<semaphore_mem>>
        %dma_start3A = arith.constant 0 : i32
        %dma_start3A_36 = tpu.memref_slice %arg4[%add3A_35, %dma_start3A] : memref<20000x64xf32, #tpu.memory_space<hbm>> -> memref<640x64xf32, #tpu.memory_space<hbm>>
        %dma_start3A_37 = arith.constant 0 : i32
        %dma_start3A_38 = tpu.memref_slice %arg8[%mul3A_7, %dma_start3A_37] : memref<10000x64xf32, #tpu.memory_space<vmem_shared>> -> memref<640x64xf32, #tpu.memory_space<vmem_shared>>
        tpu.enqueue_dma source(%dma_start3A_38 : memref<640x64xf32, #tpu.memory_space<vmem_shared>>) target(%dma_start3A_36 : memref<640x64xf32, #tpu.memory_space<hbm>>) target_semaphore(%run_scoped3A : memref<!tpu.dma_semaphore, #tpu.memory_space<semaphore_mem>>)
        %dma_wait3A = arith.constant 0 : i32
        %dma_wait3A_39 = tpu.memref_slice %arg4[%add3A_35, %dma_wait3A] : memref<20000x64xf32, #tpu.memory_space<hbm>> -> memref<640x64xf32, #tpu.memory_space<hbm>>
        %dma_wait3A_40 = arith.constant 0 : i32
        %dma_wait3A_41 = tpu.memref_slice %arg8[%mul3A_7, %dma_wait3A_40] : memref<10000x64xf32, #tpu.memory_space<vmem_shared>> -> memref<640x64xf32, #tpu.memory_space<vmem_shared>>
        tpu.wait_dma2 semaphore(%run_scoped3A : memref<!tpu.dma_semaphore, #tpu.memory_space<semaphore_mem>>) src(%dma_wait3A_41 : memref<640x64xf32, #tpu.memory_space<vmem_shared>>) dst(%dma_wait3A_39 : memref<640x64xf32, #tpu.memory_space<hbm>>)
        tpu.yield
      }) : () -> ()
    } else {
    }
    return
  }
}

#map = affine_map<(d0, d1) -> (0, 0)>
module attributes {stable_mosaic.version = 14 : i64} {
  func.func @_sc_gather_body(%arg0: i32, %arg1: i32, %arg2: memref<10000x128xf32, #tpu.memory_space<hbm>>, %arg3: memref<10000x128xf32, #tpu.memory_space<hbm>>, %arg4: memref<2500x128xi32, #tpu.memory_space<hbm>>, %arg5: memref<2500x128xi32, #tpu.memory_space<hbm>>, %arg6: memref<320000x128xf32, #tpu.memory_space<hbm>>, %arg7: memref<128xi32, #tpu.memory_space<vmem>>, %arg8: memref<128xi32, #tpu.memory_space<vmem>>, %arg9: memref<128x128xf32, #tpu.memory_space<vmem>>, %arg10: memref<!tpu.dma_semaphore, #tpu.memory_space<semaphore_mem>>) attributes {dimension_semantics = [#tpu.dimension_semantics<core_parallel>, #tpu.dimension_semantics<subcore_parallel>], iteration_bounds = array<i64: 2, 16>, scalar_prefetch = 0 : i64, scratch_operands = 4 : i64, tpu.core_type = #tpu.core_type<sc_vector_subcore>, window_params = [{transform_indices = #map}, {transform_indices = #map}, {transform_indices = #map}, {transform_indices = #map}, {transform_indices = #map}]} {
    %mul3A = arith.constant 2 : i32
    %mul3A_0 = arith.muli %arg1, %mul3A : i32
    %add3A = arith.addi %mul3A_0, %arg0 : i32
    %scan3A = arith.constant 0 : i32
    %scan3A_1 = arith.constant 0 : i32
    %scan3A_2 = arith.constant 79 : i32
    %scan3A_3 = arith.addi %scan3A_1, %scan3A_2 : i32
    %scan3A_4 = arith.constant 1 : i32
    scf.for %scan3A_6 = %scan3A_1 to %scan3A_3 step %scan3A_4  : i32 {
      %mul3A_7 = arith.constant 32 : i32
      %mul3A_8 = arith.muli %mul3A_7, %scan3A_6 : i32
      %add3A_9 = arith.addi %add3A, %mul3A_8 : i32
      %lt3A = arith.constant 2500 : i32
      %lt3A_10 = arith.cmpi slt, %add3A_9, %lt3A : i32
      %convert_element_type3A = arith.extui %lt3A_10 : i1 to i32
      %cond3A = arith.constant 0 : i32
      %cond3A_11 = arith.cmpi ne, %convert_element_type3A, %cond3A : i32
      scf.if %cond3A_11 {
        "tpu.region"() ({
          %run_scoped3A = tpu.sem_alloc : memref<!tpu.dma_semaphore, #tpu.memory_space<semaphore_mem>>
          %dma_start3A_24 = arith.constant 0 : i32
          %dma_start3A_25 = tpu.memref_slice %arg4[%add3A_9, %dma_start3A_24] : memref<2500x128xi32, #tpu.memory_space<hbm>> -> memref<1x128xi32, #tpu.memory_space<hbm>>
          %dma_start3A_26 = tpu.memref_squeeze %dma_start3A_25 : memref<1x128xi32, #tpu.memory_space<hbm>> -> memref<128xi32, #tpu.memory_space<hbm>>
          %dma_start3A_27 = arith.constant 0 : i32
          %dma_start3A_28 = tpu.memref_slice %arg4[%add3A_9, %dma_start3A_27] : memref<2500x128xi32, #tpu.memory_space<hbm>> -> memref<1x128xi32, #tpu.memory_space<hbm>>
          %dma_start3A_29 = tpu.memref_squeeze %dma_start3A_28 : memref<1x128xi32, #tpu.memory_space<hbm>> -> memref<128xi32, #tpu.memory_space<hbm>>
          tpu.enqueue_dma source(%dma_start3A_29 : memref<128xi32, #tpu.memory_space<hbm>>) target(%arg7 : memref<128xi32, #tpu.memory_space<vmem>>) target_semaphore(%run_scoped3A : memref<!tpu.dma_semaphore, #tpu.memory_space<semaphore_mem>>)
          %dma_wait3A_30 = arith.constant 0 : i32
          %dma_wait3A_31 = tpu.memref_slice %arg4[%add3A_9, %dma_wait3A_30] : memref<2500x128xi32, #tpu.memory_space<hbm>> -> memref<1x128xi32, #tpu.memory_space<hbm>>
          %dma_wait3A_32 = tpu.memref_squeeze %dma_wait3A_31 : memref<1x128xi32, #tpu.memory_space<hbm>> -> memref<128xi32, #tpu.memory_space<hbm>>
          %dma_wait3A_33 = arith.constant 0 : i32
          %dma_wait3A_34 = tpu.memref_slice %arg4[%add3A_9, %dma_wait3A_33] : memref<2500x128xi32, #tpu.memory_space<hbm>> -> memref<1x128xi32, #tpu.memory_space<hbm>>
          %dma_wait3A_35 = tpu.memref_squeeze %dma_wait3A_34 : memref<1x128xi32, #tpu.memory_space<hbm>> -> memref<128xi32, #tpu.memory_space<hbm>>
          tpu.wait_dma2 semaphore(%run_scoped3A : memref<!tpu.dma_semaphore, #tpu.memory_space<semaphore_mem>>) src(%dma_wait3A_35 : memref<128xi32, #tpu.memory_space<hbm>>) dst(%arg7 : memref<128xi32, #tpu.memory_space<vmem>>)
          tpu.yield
        }) : () -> ()
        "tpu.region"() ({
          %run_scoped3A = tpu.sem_alloc : memref<!tpu.dma_semaphore, #tpu.memory_space<semaphore_mem>>
          %dma_start3A_24 = arith.constant 0 : i32
          %dma_start3A_25 = tpu.memref_slice %arg5[%add3A_9, %dma_start3A_24] : memref<2500x128xi32, #tpu.memory_space<hbm>> -> memref<1x128xi32, #tpu.memory_space<hbm>>
          %dma_start3A_26 = tpu.memref_squeeze %dma_start3A_25 : memref<1x128xi32, #tpu.memory_space<hbm>> -> memref<128xi32, #tpu.memory_space<hbm>>
          %dma_start3A_27 = arith.constant 0 : i32
          %dma_start3A_28 = tpu.memref_slice %arg5[%add3A_9, %dma_start3A_27] : memref<2500x128xi32, #tpu.memory_space<hbm>> -> memref<1x128xi32, #tpu.memory_space<hbm>>
          %dma_start3A_29 = tpu.memref_squeeze %dma_start3A_28 : memref<1x128xi32, #tpu.memory_space<hbm>> -> memref<128xi32, #tpu.memory_space<hbm>>
          tpu.enqueue_dma source(%dma_start3A_29 : memref<128xi32, #tpu.memory_space<hbm>>) target(%arg8 : memref<128xi32, #tpu.memory_space<vmem>>) target_semaphore(%run_scoped3A : memref<!tpu.dma_semaphore, #tpu.memory_space<semaphore_mem>>)
          %dma_wait3A_30 = arith.constant 0 : i32
          %dma_wait3A_31 = tpu.memref_slice %arg5[%add3A_9, %dma_wait3A_30] : memref<2500x128xi32, #tpu.memory_space<hbm>> -> memref<1x128xi32, #tpu.memory_space<hbm>>
          %dma_wait3A_32 = tpu.memref_squeeze %dma_wait3A_31 : memref<1x128xi32, #tpu.memory_space<hbm>> -> memref<128xi32, #tpu.memory_space<hbm>>
          %dma_wait3A_33 = arith.constant 0 : i32
          %dma_wait3A_34 = tpu.memref_slice %arg5[%add3A_9, %dma_wait3A_33] : memref<2500x128xi32, #tpu.memory_space<hbm>> -> memref<1x128xi32, #tpu.memory_space<hbm>>
          %dma_wait3A_35 = tpu.memref_squeeze %dma_wait3A_34 : memref<1x128xi32, #tpu.memory_space<hbm>> -> memref<128xi32, #tpu.memory_space<hbm>>
          tpu.wait_dma2 semaphore(%run_scoped3A : memref<!tpu.dma_semaphore, #tpu.memory_space<semaphore_mem>>) src(%dma_wait3A_35 : memref<128xi32, #tpu.memory_space<hbm>>) dst(%arg8 : memref<128xi32, #tpu.memory_space<vmem>>)
          tpu.yield
        }) : () -> ()
        %dma_start3A = arith.constant 0 : i32
        %dma_start3A_12 = arith.constant 0 : i32
        %dma_start3A_13 = tpu.memref_slice %arg2[%dma_start3A, %dma_start3A_12] : memref<10000x128xf32, #tpu.memory_space<hbm>> -> memref<10000x128xf32, #tpu.memory_space<hbm>>
        tpu.enqueue_indirect_dma source(%dma_start3A_13 : memref<10000x128xf32, #tpu.memory_space<hbm>>) target(%arg9 : memref<128x128xf32, #tpu.memory_space<vmem>>) offsets(%arg7 : memref<128xi32, #tpu.memory_space<vmem>>) semaphore(%arg10 : memref<!tpu.dma_semaphore, #tpu.memory_space<semaphore_mem>>)
        %dma_wait3A = arith.constant 0 : i32
        %dma_wait3A_14 = arith.constant 0 : i32
        %dma_wait3A_15 = tpu.memref_slice %arg2[%dma_wait3A, %dma_wait3A_14] : memref<10000x128xf32, #tpu.memory_space<hbm>> -> memref<10000x128xf32, #tpu.memory_space<hbm>>
        tpu.wait_indirect_dma semaphore(%arg10 : memref<!tpu.dma_semaphore, #tpu.memory_space<semaphore_mem>>) src(%dma_wait3A_15 : memref<10000x128xf32, #tpu.memory_space<hbm>>) dst(%arg9 : memref<128x128xf32, #tpu.memory_space<vmem>>)
        %dma_start3A_16 = arith.constant 0 : i32
        %dma_start3A_17 = arith.constant 0 : i32
        %dma_start3A_18 = tpu.memref_slice %arg3[%dma_start3A_16, %dma_start3A_17] : memref<10000x128xf32, #tpu.memory_space<hbm>> -> memref<10000x128xf32, #tpu.memory_space<hbm>>
        tpu.enqueue_indirect_dma source(%dma_start3A_18 : memref<10000x128xf32, #tpu.memory_space<hbm>>) target(%arg9 : memref<128x128xf32, #tpu.memory_space<vmem>>) offsets(%arg8 : memref<128xi32, #tpu.memory_space<vmem>>) semaphore(%arg10 : memref<!tpu.dma_semaphore, #tpu.memory_space<semaphore_mem>>) {add = true}
        %dma_wait3A_19 = arith.constant 0 : i32
        %dma_wait3A_20 = arith.constant 0 : i32
        %dma_wait3A_21 = tpu.memref_slice %arg3[%dma_wait3A_19, %dma_wait3A_20] : memref<10000x128xf32, #tpu.memory_space<hbm>> -> memref<10000x128xf32, #tpu.memory_space<hbm>>
        tpu.wait_indirect_dma semaphore(%arg10 : memref<!tpu.dma_semaphore, #tpu.memory_space<semaphore_mem>>) src(%dma_wait3A_21 : memref<10000x128xf32, #tpu.memory_space<hbm>>) dst(%arg9 : memref<128x128xf32, #tpu.memory_space<vmem>>)
        %mul3A_22 = arith.constant 128 : i32
        %mul3A_23 = arith.muli %add3A_9, %mul3A_22 : i32
        "tpu.region"() ({
          %run_scoped3A = tpu.sem_alloc : memref<!tpu.dma_semaphore, #tpu.memory_space<semaphore_mem>>
          %dma_start3A_24 = arith.constant 0 : i32
          %dma_start3A_25 = tpu.memref_slice %arg6[%mul3A_23, %dma_start3A_24] : memref<320000x128xf32, #tpu.memory_space<hbm>> -> memref<128x128xf32, #tpu.memory_space<hbm>>
          %dma_start3A_26 = arith.constant 0 : i32
          %dma_start3A_27 = tpu.memref_slice %arg6[%mul3A_23, %dma_start3A_26] : memref<320000x128xf32, #tpu.memory_space<hbm>> -> memref<128x128xf32, #tpu.memory_space<hbm>>
          tpu.enqueue_dma source(%arg9 : memref<128x128xf32, #tpu.memory_space<vmem>>) target(%dma_start3A_27 : memref<128x128xf32, #tpu.memory_space<hbm>>) target_semaphore(%run_scoped3A : memref<!tpu.dma_semaphore, #tpu.memory_space<semaphore_mem>>)
          %dma_wait3A_28 = arith.constant 0 : i32
          %dma_wait3A_29 = tpu.memref_slice %arg6[%mul3A_23, %dma_wait3A_28] : memref<320000x128xf32, #tpu.memory_space<hbm>> -> memref<128x128xf32, #tpu.memory_space<hbm>>
          %dma_wait3A_30 = arith.constant 0 : i32
          %dma_wait3A_31 = tpu.memref_slice %arg6[%mul3A_23, %dma_wait3A_30] : memref<320000x128xf32, #tpu.memory_space<hbm>> -> memref<128x128xf32, #tpu.memory_space<hbm>>
          tpu.wait_dma2 semaphore(%run_scoped3A : memref<!tpu.dma_semaphore, #tpu.memory_space<semaphore_mem>>) src(%arg9 : memref<128x128xf32, #tpu.memory_space<vmem>>) dst(%dma_wait3A_31 : memref<128x128xf32, #tpu.memory_space<hbm>>)
          tpu.yield
        }) : () -> ()
      } else {
      }
    }
    %scan3A_5 = arith.constant 79 : i32
    return
  }
}

#map = affine_map<(d0, d1) -> (0, 0)>
module attributes {stable_mosaic.version = 14 : i64} {
  func.func @_sc_scatter_body(%arg0: i32, %arg1: i32, %arg2: memref<320000x64xf32, #tpu.memory_space<hbm>>, %arg3: memref<2500x128xi32, #tpu.memory_space<hbm>>, %arg4: memref<20000x64xf32, #tpu.memory_space<hbm>>, %arg5: memref<128xi32, #tpu.memory_space<vmem>>, %arg6: memref<128x64xf32, #tpu.memory_space<vmem>>, %arg7: memref<16x64xf32, #tpu.memory_space<vmem>>, %arg8: memref<10000x64xf32, #tpu.memory_space<vmem_shared>>, %arg9: memref<!tpu.dma_semaphore, #tpu.memory_space<semaphore_mem>>) attributes {dimension_semantics = [#tpu.dimension_semantics<core_parallel>, #tpu.dimension_semantics<subcore_parallel>], iteration_bounds = array<i64: 2, 16>, scalar_prefetch = 0 : i64, scratch_operands = 5 : i64, tpu.core_type = #tpu.core_type<sc_vector_subcore>, window_params = [{transform_indices = #map}, {transform_indices = #map}, {transform_indices = #map}]} {
    %mul3A = arith.constant 2 : i32
    %mul3A_0 = arith.muli %arg1, %mul3A : i32
    %add3A = arith.addi %mul3A_0, %arg0 : i32
    %scan3A = arith.constant 0 : i32
    %scan3A_1 = arith.constant 0 : i32
    %scan3A_2 = arith.constant 64 : i32
    %scan3A_3 = arith.addi %scan3A_1, %scan3A_2 : i32
    %scan3A_4 = arith.constant 1 : i32
    scf.for %scan3A_33 = %scan3A_1 to %scan3A_3 step %scan3A_4  : i32 {
      %broadcast_in_dim3A = arith.constant 0.000000e+00 : f32
      %broadcast_in_dim3A_34 = vector.broadcast %broadcast_in_dim3A : f32 to vector<16xf32>
      %jit3A_35 = arith.constant 4 : i32
      %div3A = arith.divsi %scan3A_33, %jit3A_35 : i32
      %sign3A = arith.constant 0 : i32
      %sign3A_36 = arith.cmpi sgt, %scan3A_33, %sign3A : i32
      %sign3A_37 = arith.extui %sign3A_36 : i1 to i32
      %sign3A_38 = arith.constant 0 : i32
      %sign3A_39 = arith.cmpi slt, %scan3A_33, %sign3A_38 : i32
      %sign3A_40 = arith.extui %sign3A_39 : i1 to i32
      %sign3A_41 = arith.subi %sign3A_37, %sign3A_40 : i32
      %sign3A_42 = arith.constant 0 : i32
      %sign3A_43 = arith.cmpi sgt, %jit3A_35, %sign3A_42 : i32
      %sign3A_44 = arith.extui %sign3A_43 : i1 to i32
      %sign3A_45 = arith.constant 0 : i32
      %sign3A_46 = arith.cmpi slt, %jit3A_35, %sign3A_45 : i32
      %sign3A_47 = arith.extui %sign3A_46 : i1 to i32
      %sign3A_48 = arith.subi %sign3A_44, %sign3A_47 : i32
      %ne3A = arith.cmpi ne, %sign3A_41, %sign3A_48 : i32
      %rem3A = arith.remsi %scan3A_33, %jit3A_35 : i32
      %ne3A_49 = arith.constant 0 : i32
      %ne3A_50 = arith.cmpi ne, %rem3A, %ne3A_49 : i32
      %and3A = arith.andi %ne3A, %ne3A_50 : i1
      %sub3A = arith.constant 1 : i32
      %sub3A_51 = arith.subi %div3A, %sub3A : i32
      %select_n3A_52 = arith.select %and3A, %sub3A_51, %div3A : i32
      %jit3A_53 = arith.constant 4 : i32
      %eq3A_54 = arith.constant 0 : i32
      %eq3A_55 = arith.cmpi eq, %jit3A_53, %eq3A_54 : i32
      %jit3A_56 = arith.constant 1 : i32
      %select_n3A_57 = arith.select %eq3A_55, %jit3A_56, %jit3A_53 : i32
      %rem3A_58 = arith.remsi %scan3A_33, %select_n3A_57 : i32
      %ne3A_59 = arith.constant 0 : i32
      %ne3A_60 = arith.cmpi ne, %rem3A_58, %ne3A_59 : i32
      %lt3A_61 = arith.constant 0 : i32
      %lt3A_62 = arith.cmpi slt, %rem3A_58, %lt3A_61 : i32
      %lt3A_63 = arith.constant 0 : i32
      %lt3A_64 = arith.cmpi slt, %select_n3A_57, %lt3A_63 : i32
      %ne3A_65 = arith.xori %lt3A_62, %lt3A_64 : i1
      %and3A_66 = arith.andi %ne3A_65, %ne3A_60 : i1
      %add3A_67 = arith.addi %rem3A_58, %select_n3A_57 : i32
      %select_n3A_68 = arith.select %and3A_66, %add3A_67, %rem3A_58 : i32
      %mul3A_69 = arith.constant 16 : i32
      %mul3A_70 = arith.muli %select_n3A_68, %mul3A_69 : i32
      %swap3A = arith.index_cast %select_n3A_52 : i32 to index
      %swap3A_71 = arith.index_cast %mul3A_70 : i32 to index
      %swap3A_72 = tpu.vector_load %arg7[%swap3A, %swap3A_71] {strides = array<i32>} : memref<16x64xf32, #tpu.memory_space<vmem>>, vector<1x16xf32>,
      %swap3A_73 = vector.shape_cast %swap3A_72 : vector<1x16xf32> to vector<16xf32>
      %swap3A_74 = vector.shape_cast %broadcast_in_dim3A_34 : vector<16xf32> to vector<1x16xf32>
      tpu.vector_store %arg7[%swap3A, %swap3A_71], %swap3A_74 {strides = array<i32>} : memref<16x64xf32, #tpu.memory_space<vmem>>, vector<1x16xf32>,
    }
    %scan3A_5 = arith.constant 64 : i32
    %mul3A_6 = arith.constant 624 : i32
    %mul3A_7 = arith.muli %arg1, %mul3A_6 : i32
    %eq3A = arith.constant 15 : i32
    %eq3A_8 = arith.cmpi eq, %arg1, %eq3A : i32
    %jit3A = arith.constant 40 : i32
    %jit3A_9 = arith.constant 39 : i32
    %select_n3A = arith.select %eq3A_8, %jit3A, %jit3A_9 : i32
    %while3A = arith.constant 0 : i32
    %while3A_10 = arith.constant 0 : i32
    %while3A_11 = arith.subi %select_n3A, %while3A_10 : i32
    %while3A_12 = arith.addi %while3A_10, %while3A_11 : i32
    %while3A_13 = arith.constant 1 : i32
    %while3A_14 = arith.divsi %while3A_11, %while3A_13 : i32
    %while3A_15 = arith.muli %while3A_14, %while3A_13 : i32
    %while3A_16 = arith.addi %while3A_10, %while3A_15 : i32
    %while3A_17 = arith.constant 1 : i32
    scf.for %while3A_33 = %while3A_10 to %while3A_16 step %while3A_17  : i32 {
      %mul3A_34 = arith.constant 16 : i32
      %mul3A_35 = arith.muli %while3A_33, %mul3A_34 : i32
      %add3A_36 = arith.addi %mul3A_7, %mul3A_35 : i32
      "tpu.region"() ({
        %run_scoped3A = tpu.sem_alloc : memref<!tpu.dma_semaphore, #tpu.memory_space<semaphore_mem>>
        %dma_start3A = arith.constant 0 : i32
        %dma_start3A_37 = tpu.memref_slice %arg8[%add3A_36, %dma_start3A] : memref<10000x64xf32, #tpu.memory_space<vmem_shared>> -> memref<16x64xf32, #tpu.memory_space<vmem_shared>>
        %dma_start3A_38 = arith.constant 0 : i32
        %dma_start3A_39 = tpu.memref_slice %arg8[%add3A_36, %dma_start3A_38] : memref<10000x64xf32, #tpu.memory_space<vmem_shared>> -> memref<16x64xf32, #tpu.memory_space<vmem_shared>>
        tpu.enqueue_dma source(%arg7 : memref<16x64xf32, #tpu.memory_space<vmem>>) target(%dma_start3A_39 : memref<16x64xf32, #tpu.memory_space<vmem_shared>>) target_semaphore(%run_scoped3A : memref<!tpu.dma_semaphore, #tpu.memory_space<semaphore_mem>>)
        %dma_wait3A = arith.constant 0 : i32
        %dma_wait3A_40 = tpu.memref_slice %arg8[%add3A_36, %dma_wait3A] : memref<10000x64xf32, #tpu.memory_space<vmem_shared>> -> memref<16x64xf32, #tpu.memory_space<vmem_shared>>
        %dma_wait3A_41 = arith.constant 0 : i32
        %dma_wait3A_42 = tpu.memref_slice %arg8[%add3A_36, %dma_wait3A_41] : memref<10000x64xf32, #tpu.memory_space<vmem_shared>> -> memref<16x64xf32, #tpu.memory_space<vmem_shared>>
        tpu.wait_dma2 semaphore(%run_scoped3A : memref<!tpu.dma_semaphore, #tpu.memory_space<semaphore_mem>>) src(%arg7 : memref<16x64xf32, #tpu.memory_space<vmem>>) dst(%dma_wait3A_42 : memref<16x64xf32, #tpu.memory_space<vmem_shared>>)
        tpu.yield
      }) : () -> ()
    }
    %while3A_18 = arith.constant 1 : i32
    scf.for %while3A_33 = %while3A_16 to %while3A_12 step %while3A_18  : i32 {
      %mul3A_34 = arith.constant 16 : i32
      %mul3A_35 = arith.muli %while3A_33, %mul3A_34 : i32
      %add3A_36 = arith.addi %mul3A_7, %mul3A_35 : i32
      "tpu.region"() ({
        %run_scoped3A = tpu.sem_alloc : memref<!tpu.dma_semaphore, #tpu.memory_space<semaphore_mem>>
        %dma_start3A = arith.constant 0 : i32
        %dma_start3A_37 = tpu.memref_slice %arg8[%add3A_36, %dma_start3A] : memref<10000x64xf32, #tpu.memory_space<vmem_shared>> -> memref<16x64xf32, #tpu.memory_space<vmem_shared>>
        %dma_start3A_38 = arith.constant 0 : i32
        %dma_start3A_39 = tpu.memref_slice %arg8[%add3A_36, %dma_start3A_38] : memref<10000x64xf32, #tpu.memory_space<vmem_shared>> -> memref<16x64xf32, #tpu.memory_space<vmem_shared>>
        tpu.enqueue_dma source(%arg7 : memref<16x64xf32, #tpu.memory_space<vmem>>) target(%dma_start3A_39 : memref<16x64xf32, #tpu.memory_space<vmem_shared>>) target_semaphore(%run_scoped3A : memref<!tpu.dma_semaphore, #tpu.memory_space<semaphore_mem>>)
        %dma_wait3A = arith.constant 0 : i32
        %dma_wait3A_40 = tpu.memref_slice %arg8[%add3A_36, %dma_wait3A] : memref<10000x64xf32, #tpu.memory_space<vmem_shared>> -> memref<16x64xf32, #tpu.memory_space<vmem_shared>>
        %dma_wait3A_41 = arith.constant 0 : i32
        %dma_wait3A_42 = tpu.memref_slice %arg8[%add3A_36, %dma_wait3A_41] : memref<10000x64xf32, #tpu.memory_space<vmem_shared>> -> memref<16x64xf32, #tpu.memory_space<vmem_shared>>
        tpu.wait_dma2 semaphore(%run_scoped3A : memref<!tpu.dma_semaphore, #tpu.memory_space<semaphore_mem>>) src(%arg7 : memref<16x64xf32, #tpu.memory_space<vmem>>) dst(%dma_wait3A_42 : memref<16x64xf32, #tpu.memory_space<vmem_shared>>)
        tpu.yield
      }) : () -> ()
    }
    %barrier3A = arith.constant 0 : index
    tpu.barrier barrier_id(%barrier3A)
    %scan3A_19 = arith.constant 0 : i32
    %scan3A_20 = arith.constant 0 : i32
    %scan3A_21 = arith.constant 79 : i32
    %scan3A_22 = arith.addi %scan3A_20, %scan3A_21 : i32
    %scan3A_23 = arith.constant 1 : i32
    scf.for %scan3A_33 = %scan3A_20 to %scan3A_22 step %scan3A_23  : i32 {
      %mul3A_34 = arith.constant 32 : i32
      %mul3A_35 = arith.muli %mul3A_34, %scan3A_33 : i32
      %add3A_36 = arith.addi %add3A, %mul3A_35 : i32
      %lt3A_37 = arith.constant 2500 : i32
      %lt3A_38 = arith.cmpi slt, %add3A_36, %lt3A_37 : i32
      %convert_element_type3A_39 = arith.extui %lt3A_38 : i1 to i32
      %cond3A_40 = arith.constant 0 : i32
      %cond3A_41 = arith.cmpi ne, %convert_element_type3A_39, %cond3A_40 : i32
      scf.if %cond3A_41 {
        "tpu.region"() ({
          %run_scoped3A = tpu.sem_alloc : memref<!tpu.dma_semaphore, #tpu.memory_space<semaphore_mem>>
          %dma_start3A_48 = arith.constant 0 : i32
          %dma_start3A_49 = tpu.memref_slice %arg3[%add3A_36, %dma_start3A_48] : memref<2500x128xi32, #tpu.memory_space<hbm>> -> memref<1x128xi32, #tpu.memory_space<hbm>>
          %dma_start3A_50 = tpu.memref_squeeze %dma_start3A_49 : memref<1x128xi32, #tpu.memory_space<hbm>> -> memref<128xi32, #tpu.memory_space<hbm>>
          %dma_start3A_51 = arith.constant 0 : i32
          %dma_start3A_52 = tpu.memref_slice %arg3[%add3A_36, %dma_start3A_51] : memref<2500x128xi32, #tpu.memory_space<hbm>> -> memref<1x128xi32, #tpu.memory_space<hbm>>
          %dma_start3A_53 = tpu.memref_squeeze %dma_start3A_52 : memref<1x128xi32, #tpu.memory_space<hbm>> -> memref<128xi32, #tpu.memory_space<hbm>>
          tpu.enqueue_dma source(%dma_start3A_53 : memref<128xi32, #tpu.memory_space<hbm>>) target(%arg5 : memref<128xi32, #tpu.memory_space<vmem>>) target_semaphore(%run_scoped3A : memref<!tpu.dma_semaphore, #tpu.memory_space<semaphore_mem>>)
          %dma_wait3A_54 = arith.constant 0 : i32
          %dma_wait3A_55 = tpu.memref_slice %arg3[%add3A_36, %dma_wait3A_54] : memref<2500x128xi32, #tpu.memory_space<hbm>> -> memref<1x128xi32, #tpu.memory_space<hbm>>
          %dma_wait3A_56 = tpu.memref_squeeze %dma_wait3A_55 : memref<1x128xi32, #tpu.memory_space<hbm>> -> memref<128xi32, #tpu.memory_space<hbm>>
          %dma_wait3A_57 = arith.constant 0 : i32
          %dma_wait3A_58 = tpu.memref_slice %arg3[%add3A_36, %dma_wait3A_57] : memref<2500x128xi32, #tpu.memory_space<hbm>> -> memref<1x128xi32, #tpu.memory_space<hbm>>
          %dma_wait3A_59 = tpu.memref_squeeze %dma_wait3A_58 : memref<1x128xi32, #tpu.memory_space<hbm>> -> memref<128xi32, #tpu.memory_space<hbm>>
          tpu.wait_dma2 semaphore(%run_scoped3A : memref<!tpu.dma_semaphore, #tpu.memory_space<semaphore_mem>>) src(%dma_wait3A_59 : memref<128xi32, #tpu.memory_space<hbm>>) dst(%arg5 : memref<128xi32, #tpu.memory_space<vmem>>)
          tpu.yield
        }) : () -> ()
        %mul3A_42 = arith.constant 128 : i32
        %mul3A_43 = arith.muli %add3A_36, %mul3A_42 : i32
        "tpu.region"() ({
          %run_scoped3A = tpu.sem_alloc : memref<!tpu.dma_semaphore, #tpu.memory_space<semaphore_mem>>
          %dma_start3A_48 = arith.constant 0 : i32
          %dma_start3A_49 = tpu.memref_slice %arg2[%mul3A_43, %dma_start3A_48] : memref<320000x64xf32, #tpu.memory_space<hbm>> -> memref<128x64xf32, #tpu.memory_space<hbm>>
          %dma_start3A_50 = arith.constant 0 : i32
          %dma_start3A_51 = tpu.memref_slice %arg2[%mul3A_43, %dma_start3A_50] : memref<320000x64xf32, #tpu.memory_space<hbm>> -> memref<128x64xf32, #tpu.memory_space<hbm>>
          tpu.enqueue_dma source(%dma_start3A_51 : memref<128x64xf32, #tpu.memory_space<hbm>>) target(%arg6 : memref<128x64xf32, #tpu.memory_space<vmem>>) target_semaphore(%run_scoped3A : memref<!tpu.dma_semaphore, #tpu.memory_space<semaphore_mem>>)
          %dma_wait3A_52 = arith.constant 0 : i32
          %dma_wait3A_53 = tpu.memref_slice %arg2[%mul3A_43, %dma_wait3A_52] : memref<320000x64xf32, #tpu.memory_space<hbm>> -> memref<128x64xf32, #tpu.memory_space<hbm>>
          %dma_wait3A_54 = arith.constant 0 : i32
          %dma_wait3A_55 = tpu.memref_slice %arg2[%mul3A_43, %dma_wait3A_54] : memref<320000x64xf32, #tpu.memory_space<hbm>> -> memref<128x64xf32, #tpu.memory_space<hbm>>
          tpu.wait_dma2 semaphore(%run_scoped3A : memref<!tpu.dma_semaphore, #tpu.memory_space<semaphore_mem>>) src(%dma_wait3A_55 : memref<128x64xf32, #tpu.memory_space<hbm>>) dst(%arg6 : memref<128x64xf32, #tpu.memory_space<vmem>>)
          tpu.yield
        }) : () -> ()
        %dma_start3A = arith.constant 0 : i32
        %dma_start3A_44 = arith.constant 0 : i32
        %dma_start3A_45 = tpu.memref_slice %arg8[%dma_start3A, %dma_start3A_44] : memref<10000x64xf32, #tpu.memory_space<vmem_shared>> -> memref<10000x64xf32, #tpu.memory_space<vmem_shared>>
        tpu.enqueue_indirect_dma source(%arg6 : memref<128x64xf32, #tpu.memory_space<vmem>>) target(%dma_start3A_45 : memref<10000x64xf32, #tpu.memory_space<vmem_shared>>) offsets(%arg5 : memref<128xi32, #tpu.memory_space<vmem>>) semaphore(%arg9 : memref<!tpu.dma_semaphore, #tpu.memory_space<semaphore_mem>>) {add = true}
        %dma_wait3A = arith.constant 0 : i32
        %dma_wait3A_46 = arith.constant 0 : i32
        %dma_wait3A_47 = tpu.memref_slice %arg8[%dma_wait3A, %dma_wait3A_46] : memref<10000x64xf32, #tpu.memory_space<vmem_shared>> -> memref<10000x64xf32, #tpu.memory_space<vmem_shared>>
        tpu.wait_indirect_dma semaphore(%arg9 : memref<!tpu.dma_semaphore, #tpu.memory_space<semaphore_mem>>) src(%arg6 : memref<128x64xf32, #tpu.memory_space<vmem>>) dst(%dma_wait3A_47 : memref<10000x64xf32, #tpu.memory_space<vmem_shared>>)
      } else {
      }
    }
    %scan3A_24 = arith.constant 79 : i32
    %barrier3A_25 = arith.constant 0 : index
    tpu.barrier barrier_id(%barrier3A_25)
    %lt3A = arith.constant 15 : i32
    %lt3A_26 = arith.cmpi slt, %arg1, %lt3A : i32
    %convert_element_type3A = arith.extui %lt3A_26 : i1 to i32
    %cond3A = arith.constant 0 : i32
    %cond3A_27 = arith.cmpi ne, %convert_element_type3A, %cond3A : i32
    scf.if %cond3A_27 {
      %mul3A_33 = arith.constant 10000 : i32
      %mul3A_34 = arith.muli %arg0, %mul3A_33 : i32
      %add3A_35 = arith.addi %mul3A_34, %mul3A_7 : i32
      "tpu.region"() ({
        %run_scoped3A = tpu.sem_alloc : memref<!tpu.dma_semaphore, #tpu.memory_space<semaphore_mem>>
        %dma_start3A = arith.constant 0 : i32
        %dma_start3A_36 = tpu.memref_slice %arg4[%add3A_35, %dma_start3A] : memref<20000x64xf32, #tpu.memory_space<hbm>> -> memref<624x64xf32, #tpu.memory_space<hbm>>
        %dma_start3A_37 = arith.constant 0 : i32
        %dma_start3A_38 = tpu.memref_slice %arg8[%mul3A_7, %dma_start3A_37] : memref<10000x64xf32, #tpu.memory_space<vmem_shared>> -> memref<624x64xf32, #tpu.memory_space<vmem_shared>>
        tpu.enqueue_dma source(%dma_start3A_38 : memref<624x64xf32, #tpu.memory_space<vmem_shared>>) target(%dma_start3A_36 : memref<624x64xf32, #tpu.memory_space<hbm>>) target_semaphore(%run_scoped3A : memref<!tpu.dma_semaphore, #tpu.memory_space<semaphore_mem>>)
        %dma_wait3A = arith.constant 0 : i32
        %dma_wait3A_39 = tpu.memref_slice %arg4[%add3A_35, %dma_wait3A] : memref<20000x64xf32, #tpu.memory_space<hbm>> -> memref<624x64xf32, #tpu.memory_space<hbm>>
        %dma_wait3A_40 = arith.constant 0 : i32
        %dma_wait3A_41 = tpu.memref_slice %arg8[%mul3A_7, %dma_wait3A_40] : memref<10000x64xf32, #tpu.memory_space<vmem_shared>> -> memref<624x64xf32, #tpu.memory_space<vmem_shared>>
        tpu.wait_dma2 semaphore(%run_scoped3A : memref<!tpu.dma_semaphore, #tpu.memory_space<semaphore_mem>>) src(%dma_wait3A_41 : memref<624x64xf32, #tpu.memory_space<vmem_shared>>) dst(%dma_wait3A_39 : memref<624x64xf32, #tpu.memory_space<hbm>>)
        tpu.yield
      }) : () -> ()
    } else {
    }
    %eq3A_28 = arith.constant 15 : i32
    %eq3A_29 = arith.cmpi eq, %arg1, %eq3A_28 : i32
    %convert_element_type3A_30 = arith.extui %eq3A_29 : i1 to i32
    %cond3A_31 = arith.constant 0 : i32
    %cond3A_32 = arith.cmpi ne, %convert_element_type3A_30, %cond3A_31 : i32
    scf.if %cond3A_32 {
      %mul3A_33 = arith.constant 10000 : i32
      %mul3A_34 = arith.muli %arg0, %mul3A_33 : i32
      %add3A_35 = arith.addi %mul3A_34, %mul3A_7 : i32
      "tpu.region"() ({
        %run_scoped3A = tpu.sem_alloc : memref<!tpu.dma_semaphore, #tpu.memory_space<semaphore_mem>>
        %dma_start3A = arith.constant 0 : i32
        %dma_start3A_36 = tpu.memref_slice %arg4[%add3A_35, %dma_start3A] : memref<20000x64xf32, #tpu.memory_space<hbm>> -> memref<640x64xf32, #tpu.memory_space<hbm>>
        %dma_start3A_37 = arith.constant 0 : i32
        %dma_start3A_38 = tpu.memref_slice %arg8[%mul3A_7, %dma_start3A_37] : memref<10000x64xf32, #tpu.memory_space<vmem_shared>> -> memref<640x64xf32, #tpu.memory_space<vmem_shared>>
        tpu.enqueue_dma source(%dma_start3A_38 : memref<640x64xf32, #tpu.memory_space<vmem_shared>>) target(%dma_start3A_36 : memref<640x64xf32, #tpu.memory_space<hbm>>) target_semaphore(%run_scoped3A : memref<!tpu.dma_semaphore, #tpu.memory_space<semaphore_mem>>)
        %dma_wait3A = arith.constant 0 : i32
        %dma_wait3A_39 = tpu.memref_slice %arg4[%add3A_35, %dma_wait3A] : memref<20000x64xf32, #tpu.memory_space<hbm>> -> memref<640x64xf32, #tpu.memory_space<hbm>>
        %dma_wait3A_40 = arith.constant 0 : i32
        %dma_wait3A_41 = tpu.memref_slice %arg8[%mul3A_7, %dma_wait3A_40] : memref<10000x64xf32, #tpu.memory_space<vmem_shared>> -> memref<640x64xf32, #tpu.memory_space<vmem_shared>>
        tpu.wait_dma2 semaphore(%run_scoped3A : memref<!tpu.dma_semaphore, #tpu.memory_space<semaphore_mem>>) src(%dma_wait3A_41 : memref<640x64xf32, #tpu.memory_space<vmem_shared>>) dst(%dma_wait3A_39 : memref<640x64xf32, #tpu.memory_space<hbm>>)
        tpu.yield
      }) : () -> ()
    } else {
    }
    return
  }
}

#map = affine_map<(d0, d1) -> (0, 0)>
module attributes {stable_mosaic.version = 14 : i64} {
  func.func @_sc_gather_body(%arg0: i32, %arg1: i32, %arg2: memref<10000x128xf32, #tpu.memory_space<hbm>>, %arg3: memref<10000x128xf32, #tpu.memory_space<hbm>>, %arg4: memref<2500x128xi32, #tpu.memory_space<hbm>>, %arg5: memref<2500x128xi32, #tpu.memory_space<hbm>>, %arg6: memref<320000x128xf32, #tpu.memory_space<hbm>>, %arg7: memref<128xi32, #tpu.memory_space<vmem>>, %arg8: memref<128xi32, #tpu.memory_space<vmem>>, %arg9: memref<128x128xf32, #tpu.memory_space<vmem>>, %arg10: memref<!tpu.dma_semaphore, #tpu.memory_space<semaphore_mem>>) attributes {dimension_semantics = [#tpu.dimension_semantics<core_parallel>, #tpu.dimension_semantics<subcore_parallel>], iteration_bounds = array<i64: 2, 16>, scalar_prefetch = 0 : i64, scratch_operands = 4 : i64, tpu.core_type = #tpu.core_type<sc_vector_subcore>, window_params = [{transform_indices = #map}, {transform_indices = #map}, {transform_indices = #map}, {transform_indices = #map}, {transform_indices = #map}]} {
    %mul3A = arith.constant 2 : i32
    %mul3A_0 = arith.muli %arg1, %mul3A : i32
    %add3A = arith.addi %mul3A_0, %arg0 : i32
    %scan3A = arith.constant 0 : i32
    %scan3A_1 = arith.constant 0 : i32
    %scan3A_2 = arith.constant 79 : i32
    %scan3A_3 = arith.addi %scan3A_1, %scan3A_2 : i32
    %scan3A_4 = arith.constant 1 : i32
    scf.for %scan3A_6 = %scan3A_1 to %scan3A_3 step %scan3A_4  : i32 {
      %mul3A_7 = arith.constant 32 : i32
      %mul3A_8 = arith.muli %mul3A_7, %scan3A_6 : i32
      %add3A_9 = arith.addi %add3A, %mul3A_8 : i32
      %lt3A = arith.constant 2500 : i32
      %lt3A_10 = arith.cmpi slt, %add3A_9, %lt3A : i32
      %convert_element_type3A = arith.extui %lt3A_10 : i1 to i32
      %cond3A = arith.constant 0 : i32
      %cond3A_11 = arith.cmpi ne, %convert_element_type3A, %cond3A : i32
      scf.if %cond3A_11 {
        "tpu.region"() ({
          %run_scoped3A = tpu.sem_alloc : memref<!tpu.dma_semaphore, #tpu.memory_space<semaphore_mem>>
          %dma_start3A_24 = arith.constant 0 : i32
          %dma_start3A_25 = tpu.memref_slice %arg4[%add3A_9, %dma_start3A_24] : memref<2500x128xi32, #tpu.memory_space<hbm>> -> memref<1x128xi32, #tpu.memory_space<hbm>>
          %dma_start3A_26 = tpu.memref_squeeze %dma_start3A_25 : memref<1x128xi32, #tpu.memory_space<hbm>> -> memref<128xi32, #tpu.memory_space<hbm>>
          %dma_start3A_27 = arith.constant 0 : i32
          %dma_start3A_28 = tpu.memref_slice %arg4[%add3A_9, %dma_start3A_27] : memref<2500x128xi32, #tpu.memory_space<hbm>> -> memref<1x128xi32, #tpu.memory_space<hbm>>
          %dma_start3A_29 = tpu.memref_squeeze %dma_start3A_28 : memref<1x128xi32, #tpu.memory_space<hbm>> -> memref<128xi32, #tpu.memory_space<hbm>>
          tpu.enqueue_dma source(%dma_start3A_29 : memref<128xi32, #tpu.memory_space<hbm>>) target(%arg7 : memref<128xi32, #tpu.memory_space<vmem>>) target_semaphore(%run_scoped3A : memref<!tpu.dma_semaphore, #tpu.memory_space<semaphore_mem>>)
          %dma_wait3A_30 = arith.constant 0 : i32
          %dma_wait3A_31 = tpu.memref_slice %arg4[%add3A_9, %dma_wait3A_30] : memref<2500x128xi32, #tpu.memory_space<hbm>> -> memref<1x128xi32, #tpu.memory_space<hbm>>
          %dma_wait3A_32 = tpu.memref_squeeze %dma_wait3A_31 : memref<1x128xi32, #tpu.memory_space<hbm>> -> memref<128xi32, #tpu.memory_space<hbm>>
          %dma_wait3A_33 = arith.constant 0 : i32
          %dma_wait3A_34 = tpu.memref_slice %arg4[%add3A_9, %dma_wait3A_33] : memref<2500x128xi32, #tpu.memory_space<hbm>> -> memref<1x128xi32, #tpu.memory_space<hbm>>
          %dma_wait3A_35 = tpu.memref_squeeze %dma_wait3A_34 : memref<1x128xi32, #tpu.memory_space<hbm>> -> memref<128xi32, #tpu.memory_space<hbm>>
          tpu.wait_dma2 semaphore(%run_scoped3A : memref<!tpu.dma_semaphore, #tpu.memory_space<semaphore_mem>>) src(%dma_wait3A_35 : memref<128xi32, #tpu.memory_space<hbm>>) dst(%arg7 : memref<128xi32, #tpu.memory_space<vmem>>)
          tpu.yield
        }) : () -> ()
        "tpu.region"() ({
          %run_scoped3A = tpu.sem_alloc : memref<!tpu.dma_semaphore, #tpu.memory_space<semaphore_mem>>
          %dma_start3A_24 = arith.constant 0 : i32
          %dma_start3A_25 = tpu.memref_slice %arg5[%add3A_9, %dma_start3A_24] : memref<2500x128xi32, #tpu.memory_space<hbm>> -> memref<1x128xi32, #tpu.memory_space<hbm>>
          %dma_start3A_26 = tpu.memref_squeeze %dma_start3A_25 : memref<1x128xi32, #tpu.memory_space<hbm>> -> memref<128xi32, #tpu.memory_space<hbm>>
          %dma_start3A_27 = arith.constant 0 : i32
          %dma_start3A_28 = tpu.memref_slice %arg5[%add3A_9, %dma_start3A_27] : memref<2500x128xi32, #tpu.memory_space<hbm>> -> memref<1x128xi32, #tpu.memory_space<hbm>>
          %dma_start3A_29 = tpu.memref_squeeze %dma_start3A_28 : memref<1x128xi32, #tpu.memory_space<hbm>> -> memref<128xi32, #tpu.memory_space<hbm>>
          tpu.enqueue_dma source(%dma_start3A_29 : memref<128xi32, #tpu.memory_space<hbm>>) target(%arg8 : memref<128xi32, #tpu.memory_space<vmem>>) target_semaphore(%run_scoped3A : memref<!tpu.dma_semaphore, #tpu.memory_space<semaphore_mem>>)
          %dma_wait3A_30 = arith.constant 0 : i32
          %dma_wait3A_31 = tpu.memref_slice %arg5[%add3A_9, %dma_wait3A_30] : memref<2500x128xi32, #tpu.memory_space<hbm>> -> memref<1x128xi32, #tpu.memory_space<hbm>>
          %dma_wait3A_32 = tpu.memref_squeeze %dma_wait3A_31 : memref<1x128xi32, #tpu.memory_space<hbm>> -> memref<128xi32, #tpu.memory_space<hbm>>
          %dma_wait3A_33 = arith.constant 0 : i32
          %dma_wait3A_34 = tpu.memref_slice %arg5[%add3A_9, %dma_wait3A_33] : memref<2500x128xi32, #tpu.memory_space<hbm>> -> memref<1x128xi32, #tpu.memory_space<hbm>>
          %dma_wait3A_35 = tpu.memref_squeeze %dma_wait3A_34 : memref<1x128xi32, #tpu.memory_space<hbm>> -> memref<128xi32, #tpu.memory_space<hbm>>
          tpu.wait_dma2 semaphore(%run_scoped3A : memref<!tpu.dma_semaphore, #tpu.memory_space<semaphore_mem>>) src(%dma_wait3A_35 : memref<128xi32, #tpu.memory_space<hbm>>) dst(%arg8 : memref<128xi32, #tpu.memory_space<vmem>>)
          tpu.yield
        }) : () -> ()
        %dma_start3A = arith.constant 0 : i32
        %dma_start3A_12 = arith.constant 0 : i32
        %dma_start3A_13 = tpu.memref_slice %arg2[%dma_start3A, %dma_start3A_12] : memref<10000x128xf32, #tpu.memory_space<hbm>> -> memref<10000x128xf32, #tpu.memory_space<hbm>>
        tpu.enqueue_indirect_dma source(%dma_start3A_13 : memref<10000x128xf32, #tpu.memory_space<hbm>>) target(%arg9 : memref<128x128xf32, #tpu.memory_space<vmem>>) offsets(%arg7 : memref<128xi32, #tpu.memory_space<vmem>>) semaphore(%arg10 : memref<!tpu.dma_semaphore, #tpu.memory_space<semaphore_mem>>)
        %dma_wait3A = arith.constant 0 : i32
        %dma_wait3A_14 = arith.constant 0 : i32
        %dma_wait3A_15 = tpu.memref_slice %arg2[%dma_wait3A, %dma_wait3A_14] : memref<10000x128xf32, #tpu.memory_space<hbm>> -> memref<10000x128xf32, #tpu.memory_space<hbm>>
        tpu.wait_indirect_dma semaphore(%arg10 : memref<!tpu.dma_semaphore, #tpu.memory_space<semaphore_mem>>) src(%dma_wait3A_15 : memref<10000x128xf32, #tpu.memory_space<hbm>>) dst(%arg9 : memref<128x128xf32, #tpu.memory_space<vmem>>)
        %dma_start3A_16 = arith.constant 0 : i32
        %dma_start3A_17 = arith.constant 0 : i32
        %dma_start3A_18 = tpu.memref_slice %arg3[%dma_start3A_16, %dma_start3A_17] : memref<10000x128xf32, #tpu.memory_space<hbm>> -> memref<10000x128xf32, #tpu.memory_space<hbm>>
        tpu.enqueue_indirect_dma source(%dma_start3A_18 : memref<10000x128xf32, #tpu.memory_space<hbm>>) target(%arg9 : memref<128x128xf32, #tpu.memory_space<vmem>>) offsets(%arg8 : memref<128xi32, #tpu.memory_space<vmem>>) semaphore(%arg10 : memref<!tpu.dma_semaphore, #tpu.memory_space<semaphore_mem>>) {add = true}
        %dma_wait3A_19 = arith.constant 0 : i32
        %dma_wait3A_20 = arith.constant 0 : i32
        %dma_wait3A_21 = tpu.memref_slice %arg3[%dma_wait3A_19, %dma_wait3A_20] : memref<10000x128xf32, #tpu.memory_space<hbm>> -> memref<10000x128xf32, #tpu.memory_space<hbm>>
        tpu.wait_indirect_dma semaphore(%arg10 : memref<!tpu.dma_semaphore, #tpu.memory_space<semaphore_mem>>) src(%dma_wait3A_21 : memref<10000x128xf32, #tpu.memory_space<hbm>>) dst(%arg9 : memref<128x128xf32, #tpu.memory_space<vmem>>)
        %mul3A_22 = arith.constant 128 : i32
        %mul3A_23 = arith.muli %add3A_9, %mul3A_22 : i32
        "tpu.region"() ({
          %run_scoped3A = tpu.sem_alloc : memref<!tpu.dma_semaphore, #tpu.memory_space<semaphore_mem>>
          %dma_start3A_24 = arith.constant 0 : i32
          %dma_start3A_25 = tpu.memref_slice %arg6[%mul3A_23, %dma_start3A_24] : memref<320000x128xf32, #tpu.memory_space<hbm>> -> memref<128x128xf32, #tpu.memory_space<hbm>>
          %dma_start3A_26 = arith.constant 0 : i32
          %dma_start3A_27 = tpu.memref_slice %arg6[%mul3A_23, %dma_start3A_26] : memref<320000x128xf32, #tpu.memory_space<hbm>> -> memref<128x128xf32, #tpu.memory_space<hbm>>
          tpu.enqueue_dma source(%arg9 : memref<128x128xf32, #tpu.memory_space<vmem>>) target(%dma_start3A_27 : memref<128x128xf32, #tpu.memory_space<hbm>>) target_semaphore(%run_scoped3A : memref<!tpu.dma_semaphore, #tpu.memory_space<semaphore_mem>>)
          %dma_wait3A_28 = arith.constant 0 : i32
          %dma_wait3A_29 = tpu.memref_slice %arg6[%mul3A_23, %dma_wait3A_28] : memref<320000x128xf32, #tpu.memory_space<hbm>> -> memref<128x128xf32, #tpu.memory_space<hbm>>
          %dma_wait3A_30 = arith.constant 0 : i32
          %dma_wait3A_31 = tpu.memref_slice %arg6[%mul3A_23, %dma_wait3A_30] : memref<320000x128xf32, #tpu.memory_space<hbm>> -> memref<128x128xf32, #tpu.memory_space<hbm>>
          tpu.wait_dma2 semaphore(%run_scoped3A : memref<!tpu.dma_semaphore, #tpu.memory_space<semaphore_mem>>) src(%arg9 : memref<128x128xf32, #tpu.memory_space<vmem>>) dst(%dma_wait3A_31 : memref<128x128xf32, #tpu.memory_space<hbm>>)
          tpu.yield
        }) : () -> ()
      } else {
      }
    }
    %scan3A_5 = arith.constant 79 : i32
    return
  }
}

#map = affine_map<(d0, d1) -> (0, 0)>
module attributes {stable_mosaic.version = 14 : i64} {
  func.func @_sc_scatter_body(%arg0: i32, %arg1: i32, %arg2: memref<320000x64xf32, #tpu.memory_space<hbm>>, %arg3: memref<2500x128xi32, #tpu.memory_space<hbm>>, %arg4: memref<20000x64xf32, #tpu.memory_space<hbm>>, %arg5: memref<128xi32, #tpu.memory_space<vmem>>, %arg6: memref<128x64xf32, #tpu.memory_space<vmem>>, %arg7: memref<16x64xf32, #tpu.memory_space<vmem>>, %arg8: memref<10000x64xf32, #tpu.memory_space<vmem_shared>>, %arg9: memref<!tpu.dma_semaphore, #tpu.memory_space<semaphore_mem>>) attributes {dimension_semantics = [#tpu.dimension_semantics<core_parallel>, #tpu.dimension_semantics<subcore_parallel>], iteration_bounds = array<i64: 2, 16>, scalar_prefetch = 0 : i64, scratch_operands = 5 : i64, tpu.core_type = #tpu.core_type<sc_vector_subcore>, window_params = [{transform_indices = #map}, {transform_indices = #map}, {transform_indices = #map}]} {
    %mul3A = arith.constant 2 : i32
    %mul3A_0 = arith.muli %arg1, %mul3A : i32
    %add3A = arith.addi %mul3A_0, %arg0 : i32
    %scan3A = arith.constant 0 : i32
    %scan3A_1 = arith.constant 0 : i32
    %scan3A_2 = arith.constant 64 : i32
    %scan3A_3 = arith.addi %scan3A_1, %scan3A_2 : i32
    %scan3A_4 = arith.constant 1 : i32
    scf.for %scan3A_33 = %scan3A_1 to %scan3A_3 step %scan3A_4  : i32 {
      %broadcast_in_dim3A = arith.constant 0.000000e+00 : f32
      %broadcast_in_dim3A_34 = vector.broadcast %broadcast_in_dim3A : f32 to vector<16xf32>
      %jit3A_35 = arith.constant 4 : i32
      %div3A = arith.divsi %scan3A_33, %jit3A_35 : i32
      %sign3A = arith.constant 0 : i32
      %sign3A_36 = arith.cmpi sgt, %scan3A_33, %sign3A : i32
      %sign3A_37 = arith.extui %sign3A_36 : i1 to i32
      %sign3A_38 = arith.constant 0 : i32
      %sign3A_39 = arith.cmpi slt, %scan3A_33, %sign3A_38 : i32
      %sign3A_40 = arith.extui %sign3A_39 : i1 to i32
      %sign3A_41 = arith.subi %sign3A_37, %sign3A_40 : i32
      %sign3A_42 = arith.constant 0 : i32
      %sign3A_43 = arith.cmpi sgt, %jit3A_35, %sign3A_42 : i32
      %sign3A_44 = arith.extui %sign3A_43 : i1 to i32
      %sign3A_45 = arith.constant 0 : i32
      %sign3A_46 = arith.cmpi slt, %jit3A_35, %sign3A_45 : i32
      %sign3A_47 = arith.extui %sign3A_46 : i1 to i32
      %sign3A_48 = arith.subi %sign3A_44, %sign3A_47 : i32
      %ne3A = arith.cmpi ne, %sign3A_41, %sign3A_48 : i32
      %rem3A = arith.remsi %scan3A_33, %jit3A_35 : i32
      %ne3A_49 = arith.constant 0 : i32
      %ne3A_50 = arith.cmpi ne, %rem3A, %ne3A_49 : i32
      %and3A = arith.andi %ne3A, %ne3A_50 : i1
      %sub3A = arith.constant 1 : i32
      %sub3A_51 = arith.subi %div3A, %sub3A : i32
      %select_n3A_52 = arith.select %and3A, %sub3A_51, %div3A : i32
      %jit3A_53 = arith.constant 4 : i32
      %eq3A_54 = arith.constant 0 : i32
      %eq3A_55 = arith.cmpi eq, %jit3A_53, %eq3A_54 : i32
      %jit3A_56 = arith.constant 1 : i32
      %select_n3A_57 = arith.select %eq3A_55, %jit3A_56, %jit3A_53 : i32
      %rem3A_58 = arith.remsi %scan3A_33, %select_n3A_57 : i32
      %ne3A_59 = arith.constant 0 : i32
      %ne3A_60 = arith.cmpi ne, %rem3A_58, %ne3A_59 : i32
      %lt3A_61 = arith.constant 0 : i32
      %lt3A_62 = arith.cmpi slt, %rem3A_58, %lt3A_61 : i32
      %lt3A_63 = arith.constant 0 : i32
      %lt3A_64 = arith.cmpi slt, %select_n3A_57, %lt3A_63 : i32
      %ne3A_65 = arith.xori %lt3A_62, %lt3A_64 : i1
      %and3A_66 = arith.andi %ne3A_65, %ne3A_60 : i1
      %add3A_67 = arith.addi %rem3A_58, %select_n3A_57 : i32
      %select_n3A_68 = arith.select %and3A_66, %add3A_67, %rem3A_58 : i32
      %mul3A_69 = arith.constant 16 : i32
      %mul3A_70 = arith.muli %select_n3A_68, %mul3A_69 : i32
      %swap3A = arith.index_cast %select_n3A_52 : i32 to index
      %swap3A_71 = arith.index_cast %mul3A_70 : i32 to index
      %swap3A_72 = tpu.vector_load %arg7[%swap3A, %swap3A_71] {strides = array<i32>} : memref<16x64xf32, #tpu.memory_space<vmem>>, vector<1x16xf32>,
      %swap3A_73 = vector.shape_cast %swap3A_72 : vector<1x16xf32> to vector<16xf32>
      %swap3A_74 = vector.shape_cast %broadcast_in_dim3A_34 : vector<16xf32> to vector<1x16xf32>
      tpu.vector_store %arg7[%swap3A, %swap3A_71], %swap3A_74 {strides = array<i32>} : memref<16x64xf32, #tpu.memory_space<vmem>>, vector<1x16xf32>,
    }
    %scan3A_5 = arith.constant 64 : i32
    %mul3A_6 = arith.constant 624 : i32
    %mul3A_7 = arith.muli %arg1, %mul3A_6 : i32
    %eq3A = arith.constant 15 : i32
    %eq3A_8 = arith.cmpi eq, %arg1, %eq3A : i32
    %jit3A = arith.constant 40 : i32
    %jit3A_9 = arith.constant 39 : i32
    %select_n3A = arith.select %eq3A_8, %jit3A, %jit3A_9 : i32
    %while3A = arith.constant 0 : i32
    %while3A_10 = arith.constant 0 : i32
    %while3A_11 = arith.subi %select_n3A, %while3A_10 : i32
    %while3A_12 = arith.addi %while3A_10, %while3A_11 : i32
    %while3A_13 = arith.constant 1 : i32
    %while3A_14 = arith.divsi %while3A_11, %while3A_13 : i32
    %while3A_15 = arith.muli %while3A_14, %while3A_13 : i32
    %while3A_16 = arith.addi %while3A_10, %while3A_15 : i32
    %while3A_17 = arith.constant 1 : i32
    scf.for %while3A_33 = %while3A_10 to %while3A_16 step %while3A_17  : i32 {
      %mul3A_34 = arith.constant 16 : i32
      %mul3A_35 = arith.muli %while3A_33, %mul3A_34 : i32
      %add3A_36 = arith.addi %mul3A_7, %mul3A_35 : i32
      "tpu.region"() ({
        %run_scoped3A = tpu.sem_alloc : memref<!tpu.dma_semaphore, #tpu.memory_space<semaphore_mem>>
        %dma_start3A = arith.constant 0 : i32
        %dma_start3A_37 = tpu.memref_slice %arg8[%add3A_36, %dma_start3A] : memref<10000x64xf32, #tpu.memory_space<vmem_shared>> -> memref<16x64xf32, #tpu.memory_space<vmem_shared>>
        %dma_start3A_38 = arith.constant 0 : i32
        %dma_start3A_39 = tpu.memref_slice %arg8[%add3A_36, %dma_start3A_38] : memref<10000x64xf32, #tpu.memory_space<vmem_shared>> -> memref<16x64xf32, #tpu.memory_space<vmem_shared>>
        tpu.enqueue_dma source(%arg7 : memref<16x64xf32, #tpu.memory_space<vmem>>) target(%dma_start3A_39 : memref<16x64xf32, #tpu.memory_space<vmem_shared>>) target_semaphore(%run_scoped3A : memref<!tpu.dma_semaphore, #tpu.memory_space<semaphore_mem>>)
        %dma_wait3A = arith.constant 0 : i32
        %dma_wait3A_40 = tpu.memref_slice %arg8[%add3A_36, %dma_wait3A] : memref<10000x64xf32, #tpu.memory_space<vmem_shared>> -> memref<16x64xf32, #tpu.memory_space<vmem_shared>>
        %dma_wait3A_41 = arith.constant 0 : i32
        %dma_wait3A_42 = tpu.memref_slice %arg8[%add3A_36, %dma_wait3A_41] : memref<10000x64xf32, #tpu.memory_space<vmem_shared>> -> memref<16x64xf32, #tpu.memory_space<vmem_shared>>
        tpu.wait_dma2 semaphore(%run_scoped3A : memref<!tpu.dma_semaphore, #tpu.memory_space<semaphore_mem>>) src(%arg7 : memref<16x64xf32, #tpu.memory_space<vmem>>) dst(%dma_wait3A_42 : memref<16x64xf32, #tpu.memory_space<vmem_shared>>)
        tpu.yield
      }) : () -> ()
    }
    %while3A_18 = arith.constant 1 : i32
    scf.for %while3A_33 = %while3A_16 to %while3A_12 step %while3A_18  : i32 {
      %mul3A_34 = arith.constant 16 : i32
      %mul3A_35 = arith.muli %while3A_33, %mul3A_34 : i32
      %add3A_36 = arith.addi %mul3A_7, %mul3A_35 : i32
      "tpu.region"() ({
        %run_scoped3A = tpu.sem_alloc : memref<!tpu.dma_semaphore, #tpu.memory_space<semaphore_mem>>
        %dma_start3A = arith.constant 0 : i32
        %dma_start3A_37 = tpu.memref_slice %arg8[%add3A_36, %dma_start3A] : memref<10000x64xf32, #tpu.memory_space<vmem_shared>> -> memref<16x64xf32, #tpu.memory_space<vmem_shared>>
        %dma_start3A_38 = arith.constant 0 : i32
        %dma_start3A_39 = tpu.memref_slice %arg8[%add3A_36, %dma_start3A_38] : memref<10000x64xf32, #tpu.memory_space<vmem_shared>> -> memref<16x64xf32, #tpu.memory_space<vmem_shared>>
        tpu.enqueue_dma source(%arg7 : memref<16x64xf32, #tpu.memory_space<vmem>>) target(%dma_start3A_39 : memref<16x64xf32, #tpu.memory_space<vmem_shared>>) target_semaphore(%run_scoped3A : memref<!tpu.dma_semaphore, #tpu.memory_space<semaphore_mem>>)
        %dma_wait3A = arith.constant 0 : i32
        %dma_wait3A_40 = tpu.memref_slice %arg8[%add3A_36, %dma_wait3A] : memref<10000x64xf32, #tpu.memory_space<vmem_shared>> -> memref<16x64xf32, #tpu.memory_space<vmem_shared>>
        %dma_wait3A_41 = arith.constant 0 : i32
        %dma_wait3A_42 = tpu.memref_slice %arg8[%add3A_36, %dma_wait3A_41] : memref<10000x64xf32, #tpu.memory_space<vmem_shared>> -> memref<16x64xf32, #tpu.memory_space<vmem_shared>>
        tpu.wait_dma2 semaphore(%run_scoped3A : memref<!tpu.dma_semaphore, #tpu.memory_space<semaphore_mem>>) src(%arg7 : memref<16x64xf32, #tpu.memory_space<vmem>>) dst(%dma_wait3A_42 : memref<16x64xf32, #tpu.memory_space<vmem_shared>>)
        tpu.yield
      }) : () -> ()
    }
    %barrier3A = arith.constant 0 : index
    tpu.barrier barrier_id(%barrier3A)
    %scan3A_19 = arith.constant 0 : i32
    %scan3A_20 = arith.constant 0 : i32
    %scan3A_21 = arith.constant 79 : i32
    %scan3A_22 = arith.addi %scan3A_20, %scan3A_21 : i32
    %scan3A_23 = arith.constant 1 : i32
    scf.for %scan3A_33 = %scan3A_20 to %scan3A_22 step %scan3A_23  : i32 {
      %mul3A_34 = arith.constant 32 : i32
      %mul3A_35 = arith.muli %mul3A_34, %scan3A_33 : i32
      %add3A_36 = arith.addi %add3A, %mul3A_35 : i32
      %lt3A_37 = arith.constant 2500 : i32
      %lt3A_38 = arith.cmpi slt, %add3A_36, %lt3A_37 : i32
      %convert_element_type3A_39 = arith.extui %lt3A_38 : i1 to i32
      %cond3A_40 = arith.constant 0 : i32
      %cond3A_41 = arith.cmpi ne, %convert_element_type3A_39, %cond3A_40 : i32
      scf.if %cond3A_41 {
        "tpu.region"() ({
          %run_scoped3A = tpu.sem_alloc : memref<!tpu.dma_semaphore, #tpu.memory_space<semaphore_mem>>
          %dma_start3A_48 = arith.constant 0 : i32
          %dma_start3A_49 = tpu.memref_slice %arg3[%add3A_36, %dma_start3A_48] : memref<2500x128xi32, #tpu.memory_space<hbm>> -> memref<1x128xi32, #tpu.memory_space<hbm>>
          %dma_start3A_50 = tpu.memref_squeeze %dma_start3A_49 : memref<1x128xi32, #tpu.memory_space<hbm>> -> memref<128xi32, #tpu.memory_space<hbm>>
          %dma_start3A_51 = arith.constant 0 : i32
          %dma_start3A_52 = tpu.memref_slice %arg3[%add3A_36, %dma_start3A_51] : memref<2500x128xi32, #tpu.memory_space<hbm>> -> memref<1x128xi32, #tpu.memory_space<hbm>>
          %dma_start3A_53 = tpu.memref_squeeze %dma_start3A_52 : memref<1x128xi32, #tpu.memory_space<hbm>> -> memref<128xi32, #tpu.memory_space<hbm>>
          tpu.enqueue_dma source(%dma_start3A_53 : memref<128xi32, #tpu.memory_space<hbm>>) target(%arg5 : memref<128xi32, #tpu.memory_space<vmem>>) target_semaphore(%run_scoped3A : memref<!tpu.dma_semaphore, #tpu.memory_space<semaphore_mem>>)
          %dma_wait3A_54 = arith.constant 0 : i32
          %dma_wait3A_55 = tpu.memref_slice %arg3[%add3A_36, %dma_wait3A_54] : memref<2500x128xi32, #tpu.memory_space<hbm>> -> memref<1x128xi32, #tpu.memory_space<hbm>>
          %dma_wait3A_56 = tpu.memref_squeeze %dma_wait3A_55 : memref<1x128xi32, #tpu.memory_space<hbm>> -> memref<128xi32, #tpu.memory_space<hbm>>
          %dma_wait3A_57 = arith.constant 0 : i32
          %dma_wait3A_58 = tpu.memref_slice %arg3[%add3A_36, %dma_wait3A_57] : memref<2500x128xi32, #tpu.memory_space<hbm>> -> memref<1x128xi32, #tpu.memory_space<hbm>>
          %dma_wait3A_59 = tpu.memref_squeeze %dma_wait3A_58 : memref<1x128xi32, #tpu.memory_space<hbm>> -> memref<128xi32, #tpu.memory_space<hbm>>
          tpu.wait_dma2 semaphore(%run_scoped3A : memref<!tpu.dma_semaphore, #tpu.memory_space<semaphore_mem>>) src(%dma_wait3A_59 : memref<128xi32, #tpu.memory_space<hbm>>) dst(%arg5 : memref<128xi32, #tpu.memory_space<vmem>>)
          tpu.yield
        }) : () -> ()
        %mul3A_42 = arith.constant 128 : i32
        %mul3A_43 = arith.muli %add3A_36, %mul3A_42 : i32
        "tpu.region"() ({
          %run_scoped3A = tpu.sem_alloc : memref<!tpu.dma_semaphore, #tpu.memory_space<semaphore_mem>>
          %dma_start3A_48 = arith.constant 0 : i32
          %dma_start3A_49 = tpu.memref_slice %arg2[%mul3A_43, %dma_start3A_48] : memref<320000x64xf32, #tpu.memory_space<hbm>> -> memref<128x64xf32, #tpu.memory_space<hbm>>
          %dma_start3A_50 = arith.constant 0 : i32
          %dma_start3A_51 = tpu.memref_slice %arg2[%mul3A_43, %dma_start3A_50] : memref<320000x64xf32, #tpu.memory_space<hbm>> -> memref<128x64xf32, #tpu.memory_space<hbm>>
          tpu.enqueue_dma source(%dma_start3A_51 : memref<128x64xf32, #tpu.memory_space<hbm>>) target(%arg6 : memref<128x64xf32, #tpu.memory_space<vmem>>) target_semaphore(%run_scoped3A : memref<!tpu.dma_semaphore, #tpu.memory_space<semaphore_mem>>)
          %dma_wait3A_52 = arith.constant 0 : i32
          %dma_wait3A_53 = tpu.memref_slice %arg2[%mul3A_43, %dma_wait3A_52] : memref<320000x64xf32, #tpu.memory_space<hbm>> -> memref<128x64xf32, #tpu.memory_space<hbm>>
          %dma_wait3A_54 = arith.constant 0 : i32
          %dma_wait3A_55 = tpu.memref_slice %arg2[%mul3A_43, %dma_wait3A_54] : memref<320000x64xf32, #tpu.memory_space<hbm>> -> memref<128x64xf32, #tpu.memory_space<hbm>>
          tpu.wait_dma2 semaphore(%run_scoped3A : memref<!tpu.dma_semaphore, #tpu.memory_space<semaphore_mem>>) src(%dma_wait3A_55 : memref<128x64xf32, #tpu.memory_space<hbm>>) dst(%arg6 : memref<128x64xf32, #tpu.memory_space<vmem>>)
          tpu.yield
        }) : () -> ()
        %dma_start3A = arith.constant 0 : i32
        %dma_start3A_44 = arith.constant 0 : i32
        %dma_start3A_45 = tpu.memref_slice %arg8[%dma_start3A, %dma_start3A_44] : memref<10000x64xf32, #tpu.memory_space<vmem_shared>> -> memref<10000x64xf32, #tpu.memory_space<vmem_shared>>
        tpu.enqueue_indirect_dma source(%arg6 : memref<128x64xf32, #tpu.memory_space<vmem>>) target(%dma_start3A_45 : memref<10000x64xf32, #tpu.memory_space<vmem_shared>>) offsets(%arg5 : memref<128xi32, #tpu.memory_space<vmem>>) semaphore(%arg9 : memref<!tpu.dma_semaphore, #tpu.memory_space<semaphore_mem>>) {add = true}
        %dma_wait3A = arith.constant 0 : i32
        %dma_wait3A_46 = arith.constant 0 : i32
        %dma_wait3A_47 = tpu.memref_slice %arg8[%dma_wait3A, %dma_wait3A_46] : memref<10000x64xf32, #tpu.memory_space<vmem_shared>> -> memref<10000x64xf32, #tpu.memory_space<vmem_shared>>
        tpu.wait_indirect_dma semaphore(%arg9 : memref<!tpu.dma_semaphore, #tpu.memory_space<semaphore_mem>>) src(%arg6 : memref<128x64xf32, #tpu.memory_space<vmem>>) dst(%dma_wait3A_47 : memref<10000x64xf32, #tpu.memory_space<vmem_shared>>)
      } else {
      }
    }
    %scan3A_24 = arith.constant 79 : i32
    %barrier3A_25 = arith.constant 0 : index
    tpu.barrier barrier_id(%barrier3A_25)
    %lt3A = arith.constant 15 : i32
    %lt3A_26 = arith.cmpi slt, %arg1, %lt3A : i32
    %convert_element_type3A = arith.extui %lt3A_26 : i1 to i32
    %cond3A = arith.constant 0 : i32
    %cond3A_27 = arith.cmpi ne, %convert_element_type3A, %cond3A : i32
    scf.if %cond3A_27 {
      %mul3A_33 = arith.constant 10000 : i32
      %mul3A_34 = arith.muli %arg0, %mul3A_33 : i32
      %add3A_35 = arith.addi %mul3A_34, %mul3A_7 : i32
      "tpu.region"() ({
        %run_scoped3A = tpu.sem_alloc : memref<!tpu.dma_semaphore, #tpu.memory_space<semaphore_mem>>
        %dma_start3A = arith.constant 0 : i32
        %dma_start3A_36 = tpu.memref_slice %arg4[%add3A_35, %dma_start3A] : memref<20000x64xf32, #tpu.memory_space<hbm>> -> memref<624x64xf32, #tpu.memory_space<hbm>>
        %dma_start3A_37 = arith.constant 0 : i32
        %dma_start3A_38 = tpu.memref_slice %arg8[%mul3A_7, %dma_start3A_37] : memref<10000x64xf32, #tpu.memory_space<vmem_shared>> -> memref<624x64xf32, #tpu.memory_space<vmem_shared>>
        tpu.enqueue_dma source(%dma_start3A_38 : memref<624x64xf32, #tpu.memory_space<vmem_shared>>) target(%dma_start3A_36 : memref<624x64xf32, #tpu.memory_space<hbm>>) target_semaphore(%run_scoped3A : memref<!tpu.dma_semaphore, #tpu.memory_space<semaphore_mem>>)
        %dma_wait3A = arith.constant 0 : i32
        %dma_wait3A_39 = tpu.memref_slice %arg4[%add3A_35, %dma_wait3A] : memref<20000x64xf32, #tpu.memory_space<hbm>> -> memref<624x64xf32, #tpu.memory_space<hbm>>
        %dma_wait3A_40 = arith.constant 0 : i32
        %dma_wait3A_41 = tpu.memref_slice %arg8[%mul3A_7, %dma_wait3A_40] : memref<10000x64xf32, #tpu.memory_space<vmem_shared>> -> memref<624x64xf32, #tpu.memory_space<vmem_shared>>
        tpu.wait_dma2 semaphore(%run_scoped3A : memref<!tpu.dma_semaphore, #tpu.memory_space<semaphore_mem>>) src(%dma_wait3A_41 : memref<624x64xf32, #tpu.memory_space<vmem_shared>>) dst(%dma_wait3A_39 : memref<624x64xf32, #tpu.memory_space<hbm>>)
        tpu.yield
      }) : () -> ()
    } else {
    }
    %eq3A_28 = arith.constant 15 : i32
    %eq3A_29 = arith.cmpi eq, %arg1, %eq3A_28 : i32
    %convert_element_type3A_30 = arith.extui %eq3A_29 : i1 to i32
    %cond3A_31 = arith.constant 0 : i32
    %cond3A_32 = arith.cmpi ne, %convert_element_type3A_30, %cond3A_31 : i32
    scf.if %cond3A_32 {
      %mul3A_33 = arith.constant 10000 : i32
      %mul3A_34 = arith.muli %arg0, %mul3A_33 : i32
      %add3A_35 = arith.addi %mul3A_34, %mul3A_7 : i32
      "tpu.region"() ({
        %run_scoped3A = tpu.sem_alloc : memref<!tpu.dma_semaphore, #tpu.memory_space<semaphore_mem>>
        %dma_start3A = arith.constant 0 : i32
        %dma_start3A_36 = tpu.memref_slice %arg4[%add3A_35, %dma_start3A] : memref<20000x64xf32, #tpu.memory_space<hbm>> -> memref<640x64xf32, #tpu.memory_space<hbm>>
        %dma_start3A_37 = arith.constant 0 : i32
        %dma_start3A_38 = tpu.memref_slice %arg8[%mul3A_7, %dma_start3A_37] : memref<10000x64xf32, #tpu.memory_space<vmem_shared>> -> memref<640x64xf32, #tpu.memory_space<vmem_shared>>
        tpu.enqueue_dma source(%dma_start3A_38 : memref<640x64xf32, #tpu.memory_space<vmem_shared>>) target(%dma_start3A_36 : memref<640x64xf32, #tpu.memory_space<hbm>>) target_semaphore(%run_scoped3A : memref<!tpu.dma_semaphore, #tpu.memory_space<semaphore_mem>>)
        %dma_wait3A = arith.constant 0 : i32
        %dma_wait3A_39 = tpu.memref_slice %arg4[%add3A_35, %dma_wait3A] : memref<20000x64xf32, #tpu.memory_space<hbm>> -> memref<640x64xf32, #tpu.memory_space<hbm>>
        %dma_wait3A_40 = arith.constant 0 : i32
        %dma_wait3A_41 = tpu.memref_slice %arg8[%mul3A_7, %dma_wait3A_40] : memref<10000x64xf32, #tpu.memory_space<vmem_shared>> -> memref<640x64xf32, #tpu.memory_space<vmem_shared>>
        tpu.wait_dma2 semaphore(%run_scoped3A : memref<!tpu.dma_semaphore, #tpu.memory_space<semaphore_mem>>) src(%dma_wait3A_41 : memref<640x64xf32, #tpu.memory_space<vmem_shared>>) dst(%dma_wait3A_39 : memref<640x64xf32, #tpu.memory_space<hbm>>)
        tpu.yield
      }) : () -> ()
    } else {
    }
    return
  }
}

module attributes {stable_mosaic.version = 14 : i64} {
  func.func @_embed_body(%arg0: i32, %arg1: memref<2000x92xf32, #tpu.memory_space<vmem>>, %arg2: memref<92x64xf32, #tpu.memory_space<vmem>>, %arg3: memref<1x64xf32, #tpu.memory_space<vmem>>, %arg4: memref<2000x64xf32, #tpu.memory_space<vmem>>) attributes {dimension_semantics = [#tpu.dimension_semantics<arbitrary>], iteration_bounds = array<i64: 5>, scalar_prefetch = 0 : i64, scratch_operands = 0 : i64, tpu.core_type = #tpu.core_type<tc>, window_params = [{transform_indices = @transform_0, window_bounds = array<i64: 2000, 92>}, {pipeline_mode = #tpu.pipeline_mode<synchronous>, transform_indices = @transform_1, window_bounds = array<i64: 92, 64>}, {pipeline_mode = #tpu.pipeline_mode<synchronous>, transform_indices = @transform_2, window_bounds = array<i64: 1, 64>}, {transform_indices = @transform_3, window_bounds = array<i64: 2000, 64>}]} {
    %get3A = arith.constant 0 : index
    %get3A_0 = arith.constant 0 : index
    %get3A_1 = vector.load %arg1[%get3A, %get3A_0] : memref<2000x92xf32, #tpu.memory_space<vmem>>, vector<2000x92xf32>
    %get3A_2 = arith.constant 0 : index
    %get3A_3 = arith.constant 0 : index
    %get3A_4 = vector.load %arg2[%get3A_2, %get3A_3] : memref<92x64xf32, #tpu.memory_space<vmem>>, vector<92x64xf32>
    %dot_general3A = arith.constant dense<0.000000e+00> : vector<2000x64xf32>
    %dot_general3A_5 = tpu.matmul %get3A_1, %get3A_4, %dot_general3A {dimension_numbers = #tpu.dot_dimension_numbers<[1], [0], [0], [1], [0, 0, 1, 1], [], []>, transpose_lhs_hint = false} : vector<2000x92xf32>, vector<92x64xf32>, vector<2000x64xf32> -> vector<2000x64xf32>
    %get3A_6 = arith.constant 0 : index
    %get3A_7 = arith.constant 0 : index
    %get3A_8 = vector.load %arg3[%get3A_6, %get3A_7] : memref<1x64xf32, #tpu.memory_space<vmem>>, vector<1x64xf32>
    %add3A = vector.broadcast %get3A_8 : vector<1x64xf32> to vector<2000x64xf32>
    %add3A_9 = arith.addf %dot_general3A_5, %add3A : vector<2000x64xf32>
    %swap3A = arith.constant 0 : index
    %swap3A_10 = arith.constant 0 : index
    %swap3A_11 = vector.load %arg4[%swap3A, %swap3A_10] : memref<2000x64xf32, #tpu.memory_space<vmem>>, vector<2000x64xf32>
    tpu.vector_store %arg4[%swap3A, %swap3A_10], %add3A_9 {strides = array<i32>} : memref<2000x64xf32, #tpu.memory_space<vmem>>, vector<2000x64xf32>,
    return
  }
  func.func @transform_0(%arg0: i32) -> (i32, i32) {
    %c0_i32 = arith.constant 0 : i32
    %c0_i32_0 = arith.constant 0 : i32
    return %arg0, %c0_i32 : i32, i32
  }
  func.func @transform_1(%arg0: i32) -> (i32, i32) {
    %c0_i32 = arith.constant 0 : i32
    %c0_i32_0 = arith.constant 0 : i32
    %c0_i32_1 = arith.constant 0 : i32
    return %c0_i32, %c0_i32_0 : i32, i32
  }
  func.func @transform_2(%arg0: i32) -> (i32, i32) {
    %c0_i32 = arith.constant 0 : i32
    %c0_i32_0 = arith.constant 0 : i32
    %c0_i32_1 = arith.constant 0 : i32
    return %c0_i32, %c0_i32_0 : i32, i32
  }
  func.func @transform_3(%arg0: i32) -> (i32, i32) {
    %c0_i32 = arith.constant 0 : i32
    %c0_i32_0 = arith.constant 0 : i32
    return %arg0, %c0_i32 : i32, i32
  }
}

module attributes {stable_mosaic.version = 14 : i64} {
  func.func @_dense_body(%arg0: i32, %arg1: memref<2000x64xf32, #tpu.memory_space<vmem>>, %arg2: memref<64x256xf32, #tpu.memory_space<vmem>>, %arg3: memref<1x256xf32, #tpu.memory_space<vmem>>, %arg4: memref<2000x128xf32, #tpu.memory_space<vmem>>, %arg5: memref<2000x128xf32, #tpu.memory_space<vmem>>) attributes {dimension_semantics = [#tpu.dimension_semantics<arbitrary>], iteration_bounds = array<i64: 5>, scalar_prefetch = 0 : i64, scratch_operands = 0 : i64, tpu.core_type = #tpu.core_type<tc>, window_params = [{transform_indices = @transform_0, window_bounds = array<i64: 2000, 64>}, {pipeline_mode = #tpu.pipeline_mode<synchronous>, transform_indices = @transform_1, window_bounds = array<i64: 64, 256>}, {pipeline_mode = #tpu.pipeline_mode<synchronous>, transform_indices = @transform_2, window_bounds = array<i64: 1, 256>}, {transform_indices = @transform_3, window_bounds = array<i64: 2000, 128>}, {transform_indices = @transform_4, window_bounds = array<i64: 2000, 128>}]} {
    %get3A = arith.constant 0 : index
    %get3A_0 = arith.constant 0 : index
    %get3A_1 = vector.load %arg1[%get3A, %get3A_0] : memref<2000x64xf32, #tpu.memory_space<vmem>>, vector<2000x64xf32>
    %get3A_2 = arith.constant 0 : index
    %get3A_3 = arith.constant 0 : index
    %get3A_4 = vector.load %arg2[%get3A_2, %get3A_3] : memref<64x256xf32, #tpu.memory_space<vmem>>, vector<64x256xf32>
    %dot_general3A = arith.constant dense<0.000000e+00> : vector<2000x256xf32>
    %dot_general3A_5 = tpu.matmul %get3A_1, %get3A_4, %dot_general3A {dimension_numbers = #tpu.dot_dimension_numbers<[1], [0], [0], [1], [0, 0, 1, 1], [], []>, transpose_lhs_hint = false} : vector<2000x64xf32>, vector<64x256xf32>, vector<2000x256xf32> -> vector<2000x256xf32>
    %get3A_6 = arith.constant 0 : index
    %get3A_7 = arith.constant 0 : index
    %get3A_8 = vector.load %arg3[%get3A_6, %get3A_7] : memref<1x256xf32, #tpu.memory_space<vmem>>, vector<1x256xf32>
    %add3A = vector.broadcast %get3A_8 : vector<1x256xf32> to vector<2000x256xf32>
    %add3A_9 = arith.addf %dot_general3A_5, %add3A : vector<2000x256xf32>
    %slice3A = vector.extract_strided_slice %add3A_9 {offsets = [0, 0], sizes = [2000, 128], strides = [1, 1]} : vector<2000x256xf32> to vector<2000x128xf32>
    %swap3A = arith.constant 0 : index
    %swap3A_10 = arith.constant 0 : index
    %swap3A_11 = vector.load %arg4[%swap3A, %swap3A_10] : memref<2000x128xf32, #tpu.memory_space<vmem>>, vector<2000x128xf32>
    tpu.vector_store %arg4[%swap3A, %swap3A_10], %slice3A {strides = array<i32>} : memref<2000x128xf32, #tpu.memory_space<vmem>>, vector<2000x128xf32>,
    %slice3A_12 = vector.extract_strided_slice %add3A_9 {offsets = [0, 128], sizes = [2000, 128], strides = [1, 1]} : vector<2000x256xf32> to vector<2000x128xf32>
    %swap3A_13 = arith.constant 0 : index
    %swap3A_14 = arith.constant 0 : index
    %swap3A_15 = vector.load %arg5[%swap3A_13, %swap3A_14] : memref<2000x128xf32, #tpu.memory_space<vmem>>, vector<2000x128xf32>
    tpu.vector_store %arg5[%swap3A_13, %swap3A_14], %slice3A_12 {strides = array<i32>} : memref<2000x128xf32, #tpu.memory_space<vmem>>, vector<2000x128xf32>,
    return
  }
  func.func @transform_0(%arg0: i32) -> (i32, i32) {
    %c0_i32 = arith.constant 0 : i32
    %c0_i32_0 = arith.constant 0 : i32
    return %arg0, %c0_i32 : i32, i32
  }
  func.func @transform_1(%arg0: i32) -> (i32, i32) {
    %c0_i32 = arith.constant 0 : i32
    %c0_i32_0 = arith.constant 0 : i32
    %c0_i32_1 = arith.constant 0 : i32
    return %c0_i32, %c0_i32_0 : i32, i32
  }
  func.func @transform_2(%arg0: i32) -> (i32, i32) {
    %c0_i32 = arith.constant 0 : i32
    %c0_i32_0 = arith.constant 0 : i32
    %c0_i32_1 = arith.constant 0 : i32
    return %c0_i32, %c0_i32_0 : i32, i32
  }
  func.func @transform_3(%arg0: i32) -> (i32, i32) {
    %c0_i32 = arith.constant 0 : i32
    %c0_i32_0 = arith.constant 0 : i32
    return %arg0, %c0_i32 : i32, i32
  }
  func.func @transform_4(%arg0: i32) -> (i32, i32) {
    %c0_i32 = arith.constant 0 : i32
    %c0_i32_0 = arith.constant 0 : i32
    return %arg0, %c0_i32 : i32, i32
  }
}

module attributes {stable_mosaic.version = 14 : i64} {
  func.func @_edge_body(%arg0: i32, %arg1: i32, %arg2: memref<2000x128xf32, #tpu.memory_space<vmem>>, %arg3: memref<2000x3xf32, #tpu.memory_space<vmem>>, %arg4: memref<128x128xf32, #tpu.memory_space<vmem>>, %arg5: memref<1x128xf32, #tpu.memory_space<vmem>>, %arg6: memref<1x128xf32, #tpu.memory_space<vmem>>, %arg7: memref<1x128xf32, #tpu.memory_space<vmem>>, %arg8: memref<2000x64xf32, #tpu.memory_space<vmem>>, %arg9: memref<1x128xf32, #tpu.memory_space<vmem>>, %arg10: memref<1x128xf32, #tpu.memory_space<vmem>>, %arg11: memref<1x128xf32, #tpu.memory_space<vmem>>, %arg12: memref<1x128xf32, #tpu.memory_space<vmem>>) attributes {dimension_semantics = [#tpu.dimension_semantics<arbitrary>, #tpu.dimension_semantics<arbitrary>], iteration_bounds = array<i64: 2, 160>, scalar_prefetch = 0 : i64, scratch_operands = 4 : i64, tpu.core_type = #tpu.core_type<tc>, window_params = [{transform_indices = @transform_0, window_bounds = array<i64: 2000, 128>}, {transform_indices = @transform_1, window_bounds = array<i64: 2000, 3>}, {pipeline_mode = #tpu.pipeline_mode<synchronous>, transform_indices = @transform_2, window_bounds = array<i64: 128, 128>}, {pipeline_mode = #tpu.pipeline_mode<synchronous>, transform_indices = @transform_3, window_bounds = array<i64: 1, 128>}, {pipeline_mode = #tpu.pipeline_mode<synchronous>, transform_indices = @transform_4, window_bounds = array<i64: 1, 128>}, {pipeline_mode = #tpu.pipeline_mode<synchronous>, transform_indices = @transform_5, window_bounds = array<i64: 1, 128>}, {transform_indices = @transform_6, window_bounds = array<i64: 2000, 64>}]} {
    %eq3A = arith.constant 0 : i32
    %eq3A_0 = arith.cmpi eq, %arg0, %eq3A : i32
    %eq3A_1 = arith.constant 0 : i32
    %eq3A_2 = arith.cmpi eq, %arg1, %eq3A_1 : i32
    %and3A = arith.andi %eq3A_0, %eq3A_2 : i1
    %convert_element_type3A = arith.extui %and3A : i1 to i32
    %cond3A = arith.constant 0 : i32
    %cond3A_3 = arith.cmpi ne, %convert_element_type3A, %cond3A : i32
    scf.if %cond3A_3 {
      %broadcast_in_dim3A_46 = arith.constant 0.000000e+00 : f32
      %broadcast_in_dim3A_47 = vector.broadcast %broadcast_in_dim3A_46 : f32 to vector<1x128xf32>
      %swap3A = arith.constant 0 : index
      %swap3A_48 = arith.constant 0 : index
      %swap3A_49 = vector.load %arg9[%swap3A, %swap3A_48] : memref<1x128xf32, #tpu.memory_space<vmem>>, vector<1x128xf32>
      tpu.vector_store %arg9[%swap3A, %swap3A_48], %broadcast_in_dim3A_47 {strides = array<i32>} : memref<1x128xf32, #tpu.memory_space<vmem>>, vector<1x128xf32>,
      %broadcast_in_dim3A_50 = arith.constant 0.000000e+00 : f32
      %broadcast_in_dim3A_51 = vector.broadcast %broadcast_in_dim3A_50 : f32 to vector<1x128xf32>
      %swap3A_52 = arith.constant 0 : index
      %swap3A_53 = arith.constant 0 : index
      %swap3A_54 = vector.load %arg10[%swap3A_52, %swap3A_53] : memref<1x128xf32, #tpu.memory_space<vmem>>, vector<1x128xf32>
      tpu.vector_store %arg10[%swap3A_52, %swap3A_53], %broadcast_in_dim3A_51 {strides = array<i32>} : memref<1x128xf32, #tpu.memory_space<vmem>>, vector<1x128xf32>,
    } else {
    }
    %get3A = arith.constant 0 : index
    %get3A_4 = arith.constant 0 : index
    %get3A_5 = vector.load %arg3[%get3A, %get3A_4] : memref<2000x3xf32, #tpu.memory_space<vmem>>, vector<2000x3xf32>
    %mul3A = arith.mulf %get3A_5, %get3A_5 : vector<2000x3xf32>
    %reduce_sum3A = arith.constant dense<0.000000e+00> : vector<2000xf32>
    %reduce_sum3A_6 = vector.multi_reduction <add>, %mul3A, %reduce_sum3A [1] : vector<2000x3xf32> to vector<2000xf32>
    %broadcast_in_dim3A = vector.shape_cast %reduce_sum3A_6 : vector<2000xf32> to vector<2000x1xf32>
    %sqrt3A = math.sqrt %broadcast_in_dim3A : vector<2000x1xf32>
    %iota3A = tpu.iota {dimensions = array<i32: 1>} : vector<1x128xi32>
    %convert_element_type3A_7 = arith.sitofp %iota3A : vector<1x128xi32> to vector<1x128xf32>
    %mul3A_8 = arith.constant 2.000000e-01 : f32
    %mul3A_9 = vector.broadcast %mul3A_8 : f32 to vector<1x128xf32>
    %mul3A_10 = arith.mulf %convert_element_type3A_7, %mul3A_9 : vector<1x128xf32>
    %sub3A = vector.broadcast %sqrt3A : vector<2000x1xf32> to vector<2000x128xf32>
    %sub3A_11 = vector.broadcast %mul3A_10 : vector<1x128xf32> to vector<2000x128xf32>
    %sub3A_12 = arith.subf %sub3A, %sub3A_11 : vector<2000x128xf32>
    %integer_pow3A = arith.mulf %sub3A_12, %sub3A_12 : vector<2000x128xf32>
    %mul3A_13 = arith.constant -2.500000e+01 : f32
    %mul3A_14 = vector.broadcast %mul3A_13 : f32 to vector<2000x128xf32>
    %mul3A_15 = arith.mulf %mul3A_14, %integer_pow3A : vector<2000x128xf32>
    %exp3A = math.exp %mul3A_15 : vector<2000x128xf32>
    %get3A_16 = arith.constant 0 : index
    %get3A_17 = arith.constant 0 : index
    %get3A_18 = vector.load %arg4[%get3A_16, %get3A_17] : memref<128x128xf32, #tpu.memory_space<vmem>>, vector<128x128xf32>
    %dot_general3A = arith.constant dense<0.000000e+00> : vector<2000x128xf32>
    %dot_general3A_19 = tpu.matmul %exp3A, %get3A_18, %dot_general3A {dimension_numbers = #tpu.dot_dimension_numbers<[1], [0], [0], [1], [0, 0, 1, 1], [], []>, transpose_lhs_hint = false} : vector<2000x128xf32>, vector<128x128xf32>, vector<2000x128xf32> -> vector<2000x128xf32>
    %get3A_20 = arith.constant 0 : index
    %get3A_21 = arith.constant 0 : index
    %get3A_22 = vector.load %arg5[%get3A_20, %get3A_21] : memref<1x128xf32, #tpu.memory_space<vmem>>, vector<1x128xf32>
    %add3A = vector.broadcast %get3A_22 : vector<1x128xf32> to vector<2000x128xf32>
    %add3A_23 = arith.addf %dot_general3A_19, %add3A : vector<2000x128xf32>
    %get3A_24 = arith.constant 0 : index
    %get3A_25 = arith.constant 0 : index
    %get3A_26 = vector.load %arg2[%get3A_24, %get3A_25] : memref<2000x128xf32, #tpu.memory_space<vmem>>, vector<2000x128xf32>
    %add3A_27 = arith.addf %get3A_26, %add3A_23 : vector<2000x128xf32>
    %eq3A_28 = arith.constant 0 : i32
    %eq3A_29 = arith.cmpi eq, %arg0, %eq3A_28 : i32
    %convert_element_type3A_30 = arith.extui %eq3A_29 : i1 to i32
    %cond3A_31 = arith.constant 0 : i32
    %cond3A_32 = arith.cmpi ne, %convert_element_type3A_30, %cond3A_31 : i32
    scf.if %cond3A_32 {
      %get3A_46 = arith.constant 0 : index
      %get3A_47 = arith.constant 0 : index
      %get3A_48 = vector.load %arg9[%get3A_46, %get3A_47] : memref<1x128xf32, #tpu.memory_space<vmem>>, vector<1x128xf32>
      %reduce_sum3A_49 = arith.constant dense<0.000000e+00> : vector<128xf32>
      %reduce_sum3A_50 = vector.multi_reduction <add>, %add3A_27, %reduce_sum3A_49 [0] : vector<2000x128xf32> to vector<128xf32>
      %broadcast_in_dim3A_51 = vector.shape_cast %reduce_sum3A_50 : vector<128xf32> to vector<1x128xf32>
      %add3A_52 = arith.addf %get3A_48, %broadcast_in_dim3A_51 : vector<1x128xf32>
      %swap3A = arith.constant 0 : index
      %swap3A_53 = arith.constant 0 : index
      %swap3A_54 = vector.load %arg9[%swap3A, %swap3A_53] : memref<1x128xf32, #tpu.memory_space<vmem>>, vector<1x128xf32>
      tpu.vector_store %arg9[%swap3A, %swap3A_53], %add3A_52 {strides = array<i32>} : memref<1x128xf32, #tpu.memory_space<vmem>>, vector<1x128xf32>,
      %get3A_55 = arith.constant 0 : index
      %get3A_56 = arith.constant 0 : index
      %get3A_57 = vector.load %arg10[%get3A_55, %get3A_56] : memref<1x128xf32, #tpu.memory_space<vmem>>, vector<1x128xf32>
      %mul3A_58 = arith.mulf %add3A_27, %add3A_27 : vector<2000x128xf32>
      %reduce_sum3A_59 = arith.constant dense<0.000000e+00> : vector<128xf32>
      %reduce_sum3A_60 = vector.multi_reduction <add>, %mul3A_58, %reduce_sum3A_59 [0] : vector<2000x128xf32> to vector<128xf32>
      %broadcast_in_dim3A_61 = vector.shape_cast %reduce_sum3A_60 : vector<128xf32> to vector<1x128xf32>
      %add3A_62 = arith.addf %get3A_57, %broadcast_in_dim3A_61 : vector<1x128xf32>
      %swap3A_63 = arith.constant 0 : index
      %swap3A_64 = arith.constant 0 : index
      %swap3A_65 = vector.load %arg10[%swap3A_63, %swap3A_64] : memref<1x128xf32, #tpu.memory_space<vmem>>, vector<1x128xf32>
      tpu.vector_store %arg10[%swap3A_63, %swap3A_64], %add3A_62 {strides = array<i32>} : memref<1x128xf32, #tpu.memory_space<vmem>>, vector<1x128xf32>,
    } else {
    }
    %eq3A_33 = arith.constant 0 : i32
    %eq3A_34 = arith.cmpi eq, %arg0, %eq3A_33 : i32
    %eq3A_35 = arith.constant 159 : i32
    %eq3A_36 = arith.cmpi eq, %arg1, %eq3A_35 : i32
    %and3A_37 = arith.andi %eq3A_34, %eq3A_36 : i1
    %convert_element_type3A_38 = arith.extui %and3A_37 : i1 to i32
    %cond3A_39 = arith.constant 0 : i32
    %cond3A_40 = arith.cmpi ne, %convert_element_type3A_38, %cond3A_39 : i32
    scf.if %cond3A_40 {
      %get3A_46 = arith.constant 0 : index
      %get3A_47 = arith.constant 0 : index
      %get3A_48 = vector.load %arg9[%get3A_46, %get3A_47] : memref<1x128xf32, #tpu.memory_space<vmem>>, vector<1x128xf32>
      %mul3A_49 = arith.constant 3.125000e-06 : f32
      %mul3A_50 = vector.broadcast %mul3A_49 : f32 to vector<1x128xf32>
      %mul3A_51 = arith.mulf %get3A_48, %mul3A_50 : vector<1x128xf32>
      %get3A_52 = arith.constant 0 : index
      %get3A_53 = arith.constant 0 : index
      %get3A_54 = vector.load %arg10[%get3A_52, %get3A_53] : memref<1x128xf32, #tpu.memory_space<vmem>>, vector<1x128xf32>
      %mul3A_55 = arith.constant 3.125000e-06 : f32
      %mul3A_56 = vector.broadcast %mul3A_55 : f32 to vector<1x128xf32>
      %mul3A_57 = arith.mulf %get3A_54, %mul3A_56 : vector<1x128xf32>
      %mul3A_58 = arith.mulf %mul3A_51, %mul3A_51 : vector<1x128xf32>
      %sub3A_59 = arith.subf %mul3A_57, %mul3A_58 : vector<1x128xf32>
      %add3A_60 = arith.constant 9.99999974E-6 : f32
      %add3A_61 = vector.broadcast %add3A_60 : f32 to vector<1x128xf32>
      %add3A_62 = arith.addf %sub3A_59, %add3A_61 : vector<1x128xf32>
      %rsqrt3A = math.rsqrt %add3A_62 : vector<1x128xf32>
      %get3A_63 = arith.constant 0 : index
      %get3A_64 = arith.constant 0 : index
      %get3A_65 = vector.load %arg6[%get3A_63, %get3A_64] : memref<1x128xf32, #tpu.memory_space<vmem>>, vector<1x128xf32>
      %mul3A_66 = arith.mulf %get3A_65, %rsqrt3A : vector<1x128xf32>
      %swap3A = arith.constant 0 : index
      %swap3A_67 = arith.constant 0 : index
      %swap3A_68 = vector.load %arg11[%swap3A, %swap3A_67] : memref<1x128xf32, #tpu.memory_space<vmem>>, vector<1x128xf32>
      tpu.vector_store %arg11[%swap3A, %swap3A_67], %mul3A_66 {strides = array<i32>} : memref<1x128xf32, #tpu.memory_space<vmem>>, vector<1x128xf32>,
      %get3A_69 = arith.constant 0 : index
      %get3A_70 = arith.constant 0 : index
      %get3A_71 = vector.load %arg7[%get3A_69, %get3A_70] : memref<1x128xf32, #tpu.memory_space<vmem>>, vector<1x128xf32>
      %get3A_72 = arith.constant 0 : index
      %get3A_73 = arith.constant 0 : index
      %get3A_74 = vector.load %arg6[%get3A_72, %get3A_73] : memref<1x128xf32, #tpu.memory_space<vmem>>, vector<1x128xf32>
      %mul3A_75 = arith.mulf %mul3A_51, %get3A_74 : vector<1x128xf32>
      %mul3A_76 = arith.mulf %mul3A_75, %rsqrt3A : vector<1x128xf32>
      %sub3A_77 = arith.subf %get3A_71, %mul3A_76 : vector<1x128xf32>
      %swap3A_78 = arith.constant 0 : index
      %swap3A_79 = arith.constant 0 : index
      %swap3A_80 = vector.load %arg12[%swap3A_78, %swap3A_79] : memref<1x128xf32, #tpu.memory_space<vmem>>, vector<1x128xf32>
      tpu.vector_store %arg12[%swap3A_78, %swap3A_79], %sub3A_77 {strides = array<i32>} : memref<1x128xf32, #tpu.memory_space<vmem>>, vector<1x128xf32>,
    } else {
    }
    %eq3A_41 = arith.constant 1 : i32
    %eq3A_42 = arith.cmpi eq, %arg0, %eq3A_41 : i32
    %convert_element_type3A_43 = arith.extui %eq3A_42 : i1 to i32
    %cond3A_44 = arith.constant 0 : i32
    %cond3A_45 = arith.cmpi ne, %convert_element_type3A_43, %cond3A_44 : i32
    scf.if %cond3A_45 {
      %get3A_46 = arith.constant 0 : index
      %get3A_47 = arith.constant 0 : index
      %get3A_48 = vector.load %arg11[%get3A_46, %get3A_47] : memref<1x128xf32, #tpu.memory_space<vmem>>, vector<1x128xf32>
      %mul3A_49 = vector.broadcast %get3A_48 : vector<1x128xf32> to vector<2000x128xf32>
      %mul3A_50 = arith.mulf %add3A_27, %mul3A_49 : vector<2000x128xf32>
      %get3A_51 = arith.constant 0 : index
      %get3A_52 = arith.constant 0 : index
      %get3A_53 = vector.load %arg12[%get3A_51, %get3A_52] : memref<1x128xf32, #tpu.memory_space<vmem>>, vector<1x128xf32>
      %add3A_54 = vector.broadcast %get3A_53 : vector<1x128xf32> to vector<2000x128xf32>
      %add3A_55 = arith.addf %mul3A_50, %add3A_54 : vector<2000x128xf32>
      %slice3A = vector.extract_strided_slice %add3A_55 {offsets = [0, 0], sizes = [2000, 64], strides = [1, 1]} : vector<2000x128xf32> to vector<2000x64xf32>
      %logistic3A = arith.negf %slice3A : vector<2000x64xf32>
      %logistic3A_56 = math.exp %logistic3A : vector<2000x64xf32>
      %logistic3A_57 = arith.constant 1.000000e+00 : f32
      %logistic3A_58 = vector.broadcast %logistic3A_57 : f32 to vector<2000x64xf32>
      %logistic3A_59 = arith.addf %logistic3A_58, %logistic3A_56 : vector<2000x64xf32>
      %logistic3A_60 = arith.divf %logistic3A_58, %logistic3A_59 : vector<2000x64xf32>
      %slice3A_61 = vector.extract_strided_slice %add3A_55 {offsets = [0, 64], sizes = [2000, 64], strides = [1, 1]} : vector<2000x128xf32> to vector<2000x64xf32>
      %custom_jvp_call3A = arith.constant 0.000000e+00 : f32
      %max3A = vector.broadcast %custom_jvp_call3A : f32 to vector<2000x64xf32>
      %max3A_62 = arith.maximumf %slice3A_61, %max3A : vector<2000x64xf32>
      %sub3A_63 = vector.broadcast %custom_jvp_call3A : f32 to vector<2000x64xf32>
      %sub3A_64 = arith.subf %slice3A_61, %sub3A_63 : vector<2000x64xf32>
      %ne3A = arith.cmpf one, %sub3A_64, %sub3A_64 : vector<2000x64xf32>
      %add3A_65 = vector.broadcast %custom_jvp_call3A : f32 to vector<2000x64xf32>
      %add3A_66 = arith.addf %slice3A_61, %add3A_65 : vector<2000x64xf32>
      %abs3A = math.absf %sub3A_64 : vector<2000x64xf32>
      %neg3A = arith.constant 0.000000e+00 : f32
      %neg3A_67 = vector.broadcast %neg3A : f32 to vector<2000x64xf32>
      %neg3A_68 = arith.subf %neg3A_67, %abs3A : vector<2000x64xf32>
      %exp3A_69 = math.exp %neg3A_68 : vector<2000x64xf32>
      %log1p3A = math.log1p %exp3A_69 : vector<2000x64xf32>
      %add3A_70 = arith.addf %max3A_62, %log1p3A : vector<2000x64xf32>
      %select_n3A = arith.select %ne3A, %add3A_66, %add3A_70 : vector<2000x64xi1>, vector<2000x64xf32>
      %mul3A_71 = arith.mulf %logistic3A_60, %select_n3A : vector<2000x64xf32>
      %swap3A = arith.constant 0 : index
      %swap3A_72 = arith.constant 0 : index
      %swap3A_73 = vector.load %arg8[%swap3A, %swap3A_72] : memref<2000x64xf32, #tpu.memory_space<vmem>>, vector<2000x64xf32>
      tpu.vector_store %arg8[%swap3A, %swap3A_72], %mul3A_71 {strides = array<i32>} : memref<2000x64xf32, #tpu.memory_space<vmem>>, vector<2000x64xf32>,
    } else {
    }
    return
  }
  func.func @transform_0(%arg0: i32, %arg1: i32) -> (i32, i32) {
    %c0_i32 = arith.constant 0 : i32
    %c0_i32_0 = arith.constant 0 : i32
    return %arg1, %c0_i32 : i32, i32
  }
  func.func @transform_1(%arg0: i32, %arg1: i32) -> (i32, i32) {
    %c0_i32 = arith.constant 0 : i32
    %c0_i32_0 = arith.constant 0 : i32
    return %arg1, %c0_i32 : i32, i32
  }
  func.func @transform_2(%arg0: i32, %arg1: i32) -> (i32, i32) {
    %c0_i32 = arith.constant 0 : i32
    %c0_i32_0 = arith.constant 0 : i32
    %c0_i32_1 = arith.constant 0 : i32
    return %c0_i32, %c0_i32_0 : i32, i32
  }
  func.func @transform_3(%arg0: i32, %arg1: i32) -> (i32, i32) {
    %c0_i32 = arith.constant 0 : i32
    %c0_i32_0 = arith.constant 0 : i32
    %c0_i32_1 = arith.constant 0 : i32
    return %c0_i32, %c0_i32_0 : i32, i32
  }
  func.func @transform_4(%arg0: i32, %arg1: i32) -> (i32, i32) {
    %c0_i32 = arith.constant 0 : i32
    %c0_i32_0 = arith.constant 0 : i32
    %c0_i32_1 = arith.constant 0 : i32
    return %c0_i32, %c0_i32_0 : i32, i32
  }
  func.func @transform_5(%arg0: i32, %arg1: i32) -> (i32, i32) {
    %c0_i32 = arith.constant 0 : i32
    %c0_i32_0 = arith.constant 0 : i32
    %c0_i32_1 = arith.constant 0 : i32
    return %c0_i32, %c0_i32_0 : i32, i32
  }
  func.func @transform_6(%arg0: i32, %arg1: i32) -> (i32, i32) {
    %c0_i32 = arith.constant 0 : i32
    %c0_i32_0 = arith.constant 0 : i32
    return %arg1, %c0_i32 : i32, i32
  }
}

module attributes {stable_mosaic.version = 14 : i64} {
  func.func @_update_body(%arg0: i32, %arg1: i32, %arg2: memref<2000x64xf32, #tpu.memory_space<vmem>>, %arg3: memref<2000x64xf32, #tpu.memory_space<vmem>>, %arg4: memref<2000x64xf32, #tpu.memory_space<vmem>>, %arg5: memref<1x64xf32, #tpu.memory_space<vmem>>, %arg6: memref<1x64xf32, #tpu.memory_space<vmem>>, %arg7: memref<2000x64xf32, #tpu.memory_space<vmem>>, %arg8: memref<1x64xf32, #tpu.memory_space<vmem>>, %arg9: memref<1x64xf32, #tpu.memory_space<vmem>>, %arg10: memref<1x64xf32, #tpu.memory_space<vmem>>, %arg11: memref<1x64xf32, #tpu.memory_space<vmem>>, %arg12: memref<1x64xf32, #tpu.memory_space<vmem>>, %arg13: memref<1x64xf32, #tpu.memory_space<vmem>>) attributes {dimension_semantics = [#tpu.dimension_semantics<arbitrary>, #tpu.dimension_semantics<arbitrary>], iteration_bounds = array<i64: 2, 5>, scalar_prefetch = 0 : i64, scratch_operands = 5 : i64, tpu.core_type = #tpu.core_type<tc>, window_params = [{transform_indices = @transform_0, window_bounds = array<i64: 2000, 64>}, {transform_indices = @transform_1, window_bounds = array<i64: 2000, 64>}, {transform_indices = @transform_2, window_bounds = array<i64: 2000, 64>}, {pipeline_mode = #tpu.pipeline_mode<synchronous>, transform_indices = @transform_3, window_bounds = array<i64: 1, 64>}, {pipeline_mode = #tpu.pipeline_mode<synchronous>, transform_indices = @transform_4, window_bounds = array<i64: 1, 64>}, {transform_indices = @transform_5, window_bounds = array<i64: 2000, 64>}, {pipeline_mode = #tpu.pipeline_mode<synchronous>, transform_indices = @transform_6, window_bounds = array<i64: 1, 64>}]} {
    %eq3A = arith.constant 0 : i32
    %eq3A_0 = arith.cmpi eq, %arg0, %eq3A : i32
    %eq3A_1 = arith.constant 0 : i32
    %eq3A_2 = arith.cmpi eq, %arg1, %eq3A_1 : i32
    %and3A = arith.andi %eq3A_0, %eq3A_2 : i1
    %convert_element_type3A = arith.extui %and3A : i1 to i32
    %cond3A = arith.constant 0 : i32
    %cond3A_3 = arith.cmpi ne, %convert_element_type3A, %cond3A : i32
    scf.if %cond3A_3 {
      %broadcast_in_dim3A = arith.constant 0.000000e+00 : f32
      %broadcast_in_dim3A_27 = vector.broadcast %broadcast_in_dim3A : f32 to vector<1x64xf32>
      %swap3A = arith.constant 0 : index
      %swap3A_28 = arith.constant 0 : index
      %swap3A_29 = vector.load %arg9[%swap3A, %swap3A_28] : memref<1x64xf32, #tpu.memory_space<vmem>>, vector<1x64xf32>
      tpu.vector_store %arg9[%swap3A, %swap3A_28], %broadcast_in_dim3A_27 {strides = array<i32>} : memref<1x64xf32, #tpu.memory_space<vmem>>, vector<1x64xf32>,
      %broadcast_in_dim3A_30 = arith.constant 0.000000e+00 : f32
      %broadcast_in_dim3A_31 = vector.broadcast %broadcast_in_dim3A_30 : f32 to vector<1x64xf32>
      %swap3A_32 = arith.constant 0 : index
      %swap3A_33 = arith.constant 0 : index
      %swap3A_34 = vector.load %arg10[%swap3A_32, %swap3A_33] : memref<1x64xf32, #tpu.memory_space<vmem>>, vector<1x64xf32>
      tpu.vector_store %arg10[%swap3A_32, %swap3A_33], %broadcast_in_dim3A_31 {strides = array<i32>} : memref<1x64xf32, #tpu.memory_space<vmem>>, vector<1x64xf32>,
      %broadcast_in_dim3A_35 = arith.constant 0.000000e+00 : f32
      %broadcast_in_dim3A_36 = vector.broadcast %broadcast_in_dim3A_35 : f32 to vector<1x64xf32>
      %swap3A_37 = arith.constant 0 : index
      %swap3A_38 = arith.constant 0 : index
      %swap3A_39 = vector.load %arg13[%swap3A_37, %swap3A_38] : memref<1x64xf32, #tpu.memory_space<vmem>>, vector<1x64xf32>
      tpu.vector_store %arg13[%swap3A_37, %swap3A_38], %broadcast_in_dim3A_36 {strides = array<i32>} : memref<1x64xf32, #tpu.memory_space<vmem>>, vector<1x64xf32>,
    } else {
    }
    %get3A = arith.constant 0 : index
    %get3A_4 = arith.constant 0 : index
    %get3A_5 = vector.load %arg2[%get3A, %get3A_4] : memref<2000x64xf32, #tpu.memory_space<vmem>>, vector<2000x64xf32>
    %get3A_6 = arith.constant 0 : index
    %get3A_7 = arith.constant 0 : index
    %get3A_8 = vector.load %arg3[%get3A_6, %get3A_7] : memref<2000x64xf32, #tpu.memory_space<vmem>>, vector<2000x64xf32>
    %add3A = arith.addf %get3A_5, %get3A_8 : vector<2000x64xf32>
    %eq3A_9 = arith.constant 0 : i32
    %eq3A_10 = arith.cmpi eq, %arg0, %eq3A_9 : i32
    %convert_element_type3A_11 = arith.extui %eq3A_10 : i1 to i32
    %cond3A_12 = arith.constant 0 : i32
    %cond3A_13 = arith.cmpi ne, %convert_element_type3A_11, %cond3A_12 : i32
    scf.if %cond3A_13 {
      %get3A_27 = arith.constant 0 : index
      %get3A_28 = arith.constant 0 : index
      %get3A_29 = vector.load %arg9[%get3A_27, %get3A_28] : memref<1x64xf32, #tpu.memory_space<vmem>>, vector<1x64xf32>
      %reduce_sum3A = arith.constant dense<0.000000e+00> : vector<64xf32>
      %reduce_sum3A_30 = vector.multi_reduction <add>, %add3A, %reduce_sum3A [0] : vector<2000x64xf32> to vector<64xf32>
      %broadcast_in_dim3A = vector.shape_cast %reduce_sum3A_30 : vector<64xf32> to vector<1x64xf32>
      %add3A_31 = arith.addf %get3A_29, %broadcast_in_dim3A : vector<1x64xf32>
      %swap3A = arith.constant 0 : index
      %swap3A_32 = arith.constant 0 : index
      %swap3A_33 = vector.load %arg9[%swap3A, %swap3A_32] : memref<1x64xf32, #tpu.memory_space<vmem>>, vector<1x64xf32>
      tpu.vector_store %arg9[%swap3A, %swap3A_32], %add3A_31 {strides = array<i32>} : memref<1x64xf32, #tpu.memory_space<vmem>>, vector<1x64xf32>,
      %get3A_34 = arith.constant 0 : index
      %get3A_35 = arith.constant 0 : index
      %get3A_36 = vector.load %arg10[%get3A_34, %get3A_35] : memref<1x64xf32, #tpu.memory_space<vmem>>, vector<1x64xf32>
      %mul3A = arith.mulf %add3A, %add3A : vector<2000x64xf32>
      %reduce_sum3A_37 = arith.constant dense<0.000000e+00> : vector<64xf32>
      %reduce_sum3A_38 = vector.multi_reduction <add>, %mul3A, %reduce_sum3A_37 [0] : vector<2000x64xf32> to vector<64xf32>
      %broadcast_in_dim3A_39 = vector.shape_cast %reduce_sum3A_38 : vector<64xf32> to vector<1x64xf32>
      %add3A_40 = arith.addf %get3A_36, %broadcast_in_dim3A_39 : vector<1x64xf32>
      %swap3A_41 = arith.constant 0 : index
      %swap3A_42 = arith.constant 0 : index
      %swap3A_43 = vector.load %arg10[%swap3A_41, %swap3A_42] : memref<1x64xf32, #tpu.memory_space<vmem>>, vector<1x64xf32>
      tpu.vector_store %arg10[%swap3A_41, %swap3A_42], %add3A_40 {strides = array<i32>} : memref<1x64xf32, #tpu.memory_space<vmem>>, vector<1x64xf32>,
    } else {
    }
    %eq3A_14 = arith.constant 0 : i32
    %eq3A_15 = arith.cmpi eq, %arg0, %eq3A_14 : i32
    %eq3A_16 = arith.constant 4 : i32
    %eq3A_17 = arith.cmpi eq, %arg1, %eq3A_16 : i32
    %and3A_18 = arith.andi %eq3A_15, %eq3A_17 : i1
    %convert_element_type3A_19 = arith.extui %and3A_18 : i1 to i32
    %cond3A_20 = arith.constant 0 : i32
    %cond3A_21 = arith.cmpi ne, %convert_element_type3A_19, %cond3A_20 : i32
    scf.if %cond3A_21 {
      %get3A_27 = arith.constant 0 : index
      %get3A_28 = arith.constant 0 : index
      %get3A_29 = vector.load %arg9[%get3A_27, %get3A_28] : memref<1x64xf32, #tpu.memory_space<vmem>>, vector<1x64xf32>
      %mul3A = arith.constant 9.99999974E-5 : f32
      %mul3A_30 = vector.broadcast %mul3A : f32 to vector<1x64xf32>
      %mul3A_31 = arith.mulf %get3A_29, %mul3A_30 : vector<1x64xf32>
      %get3A_32 = arith.constant 0 : index
      %get3A_33 = arith.constant 0 : index
      %get3A_34 = vector.load %arg10[%get3A_32, %get3A_33] : memref<1x64xf32, #tpu.memory_space<vmem>>, vector<1x64xf32>
      %mul3A_35 = arith.constant 9.99999974E-5 : f32
      %mul3A_36 = vector.broadcast %mul3A_35 : f32 to vector<1x64xf32>
      %mul3A_37 = arith.mulf %get3A_34, %mul3A_36 : vector<1x64xf32>
      %mul3A_38 = arith.mulf %mul3A_31, %mul3A_31 : vector<1x64xf32>
      %sub3A = arith.subf %mul3A_37, %mul3A_38 : vector<1x64xf32>
      %add3A_39 = arith.constant 9.99999974E-6 : f32
      %add3A_40 = vector.broadcast %add3A_39 : f32 to vector<1x64xf32>
      %add3A_41 = arith.addf %sub3A, %add3A_40 : vector<1x64xf32>
      %rsqrt3A = math.rsqrt %add3A_41 : vector<1x64xf32>
      %get3A_42 = arith.constant 0 : index
      %get3A_43 = arith.constant 0 : index
      %get3A_44 = vector.load %arg5[%get3A_42, %get3A_43] : memref<1x64xf32, #tpu.memory_space<vmem>>, vector<1x64xf32>
      %mul3A_45 = arith.mulf %get3A_44, %rsqrt3A : vector<1x64xf32>
      %swap3A = arith.constant 0 : index
      %swap3A_46 = arith.constant 0 : index
      %swap3A_47 = vector.load %arg11[%swap3A, %swap3A_46] : memref<1x64xf32, #tpu.memory_space<vmem>>, vector<1x64xf32>
      tpu.vector_store %arg11[%swap3A, %swap3A_46], %mul3A_45 {strides = array<i32>} : memref<1x64xf32, #tpu.memory_space<vmem>>, vector<1x64xf32>,
      %get3A_48 = arith.constant 0 : index
      %get3A_49 = arith.constant 0 : index
      %get3A_50 = vector.load %arg6[%get3A_48, %get3A_49] : memref<1x64xf32, #tpu.memory_space<vmem>>, vector<1x64xf32>
      %get3A_51 = arith.constant 0 : index
      %get3A_52 = arith.constant 0 : index
      %get3A_53 = vector.load %arg5[%get3A_51, %get3A_52] : memref<1x64xf32, #tpu.memory_space<vmem>>, vector<1x64xf32>
      %mul3A_54 = arith.mulf %mul3A_31, %get3A_53 : vector<1x64xf32>
      %mul3A_55 = arith.mulf %mul3A_54, %rsqrt3A : vector<1x64xf32>
      %sub3A_56 = arith.subf %get3A_50, %mul3A_55 : vector<1x64xf32>
      %swap3A_57 = arith.constant 0 : index
      %swap3A_58 = arith.constant 0 : index
      %swap3A_59 = vector.load %arg12[%swap3A_57, %swap3A_58] : memref<1x64xf32, #tpu.memory_space<vmem>>, vector<1x64xf32>
      tpu.vector_store %arg12[%swap3A_57, %swap3A_58], %sub3A_56 {strides = array<i32>} : memref<1x64xf32, #tpu.memory_space<vmem>>, vector<1x64xf32>,
    } else {
    }
    %eq3A_22 = arith.constant 1 : i32
    %eq3A_23 = arith.cmpi eq, %arg0, %eq3A_22 : i32
    %convert_element_type3A_24 = arith.extui %eq3A_23 : i1 to i32
    %cond3A_25 = arith.constant 0 : i32
    %cond3A_26 = arith.cmpi ne, %convert_element_type3A_24, %cond3A_25 : i32
    scf.if %cond3A_26 {
      %get3A_27 = arith.constant 0 : index
      %get3A_28 = arith.constant 0 : index
      %get3A_29 = vector.load %arg4[%get3A_27, %get3A_28] : memref<2000x64xf32, #tpu.memory_space<vmem>>, vector<2000x64xf32>
      %get3A_30 = arith.constant 0 : index
      %get3A_31 = arith.constant 0 : index
      %get3A_32 = vector.load %arg11[%get3A_30, %get3A_31] : memref<1x64xf32, #tpu.memory_space<vmem>>, vector<1x64xf32>
      %mul3A = vector.broadcast %get3A_32 : vector<1x64xf32> to vector<2000x64xf32>
      %mul3A_33 = arith.mulf %add3A, %mul3A : vector<2000x64xf32>
      %add3A_34 = arith.addf %get3A_29, %mul3A_33 : vector<2000x64xf32>
      %get3A_35 = arith.constant 0 : index
      %get3A_36 = arith.constant 0 : index
      %get3A_37 = vector.load %arg12[%get3A_35, %get3A_36] : memref<1x64xf32, #tpu.memory_space<vmem>>, vector<1x64xf32>
      %add3A_38 = vector.broadcast %get3A_37 : vector<1x64xf32> to vector<2000x64xf32>
      %add3A_39 = arith.addf %add3A_34, %add3A_38 : vector<2000x64xf32>
      %custom_jvp_call3A = arith.constant 0.000000e+00 : f32
      %max3A = vector.broadcast %custom_jvp_call3A : f32 to vector<2000x64xf32>
      %max3A_40 = arith.maximumf %add3A_39, %max3A : vector<2000x64xf32>
      %sub3A = vector.broadcast %custom_jvp_call3A : f32 to vector<2000x64xf32>
      %sub3A_41 = arith.subf %add3A_39, %sub3A : vector<2000x64xf32>
      %ne3A = arith.cmpf one, %sub3A_41, %sub3A_41 : vector<2000x64xf32>
      %add3A_42 = vector.broadcast %custom_jvp_call3A : f32 to vector<2000x64xf32>
      %add3A_43 = arith.addf %add3A_39, %add3A_42 : vector<2000x64xf32>
      %abs3A = math.absf %sub3A_41 : vector<2000x64xf32>
      %neg3A = arith.constant 0.000000e+00 : f32
      %neg3A_44 = vector.broadcast %neg3A : f32 to vector<2000x64xf32>
      %neg3A_45 = arith.subf %neg3A_44, %abs3A : vector<2000x64xf32>
      %exp3A = math.exp %neg3A_45 : vector<2000x64xf32>
      %log1p3A = math.log1p %exp3A : vector<2000x64xf32>
      %add3A_46 = arith.addf %max3A_40, %log1p3A : vector<2000x64xf32>
      %select_n3A = arith.select %ne3A, %add3A_43, %add3A_46 : vector<2000x64xi1>, vector<2000x64xf32>
      %swap3A = arith.constant 0 : index
      %swap3A_47 = arith.constant 0 : index
      %swap3A_48 = vector.load %arg7[%swap3A, %swap3A_47] : memref<2000x64xf32, #tpu.memory_space<vmem>>, vector<2000x64xf32>
      tpu.vector_store %arg7[%swap3A, %swap3A_47], %select_n3A {strides = array<i32>} : memref<2000x64xf32, #tpu.memory_space<vmem>>, vector<2000x64xf32>,
      %get3A_49 = arith.constant 0 : index
      %get3A_50 = arith.constant 0 : index
      %get3A_51 = vector.load %arg13[%get3A_49, %get3A_50] : memref<1x64xf32, #tpu.memory_space<vmem>>, vector<1x64xf32>
      %reduce_sum3A = arith.constant dense<0.000000e+00> : vector<64xf32>
      %reduce_sum3A_52 = vector.multi_reduction <add>, %select_n3A, %reduce_sum3A [0] : vector<2000x64xf32> to vector<64xf32>
      %broadcast_in_dim3A = vector.shape_cast %reduce_sum3A_52 : vector<64xf32> to vector<1x64xf32>
      %add3A_53 = arith.addf %get3A_51, %broadcast_in_dim3A : vector<1x64xf32>
      %swap3A_54 = arith.constant 0 : index
      %swap3A_55 = arith.constant 0 : index
      %swap3A_56 = vector.load %arg13[%swap3A_54, %swap3A_55] : memref<1x64xf32, #tpu.memory_space<vmem>>, vector<1x64xf32>
      tpu.vector_store %arg13[%swap3A_54, %swap3A_55], %add3A_53 {strides = array<i32>} : memref<1x64xf32, #tpu.memory_space<vmem>>, vector<1x64xf32>,
      %get3A_57 = arith.constant 0 : index
      %get3A_58 = arith.constant 0 : index
      %get3A_59 = vector.load %arg13[%get3A_57, %get3A_58] : memref<1x64xf32, #tpu.memory_space<vmem>>, vector<1x64xf32>
      %swap3A_60 = arith.constant 0 : index
      %swap3A_61 = arith.constant 0 : index
      %swap3A_62 = vector.load %arg8[%swap3A_60, %swap3A_61] : memref<1x64xf32, #tpu.memory_space<vmem>>, vector<1x64xf32>
      tpu.vector_store %arg8[%swap3A_60, %swap3A_61], %get3A_59 {strides = array<i32>} : memref<1x64xf32, #tpu.memory_space<vmem>>, vector<1x64xf32>,
    } else {
    }
    return
  }
  func.func @transform_0(%arg0: i32, %arg1: i32) -> (i32, i32) {
    %c0_i32 = arith.constant 0 : i32
    %c0_i32_0 = arith.constant 0 : i32
    return %arg1, %c0_i32 : i32, i32
  }
  func.func @transform_1(%arg0: i32, %arg1: i32) -> (i32, i32) {
    %add3A = arith.constant 5 : i32
    %add3A_0 = arith.addi %add3A, %arg1 : i32
    %c0_i32 = arith.constant 0 : i32
    %c0_i32_1 = arith.constant 0 : i32
    return %add3A_0, %c0_i32 : i32, i32
  }
  func.func @transform_2(%arg0: i32, %arg1: i32) -> (i32, i32) {
    %c0_i32 = arith.constant 0 : i32
    %c0_i32_0 = arith.constant 0 : i32
    return %arg1, %c0_i32 : i32, i32
  }
  func.func @transform_3(%arg0: i32, %arg1: i32) -> (i32, i32) {
    %c0_i32 = arith.constant 0 : i32
    %c0_i32_0 = arith.constant 0 : i32
    %c0_i32_1 = arith.constant 0 : i32
    return %c0_i32, %c0_i32_0 : i32, i32
  }
  func.func @transform_4(%arg0: i32, %arg1: i32) -> (i32, i32) {
    %c0_i32 = arith.constant 0 : i32
    %c0_i32_0 = arith.constant 0 : i32
    %c0_i32_1 = arith.constant 0 : i32
    return %c0_i32, %c0_i32_0 : i32, i32
  }
  func.func @transform_5(%arg0: i32, %arg1: i32) -> (i32, i32) {
    %c0_i32 = arith.constant 0 : i32
    %c0_i32_0 = arith.constant 0 : i32
    return %arg1, %c0_i32 : i32, i32
  }
  func.func @transform_6(%arg0: i32, %arg1: i32) -> (i32, i32) {
    %c0_i32 = arith.constant 0 : i32
    %c0_i32_0 = arith.constant 0 : i32
    %c0_i32_1 = arith.constant 0 : i32
    return %c0_i32, %c0_i32_0 : i32, i32
  }
}

module attributes {stable_mosaic.version = 14 : i64} {
  func.func @_update_body(%arg0: i32, %arg1: i32, %arg2: memref<2000x64xf32, #tpu.memory_space<vmem>>, %arg3: memref<2000x64xf32, #tpu.memory_space<vmem>>, %arg4: memref<2000x64xf32, #tpu.memory_space<vmem>>, %arg5: memref<1x64xf32, #tpu.memory_space<vmem>>, %arg6: memref<1x64xf32, #tpu.memory_space<vmem>>, %arg7: memref<2000x64xf32, #tpu.memory_space<vmem>>, %arg8: memref<1x64xf32, #tpu.memory_space<vmem>>, %arg9: memref<1x64xf32, #tpu.memory_space<vmem>>, %arg10: memref<1x64xf32, #tpu.memory_space<vmem>>, %arg11: memref<1x64xf32, #tpu.memory_space<vmem>>, %arg12: memref<1x64xf32, #tpu.memory_space<vmem>>, %arg13: memref<1x64xf32, #tpu.memory_space<vmem>>) attributes {dimension_semantics = [#tpu.dimension_semantics<arbitrary>, #tpu.dimension_semantics<arbitrary>], iteration_bounds = array<i64: 2, 5>, scalar_prefetch = 0 : i64, scratch_operands = 5 : i64, tpu.core_type = #tpu.core_type<tc>, window_params = [{transform_indices = @transform_0, window_bounds = array<i64: 2000, 64>}, {transform_indices = @transform_1, window_bounds = array<i64: 2000, 64>}, {transform_indices = @transform_2, window_bounds = array<i64: 2000, 64>}, {pipeline_mode = #tpu.pipeline_mode<synchronous>, transform_indices = @transform_3, window_bounds = array<i64: 1, 64>}, {pipeline_mode = #tpu.pipeline_mode<synchronous>, transform_indices = @transform_4, window_bounds = array<i64: 1, 64>}, {transform_indices = @transform_5, window_bounds = array<i64: 2000, 64>}, {pipeline_mode = #tpu.pipeline_mode<synchronous>, transform_indices = @transform_6, window_bounds = array<i64: 1, 64>}]} {
    %eq3A = arith.constant 0 : i32
    %eq3A_0 = arith.cmpi eq, %arg0, %eq3A : i32
    %eq3A_1 = arith.constant 0 : i32
    %eq3A_2 = arith.cmpi eq, %arg1, %eq3A_1 : i32
    %and3A = arith.andi %eq3A_0, %eq3A_2 : i1
    %convert_element_type3A = arith.extui %and3A : i1 to i32
    %cond3A = arith.constant 0 : i32
    %cond3A_3 = arith.cmpi ne, %convert_element_type3A, %cond3A : i32
    scf.if %cond3A_3 {
      %broadcast_in_dim3A = arith.constant 0.000000e+00 : f32
      %broadcast_in_dim3A_27 = vector.broadcast %broadcast_in_dim3A : f32 to vector<1x64xf32>
      %swap3A = arith.constant 0 : index
      %swap3A_28 = arith.constant 0 : index
      %swap3A_29 = vector.load %arg9[%swap3A, %swap3A_28] : memref<1x64xf32, #tpu.memory_space<vmem>>, vector<1x64xf32>
      tpu.vector_store %arg9[%swap3A, %swap3A_28], %broadcast_in_dim3A_27 {strides = array<i32>} : memref<1x64xf32, #tpu.memory_space<vmem>>, vector<1x64xf32>,
      %broadcast_in_dim3A_30 = arith.constant 0.000000e+00 : f32
      %broadcast_in_dim3A_31 = vector.broadcast %broadcast_in_dim3A_30 : f32 to vector<1x64xf32>
      %swap3A_32 = arith.constant 0 : index
      %swap3A_33 = arith.constant 0 : index
      %swap3A_34 = vector.load %arg10[%swap3A_32, %swap3A_33] : memref<1x64xf32, #tpu.memory_space<vmem>>, vector<1x64xf32>
      tpu.vector_store %arg10[%swap3A_32, %swap3A_33], %broadcast_in_dim3A_31 {strides = array<i32>} : memref<1x64xf32, #tpu.memory_space<vmem>>, vector<1x64xf32>,
      %broadcast_in_dim3A_35 = arith.constant 0.000000e+00 : f32
      %broadcast_in_dim3A_36 = vector.broadcast %broadcast_in_dim3A_35 : f32 to vector<1x64xf32>
      %swap3A_37 = arith.constant 0 : index
      %swap3A_38 = arith.constant 0 : index
      %swap3A_39 = vector.load %arg13[%swap3A_37, %swap3A_38] : memref<1x64xf32, #tpu.memory_space<vmem>>, vector<1x64xf32>
      tpu.vector_store %arg13[%swap3A_37, %swap3A_38], %broadcast_in_dim3A_36 {strides = array<i32>} : memref<1x64xf32, #tpu.memory_space<vmem>>, vector<1x64xf32>,
    } else {
    }
    %get3A = arith.constant 0 : index
    %get3A_4 = arith.constant 0 : index
    %get3A_5 = vector.load %arg2[%get3A, %get3A_4] : memref<2000x64xf32, #tpu.memory_space<vmem>>, vector<2000x64xf32>
    %get3A_6 = arith.constant 0 : index
    %get3A_7 = arith.constant 0 : index
    %get3A_8 = vector.load %arg3[%get3A_6, %get3A_7] : memref<2000x64xf32, #tpu.memory_space<vmem>>, vector<2000x64xf32>
    %add3A = arith.addf %get3A_5, %get3A_8 : vector<2000x64xf32>
    %eq3A_9 = arith.constant 0 : i32
    %eq3A_10 = arith.cmpi eq, %arg0, %eq3A_9 : i32
    %convert_element_type3A_11 = arith.extui %eq3A_10 : i1 to i32
    %cond3A_12 = arith.constant 0 : i32
    %cond3A_13 = arith.cmpi ne, %convert_element_type3A_11, %cond3A_12 : i32
    scf.if %cond3A_13 {
      %get3A_27 = arith.constant 0 : index
      %get3A_28 = arith.constant 0 : index
      %get3A_29 = vector.load %arg9[%get3A_27, %get3A_28] : memref<1x64xf32, #tpu.memory_space<vmem>>, vector<1x64xf32>
      %reduce_sum3A = arith.constant dense<0.000000e+00> : vector<64xf32>
      %reduce_sum3A_30 = vector.multi_reduction <add>, %add3A, %reduce_sum3A [0] : vector<2000x64xf32> to vector<64xf32>
      %broadcast_in_dim3A = vector.shape_cast %reduce_sum3A_30 : vector<64xf32> to vector<1x64xf32>
      %add3A_31 = arith.addf %get3A_29, %broadcast_in_dim3A : vector<1x64xf32>
      %swap3A = arith.constant 0 : index
      %swap3A_32 = arith.constant 0 : index
      %swap3A_33 = vector.load %arg9[%swap3A, %swap3A_32] : memref<1x64xf32, #tpu.memory_space<vmem>>, vector<1x64xf32>
      tpu.vector_store %arg9[%swap3A, %swap3A_32], %add3A_31 {strides = array<i32>} : memref<1x64xf32, #tpu.memory_space<vmem>>, vector<1x64xf32>,
      %get3A_34 = arith.constant 0 : index
      %get3A_35 = arith.constant 0 : index
      %get3A_36 = vector.load %arg10[%get3A_34, %get3A_35] : memref<1x64xf32, #tpu.memory_space<vmem>>, vector<1x64xf32>
      %mul3A = arith.mulf %add3A, %add3A : vector<2000x64xf32>
      %reduce_sum3A_37 = arith.constant dense<0.000000e+00> : vector<64xf32>
      %reduce_sum3A_38 = vector.multi_reduction <add>, %mul3A, %reduce_sum3A_37 [0] : vector<2000x64xf32> to vector<64xf32>
      %broadcast_in_dim3A_39 = vector.shape_cast %reduce_sum3A_38 : vector<64xf32> to vector<1x64xf32>
      %add3A_40 = arith.addf %get3A_36, %broadcast_in_dim3A_39 : vector<1x64xf32>
      %swap3A_41 = arith.constant 0 : index
      %swap3A_42 = arith.constant 0 : index
      %swap3A_43 = vector.load %arg10[%swap3A_41, %swap3A_42] : memref<1x64xf32, #tpu.memory_space<vmem>>, vector<1x64xf32>
      tpu.vector_store %arg10[%swap3A_41, %swap3A_42], %add3A_40 {strides = array<i32>} : memref<1x64xf32, #tpu.memory_space<vmem>>, vector<1x64xf32>,
    } else {
    }
    %eq3A_14 = arith.constant 0 : i32
    %eq3A_15 = arith.cmpi eq, %arg0, %eq3A_14 : i32
    %eq3A_16 = arith.constant 4 : i32
    %eq3A_17 = arith.cmpi eq, %arg1, %eq3A_16 : i32
    %and3A_18 = arith.andi %eq3A_15, %eq3A_17 : i1
    %convert_element_type3A_19 = arith.extui %and3A_18 : i1 to i32
    %cond3A_20 = arith.constant 0 : i32
    %cond3A_21 = arith.cmpi ne, %convert_element_type3A_19, %cond3A_20 : i32
    scf.if %cond3A_21 {
      %get3A_27 = arith.constant 0 : index
      %get3A_28 = arith.constant 0 : index
      %get3A_29 = vector.load %arg9[%get3A_27, %get3A_28] : memref<1x64xf32, #tpu.memory_space<vmem>>, vector<1x64xf32>
      %mul3A = arith.constant 9.99999974E-5 : f32
      %mul3A_30 = vector.broadcast %mul3A : f32 to vector<1x64xf32>
      %mul3A_31 = arith.mulf %get3A_29, %mul3A_30 : vector<1x64xf32>
      %get3A_32 = arith.constant 0 : index
      %get3A_33 = arith.constant 0 : index
      %get3A_34 = vector.load %arg10[%get3A_32, %get3A_33] : memref<1x64xf32, #tpu.memory_space<vmem>>, vector<1x64xf32>
      %mul3A_35 = arith.constant 9.99999974E-5 : f32
      %mul3A_36 = vector.broadcast %mul3A_35 : f32 to vector<1x64xf32>
      %mul3A_37 = arith.mulf %get3A_34, %mul3A_36 : vector<1x64xf32>
      %mul3A_38 = arith.mulf %mul3A_31, %mul3A_31 : vector<1x64xf32>
      %sub3A = arith.subf %mul3A_37, %mul3A_38 : vector<1x64xf32>
      %add3A_39 = arith.constant 9.99999974E-6 : f32
      %add3A_40 = vector.broadcast %add3A_39 : f32 to vector<1x64xf32>
      %add3A_41 = arith.addf %sub3A, %add3A_40 : vector<1x64xf32>
      %rsqrt3A = math.rsqrt %add3A_41 : vector<1x64xf32>
      %get3A_42 = arith.constant 0 : index
      %get3A_43 = arith.constant 0 : index
      %get3A_44 = vector.load %arg5[%get3A_42, %get3A_43] : memref<1x64xf32, #tpu.memory_space<vmem>>, vector<1x64xf32>
      %mul3A_45 = arith.mulf %get3A_44, %rsqrt3A : vector<1x64xf32>
      %swap3A = arith.constant 0 : index
      %swap3A_46 = arith.constant 0 : index
      %swap3A_47 = vector.load %arg11[%swap3A, %swap3A_46] : memref<1x64xf32, #tpu.memory_space<vmem>>, vector<1x64xf32>
      tpu.vector_store %arg11[%swap3A, %swap3A_46], %mul3A_45 {strides = array<i32>} : memref<1x64xf32, #tpu.memory_space<vmem>>, vector<1x64xf32>,
      %get3A_48 = arith.constant 0 : index
      %get3A_49 = arith.constant 0 : index
      %get3A_50 = vector.load %arg6[%get3A_48, %get3A_49] : memref<1x64xf32, #tpu.memory_space<vmem>>, vector<1x64xf32>
      %get3A_51 = arith.constant 0 : index
      %get3A_52 = arith.constant 0 : index
      %get3A_53 = vector.load %arg5[%get3A_51, %get3A_52] : memref<1x64xf32, #tpu.memory_space<vmem>>, vector<1x64xf32>
      %mul3A_54 = arith.mulf %mul3A_31, %get3A_53 : vector<1x64xf32>
      %mul3A_55 = arith.mulf %mul3A_54, %rsqrt3A : vector<1x64xf32>
      %sub3A_56 = arith.subf %get3A_50, %mul3A_55 : vector<1x64xf32>
      %swap3A_57 = arith.constant 0 : index
      %swap3A_58 = arith.constant 0 : index
      %swap3A_59 = vector.load %arg12[%swap3A_57, %swap3A_58] : memref<1x64xf32, #tpu.memory_space<vmem>>, vector<1x64xf32>
      tpu.vector_store %arg12[%swap3A_57, %swap3A_58], %sub3A_56 {strides = array<i32>} : memref<1x64xf32, #tpu.memory_space<vmem>>, vector<1x64xf32>,
    } else {
    }
    %eq3A_22 = arith.constant 1 : i32
    %eq3A_23 = arith.cmpi eq, %arg0, %eq3A_22 : i32
    %convert_element_type3A_24 = arith.extui %eq3A_23 : i1 to i32
    %cond3A_25 = arith.constant 0 : i32
    %cond3A_26 = arith.cmpi ne, %convert_element_type3A_24, %cond3A_25 : i32
    scf.if %cond3A_26 {
      %get3A_27 = arith.constant 0 : index
      %get3A_28 = arith.constant 0 : index
      %get3A_29 = vector.load %arg4[%get3A_27, %get3A_28] : memref<2000x64xf32, #tpu.memory_space<vmem>>, vector<2000x64xf32>
      %get3A_30 = arith.constant 0 : index
      %get3A_31 = arith.constant 0 : index
      %get3A_32 = vector.load %arg11[%get3A_30, %get3A_31] : memref<1x64xf32, #tpu.memory_space<vmem>>, vector<1x64xf32>
      %mul3A = vector.broadcast %get3A_32 : vector<1x64xf32> to vector<2000x64xf32>
      %mul3A_33 = arith.mulf %add3A, %mul3A : vector<2000x64xf32>
      %add3A_34 = arith.addf %get3A_29, %mul3A_33 : vector<2000x64xf32>
      %get3A_35 = arith.constant 0 : index
      %get3A_36 = arith.constant 0 : index
      %get3A_37 = vector.load %arg12[%get3A_35, %get3A_36] : memref<1x64xf32, #tpu.memory_space<vmem>>, vector<1x64xf32>
      %add3A_38 = vector.broadcast %get3A_37 : vector<1x64xf32> to vector<2000x64xf32>
      %add3A_39 = arith.addf %add3A_34, %add3A_38 : vector<2000x64xf32>
      %custom_jvp_call3A = arith.constant 0.000000e+00 : f32
      %max3A = vector.broadcast %custom_jvp_call3A : f32 to vector<2000x64xf32>
      %max3A_40 = arith.maximumf %add3A_39, %max3A : vector<2000x64xf32>
      %sub3A = vector.broadcast %custom_jvp_call3A : f32 to vector<2000x64xf32>
      %sub3A_41 = arith.subf %add3A_39, %sub3A : vector<2000x64xf32>
      %ne3A = arith.cmpf one, %sub3A_41, %sub3A_41 : vector<2000x64xf32>
      %add3A_42 = vector.broadcast %custom_jvp_call3A : f32 to vector<2000x64xf32>
      %add3A_43 = arith.addf %add3A_39, %add3A_42 : vector<2000x64xf32>
      %abs3A = math.absf %sub3A_41 : vector<2000x64xf32>
      %neg3A = arith.constant 0.000000e+00 : f32
      %neg3A_44 = vector.broadcast %neg3A : f32 to vector<2000x64xf32>
      %neg3A_45 = arith.subf %neg3A_44, %abs3A : vector<2000x64xf32>
      %exp3A = math.exp %neg3A_45 : vector<2000x64xf32>
      %log1p3A = math.log1p %exp3A : vector<2000x64xf32>
      %add3A_46 = arith.addf %max3A_40, %log1p3A : vector<2000x64xf32>
      %select_n3A = arith.select %ne3A, %add3A_43, %add3A_46 : vector<2000x64xi1>, vector<2000x64xf32>
      %swap3A = arith.constant 0 : index
      %swap3A_47 = arith.constant 0 : index
      %swap3A_48 = vector.load %arg7[%swap3A, %swap3A_47] : memref<2000x64xf32, #tpu.memory_space<vmem>>, vector<2000x64xf32>
      tpu.vector_store %arg7[%swap3A, %swap3A_47], %select_n3A {strides = array<i32>} : memref<2000x64xf32, #tpu.memory_space<vmem>>, vector<2000x64xf32>,
      %get3A_49 = arith.constant 0 : index
      %get3A_50 = arith.constant 0 : index
      %get3A_51 = vector.load %arg13[%get3A_49, %get3A_50] : memref<1x64xf32, #tpu.memory_space<vmem>>, vector<1x64xf32>
      %reduce_sum3A = arith.constant dense<0.000000e+00> : vector<64xf32>
      %reduce_sum3A_52 = vector.multi_reduction <add>, %select_n3A, %reduce_sum3A [0] : vector<2000x64xf32> to vector<64xf32>
      %broadcast_in_dim3A = vector.shape_cast %reduce_sum3A_52 : vector<64xf32> to vector<1x64xf32>
      %add3A_53 = arith.addf %get3A_51, %broadcast_in_dim3A : vector<1x64xf32>
      %swap3A_54 = arith.constant 0 : index
      %swap3A_55 = arith.constant 0 : index
      %swap3A_56 = vector.load %arg13[%swap3A_54, %swap3A_55] : memref<1x64xf32, #tpu.memory_space<vmem>>, vector<1x64xf32>
      tpu.vector_store %arg13[%swap3A_54, %swap3A_55], %add3A_53 {strides = array<i32>} : memref<1x64xf32, #tpu.memory_space<vmem>>, vector<1x64xf32>,
      %get3A_57 = arith.constant 0 : index
      %get3A_58 = arith.constant 0 : index
      %get3A_59 = vector.load %arg13[%get3A_57, %get3A_58] : memref<1x64xf32, #tpu.memory_space<vmem>>, vector<1x64xf32>
      %swap3A_60 = arith.constant 0 : index
      %swap3A_61 = arith.constant 0 : index
      %swap3A_62 = vector.load %arg8[%swap3A_60, %swap3A_61] : memref<1x64xf32, #tpu.memory_space<vmem>>, vector<1x64xf32>
      tpu.vector_store %arg8[%swap3A_60, %swap3A_61], %get3A_59 {strides = array<i32>} : memref<1x64xf32, #tpu.memory_space<vmem>>, vector<1x64xf32>,
    } else {
    }
    return
  }
  func.func @transform_0(%arg0: i32, %arg1: i32) -> (i32, i32) {
    %c0_i32 = arith.constant 0 : i32
    %c0_i32_0 = arith.constant 0 : i32
    return %arg1, %c0_i32 : i32, i32
  }
  func.func @transform_1(%arg0: i32, %arg1: i32) -> (i32, i32) {
    %add3A = arith.constant 5 : i32
    %add3A_0 = arith.addi %add3A, %arg1 : i32
    %c0_i32 = arith.constant 0 : i32
    %c0_i32_1 = arith.constant 0 : i32
    return %add3A_0, %c0_i32 : i32, i32
  }
  func.func @transform_2(%arg0: i32, %arg1: i32) -> (i32, i32) {
    %c0_i32 = arith.constant 0 : i32
    %c0_i32_0 = arith.constant 0 : i32
    return %arg1, %c0_i32 : i32, i32
  }
  func.func @transform_3(%arg0: i32, %arg1: i32) -> (i32, i32) {
    %c0_i32 = arith.constant 0 : i32
    %c0_i32_0 = arith.constant 0 : i32
    %c0_i32_1 = arith.constant 0 : i32
    return %c0_i32, %c0_i32_0 : i32, i32
  }
  func.func @transform_4(%arg0: i32, %arg1: i32) -> (i32, i32) {
    %c0_i32 = arith.constant 0 : i32
    %c0_i32_0 = arith.constant 0 : i32
    %c0_i32_1 = arith.constant 0 : i32
    return %c0_i32, %c0_i32_0 : i32, i32
  }
  func.func @transform_5(%arg0: i32, %arg1: i32) -> (i32, i32) {
    %c0_i32 = arith.constant 0 : i32
    %c0_i32_0 = arith.constant 0 : i32
    return %arg1, %c0_i32 : i32, i32
  }
  func.func @transform_6(%arg0: i32, %arg1: i32) -> (i32, i32) {
    %c0_i32 = arith.constant 0 : i32
    %c0_i32_0 = arith.constant 0 : i32
    %c0_i32_1 = arith.constant 0 : i32
    return %c0_i32, %c0_i32_0 : i32, i32
  }
}

module attributes {stable_mosaic.version = 14 : i64} {
  func.func @_readout_body(%arg0: memref<1x64xf32, #tpu.memory_space<vmem>>, %arg1: memref<64x128xf32, #tpu.memory_space<vmem>>, %arg2: memref<1x128xf32, #tpu.memory_space<vmem>>, %arg3: memref<1x128xf32, #tpu.memory_space<vmem>>, %arg4: memref<1x1xf32, #tpu.memory_space<vmem>>, %arg5: memref<1x1xf32, #tpu.memory_space<vmem>>) attributes {dimension_semantics = [], scalar_prefetch = 0 : i64, scratch_operands = 0 : i64, tpu.core_type = #tpu.core_type<tc>} {
    %get3A = arith.constant 0 : index
    %get3A_0 = arith.constant 0 : index
    %get3A_1 = vector.load %arg0[%get3A, %get3A_0] : memref<1x64xf32, #tpu.memory_space<vmem>>, vector<1x64xf32>
    %mul3A = arith.constant 9.99999974E-5 : f32
    %mul3A_2 = vector.broadcast %mul3A : f32 to vector<1x64xf32>
    %mul3A_3 = arith.mulf %get3A_1, %mul3A_2 : vector<1x64xf32>
    %custom_jvp_call3A = arith.constant 0.000000e+00 : f32
    %max3A = vector.broadcast %custom_jvp_call3A : f32 to vector<1x64xf32>
    %max3A_4 = arith.maximumf %mul3A_3, %max3A : vector<1x64xf32>
    %sub3A = vector.broadcast %custom_jvp_call3A : f32 to vector<1x64xf32>
    %sub3A_5 = arith.subf %mul3A_3, %sub3A : vector<1x64xf32>
    %ne3A = arith.cmpf one, %sub3A_5, %sub3A_5 : vector<1x64xf32>
    %add3A = vector.broadcast %custom_jvp_call3A : f32 to vector<1x64xf32>
    %add3A_6 = arith.addf %mul3A_3, %add3A : vector<1x64xf32>
    %abs3A = math.absf %sub3A_5 : vector<1x64xf32>
    %neg3A = arith.constant 0.000000e+00 : f32
    %neg3A_7 = vector.broadcast %neg3A : f32 to vector<1x64xf32>
    %neg3A_8 = arith.subf %neg3A_7, %abs3A : vector<1x64xf32>
    %exp3A = math.exp %neg3A_8 : vector<1x64xf32>
    %log1p3A = math.log1p %exp3A : vector<1x64xf32>
    %add3A_9 = arith.addf %max3A_4, %log1p3A : vector<1x64xf32>
    %select_n3A = arith.select %ne3A, %add3A_6, %add3A_9 : vector<1x64xi1>, vector<1x64xf32>
    %get3A_10 = arith.constant 0 : index
    %get3A_11 = arith.constant 0 : index
    %get3A_12 = vector.load %arg1[%get3A_10, %get3A_11] : memref<64x128xf32, #tpu.memory_space<vmem>>, vector<64x128xf32>
    %dot_general3A = arith.constant dense<0.000000e+00> : vector<1x128xf32>
    %dot_general3A_13 = tpu.matmul %select_n3A, %get3A_12, %dot_general3A {dimension_numbers = #tpu.dot_dimension_numbers<[1], [0], [0], [1], [0, 0, 1, 1], [], []>, transpose_lhs_hint = false} : vector<1x64xf32>, vector<64x128xf32>, vector<1x128xf32> -> vector<1x128xf32>
    %get3A_14 = arith.constant 0 : index
    %get3A_15 = arith.constant 0 : index
    %get3A_16 = vector.load %arg2[%get3A_14, %get3A_15] : memref<1x128xf32, #tpu.memory_space<vmem>>, vector<1x128xf32>
    %add3A_17 = arith.addf %dot_general3A_13, %get3A_16 : vector<1x128xf32>
    %custom_jvp_call3A_18 = arith.constant 0.000000e+00 : f32
    %max3A_19 = vector.broadcast %custom_jvp_call3A_18 : f32 to vector<1x128xf32>
    %max3A_20 = arith.maximumf %add3A_17, %max3A_19 : vector<1x128xf32>
    %sub3A_21 = vector.broadcast %custom_jvp_call3A_18 : f32 to vector<1x128xf32>
    %sub3A_22 = arith.subf %add3A_17, %sub3A_21 : vector<1x128xf32>
    %ne3A_23 = arith.cmpf one, %sub3A_22, %sub3A_22 : vector<1x128xf32>
    %add3A_24 = vector.broadcast %custom_jvp_call3A_18 : f32 to vector<1x128xf32>
    %add3A_25 = arith.addf %add3A_17, %add3A_24 : vector<1x128xf32>
    %abs3A_26 = math.absf %sub3A_22 : vector<1x128xf32>
    %neg3A_27 = arith.constant 0.000000e+00 : f32
    %neg3A_28 = vector.broadcast %neg3A_27 : f32 to vector<1x128xf32>
    %neg3A_29 = arith.subf %neg3A_28, %abs3A_26 : vector<1x128xf32>
    %exp3A_30 = math.exp %neg3A_29 : vector<1x128xf32>
    %log1p3A_31 = math.log1p %exp3A_30 : vector<1x128xf32>
    %add3A_32 = arith.addf %max3A_20, %log1p3A_31 : vector<1x128xf32>
    %select_n3A_33 = arith.select %ne3A_23, %add3A_25, %add3A_32 : vector<1x128xi1>, vector<1x128xf32>
    %custom_jvp_call3A_34 = arith.constant 0.000000e+00 : f32
    %max3A_35 = vector.broadcast %custom_jvp_call3A_34 : f32 to vector<1x128xf32>
    %max3A_36 = arith.maximumf %select_n3A_33, %max3A_35 : vector<1x128xf32>
    %sub3A_37 = vector.broadcast %custom_jvp_call3A_34 : f32 to vector<1x128xf32>
    %sub3A_38 = arith.subf %select_n3A_33, %sub3A_37 : vector<1x128xf32>
    %ne3A_39 = arith.cmpf one, %sub3A_38, %sub3A_38 : vector<1x128xf32>
    %add3A_40 = vector.broadcast %custom_jvp_call3A_34 : f32 to vector<1x128xf32>
    %add3A_41 = arith.addf %select_n3A_33, %add3A_40 : vector<1x128xf32>
    %abs3A_42 = math.absf %sub3A_38 : vector<1x128xf32>
    %neg3A_43 = arith.constant 0.000000e+00 : f32
    %neg3A_44 = vector.broadcast %neg3A_43 : f32 to vector<1x128xf32>
    %neg3A_45 = arith.subf %neg3A_44, %abs3A_42 : vector<1x128xf32>
    %exp3A_46 = math.exp %neg3A_45 : vector<1x128xf32>
    %log1p3A_47 = math.log1p %exp3A_46 : vector<1x128xf32>
    %add3A_48 = arith.addf %max3A_36, %log1p3A_47 : vector<1x128xf32>
    %select_n3A_49 = arith.select %ne3A_39, %add3A_41, %add3A_48 : vector<1x128xi1>, vector<1x128xf32>
    %get3A_50 = arith.constant 0 : index
    %get3A_51 = arith.constant 0 : index
    %get3A_52 = vector.load %arg3[%get3A_50, %get3A_51] : memref<1x128xf32, #tpu.memory_space<vmem>>, vector<1x128xf32>
    %mul3A_53 = arith.mulf %select_n3A_49, %get3A_52 : vector<1x128xf32>
    %reduce_sum3A = arith.constant dense<0.000000e+00> : vector<1xf32>
    %reduce_sum3A_54 = vector.multi_reduction <add>, %mul3A_53, %reduce_sum3A [1] : vector<1x128xf32> to vector<1xf32>
    %broadcast_in_dim3A = vector.shape_cast %reduce_sum3A_54 : vector<1xf32> to vector<1x1xf32>
    %get3A_55 = arith.constant 0 : index
    %get3A_56 = arith.constant 0 : index
    %get3A_57 = vector.load %arg4[%get3A_55, %get3A_56] : memref<1x1xf32, #tpu.memory_space<vmem>>, vector<1x1xf32>
    %add3A_58 = arith.addf %broadcast_in_dim3A, %get3A_57 : vector<1x1xf32>
    %swap3A = arith.constant 0 : index
    %swap3A_59 = arith.constant 0 : index
    %swap3A_60 = vector.load %arg5[%swap3A, %swap3A_59] : memref<1x1xf32, #tpu.memory_space<vmem>>, vector<1x1xf32>
    tpu.vector_store %arg5[%swap3A, %swap3A_59], %add3A_58 {strides = array<i32>} : memref<1x1xf32, #tpu.memory_space<vmem>>, vector<1x1xf32>,
    return
  }
}

</mosaic_0001>

<sc_bundles>
// kernel: gather_offload_async_start.1
scs
__scs_entry_jumppad:
0x0: {  	(pc) =	sbr.rel $0x88, $3  }
0x1: {  	(tag) =	ssettag $0x0;
	lr =	simm.s32 $0x1  }
0x2: {  	[smem:$0x3F8E] =	sst lr;
	_ =	strace $0xD0000000  }
0x3: {  	_ = 	snop  }
0x4: {  	_ = 	snop  }
0x5: {  	_ = 	snop  }
0x6: {  	_ = 	snop  }
0x7: {  	_ = 	snop  }
__scs_overlays_trampoline_lowered:
0x8: {  	[smem:$0x3F9D] =	sst s0  }
0x9: {  	[smem:$0x3F9E] =	sst s1  }
0xa: {  	[smem:$0x3F9F] =	sst s2  }
0xb: {  	[smem:$0x3FA0] =	sst s3  }
0xc: {  	[smem:$0x3FA1] =	sst s4  }
0xd: {  	[smem:$0x3FA2] =	sst s5  }
0xe: {  	[smem:$0x3FA3] =	sst s6  }
0xf: {  	[smem:$0x3FA4] =	sst s7  }
0x10: {  	[smem:$0x3FA5] =	sst s8  }
0x11: {  	[smem:$0x3FA6] =	sst s9;
	s0 =	simm.s32 @!p0 $0x0  }
0x12: {  	s1 =	sld [smem:$0x3F8C];
	s0 =	simm.s32 @p0 $0x1  }
0x13: {  	[smem:$0x3FA7] =	sst s0;
	s0 =	simm.s32 @!p1 $0x0  }
0x14: {  	s2 =	sld [smem:$0x3F8B];
	s0 =	simm.s32 @p1 $0x1  }
0x15: {  	[smem:$0x3FA8] =	sst s0;
	s0 =	simm.s32 @!p2 $0x0  }
0x16: {  	s3 =	sld [smem:$0x3FDB];
	s0 =	simm.s32 @p2 $0x1  }
0x17: {  	s4 =	simm.s32 $0x1BF5;
	[smem:$0x3FAA] =	sst s0  }
0x18: {  	s0 =	sld [smem:$0x3F8D];
	_ =	swait.ge [sflag:s4], $0x0  }
0x19: {  	s7 =	sld [smem:$0x3F8E]  }
0x1a: {  	s8 =	sadd.s32 $0xFFFFE003, lr  }
0x1b: {  	s9 =	sadd.s32 $0xFFFFFEF7, lr;
	s5 =	simm.s32 $0xFFFFFFFF;
	p2 =	slt.u32 s8, $0xFFFFF086  }
0x1c: {  	p1 =	slt.u32 s9, $0xF7A;
	s5 =	simm.s32 @!p2 $0x0  }
0x1d: {  	s5 =	simm.s32 @p1 $0x1;
	p0 =	seq.s32 s7, s2  }
0x1e: {  	s7 =	smul.u32 @!p0 $0xF7A, s2;
	p2 =	seq.s32 @!p0 s5, $0x0  }
0x1f: {  	s9 =	smul.u32 $0xF7A, s1;
	s8 =	simm.s32 @!p0 $0x1BF5;
	p2 =	por !p2, p0  }
0x20: {  	[sflag:s8] =	ssyncset.s32 @!p0 $0xFFFFF086;
	s6 =	sadd.s32 @!p0 s3, s7;
	s7 =	simm.s32 @!p0 $0x108  }
0x21: {  	s3 =	sadd.s32 s3, s9;
	s6 =	sadd.s32 @!p0 $0x88, s6;
	s7 =	simm.s32 @p2 $0x1082  }
0x22: {  	[simem:s7], [sflag:s8] =	dma.local @!p0 [hbm:s6], $0xF7A  }
0x23: {  	s9 =	sor.u32 $0xD0000000, s2;
	s6 =	simm.s32 $0x108;
	_ =	swait.ge @!p0 [sflag:s8], $0x0  }
0x24: {  	s3 =	sadd.s32 $0x88, s3;
	s6 =	simm.s32 @!p1 $0x1082;
	[sflag:s4] =	ssyncset.s32 $0xFFFFF086  }
0x25: {  	[simem:s6], [sflag:s4] =	dma.local [hbm:s3], $0xF7A  }
0x26: {  	[smem:$0x3F8E] =	sst s1;
	(tag) =	ssettag s2;
	_ =	strace s9  }
0x27: {  	s1 =	sld [smem:$0x3F9E]  }
0x28: {  	s2 =	sld [smem:$0x3F9F]  }
0x29: {  	s4 =	sld [smem:$0x3FA1]  }
0x2a: {  	p0 =	seq.s32 s5, $0x0;
	s5 =	sld [smem:$0x3FA2]  }
0x2b: {  	s6 =	sld [smem:$0x3FA3]  }
0x2c: {  	s7 =	sld [smem:$0x3FA4]  }
0x2d: {  	s3 =	simm.s32 $0x108;
	s8 =	sld [smem:$0x3FA5]  }
0x2e: {  	s3 =	simm.s32 @!p0 $0x1082;
	s9 =	sld [smem:$0x3FA6]  }
0x2f: {  	lr =	sadd.s32 s0, s3;
	s0 =	sld [smem:$0x3F9D]  }
0x30: {  	s3 =	sld [smem:$0x3FA0]  }
0x31: {  	[smem:$0x3FA9] =	sst s10  }
0x32: {  	s10 =	sld [smem:$0x3FA7];
	_ =	sdelay $0x3  }
0x33: {  	p0 =	seq.s32 s10, $0x1;
	s10 =	sld [smem:$0x3FA9];
	_ =	sdelay $0x3  }
0x34: {  	[smem:$0x3FA9] =	sst s10  }
0x35: {  	s10 =	sld [smem:$0x3FA8];
	_ =	sdelay $0x3  }
0x36: {  	p1 =	seq.s32 s10, $0x1;
	s10 =	sld [smem:$0x3FA9];
	_ =	sdelay $0x3  }
0x37: {  	[smem:$0x3FA9] =	sst s10  }
0x38: {  	s10 =	sld [smem:$0x3FAA]  }
0x39: {  	_ = 	snop;
	(pc) =	sbr.ind lr, $3  }
0x3a: {  	_ = 	snop  }
0x3b: {  	_ = 	snop  }
0x3c: {  	p2 =	seq.s32 s10, $0x1;
	s10 =	sld [smem:$0x3FA9]  }
0x3d: {  	_ =	shalt  }
0x3e: {  	_ =	shalt  }
0x3f: {  	_ =	shalt  }
0x40: {  	_ =	shalt  }
0x41: {  	_ =	shalt  }
0x42: {  	_ =	shalt  }
0x43: {  	_ =	shalt  }
0x44: {  	_ =	shalt  }
0x45: {  	_ =	shalt  }
0x46: {  	_ =	shalt  }
0x47: {  	_ =	shalt  }
0x48: {  	_ =	shalt  }
0x49: {  	_ =	shalt  }
0x4a: {  	_ =	shalt  }
0x4b: {  	_ =	shalt  }
0x4c: {  	_ =	shalt  }
0x4d: {  	_ =	shalt  }
0x4e: {  	_ =	shalt  }
0x4f: {  	_ =	shalt  }
0x50: {  	_ =	shalt  }
0x51: {  	_ =	shalt  }
0x52: {  	_ =	shalt  }
0x53: {  	_ =	shalt  }
0x54: {  	_ =	shalt  }
0x55: {  	_ =	shalt  }
0x56: {  	_ =	shalt  }
0x57: {  	_ =	shalt  }
0x58: {  	_ =	shalt  }
0x59: {  	_ =	shalt  }
0x5a: {  	_ =	shalt  }
0x5b: {  	_ =	shalt  }
0x5c: {  	_ =	shalt  }
0x5d: {  	_ =	shalt  }
0x5e: {  	_ =	shalt  }
0x5f: {  	_ =	shalt  }
0x60: {  	_ =	shalt  }
0x61: {  	_ =	shalt  }
0x62: {  	_ =	shalt  }
0x63: {  	_ =	shalt  }
0x64: {  	_ =	shalt  }
0x65: {  	_ =	shalt  }
0x66: {  	_ =	shalt  }
0x67: {  	_ =	shalt  }
0x68: {  	_ =	shalt  }
0x69: {  	_ =	shalt  }
0x6a: {  	_ =	shalt  }
0x6b: {  	_ =	shalt  }
0x6c: {  	_ =	shalt  }
0x6d: {  	_ =	shalt  }
0x6e: {  	_ =	shalt  }
0x6f: {  	_ =	shalt  }
0x70: {  	_ =	shalt  }
0x71: {  	_ =	shalt  }
0x72: {  	_ =	shalt  }
0x73: {  	_ =	shalt  }
0x74: {  	_ =	shalt  }
0x75: {  	_ =	shalt  }
0x76: {  	_ =	shalt  }
0x77: {  	_ =	shalt  }
0x78: {  	_ =	shalt  }
0x79: {  	_ =	shalt  }
0x7a: {  	_ =	shalt  }
0x7b: {  	_ =	shalt  }
0x7c: {  	_ =	shalt  }
0x7d: {  	_ =	shalt  }
0x7e: {  	_ =	shalt  }
0x7f: {  	_ =	shalt  }
0x80: {  	_ =	shalt  }
0x81: {  	_ =	shalt  }
0x82: {  	_ =	shalt  }
0x83: {  	_ =	shalt  }
0x84: {  	_ =	shalt  }
0x85: {  	_ =	shalt  }
0x86: {  	_ =	shalt  }
0x87: {  	_ =	shalt  }
.Lfunc_end0:
.L_simem_size_0:
called_computation.1_lowered:
.L_overlay_start_0:
0x88: {  	s2 =	sld [smem:$0x3FD9]  }
0x89: {  	s3 =	sld [smem:$0x3FFE];
	_ =	sdelay $0x1  }
0x8a: {  	s1 =	srdreg.scid  }
0x8b: {  	s0 =	sand.u32 $0x1, s1  }
0x8c: {  	s16 =	sshll.u32 s0, $0xA;
	s2 =	sadd.s32 s3, s2  }
0x8d: {  	s2 =	sadd.s32 s2, s16  }
0x8e: {  	[smem:$0x3FB5] =	sst s2  }
0x8f: {  	_ = 	snop  }
0x90: {  	(tm) =	ssettm $0x1  }
0x91: {  	s17 =	sld [smem:$0x3FFB];
	_ =	sdelay $0x3  }
0x92: {  	_ =	strace s17  }
0x93: {  	s2 =	sld [smem:$0x3FFC];
	_ =	sdelay $0x3  }
0x94: {  	_ =	strace s2  }
0x95: {  	s2 =	sld [smem:$0x3FFD];
	_ =	sdelay $0x3  }
0x96: {  	_ =	strace s2  }
0x97: {  	_ =	strace $0x8FFFFFFF  }
0x98: {  	s18 =	sld [smem:$0x3FDB];
	_ =	sdelay $0x1  }
0x99: {  	s19 =	simm.s32 $_scs_section_size  }
0x9a: {  	s4 =	simm.s32 $_size__tile_overlayer_lowered;
	s5 =	simm.s32 $_tile_overlayer_lowered  }
0x9b: {  	s22 =	simm.s32 $0x1BFF;
	s21 =	sshll.u32 s5, $0x1;
	s2 =	sadd.s32 s19, s18  }
0x9c: {  	s6 =	simm.s32 $0x0;
	s20 =	sshll.u32 s4, $0x1;
	s4 =	sadd.s32 s21, s2  }
0x9d: {  	[timem:s6], [sflag:s22] =	dma.local [hbm:s4], s20  }
0x9e: {  	_ =	swait.ge [sflag:s22], s20  }
0x9f: {  	s3 =	ssub.s32 $0x0, s20;
	[sflag:s22] =	ssyncset.done $0x0  }
0xa0: {  	[sflag:s22] =	ssyncadd.s32 s3;
	_ =	sdelay $0x1  }
0xa1: {  	s23 =	simm.s32 $0x1B8B  }
0xa2: {  	_ =	swait.ge [sflag:s23], $0x1  }
0xa3: {  	[sflag:s23] =	ssyncset.done $0x0  }
0xa4: {  	s25 =	simm.s32 $0x1B8E;
	s24 =	sld [smem:$0x3FFE];
	[sflag:s23] =	ssyncadd.s32 $0xFFFFFFFF  }
0xa5: {  	s26 =	simm.s32 $execute0_lowered;
	[smem:$0x3FD2] =	sst s25  }
0xa6: {  	s4 =	sshll.u32 s26, $0x1;
	_ =	strace $0x80000046;
	[dreg:$0x1] =	wrdreg $0xFFFFFFFF  }
0xa7: {  	s28 =	simm.s32 $_size_execute0_lowered;
	s2 =	sadd.s32 s2, s4;
	[dreg:$0x0] =	wrdreg $0x0  }
0xa8: {  	s4 =	sshll.u32 s28, $0x1;
	[dreg:$0x2] =	wrdreg s2  }
0xa9: {  	[dreg:$0x3] =	wrdreg s4  }
0xaa: {  	[dreg:$0x4] =	wrdreg $0xC0  }
0xab: {  	_ =	task [dreg:s6], $0x5FFFF  }
0xac: {  	[dreg:$0x1] =	wrdreg $0xFFFFFFFF  }
0xad: {  	[dreg:$0x0] =	wrdreg $0x60  }
0xae: {  	[dreg:$0x2] =	wrdreg s24  }
0xaf: {  	[dreg:$0x3] =	wrdreg $0xB  }
0xb0: {  	_ =	task.clear_ibuf [dreg:s6], $0x4FFFF;
	_ =	strace $0x90000046  }
0xb1: {  	s29 =	simm.s32 $0xB;
	_ =	strace $0x80000048  }
0xb2: {  	_ =	swait.ge [sflag:s29], $0x1  }
0xb3: {  	[sflag:s29] =	ssyncadd.s32 $0xFFFFFFFF  }
0xb4: {  	_ =	strace $0x90000048  }
0xb5: {  	_ =	sfence  }
0xb6: {  	s30 =	sld [smem:$0x0];
	_ =	sdelay $0x2  }
0xb7: {  	s31 =	sshll.u32 s1, $0xD;
	s1 =	sshrl.u32 s1, $0x2  }
0xb8: {  	s3 =	sand.u32 $0x4000, s31;
	s1 =	sadd.s32 s1, s30  }
0xb9: {  	s0 =	sor.u32 s3, s0;
	s1 =	sshll.u32 s1, $0x11  }
0xba: {  	s0 =	sor.u32 s1, s0  }
0xbb: {  	s0 =	sadd.s32 $0x8F2B, s0  }
0xbc: {  	[sflag:s0] =	ssyncadd.remote.s32 $0x1  }
0xbd: {  	_ =	sfence.sel $0xFFFF  }
0xbe: {  	[dreg:$0x0] =	wrdreg $0xFFFFFFFF;
	(pc) =	sbr.abs _section_cstart, $3  }
0xbf: {  	[dreg:$0x1] =	wrdreg $0xFFFFFFFF  }
0xc0: {  	_ =	task.clear_ibuf [dreg:s6], $0x2FFFF;
	_ =	strace $0x9FFFFFFF  }
0xc1: {  	(tm) =	ssettm $0x7FFFFFFF  }
tec
execute0_lowered:
.L_overlay_start_1:
0x0: {  	(tag) =	ssettag $0x1  }
0x1: {  	s8 =	rddreg [dreg:$0x0]  }
0x2: {  	s0 =	rddreg [dreg:$0x1];
	_ =	strace $0x80000047;
	s1 =	stileid.u32  }
0x3: {  	s3 =	srdreg.scid;
	s4 =	simm.s32 $0x1;
	s7 =	simm.s32 $0x1  }
0x4: {  	s9 =	simm.s32 $0x1;
	s10 =	simm.s32 $0x3;
	s13 =	simm.s32 $0x0  }
0x5: {  	s12 =	simm.s32 $0x0;
	s5 =	sand.u32 $0x1, s3;
	s6 =	sshll.u32 s1, $0x1  }
0x6: {  	s2 =	sadd.s32 $0x12600, s8;
	s3 =	sadd.s32 $0x1C400, s8;
	s5 =	sor.u32 s6, s5  }
.Ltmp0:
0x7: {  	[sflag:s4] =	ssyncpa.u1 $0x0;
	p0 =	slt.u32 s5, $0x9;
	(pc) =	sbr.rel .LBB2_1-.Ltmp0, $4  }
0x8: {  	s6 =	simm.s32 $0x2;
	s7 =	simm.s32 @!p0 $0x0;
	p0 =	sne.s32 s5, $0x8  }
0x9: {  	[sflag:s6] =	ssyncpa.u1 $0x0;
	s5 =	smul.u32 $0x1F40, s5;
	s9 =	simm.s32 @!p0 $0x0  }
0xa: {  	s8 =	sadd.s32 $0x26200, s8;
	[sflag:s10] =	ssyncpa.u1 $0x0;
	s7 =	sadd.s32 s9, s7  }
0xb: {  	vm0 =	vmmov $0xffff;
	s10 =	simm.s32 $0x0;
	s11 =	smov.u32 s5;
	s9 =	sadd.s32 $0x1, s7  }
.LBB2_4:
0xc: {  	v2 =	vnsel vm1, $0x0, v2  }
0xd: {  	vm1 =	vgt.s32 v0, $0x0;
	v2 =	vmin.u32 v2, $0x4E1FF  }
0xe: {  	v0 =	vnsel vm1, $0x0, v0  }
0xf: {  	v0 =	vmin.u32 v0, $0x4E1FF  }
0x10: {  	[tilespmem:s18], [sflag:$0x1] =	stream.indirect_vreg.gather [hbm4b:s2+s10], $0x1, v1, vm0, $0x4038;
	[tilespmem:$0x7D00] =	vst v63  }
0x11: {  	(ifvalue) =	ssetifvalue $0x7FFFFFFF  }
0x12: {  	[tilespmem:s15], [sflag:$0x1] =	stream.indirect_vreg.gather [hbm4b:s2+s10], $0x1, v2, vm0, $0x4038;
	[tilespmem:$0x7D00] =	vst v63  }
0x13: {  	s29 =	sadd.s32 $0x10, s15;
	(ifvalue) =	ssetifvalue $0x7FFFFFFF  }
0x14: {  	[tilespmem:s29], [sflag:$0x1] =	stream.indirect_vreg.gather [hbm4b:s2+s10], $0x1, v0, vm0, $0x4038;
	[tilespmem:$0x7D00] =	vst v63  }
0x15: {  	_ =	swait.ge [sflag:s4], $0x1F40  }
0x16: {  	s30 =	sshrl.u32 s13, $0x3;
	[sflag:s4] =	ssyncset.done $0x0  }
0x17: {  	s31 =	sand.u32 $0x7, s13;
	s15 =	sadd.s32 s8, s30;
	[sflag:s4] =	ssyncadd.s32 $0xFFFFE0C0  }
0x18: {  	[hbm4b:s15+s31] =	stream.linear.scatter [tilespmem:s14], [sflag:$0x3], $0x1F40, $0x38;
	[tilespmem:$0x7D00] =	vst v63  }
.LBB2_5:
0x19: {  	s15 =	sadd.s32 $0x3E800, s11  }
0x1a: {  	p1 =	sgt.s32 s15, $0x4E1FF  }
0x1b: {  	s15 =	smov.u32 @p1 s5;
	p1 =	sne.s32 s12, s9  }
.Ltmp1:
0x1c: {  	p0 =	slt.u32 s12, $0x2;
	(pc) =	sbr.rel @!p1 .LBB2_6-.Ltmp1, $4  }
0x1d: {  	s14 =	simm.s32 @!p0 $0x3  }
0x1e: {  	_ =	swait.ge @!p0 [sflag:s14], $0x1F40  }
0x1f: {  	s16 =	sadd.s32 $0x1, s12;
	s13 =	smov.u32 s11;
	[sflag:s14] =	ssyncset.done @!p0 $0x0  }
0x20: {  	s12 =	smov.u32 s16;
	s11 =	smov.u32 s15;
	[sflag:s14] =	ssyncadd.s32 @!p0 $0xFFFFE0C0  }
.LBB2_1:
0x21: {  	p0 =	sge.u32 s12, s7  }
0x22: {  	s14 =	sxor.u32 @!p0 $0x1, s12  }
0x23: {  	s14 =	smul.u32 @!p0 $0x7D00, s14  }
0x24: {  	s31 =	sadd.s32 $0xFFFFFFFF, s12;
	s15 =	sshrl.u32 @!p0 s11, $0x3  }
0x25: {  	s16 =	sand.u32 @!p0 $0x7, s11;
	s15 =	sadd.s32 @!p0 s3, s15;
	s14 =	sshra.s32 @!p0 s14, $0x2  }
0x26: {  	[tilespmem:s14], [sflag:$0x2] =	stream.linear.gather @!p0 [hbm4b:s15+s16], $0x1F40, $0x38;
	[tilespmem:$0x7D00] =	vst v63  }
0x27: {  	p0 =	sge.u32 s31, s7  }
.Ltmp2:
0x28: {  	_ = 	snop;
	(pc) =	sbr.rel @p0 .LBB2_5-.Ltmp2, $1  }
0x29: {  	_ =	sdelay $0x3  }
0x2a: {  	s14 =	sand.u32 $0x1, s12  }
0x2b: {  	_ =	swait.ge [sflag:s6], $0x1F40;
	p0 =	seq.s32 s14, $0x1;
	s14 =	simm.s32 $0x1F40  }
0x2c: {  	[sflag:s6] =	ssyncset.done $0x0;
	s14 =	simm.s32 @!p0 $0x0  }
0x2d: {  	[sflag:s6] =	ssyncadd.s32 $0xFFFFE0C0;
	(ifvalue) =	ssetifvalue $0x7FFFFFFF;
	v0 =	vld.msk [tilespmem:s14+$0x0 ss:$0x1], $0xffff;
	_ =	sdelay $0x4  }
0x2e: {  	s15 =	sadd.s32 $0x10, s14;
	vm1 =	vgt.s32 v0, $0x0  }
0x2f: {  	v2 =	vld.msk [tilespmem:s15+$0x0 ss:$0x1], $0xffff;
	v1 =	vnsel vm1, $0x0, v0  }
0x30: {  	v1 =	vmin.u32 v1, $0x4E1FF;
	_ =	sdelay $0x2  }
0x31: {  	s17 =	simm.s32 $0x20;
	s14 =	sadd.s32 $0x3E80, s14;
	s16 =	sadd.s32 $0x10, s15  }
0x32: {  	s15 =	sadd.s32 $0x10, s14;
	s18 =	smov.u32 s14;
	v0 =	vld.msk [tilespmem:s16+$0x0 ss:$0x1], $0xffff;
	vm1 =	vgt.s32 v2, $0x0;
	(ifvalue) =	ssetifvalue $0x7FFFFFFF  }
.LBB2_3:
0x33: {  	[tilespmem:s18], [sflag:$0x1] =	stream.indirect_vreg.gather [hbm4b:s2+s10], $0x1, v1, vm0, $0x4038;
	[tilespmem:$0x7D00] =	vst v63  }
0x34: {  	s17 =	sadd.s32 $0x10, s17  }
0x35: {  	v2 =	vnsel vm1, $0x0, v2;
	p0 =	slt.u32 s17, $0x1F30  }
.Ltmp3:
0x36: {  	s18 =	smov.u32 s15;
	v1 =	vmin.u32 v2, $0x4E1FF;
	(pc) =	sbr.rel @p0 .LBB2_3-.Ltmp3, $3  }
0x37: {  	_ =	sdelay $0x1  }
0x38: {  	s16 =	sadd.s32 $0x10, s16  }
0x39: {  	vm1 =	vgt.s32 v0, $0x0;
	s15 =	sadd.s32 $0x10, s15;
	v2 =	vmov v0;
	(ifvalue) =	ssetifvalue $0x7FFFFFFF;
	v0 =	vld.msk [tilespmem:s16+$0x0 ss:$0x1], $0xffff  }
.Ltmp4:
0x3a: {  	_ = 	snop;
	(pc) =	sbr.rel .LBB2_4-.Ltmp4, $1  }
0x3b: {  	_ =	sdelay $0x3  }
.LBB2_6:
0x3c: {  	_ =	sfence.sel $0x180000  }
0x3d: {  	s2 =	simm.s32 $0x2;
	[bflag:$0x0] =	sbarrier.arrive $0xFFFF  }
0x3e: {  	s30 =	simm.s32 $0x3;
	[sflag:s2] =	ssyncpa.u1 $0x1  }
0x3f: {  	s31 =	simm.s32 $0x1;
	[sflag:s30] =	ssyncpa.u1 $0x1  }
0x40: {  	[sflag:s31] =	ssyncpa.u1 $0x1  }
0x41: {  	p0 =	sne.s32 s1, $0x0;
	_ =	strace $0x90000047  }
0x42: {  	s0 =	sadd.s32 @!p0 $0x100000, s0;
	[bflag:$0x2] =	sbarrier.arrive $0xFFFF  }
0x43: {  	[sflag:s0] =	ssyncadd.tile.s32 @!p0 $0x1;
	_ =	shalt  }
.Lfunc_end2:
_tile_overlayer_lowered:
.L_overlay_start_2:
0x44: {  	(tag) =	ssettag $0x2  }
0x45: {  	s0 =	rddreg [dreg:$0x0];
	s2 =	stileid.u32  }
0x46: {  	s1 =	rddreg [dreg:$0x1];
	p0 =	sne.s32 s2, $0x0  }
0x47: {  	s3 =	rddreg [dreg:$0x2];
	[bflag:$0x3] =	sbarrier.arrive $0xFFFF;
	s2 =	simm.s32 @!p0 $0x1C01  }
0x48: {  	[timem:s3], [sflag:s2] =	dma.local @!p0 [hbm:s0], s1  }
0x49: {  	s0 =	simm.s32 @!p0 $0x1  }
0x4a: {  	_ =	swait.ge @!p0 [sflag:s0], s1  }
0x4b: {  	s1 =	ssub.s32 @!p0 $0x0, s1;
	[sflag:s0] =	ssyncset.done @!p0 $0x0  }
0x4c: {  	[sflag:s0] =	ssyncadd.s32 @!p0 s1  }
0x4d: {  	[bflag:$0x3] =	sbarrier.arrive $0xFFFF  }
0x4e: {  	_ =	shalt  }

// kernel: gather_offload_async_start.2
scs
__scs_entry_jumppad:
0x0: {  	(pc) =	sbr.rel $0x88, $3  }
0x1: {  	(tag) =	ssettag $0x0;
	lr =	simm.s32 $0x1  }
0x2: {  	[smem:$0x3F8E] =	sst lr;
	_ =	strace $0xD0000000  }
0x3: {  	_ = 	snop  }
0x4: {  	_ = 	snop  }
0x5: {  	_ = 	snop  }
0x6: {  	_ = 	snop  }
0x7: {  	_ = 	snop  }
__scs_overlays_trampoline_lowered:
0x8: {  	[smem:$0x3F9D] =	sst s0  }
0x9: {  	[smem:$0x3F9E] =	sst s1  }
0xa: {  	[smem:$0x3F9F] =	sst s2  }
0xb: {  	[smem:$0x3FA0] =	sst s3  }
0xc: {  	[smem:$0x3FA1] =	sst s4  }
0xd: {  	[smem:$0x3FA2] =	sst s5  }
0xe: {  	[smem:$0x3FA3] =	sst s6  }
0xf: {  	[smem:$0x3FA4] =	sst s7  }
0x10: {  	[smem:$0x3FA5] =	sst s8  }
0x11: {  	[smem:$0x3FA6] =	sst s9;
	s0 =	simm.s32 @!p0 $0x0  }
0x12: {  	s1 =	sld [smem:$0x3F8C];
	s0 =	simm.s32 @p0 $0x1  }
0x13: {  	[smem:$0x3FA7] =	sst s0;
	s0 =	simm.s32 @!p1 $0x0  }
0x14: {  	s2 =	sld [smem:$0x3F8B];
	s0 =	simm.s32 @p1 $0x1  }
0x15: {  	[smem:$0x3FA8] =	sst s0;
	s0 =	simm.s32 @!p2 $0x0  }
0x16: {  	s3 =	sld [smem:$0x3FDB];
	s0 =	simm.s32 @p2 $0x1  }
0x17: {  	s4 =	simm.s32 $0x1BF5;
	[smem:$0x3FAA] =	sst s0  }
0x18: {  	s0 =	sld [smem:$0x3F8D];
	_ =	swait.ge [sflag:s4], $0x0  }
0x19: {  	s7 =	sld [smem:$0x3F8E]  }
0x1a: {  	s8 =	sadd.s32 $0xFFFFE003, lr  }
0x1b: {  	s9 =	sadd.s32 $0xFFFFFEF7, lr;
	s5 =	simm.s32 $0xFFFFFFFF;
	p2 =	slt.u32 s8, $0xFFFFF086  }
0x1c: {  	p1 =	slt.u32 s9, $0xF7A;
	s5 =	simm.s32 @!p2 $0x0  }
0x1d: {  	s5 =	simm.s32 @p1 $0x1;
	p0 =	seq.s32 s7, s2  }
0x1e: {  	s7 =	smul.u32 @!p0 $0xF7A, s2;
	p2 =	seq.s32 @!p0 s5, $0x0  }
0x1f: {  	s9 =	smul.u32 $0xF7A, s1;
	s8 =	simm.s32 @!p0 $0x1BF5;
	p2 =	por !p2, p0  }
0x20: {  	[sflag:s8] =	ssyncset.s32 @!p0 $0xFFFFF086;
	s6 =	sadd.s32 @!p0 s3, s7;
	s7 =	simm.s32 @!p0 $0x108  }
0x21: {  	s3 =	sadd.s32 s3, s9;
	s6 =	sadd.s32 @!p0 $0x88, s6;
	s7 =	simm.s32 @p2 $0x1082  }
0x22: {  	[simem:s7], [sflag:s8] =	dma.local @!p0 [hbm:s6], $0xF7A  }
0x23: {  	s9 =	sor.u32 $0xD0000000, s2;
	s6 =	simm.s32 $0x108;
	_ =	swait.ge @!p0 [sflag:s8], $0x0  }
0x24: {  	s3 =	sadd.s32 $0x88, s3;
	s6 =	simm.s32 @!p1 $0x1082;
	[sflag:s4] =	ssyncset.s32 $0xFFFFF086  }
0x25: {  	[simem:s6], [sflag:s4] =	dma.local [hbm:s3], $0xF7A  }
0x26: {  	[smem:$0x3F8E] =	sst s1;
	(tag) =	ssettag s2;
	_ =	strace s9  }
0x27: {  	s1 =	sld [smem:$0x3F9E]  }
0x28: {  	s2 =	sld [smem:$0x3F9F]  }
0x29: {  	s4 =	sld [smem:$0x3FA1]  }
0x2a: {  	p0 =	seq.s32 s5, $0x0;
	s5 =	sld [smem:$0x3FA2]  }
0x2b: {  	s6 =	sld [smem:$0x3FA3]  }
0x2c: {  	s7 =	sld [smem:$0x3FA4]  }
0x2d: {  	s3 =	simm.s32 $0x108;
	s8 =	sld [smem:$0x3FA5]  }
0x2e: {  	s3 =	simm.s32 @!p0 $0x1082;
	s9 =	sld [smem:$0x3FA6]  }
0x2f: {  	lr =	sadd.s32 s0, s3;
	s0 =	sld [smem:$0x3F9D]  }
0x30: {  	s3 =	sld [smem:$0x3FA0]  }
0x31: {  	[smem:$0x3FA9] =	sst s10  }
0x32: {  	s10 =	sld [smem:$0x3FA7];
	_ =	sdelay $0x3  }
0x33: {  	p0 =	seq.s32 s10, $0x1;
	s10 =	sld [smem:$0x3FA9];
	_ =	sdelay $0x3  }
0x34: {  	[smem:$0x3FA9] =	sst s10  }
0x35: {  	s10 =	sld [smem:$0x3FA8];
	_ =	sdelay $0x3  }
0x36: {  	p1 =	seq.s32 s10, $0x1;
	s10 =	sld [smem:$0x3FA9];
	_ =	sdelay $0x3  }
0x37: {  	[smem:$0x3FA9] =	sst s10  }
0x38: {  	s10 =	sld [smem:$0x3FAA]  }
0x39: {  	_ = 	snop;
	(pc) =	sbr.ind lr, $3  }
0x3a: {  	_ = 	snop  }
0x3b: {  	_ = 	snop  }
0x3c: {  	p2 =	seq.s32 s10, $0x1;
	s10 =	sld [smem:$0x3FA9]  }
0x3d: {  	_ =	shalt  }
0x3e: {  	_ =	shalt  }
0x3f: {  	_ =	shalt  }
0x40: {  	_ =	shalt  }
0x41: {  	_ =	shalt  }
0x42: {  	_ =	shalt  }
0x43: {  	_ =	shalt  }
0x44: {  	_ =	shalt  }
0x45: {  	_ =	shalt  }
0x46: {  	_ =	shalt  }
0x47: {  	_ =	shalt  }
0x48: {  	_ =	shalt  }
0x49: {  	_ =	shalt  }
0x4a: {  	_ =	shalt  }
0x4b: {  	_ =	shalt  }
0x4c: {  	_ =	shalt  }
0x4d: {  	_ =	shalt  }
0x4e: {  	_ =	shalt  }
0x4f: {  	_ =	shalt  }
0x50: {  	_ =	shalt  }
0x51: {  	_ =	shalt  }
0x52: {  	_ =	shalt  }
0x53: {  	_ =	shalt  }
0x54: {  	_ =	shalt  }
0x55: {  	_ =	shalt  }
0x56: {  	_ =	shalt  }
0x57: {  	_ =	shalt  }
0x58: {  	_ =	shalt  }
0x59: {  	_ =	shalt  }
0x5a: {  	_ =	shalt  }
0x5b: {  	_ =	shalt  }
0x5c: {  	_ =	shalt  }
0x5d: {  	_ =	shalt  }
0x5e: {  	_ =	shalt  }
0x5f: {  	_ =	shalt  }
0x60: {  	_ =	shalt  }
0x61: {  	_ =	shalt  }
0x62: {  	_ =	shalt  }
0x63: {  	_ =	shalt  }
0x64: {  	_ =	shalt  }
0x65: {  	_ =	shalt  }
0x66: {  	_ =	shalt  }
0x67: {  	_ =	shalt  }
0x68: {  	_ =	shalt  }
0x69: {  	_ =	shalt  }
0x6a: {  	_ =	shalt  }
0x6b: {  	_ =	shalt  }
0x6c: {  	_ =	shalt  }
0x6d: {  	_ =	shalt  }
0x6e: {  	_ =	shalt  }
0x6f: {  	_ =	shalt  }
0x70: {  	_ =	shalt  }
0x71: {  	_ =	shalt  }
0x72: {  	_ =	shalt  }
0x73: {  	_ =	shalt  }
0x74: {  	_ =	shalt  }
0x75: {  	_ =	shalt  }
0x76: {  	_ =	shalt  }
0x77: {  	_ =	shalt  }
0x78: {  	_ =	shalt  }
0x79: {  	_ =	shalt  }
0x7a: {  	_ =	shalt  }
0x7b: {  	_ =	shalt  }
0x7c: {  	_ =	shalt  }
0x7d: {  	_ =	shalt  }
0x7e: {  	_ =	shalt  }
0x7f: {  	_ =	shalt  }
0x80: {  	_ =	shalt  }
0x81: {  	_ =	shalt  }
0x82: {  	_ =	shalt  }
0x83: {  	_ =	shalt  }
0x84: {  	_ =	shalt  }
0x85: {  	_ =	shalt  }
0x86: {  	_ =	shalt  }
0x87: {  	_ =	shalt  }
.Lfunc_end0:
.L_simem_size_0:
called_computation.2_lowered:
.L_overlay_start_0:
0x88: {  	s2 =	sld [smem:$0x3FD9]  }
0x89: {  	s3 =	sld [smem:$0x3FFE];
	_ =	sdelay $0x1  }
0x8a: {  	s1 =	srdreg.scid  }
0x8b: {  	s0 =	sand.u32 $0x1, s1  }
0x8c: {  	s17 =	sshll.u32 s0, $0xA;
	s2 =	sadd.s32 s3, s2  }
0x8d: {  	s2 =	sadd.s32 s2, s17  }
0x8e: {  	[smem:$0x3FB5] =	sst s2  }
0x8f: {  	_ = 	snop  }
0x90: {  	s18 =	sld [smem:$0x3FC8];
	(tm) =	ssettm $0x1  }
0x91: {  	s19 =	sld [smem:$0x3FFB];
	_ =	sdelay $0x3  }
0x92: {  	_ =	strace s19  }
0x93: {  	s2 =	sld [smem:$0x3FFC];
	_ =	sdelay $0x3  }
0x94: {  	_ =	strace s2  }
0x95: {  	s2 =	sld [smem:$0x3FFD];
	_ =	sdelay $0x3  }
0x96: {  	_ =	strace s2  }
0x97: {  	_ =	strace $0x8FFFFFFF  }
0x98: {  	s20 =	sld [smem:$0x3FDB];
	_ =	sdelay $0x1  }
0x99: {  	s4 =	simm.s32 $_scs_section_size  }
0x9a: {  	s5 =	simm.s32 $_size__tile_overlayer_lowered;
	s6 =	simm.s32 $_tile_overlayer_lowered  }
0x9b: {  	s7 =	simm.s32 $0x1BFF;
	s21 =	sshll.u32 s6, $0x1;
	s4 =	sadd.s32 s4, s20  }
0x9c: {  	s22 =	simm.s32 $0x0;
	s5 =	sshll.u32 s5, $0x1;
	s6 =	sadd.s32 s21, s4  }
0x9d: {  	[timem:s22], [sflag:s7] =	dma.local [hbm:s6], s5  }
0x9e: {  	_ =	swait.ge [sflag:s7], s5  }
0x9f: {  	s5 =	ssub.s32 $0x0, s5;
	[sflag:s7] =	ssyncset.done $0x0  }
0xa0: {  	[sflag:s7] =	ssyncadd.s32 s5;
	_ =	sdelay $0x1  }
0xa1: {  	s23 =	simm.s32 $0x1B8B  }
0xa2: {  	_ =	swait.ge [sflag:s23], $0x1  }
0xa3: {  	[sflag:s23] =	ssyncset.done $0x0  }
0xa4: {  	[sflag:s23] =	ssyncadd.s32 $0xFFFFFFFF  }
0xa5: {  	s5 =	sld [smem:$0x0]  }
0xa6: {  	s6 =	sand.u32 $0xFFFFFFFE, s1  }
0xa7: {  	p0 =	sne.s32 s1, s6  }
0xa8: {  	s6 =	sshll.u32 @p0 s6, $0xE  }
0xa9: {  	s6 =	sadd.s32 @p0 $0x11B8D, s6;
	s7 =	sshll.u32 @p0 s5, $0x11  }
0xaa: {  	s6 =	sor.u32 @p0 s7, s6  }
0xab: {  	[sflag:s6] =	ssyncadd.remote.s32 @p0 $0x1;
	_ =	sdelay $0x1  }
0xac: {  	s6 =	simm.s32 @p0 $0x1B8D  }
0xad: {  	_ =	swait.eq @p0 [sflag:s6], $0x1  }
0xae: {  	[sflag:s6] =	ssyncadd.s32 @p0 $0xFFFFFFFF  }
0xaf: {  	s7 =	sshll.u32 @!p0 s1, $0xE  }
0xb0: {  	s7 =	sor.u32 @!p0 $0x4000, s7;
	s6 =	simm.s32 @!p0 $0x1B8D  }
0xb1: {  	s5 =	sshll.u32 @!p0 s5, $0x11;
	s7 =	sadd.s32 @!p0 $0x11B8D, s7;
	_ =	swait.eq @!p0 [sflag:s6], $0x1  }
0xb2: {  	s5 =	sor.u32 @!p0 s5, s7;
	[sflag:s6] =	ssyncadd.s32 @!p0 $0xFFFFFFFF  }
0xb3: {  	s25 =	simm.s32 $0x1B8E;
	s24 =	sld [smem:$0x3FFE];
	[sflag:s5] =	ssyncadd.remote.s32 @!p0 $0x1  }
0xb4: {  	s26 =	simm.s32 $execute0_lowered;
	[smem:$0x3FD2] =	sst s25  }
0xb5: {  	s6 =	sshll.u32 s26, $0x1;
	_ =	strace $0x8000004C;
	[dreg:$0x1] =	wrdreg $0xFFFFFFFF  }
0xb6: {  	s28 =	simm.s32 $_size_execute0_lowered;
	s4 =	sadd.s32 s4, s6;
	[dreg:$0x0] =	wrdreg $0x0  }
0xb7: {  	s6 =	sshll.u32 s28, $0x1;
	[dreg:$0x2] =	wrdreg s4  }
0xb8: {  	[dreg:$0x3] =	wrdreg s6  }
0xb9: {  	[dreg:$0x4] =	wrdreg $0xC0  }
0xba: {  	_ =	task [dreg:s22], $0x5FFFF  }
0xbb: {  	[dreg:$0x1] =	wrdreg $0xFFFFFFFF  }
0xbc: {  	[dreg:$0x0] =	wrdreg $0x60  }
0xbd: {  	[dreg:$0x2] =	wrdreg s18  }
0xbe: {  	[dreg:$0x3] =	wrdreg s24  }
0xbf: {  	[dreg:$0x4] =	wrdreg $0x9  }
0xc0: {  	_ =	task.clear_ibuf [dreg:s22], $0x5FFFF;
	_ =	strace $0x9000004C  }
0xc1: {  	s29 =	simm.s32 $0x9;
	_ =	strace $0x8000004E  }
0xc2: {  	_ =	swait.ge [sflag:s29], $0x1  }
0xc3: {  	[sflag:s29] =	ssyncadd.s32 $0xFFFFFFFF  }
0xc4: {  	_ =	strace $0x9000004E  }
0xc5: {  	_ =	sfence  }
0xc6: {  	s30 =	sld [smem:$0x0];
	_ =	sdelay $0x2  }
0xc7: {  	s31 =	sshll.u32 s1, $0xD;
	s1 =	sshrl.u32 s1, $0x2  }
0xc8: {  	s4 =	sand.u32 $0x4000, s31;
	s1 =	sadd.s32 s1, s30  }
0xc9: {  	s0 =	sor.u32 s4, s0;
	s1 =	sshll.u32 s1, $0x11  }
0xca: {  	s0 =	sor.u32 s1, s0  }
0xcb: {  	s0 =	sadd.s32 $0x8F2B, s0  }
0xcc: {  	[sflag:s0] =	ssyncadd.remote.s32 $0x1  }
0xcd: {  	_ =	sfence.sel $0xFFFF  }
0xce: {  	[dreg:$0x0] =	wrdreg $0xFFFFFFFF;
	(pc) =	sbr.abs _section_cstart, $3  }
0xcf: {  	[dreg:$0x1] =	wrdreg $0xFFFFFFFF  }
0xd0: {  	_ =	task.clear_ibuf [dreg:s22], $0x2FFFF;
	_ =	strace $0x9FFFFFFF  }
0xd1: {  	(tm) =	ssettm $0x7FFFFFFF  }
tec
execute0_lowered:
.L_overlay_start_1:
0x0: {  	(tag) =	ssettag $0x1  }
0x1: {  	s2 =	rddreg [dreg:$0x0]  }
0x2: {  	s8 =	rddreg [dreg:$0x1]  }
0x3: {  	s0 =	rddreg [dreg:$0x2];
	s1 =	stileid.u32  }
0x4: {  	s3 =	srdreg.scid;
	_ =	strace $0x8000004D;
	s4 =	simm.s32 $0x1  }
0x5: {  	s7 =	simm.s32 $0x1;
	s9 =	simm.s32 $0x1;
	s10 =	simm.s32 $0x3  }
0x6: {  	s13 =	simm.s32 $0x0;
	s5 =	sand.u32 $0x1, s3;
	s6 =	sshll.u32 s1, $0x1  }
0x7: {  	s12 =	simm.s32 $0x0;
	s3 =	sadd.s32 $0x1C400, s8;
	s5 =	sor.u32 s6, s5  }
.Ltmp0:
0x8: {  	[sflag:s4] =	ssyncpa.u1 $0x0;
	p0 =	slt.u32 s5, $0x13;
	(pc) =	sbr.rel .LBB2_1-.Ltmp0, $4  }
0x9: {  	s6 =	simm.s32 $0x2;
	s7 =	simm.s32 @!p0 $0x0;
	p0 =	sne.s32 s5, $0x12  }
0xa: {  	[sflag:s6] =	ssyncpa.u1 $0x0;
	s5 =	smul.u32 $0x1900, s5;
	s9 =	simm.s32 @!p0 $0x0  }
0xb: {  	s8 =	sadd.s32 $0x39E00, s8;
	[sflag:s10] =	ssyncpa.u1 $0x0;
	s7 =	sadd.s32 s9, s7  }
0xc: {  	vm0 =	vmmov $0xffff;
	v0 =	vlaneseq.u32;
	s10 =	simm.s32 $0x0;
	s11 =	smov.u32 s5;
	s9 =	sadd.s32 $0x1, s7  }
.LBB2_4:
0xd: {  	_ =	sdelay $0x3  }
0xe: {  	[tilespmem:s22], [sflag:$0x1] =	stream.indirect_vreg.gather [hbm4b:s2+s10], $0x1, v1, vm0, $0x4038;
	[tilespmem:$0xFA00] =	vst v63  }
0xf: {  	s15 =	sadd.s32 s19, s15  }
0x10: {  	v1 =	vld.msk [tilespmem:s15+$0x0 ss:$0x1], $0xffff;
	_ =	sdelay $0x4  }
0x11: {  	vm1 =	vgt.s32 v1, $0x0  }
0x12: {  	p0 =	sgt.s32 s18, $0x0;
	v1 =	vnsel vm1, $0x0, v1  }
0x13: {  	s18 =	simm.s32 @!p0 $0x0;
	v1 =	vmin.u32 v1, $0x4E1FF  }
0x14: {  	s25 =	smin.u32 s18, $0x10;
	v2 =	vshll.u32 v1, $0x2  }
0x15: {  	v3 =	vmov s25;
	v1 =	vand.u32 $0x7F, v1;
	v2 =	vand.u32 $0x1FFE00, v2  }
0x16: {  	vm1 =	vgt.u32 v3, v0;
	v1 =	vor.u32 v1, v2  }
0x17: {  	v2 =	vnsel vm1, $0x7FFFFFFF, v1;
	_ =	sdelay $0x1  }
0x18: {  	s26 =	sand.u32 $0x7E00, s16;
	v3 =	vor.u32 $0x80, v1  }
0x19: {  	s28 =	sand.u32 $0x70, s17;
	(ifvalue) =	ssetifvalue $0x7FFFFFFF;
	s15 =	sadd.s32 s26, s14;
	v3 =	vnsel vm1, $0x7FFFFFFF, v3  }
0x1a: {  	s15 =	sadd.s32 s28, s15;
	(ifvalue) =	ssetifvalue $0x7FFFFFFF  }
0x1b: {  	v4 =	vor.u32 $0x100, v1;
	[tilespmem:s15], [sflag:$0x1] =	stream.indirect_vreg.gather [hbm4b:s2+s10], $0x1, v2, vm0, $0x4038;
	[tilespmem:$0xFA00] =	vst v63  }
0x1c: {  	(ifvalue) =	ssetifvalue $0x7FFFFFFF;
	v2 =	vnsel vm1, $0x7FFFFFFF, v4  }
0x1d: {  	s16 =	sadd.s32 $0x80, s15;
	(ifvalue) =	ssetifvalue $0x7FFFFFFF  }
0x1e: {  	v1 =	vor.u32 $0x180, v1;
	[tilespmem:s16], [sflag:$0x1] =	stream.indirect_vreg.gather [hbm4b:s2+s10], $0x1, v3, vm0, $0x4038;
	[tilespmem:$0xFA00] =	vst v63  }
0x1f: {  	v1 =	vnsel vm1, $0x7FFFFFFF, v1;
	(ifvalue) =	ssetifvalue $0x7FFFFFFF  }
0x20: {  	s29 =	sadd.s32 $0x100, s15;
	(ifvalue) =	ssetifvalue $0x7FFFFFFF  }
0x21: {  	[tilespmem:s29], [sflag:$0x1] =	stream.indirect_vreg.gather [hbm4b:s2+s10], $0x1, v2, vm0, $0x4038;
	[tilespmem:$0xFA00] =	vst v63  }
0x22: {  	(ifvalue) =	ssetifvalue $0x7FFFFFFF  }
0x23: {  	s30 =	sshll.u32 s13, $0x2;
	s15 =	sadd.s32 $0x180, s15;
	(ifvalue) =	ssetifvalue $0x7FFFFFFF  }
0x24: {  	[tilespmem:s15], [sflag:$0x1] =	stream.indirect_vreg.gather [hbm4b:s2+s10], $0x1, v1, vm0, $0x4038;
	[tilespmem:$0xFA00] =	vst v63  }
0x25: {  	s31 =	sand.u32 $0x78, s13;
	s15 =	sand.u32 $0xFFFFFE00, s30  }
0x26: {  	_ =	swait.ge [sflag:s4], $0x6400;
	s13 =	sor.u32 s31, s15  }
0x27: {  	[sflag:s4] =	ssyncset.done $0x0;
	s13 =	sshrl.u32 s13, $0x3  }
0x28: {  	[sflag:s4] =	ssyncadd.s32 $0xFFFF9C00;
	s13 =	sadd.s32 s8, s13  }
0x29: {  	[hbm:s13] =	stream.linear.scatter [tilespmem:s14], [sflag:$0x3], $0x6400, $0x38;
	[tilespmem:$0xFA00] =	vst v63  }
.LBB2_5:
0x2a: {  	s15 =	sadd.s32 $0x32000, s11  }
0x2b: {  	p1 =	sgt.s32 s15, $0x4E1FF  }
0x2c: {  	s15 =	smov.u32 @p1 s5;
	p1 =	sne.s32 s12, s9  }
.Ltmp1:
0x2d: {  	p0 =	slt.u32 s12, $0x2;
	(pc) =	sbr.rel @!p1 .LBB2_6-.Ltmp1, $4  }
0x2e: {  	s14 =	simm.s32 @!p0 $0x3  }
0x2f: {  	_ =	swait.ge @!p0 [sflag:s14], $0x6400  }
0x30: {  	s16 =	sadd.s32 $0x1, s12;
	s13 =	smov.u32 s11;
	[sflag:s14] =	ssyncset.done @!p0 $0x0  }
0x31: {  	s12 =	smov.u32 s16;
	s11 =	smov.u32 s15;
	[sflag:s14] =	ssyncadd.s32 @!p0 $0xFFFF9C00  }
.LBB2_1:
0x32: {  	p0 =	sge.u32 s12, s7  }
0x33: {  	s14 =	sxor.u32 @!p0 $0x1, s12  }
0x34: {  	s14 =	smul.u32 @!p0 $0x6400, s14  }
0x35: {  	s31 =	sadd.s32 $0xFFFFFFFF, s12;
	s15 =	sshrl.u32 @!p0 s11, $0x3  }
0x36: {  	s16 =	sand.u32 @!p0 $0x7, s11;
	s15 =	sadd.s32 @!p0 s3, s15;
	s14 =	sshra.s32 @!p0 s14, $0x2  }
0x37: {  	[tilespmem:s14], [sflag:$0x2] =	stream.linear.gather @!p0 [hbm4b:s15+s16], $0x1900, $0x38;
	[tilespmem:$0xFA00] =	vst v63  }
0x38: {  	p0 =	sge.u32 s31, s7  }
.Ltmp2:
0x39: {  	_ = 	snop;
	(pc) =	sbr.rel @p0 .LBB2_5-.Ltmp2, $1  }
0x3a: {  	_ =	sdelay $0x3  }
0x3b: {  	s14 =	sand.u32 $0x1, s12  }
0x3c: {  	p0 =	seq.s32 s14, $0x1;
	s14 =	simm.s32 $0x6400  }
0x3d: {  	_ =	swait.ge [sflag:s6], $0x1900;
	s14 =	simm.s32 @!p0 $0x0  }
0x3e: {  	[sflag:s6] =	ssyncset.done $0x0;
	s15 =	sshrl.u32 s14, $0x2  }
0x3f: {  	[sflag:s6] =	ssyncadd.s32 $0xFFFFE700;
	s16 =	sadd.s32 $0x0, s15  }
0x40: {  	v1 =	vld.msk [tilespmem:s16+$0x0 ss:$0x1], $0xffff;
	_ =	sdelay $0x2  }
0x41: {  	s17 =	ssub.s32 $0x4E200, s13  }
0x42: {  	p0 =	slt.s32 s17, $0x1900  }
0x43: {  	s17 =	simm.s32 @!p0 $0x1900;
	vm1 =	vgt.s32 v1, $0x0  }
0x44: {  	p0 =	sgt.s32 s17, $0x0;
	s16 =	smov.u32 s17;
	v1 =	vnsel vm1, $0x0, v1  }
0x45: {  	s16 =	simm.s32 @!p0 $0x0;
	v1 =	vmin.u32 v1, $0x4E1FF  }
0x46: {  	s16 =	smin.u32 s16, $0x10;
	v2 =	vshll.u32 v1, $0x2  }
0x47: {  	v3 =	vmov s16;
	v1 =	vand.u32 $0x7F, v1;
	v2 =	vand.u32 $0x1FFE00, v2  }
0x48: {  	vm1 =	vgt.u32 v3, v0;
	v1 =	vor.u32 v1, v2  }
0x49: {  	v2 =	vnsel vm1, $0x7FFFFFFF, v1  }
0x4a: {  	s31 =	simm.s32 $0x0  }
0x4b: {  	s18 =	sand.u32 $0x7E00, s31;
	s14 =	sadd.s32 $0x3200, s14;
	v3 =	vor.u32 $0x80, v1  }
0x4c: {  	s18 =	sadd.s32 s18, s14;
	(ifvalue) =	ssetifvalue $0x7FFFFFFF;
	s16 =	sand.u32 $0x70, s31;
	v3 =	vnsel vm1, $0x7FFFFFFF, v3  }
0x4d: {  	(ifvalue) =	ssetifvalue $0x7FFFFFFF;
	s20 =	sadd.s32 s16, s18  }
0x4e: {  	v4 =	vor.u32 $0x100, v1;
	[tilespmem:s20], [sflag:$0x1] =	stream.indirect_vreg.gather [hbm4b:s2+s10], $0x1, v2, vm0, $0x4038;
	[tilespmem:$0xFA00] =	vst v63  }
0x4f: {  	(ifvalue) =	ssetifvalue $0x7FFFFFFF;
	v2 =	vnsel vm1, $0x7FFFFFFF, v4  }
0x50: {  	s16 =	sadd.s32 $0x80, s20;
	(ifvalue) =	ssetifvalue $0x7FFFFFFF  }
0x51: {  	v1 =	vor.u32 $0x180, v1;
	[tilespmem:s16], [sflag:$0x1] =	stream.indirect_vreg.gather [hbm4b:s2+s10], $0x1, v3, vm0, $0x4038;
	[tilespmem:$0xFA00] =	vst v63  }
0x52: {  	s19 =	simm.s32 $0x10;
	v1 =	vnsel vm1, $0x7FFFFFFF, v1;
	(ifvalue) =	ssetifvalue $0x7FFFFFFF  }
0x53: {  	s21 =	simm.s32 $0x80;
	s18 =	sadd.s32 $0x100, s20;
	(ifvalue) =	ssetifvalue $0x7FFFFFFF  }
0x54: {  	[tilespmem:s18], [sflag:$0x1] =	stream.indirect_vreg.gather [hbm4b:s2+s10], $0x1, v2, vm0, $0x4038;
	[tilespmem:$0xFA00] =	vst v63  }
0x55: {  	s22 =	sadd.s32 $0x180, s20;
	s16 =	simm.s32 $0x40;
	(ifvalue) =	ssetifvalue $0x7FFFFFFF  }
0x56: {  	s18 =	sadd.s32 $0xFFFFFFF0, s17;
	s17 =	simm.s32 $0x10;
	(ifvalue) =	ssetifvalue $0x7FFFFFFF  }
.LBB2_3:
0x57: {  	[tilespmem:s22], [sflag:$0x1] =	stream.indirect_vreg.gather [hbm4b:s2+s10], $0x1, v1, vm0, $0x4038;
	[tilespmem:$0xFA00] =	vst v63  }
0x58: {  	s22 =	smov.u32 s21  }
0x59: {  	s20 =	sadd.s32 $0x40, s21;
	s23 =	sadd.s32 s19, s15;
	s19 =	sshra.s32 s22, $0x2  }
0x5a: {  	p0 =	sne.s32 s21, $0x63C0;
	v1 =	vld.msk [tilespmem:s23+$0x0 ss:$0x1], $0xffff  }
0x5b: {  	(ifvalue) =	ssetifvalue $0x7FFFFFFF;
	_ =	sdelay $0x4  }
0x5c: {  	vm1 =	vgt.s32 v1, $0x0  }
0x5d: {  	p1 =	sgt.s32 s18, $0x0;
	s21 =	smov.u32 s18;
	v1 =	vnsel vm1, $0x0, v1  }
0x5e: {  	s21 =	simm.s32 @!p1 $0x0;
	v1 =	vmin.u32 v1, $0x4E1FF  }
0x5f: {  	s21 =	smin.u32 s21, $0x10;
	v2 =	vshll.u32 v1, $0x2  }
0x60: {  	v3 =	vmov s21;
	v1 =	vand.u32 $0x7F, v1;
	v2 =	vand.u32 $0x1FFE00, v2  }
0x61: {  	vm1 =	vgt.u32 v3, v0;
	v1 =	vor.u32 v1, v2  }
0x62: {  	v2 =	vnsel vm1, $0x7FFFFFFF, v1;
	v3 =	vor.u32 $0x80, v1;
	v4 =	vor.u32 $0x100, v1  }
0x63: {  	v1 =	vor.u32 $0x180, v1  }
0x64: {  	s21 =	sand.u32 $0x7E00, s16;
	s16 =	smov.u32 s22  }
0x65: {  	s22 =	sand.u32 $0x70, s17;
	s21 =	sadd.s32 s21, s14;
	v3 =	vnsel vm1, $0x7FFFFFFF, v3  }
0x66: {  	s21 =	sadd.s32 s22, s21;
	(ifvalue) =	ssetifvalue $0x7FFFFFFF  }
0x67: {  	[tilespmem:s21], [sflag:$0x1] =	stream.indirect_vreg.gather [hbm4b:s2+s10], $0x1, v2, vm0, $0x4038;
	[tilespmem:$0xFA00] =	vst v63  }
0x68: {  	v2 =	vnsel vm1, $0x7FFFFFFF, v4;
	(ifvalue) =	ssetifvalue $0x7FFFFFFF  }
0x69: {  	s22 =	sadd.s32 $0x80, s21;
	(ifvalue) =	ssetifvalue $0x7FFFFFFF  }
0x6a: {  	[tilespmem:s22], [sflag:$0x1] =	stream.indirect_vreg.gather [hbm4b:s2+s10], $0x1, v3, vm0, $0x4038;
	[tilespmem:$0xFA00] =	vst v63  }
.Ltmp3:
0x6b: {  	v1 =	vnsel vm1, $0x7FFFFFFF, v1;
	(ifvalue) =	ssetifvalue $0x7FFFFFFF;
	(pc) =	sbr.rel @p0 .LBB2_3-.Ltmp3, $4  }
0x6c: {  	s22 =	sadd.s32 $0x100, s21;
	(ifvalue) =	ssetifvalue $0x7FFFFFFF  }
0x6d: {  	[tilespmem:s22], [sflag:$0x1] =	stream.indirect_vreg.gather [hbm4b:s2+s10], $0x1, v2, vm0, $0x4038;
	[tilespmem:$0xFA00] =	vst v63  }
0x6e: {  	s18 =	sadd.s32 $0xFFFFFFF0, s18;
	s17 =	sadd.s32 $0x10, s17;
	(ifvalue) =	ssetifvalue $0x7FFFFFFF  }
0x6f: {  	s22 =	sadd.s32 $0x180, s21;
	s21 =	smov.u32 s20;
	(ifvalue) =	ssetifvalue $0x7FFFFFFF  }
.Ltmp4:
0x70: {  	_ = 	snop;
	(pc) =	sbr.rel .LBB2_4-.Ltmp4, $1  }
0x71: {  	_ =	sdelay $0x3  }
.LBB2_6:
0x72: {  	_ =	sfence.sel $0x180000  }
0x73: {  	s2 =	simm.s32 $0x2;
	[bflag:$0x0] =	sbarrier.arrive $0xFFFF  }
0x74: {  	s30 =	simm.s32 $0x3;
	[sflag:s2] =	ssyncpa.u1 $0x1  }
0x75: {  	s31 =	simm.s32 $0x1;
	[sflag:s30] =	ssyncpa.u1 $0x1  }
0x76: {  	[sflag:s31] =	ssyncpa.u1 $0x1  }
0x77: {  	p0 =	sne.s32 s1, $0x0;
	_ =	strace $0x9000004D  }
0x78: {  	s0 =	sadd.s32 @!p0 $0x100000, s0;
	[bflag:$0x2] =	sbarrier.arrive $0xFFFF  }
0x79: {  	[sflag:s0] =	ssyncadd.tile.s32 @!p0 $0x1;
	_ =	shalt  }
.Lfunc_end2:
_tile_overlayer_lowered:
.L_overlay_start_2:
0x7a: {  	(tag) =	ssettag $0x2  }
0x7b: {  	s0 =	rddreg [dreg:$0x0];
	s2 =	stileid.u32  }
0x7c: {  	s1 =	rddreg [dreg:$0x1];
	p0 =	sne.s32 s2, $0x0  }
0x7d: {  	s3 =	rddreg [dreg:$0x2];
	[bflag:$0x3] =	sbarrier.arrive $0xFFFF;
	s2 =	simm.s32 @!p0 $0x1C01  }
0x7e: {  	[timem:s3], [sflag:s2] =	dma.local @!p0 [hbm:s0], s1  }
0x7f: {  	s0 =	simm.s32 @!p0 $0x1  }
0x80: {  	_ =	swait.ge @!p0 [sflag:s0], s1  }
0x81: {  	s1 =	ssub.s32 @!p0 $0x0, s1;
	[sflag:s0] =	ssyncset.done @!p0 $0x0  }
0x82: {  	[sflag:s0] =	ssyncadd.s32 @!p0 s1  }
0x83: {  	[bflag:$0x3] =	sbarrier.arrive $0xFFFF  }
0x84: {  	_ =	shalt  }

// kernel: gather_offload_async_start
scs
__scs_entry_jumppad:
0x0: {  	(pc) =	sbr.rel $0x88, $3  }
0x1: {  	(tag) =	ssettag $0x0;
	lr =	simm.s32 $0x1  }
0x2: {  	[smem:$0x3F8E] =	sst lr;
	_ =	strace $0xD0000000  }
0x3: {  	_ = 	snop  }
0x4: {  	_ = 	snop  }
0x5: {  	_ = 	snop  }
0x6: {  	_ = 	snop  }
0x7: {  	_ = 	snop  }
__scs_overlays_trampoline_lowered:
0x8: {  	[smem:$0x3F9D] =	sst s0  }
0x9: {  	[smem:$0x3F9E] =	sst s1  }
0xa: {  	[smem:$0x3F9F] =	sst s2  }
0xb: {  	[smem:$0x3FA0] =	sst s3  }
0xc: {  	[smem:$0x3FA1] =	sst s4  }
0xd: {  	[smem:$0x3FA2] =	sst s5  }
0xe: {  	[smem:$0x3FA3] =	sst s6  }
0xf: {  	[smem:$0x3FA4] =	sst s7  }
0x10: {  	[smem:$0x3FA5] =	sst s8  }
0x11: {  	[smem:$0x3FA6] =	sst s9;
	s0 =	simm.s32 @!p0 $0x0  }
0x12: {  	s1 =	sld [smem:$0x3F8C];
	s0 =	simm.s32 @p0 $0x1  }
0x13: {  	[smem:$0x3FA7] =	sst s0;
	s0 =	simm.s32 @!p1 $0x0  }
0x14: {  	s2 =	sld [smem:$0x3F8B];
	s0 =	simm.s32 @p1 $0x1  }
0x15: {  	[smem:$0x3FA8] =	sst s0;
	s0 =	simm.s32 @!p2 $0x0  }
0x16: {  	s3 =	sld [smem:$0x3FDB];
	s0 =	simm.s32 @p2 $0x1  }
0x17: {  	s4 =	simm.s32 $0x1BF5;
	[smem:$0x3FAA] =	sst s0  }
0x18: {  	s0 =	sld [smem:$0x3F8D];
	_ =	swait.ge [sflag:s4], $0x0  }
0x19: {  	s7 =	sld [smem:$0x3F8E]  }
0x1a: {  	s8 =	sadd.s32 $0xFFFFE003, lr  }
0x1b: {  	s9 =	sadd.s32 $0xFFFFFEF7, lr;
	s5 =	simm.s32 $0xFFFFFFFF;
	p2 =	slt.u32 s8, $0xFFFFF086  }
0x1c: {  	p1 =	slt.u32 s9, $0xF7A;
	s5 =	simm.s32 @!p2 $0x0  }
0x1d: {  	s5 =	simm.s32 @p1 $0x1;
	p0 =	seq.s32 s7, s2  }
0x1e: {  	s7 =	smul.u32 @!p0 $0xF7A, s2;
	p2 =	seq.s32 @!p0 s5, $0x0  }
0x1f: {  	s9 =	smul.u32 $0xF7A, s1;
	s8 =	simm.s32 @!p0 $0x1BF5;
	p2 =	por !p2, p0  }
0x20: {  	[sflag:s8] =	ssyncset.s32 @!p0 $0xFFFFF086;
	s6 =	sadd.s32 @!p0 s3, s7;
	s7 =	simm.s32 @!p0 $0x108  }
0x21: {  	s3 =	sadd.s32 s3, s9;
	s6 =	sadd.s32 @!p0 $0x88, s6;
	s7 =	simm.s32 @p2 $0x1082  }
0x22: {  	[simem:s7], [sflag:s8] =	dma.local @!p0 [hbm:s6], $0xF7A  }
0x23: {  	s9 =	sor.u32 $0xD0000000, s2;
	s6 =	simm.s32 $0x108;
	_ =	swait.ge @!p0 [sflag:s8], $0x0  }
0x24: {  	s3 =	sadd.s32 $0x88, s3;
	s6 =	simm.s32 @!p1 $0x1082;
	[sflag:s4] =	ssyncset.s32 $0xFFFFF086  }
0x25: {  	[simem:s6], [sflag:s4] =	dma.local [hbm:s3], $0xF7A  }
0x26: {  	[smem:$0x3F8E] =	sst s1;
	(tag) =	ssettag s2;
	_ =	strace s9  }
0x27: {  	s1 =	sld [smem:$0x3F9E]  }
0x28: {  	s2 =	sld [smem:$0x3F9F]  }
0x29: {  	s4 =	sld [smem:$0x3FA1]  }
0x2a: {  	p0 =	seq.s32 s5, $0x0;
	s5 =	sld [smem:$0x3FA2]  }
0x2b: {  	s6 =	sld [smem:$0x3FA3]  }
0x2c: {  	s7 =	sld [smem:$0x3FA4]  }
0x2d: {  	s3 =	simm.s32 $0x108;
	s8 =	sld [smem:$0x3FA5]  }
0x2e: {  	s3 =	simm.s32 @!p0 $0x1082;
	s9 =	sld [smem:$0x3FA6]  }
0x2f: {  	lr =	sadd.s32 s0, s3;
	s0 =	sld [smem:$0x3F9D]  }
0x30: {  	s3 =	sld [smem:$0x3FA0]  }
0x31: {  	[smem:$0x3FA9] =	sst s10  }
0x32: {  	s10 =	sld [smem:$0x3FA7];
	_ =	sdelay $0x3  }
0x33: {  	p0 =	seq.s32 s10, $0x1;
	s10 =	sld [smem:$0x3FA9];
	_ =	sdelay $0x3  }
0x34: {  	[smem:$0x3FA9] =	sst s10  }
0x35: {  	s10 =	sld [smem:$0x3FA8];
	_ =	sdelay $0x3  }
0x36: {  	p1 =	seq.s32 s10, $0x1;
	s10 =	sld [smem:$0x3FA9];
	_ =	sdelay $0x3  }
0x37: {  	[smem:$0x3FA9] =	sst s10  }
0x38: {  	s10 =	sld [smem:$0x3FAA]  }
0x39: {  	_ = 	snop;
	(pc) =	sbr.ind lr, $3  }
0x3a: {  	_ = 	snop  }
0x3b: {  	_ = 	snop  }
0x3c: {  	p2 =	seq.s32 s10, $0x1;
	s10 =	sld [smem:$0x3FA9]  }
0x3d: {  	_ =	shalt  }
0x3e: {  	_ =	shalt  }
0x3f: {  	_ =	shalt  }
0x40: {  	_ =	shalt  }
0x41: {  	_ =	shalt  }
0x42: {  	_ =	shalt  }
0x43: {  	_ =	shalt  }
0x44: {  	_ =	shalt  }
0x45: {  	_ =	shalt  }
0x46: {  	_ =	shalt  }
0x47: {  	_ =	shalt  }
0x48: {  	_ =	shalt  }
0x49: {  	_ =	shalt  }
0x4a: {  	_ =	shalt  }
0x4b: {  	_ =	shalt  }
0x4c: {  	_ =	shalt  }
0x4d: {  	_ =	shalt  }
0x4e: {  	_ =	shalt  }
0x4f: {  	_ =	shalt  }
0x50: {  	_ =	shalt  }
0x51: {  	_ =	shalt  }
0x52: {  	_ =	shalt  }
0x53: {  	_ =	shalt  }
0x54: {  	_ =	shalt  }
0x55: {  	_ =	shalt  }
0x56: {  	_ =	shalt  }
0x57: {  	_ =	shalt  }
0x58: {  	_ =	shalt  }
0x59: {  	_ =	shalt  }
0x5a: {  	_ =	shalt  }
0x5b: {  	_ =	shalt  }
0x5c: {  	_ =	shalt  }
0x5d: {  	_ =	shalt  }
0x5e: {  	_ =	shalt  }
0x5f: {  	_ =	shalt  }
0x60: {  	_ =	shalt  }
0x61: {  	_ =	shalt  }
0x62: {  	_ =	shalt  }
0x63: {  	_ =	shalt  }
0x64: {  	_ =	shalt  }
0x65: {  	_ =	shalt  }
0x66: {  	_ =	shalt  }
0x67: {  	_ =	shalt  }
0x68: {  	_ =	shalt  }
0x69: {  	_ =	shalt  }
0x6a: {  	_ =	shalt  }
0x6b: {  	_ =	shalt  }
0x6c: {  	_ =	shalt  }
0x6d: {  	_ =	shalt  }
0x6e: {  	_ =	shalt  }
0x6f: {  	_ =	shalt  }
0x70: {  	_ =	shalt  }
0x71: {  	_ =	shalt  }
0x72: {  	_ =	shalt  }
0x73: {  	_ =	shalt  }
0x74: {  	_ =	shalt  }
0x75: {  	_ =	shalt  }
0x76: {  	_ =	shalt  }
0x77: {  	_ =	shalt  }
0x78: {  	_ =	shalt  }
0x79: {  	_ =	shalt  }
0x7a: {  	_ =	shalt  }
0x7b: {  	_ =	shalt  }
0x7c: {  	_ =	shalt  }
0x7d: {  	_ =	shalt  }
0x7e: {  	_ =	shalt  }
0x7f: {  	_ =	shalt  }
0x80: {  	_ =	shalt  }
0x81: {  	_ =	shalt  }
0x82: {  	_ =	shalt  }
0x83: {  	_ =	shalt  }
0x84: {  	_ =	shalt  }
0x85: {  	_ =	shalt  }
0x86: {  	_ =	shalt  }
0x87: {  	_ =	shalt  }
.Lfunc_end0:
.L_simem_size_0:
called_computation_lowered:
.L_overlay_start_0:
0x88: {  	s2 =	sld [smem:$0x3FD9]  }
0x89: {  	s3 =	sld [smem:$0x3FFE];
	_ =	sdelay $0x1  }
0x8a: {  	s1 =	srdreg.scid  }
0x8b: {  	s0 =	sand.u32 $0x1, s1  }
0x8c: {  	s17 =	sshll.u32 s0, $0xA;
	s2 =	sadd.s32 s3, s2  }
0x8d: {  	s2 =	sadd.s32 s2, s17  }
0x8e: {  	[smem:$0x3FB5] =	sst s2  }
0x8f: {  	_ = 	snop  }
0x90: {  	(tm) =	ssettm $0x1  }
0x91: {  	s18 =	sld [smem:$0x3FFB];
	_ =	sdelay $0x3  }
0x92: {  	_ =	strace s18  }
0x93: {  	s2 =	sld [smem:$0x3FFC];
	_ =	sdelay $0x3  }
0x94: {  	_ =	strace s2  }
0x95: {  	s2 =	sld [smem:$0x3FFD];
	_ =	sdelay $0x3  }
0x96: {  	_ =	strace s2  }
0x97: {  	_ =	strace $0x8FFFFFFF  }
0x98: {  	s19 =	sld [smem:$0x3FDB];
	_ =	sdelay $0x1  }
0x99: {  	s20 =	simm.s32 $_scs_section_size  }
0x9a: {  	s4 =	simm.s32 $_size__tile_overlayer_lowered;
	s5 =	simm.s32 $_tile_overlayer_lowered  }
0x9b: {  	s6 =	simm.s32 $0x1BFF;
	s21 =	sshll.u32 s5, $0x1;
	s3 =	sadd.s32 s20, s19  }
0x9c: {  	s22 =	simm.s32 $0x0;
	s4 =	sshll.u32 s4, $0x1;
	s5 =	sadd.s32 s21, s3  }
0x9d: {  	[timem:s22], [sflag:s6] =	dma.local [hbm:s5], s4  }
0x9e: {  	_ =	swait.ge [sflag:s6], s4  }
0x9f: {  	s4 =	ssub.s32 $0x0, s4;
	[sflag:s6] =	ssyncset.done $0x0  }
0xa0: {  	[sflag:s6] =	ssyncadd.s32 s4;
	_ =	sdelay $0x1  }
0xa1: {  	s23 =	simm.s32 $0x1B8B  }
0xa2: {  	_ =	swait.ge [sflag:s23], $0x1  }
0xa3: {  	[sflag:s23] =	ssyncset.done $0x0  }
0xa4: {  	[sflag:s23] =	ssyncadd.s32 $0xFFFFFFFF  }
0xa5: {  	s4 =	sld [smem:$0x0]  }
0xa6: {  	s5 =	sand.u32 $0xFFFFFFFE, s1  }
0xa7: {  	p0 =	sne.s32 s1, s5  }
0xa8: {  	s5 =	sshll.u32 @p0 s5, $0xE  }
0xa9: {  	s5 =	sadd.s32 @p0 $0x11B8D, s5;
	s6 =	sshll.u32 @p0 s4, $0x11  }
0xaa: {  	s5 =	sor.u32 @p0 s6, s5  }
0xab: {  	[sflag:s5] =	ssyncadd.remote.s32 @p0 $0x1;
	_ =	sdelay $0x1  }
0xac: {  	s5 =	simm.s32 @p0 $0x1B8D  }
0xad: {  	_ =	swait.eq @p0 [sflag:s5], $0x1  }
0xae: {  	[sflag:s5] =	ssyncadd.s32 @p0 $0xFFFFFFFF  }
0xaf: {  	s6 =	sshll.u32 @!p0 s1, $0xE  }
0xb0: {  	s6 =	sor.u32 @!p0 $0x4000, s6;
	s5 =	simm.s32 @!p0 $0x1B8D  }
0xb1: {  	s4 =	sshll.u32 @!p0 s4, $0x11;
	s6 =	sadd.s32 @!p0 $0x11B8D, s6;
	_ =	swait.eq @!p0 [sflag:s5], $0x1  }
0xb2: {  	s4 =	sor.u32 @!p0 s4, s6;
	[sflag:s5] =	ssyncadd.s32 @!p0 $0xFFFFFFFF  }
0xb3: {  	s25 =	simm.s32 $0x1B8E;
	s24 =	sld [smem:$0x3FFE];
	[sflag:s4] =	ssyncadd.remote.s32 @!p0 $0x1  }
0xb4: {  	s26 =	simm.s32 $execute0_lowered;
	[smem:$0x3FD2] =	sst s25  }
0xb5: {  	s5 =	sshll.u32 s26, $0x1;
	_ =	strace $0x80000049;
	[dreg:$0x1] =	wrdreg $0xFFFFFFFF  }
0xb6: {  	s28 =	simm.s32 $_size_execute0_lowered;
	s3 =	sadd.s32 s3, s5;
	[dreg:$0x0] =	wrdreg $0x0  }
0xb7: {  	s5 =	sshll.u32 s28, $0x1;
	[dreg:$0x2] =	wrdreg s3  }
0xb8: {  	[dreg:$0x3] =	wrdreg s5  }
0xb9: {  	[dreg:$0x4] =	wrdreg $0xC0  }
0xba: {  	_ =	task [dreg:s22], $0x5FFFF  }
0xbb: {  	[dreg:$0x1] =	wrdreg $0xFFFFFFFF  }
0xbc: {  	[dreg:$0x0] =	wrdreg $0x60  }
0xbd: {  	[dreg:$0x2] =	wrdreg s24  }
0xbe: {  	[dreg:$0x3] =	wrdreg $0xA  }
0xbf: {  	_ =	task.clear_ibuf [dreg:s22], $0x4FFFF;
	_ =	strace $0x90000049  }
0xc0: {  	s29 =	simm.s32 $0xA;
	_ =	strace $0x8000004B  }
0xc1: {  	_ =	swait.ge [sflag:s29], $0x1  }
0xc2: {  	[sflag:s29] =	ssyncadd.s32 $0xFFFFFFFF  }
0xc3: {  	_ =	strace $0x9000004B  }
0xc4: {  	_ =	sfence  }
0xc5: {  	s30 =	sld [smem:$0x0];
	_ =	sdelay $0x2  }
0xc6: {  	s31 =	sshll.u32 s1, $0xD;
	s1 =	sshrl.u32 s1, $0x2  }
0xc7: {  	s4 =	sand.u32 $0x4000, s31;
	s1 =	sadd.s32 s1, s30  }
0xc8: {  	s0 =	sor.u32 s4, s0;
	s1 =	sshll.u32 s1, $0x11  }
0xc9: {  	s0 =	sor.u32 s1, s0  }
0xca: {  	s0 =	sadd.s32 $0x8F2B, s0  }
0xcb: {  	[sflag:s0] =	ssyncadd.remote.s32 $0x1  }
0xcc: {  	_ =	sfence.sel $0xFFFF  }
0xcd: {  	[dreg:$0x0] =	wrdreg $0xFFFFFFFF;
	(pc) =	sbr.abs _section_cstart, $3  }
0xce: {  	[dreg:$0x1] =	wrdreg $0xFFFFFFFF  }
0xcf: {  	_ =	task.clear_ibuf [dreg:s22], $0x2FFFF;
	_ =	strace $0x9FFFFFFF  }
0xd0: {  	(tm) =	ssettm $0x7FFFFFFF  }
0xd1: {  	_ =	shalt  }
tec
execute0_lowered:
.L_overlay_start_1:
0x0: {  	(tag) =	ssettag $0x1  }
0x1: {  	s8 =	rddreg [dreg:$0x0]  }
0x2: {  	s0 =	rddreg [dreg:$0x1];
	_ =	strace $0x8000004A;
	s1 =	stileid.u32  }
0x3: {  	s3 =	srdreg.scid;
	s4 =	simm.s32 $0x1;
	s7 =	simm.s32 $0x1  }
0x4: {  	s9 =	simm.s32 $0x1;
	s10 =	simm.s32 $0x3;
	s13 =	simm.s32 $0x0  }
0x5: {  	s12 =	simm.s32 $0x0;
	s5 =	sand.u32 $0x1, s3;
	s6 =	sshll.u32 s1, $0x1  }
0x6: {  	s2 =	sadd.s32 $0x8800, s8;
	s3 =	sadd.s32 $0x1C400, s8;
	s5 =	sor.u32 s6, s5  }
.Ltmp0:
0x7: {  	[sflag:s4] =	ssyncpa.u1 $0x0;
	p0 =	slt.u32 s5, $0x9;
	(pc) =	sbr.rel .LBB2_1-.Ltmp0, $4  }
0x8: {  	s6 =	simm.s32 $0x2;
	s7 =	simm.s32 @!p0 $0x0;
	p0 =	sne.s32 s5, $0x8  }
0x9: {  	[sflag:s6] =	ssyncpa.u1 $0x0;
	s5 =	smul.u32 $0x1F40, s5;
	s9 =	simm.s32 @!p0 $0x0  }
0xa: {  	s8 =	sadd.s32 $0x30000, s8;
	[sflag:s10] =	ssyncpa.u1 $0x0;
	s7 =	sadd.s32 s9, s7  }
0xb: {  	vm0 =	vmmov $0xffff;
	s10 =	simm.s32 $0x0;
	s11 =	smov.u32 s5;
	s9 =	sadd.s32 $0x1, s7  }
.LBB2_4:
0xc: {  	v2 =	vnsel vm1, $0x0, v2  }
0xd: {  	vm1 =	vgt.s32 v0, $0x0;
	v2 =	vmin.u32 v2, $0x4E1FF  }
0xe: {  	v0 =	vnsel vm1, $0x0, v0  }
0xf: {  	v0 =	vmin.u32 v0, $0x4E1FF  }
0x10: {  	[tilespmem:s18], [sflag:$0x1] =	stream.indirect_vreg.gather [hbm4b:s2+s10], $0x1, v1, vm0, $0x4038;
	[tilespmem:$0x7D00] =	vst v63  }
0x11: {  	(ifvalue) =	ssetifvalue $0x7FFFFFFF  }
0x12: {  	[tilespmem:s15], [sflag:$0x1] =	stream.indirect_vreg.gather [hbm4b:s2+s10], $0x1, v2, vm0, $0x4038;
	[tilespmem:$0x7D00] =	vst v63  }
0x13: {  	s29 =	sadd.s32 $0x10, s15;
	(ifvalue) =	ssetifvalue $0x7FFFFFFF  }
0x14: {  	[tilespmem:s29], [sflag:$0x1] =	stream.indirect_vreg.gather [hbm4b:s2+s10], $0x1, v0, vm0, $0x4038;
	[tilespmem:$0x7D00] =	vst v63  }
0x15: {  	_ =	swait.ge [sflag:s4], $0x1F40  }
0x16: {  	s30 =	sshrl.u32 s13, $0x3;
	[sflag:s4] =	ssyncset.done $0x0  }
0x17: {  	s31 =	sand.u32 $0x7, s13;
	s15 =	sadd.s32 s8, s30;
	[sflag:s4] =	ssyncadd.s32 $0xFFFFE0C0  }
0x18: {  	[hbm4b:s15+s31] =	stream.linear.scatter [tilespmem:s14], [sflag:$0x3], $0x1F40, $0x38;
	[tilespmem:$0x7D00] =	vst v63  }
.LBB2_5:
0x19: {  	s15 =	sadd.s32 $0x3E800, s11  }
0x1a: {  	p1 =	sgt.s32 s15, $0x4E1FF  }
0x1b: {  	s15 =	smov.u32 @p1 s5;
	p1 =	sne.s32 s12, s9  }
.Ltmp1:
0x1c: {  	p0 =	slt.u32 s12, $0x2;
	(pc) =	sbr.rel @!p1 .LBB2_6-.Ltmp1, $4  }
0x1d: {  	s14 =	simm.s32 @!p0 $0x3  }
0x1e: {  	_ =	swait.ge @!p0 [sflag:s14], $0x1F40  }
0x1f: {  	s16 =	sadd.s32 $0x1, s12;
	s13 =	smov.u32 s11;
	[sflag:s14] =	ssyncset.done @!p0 $0x0  }
0x20: {  	s12 =	smov.u32 s16;
	s11 =	smov.u32 s15;
	[sflag:s14] =	ssyncadd.s32 @!p0 $0xFFFFE0C0  }
.LBB2_1:
0x21: {  	p0 =	sge.u32 s12, s7  }
0x22: {  	s14 =	sxor.u32 @!p0 $0x1, s12  }
0x23: {  	s14 =	smul.u32 @!p0 $0x7D00, s14  }
0x24: {  	s31 =	sadd.s32 $0xFFFFFFFF, s12;
	s15 =	sshrl.u32 @!p0 s11, $0x3  }
0x25: {  	s16 =	sand.u32 @!p0 $0x7, s11;
	s15 =	sadd.s32 @!p0 s3, s15;
	s14 =	sshra.s32 @!p0 s14, $0x2  }
0x26: {  	[tilespmem:s14], [sflag:$0x2] =	stream.linear.gather @!p0 [hbm4b:s15+s16], $0x1F40, $0x38;
	[tilespmem:$0x7D00] =	vst v63  }
0x27: {  	p0 =	sge.u32 s31, s7  }
.Ltmp2:
0x28: {  	_ = 	snop;
	(pc) =	sbr.rel @p0 .LBB2_5-.Ltmp2, $1  }
0x29: {  	_ =	sdelay $0x3  }
0x2a: {  	s14 =	sand.u32 $0x1, s12  }
0x2b: {  	_ =	swait.ge [sflag:s6], $0x1F40;
	p0 =	seq.s32 s14, $0x1;
	s14 =	simm.s32 $0x1F40  }
0x2c: {  	[sflag:s6] =	ssyncset.done $0x0;
	s14 =	simm.s32 @!p0 $0x0  }
0x2d: {  	[sflag:s6] =	ssyncadd.s32 $0xFFFFE0C0;
	(ifvalue) =	ssetifvalue $0x7FFFFFFF;
	v0 =	vld.msk [tilespmem:s14+$0x0 ss:$0x1], $0xffff;
	_ =	sdelay $0x4  }
0x2e: {  	s15 =	sadd.s32 $0x10, s14;
	vm1 =	vgt.s32 v0, $0x0  }
0x2f: {  	v2 =	vld.msk [tilespmem:s15+$0x0 ss:$0x1], $0xffff;
	v1 =	vnsel vm1, $0x0, v0  }
0x30: {  	v1 =	vmin.u32 v1, $0x4E1FF;
	_ =	sdelay $0x2  }
0x31: {  	s17 =	simm.s32 $0x20;
	s14 =	sadd.s32 $0x3E80, s14;
	s16 =	sadd.s32 $0x10, s15  }
0x32: {  	s15 =	sadd.s32 $0x10, s14;
	s18 =	smov.u32 s14;
	v0 =	vld.msk [tilespmem:s16+$0x0 ss:$0x1], $0xffff;
	vm1 =	vgt.s32 v2, $0x0;
	(ifvalue) =	ssetifvalue $0x7FFFFFFF  }
.LBB2_3:
0x33: {  	[tilespmem:s18], [sflag:$0x1] =	stream.indirect_vreg.gather [hbm4b:s2+s10], $0x1, v1, vm0, $0x4038;
	[tilespmem:$0x7D00] =	vst v63  }
0x34: {  	s17 =	sadd.s32 $0x10, s17  }
0x35: {  	v2 =	vnsel vm1, $0x0, v2;
	p0 =	slt.u32 s17, $0x1F30  }
.Ltmp3:
0x36: {  	s18 =	smov.u32 s15;
	v1 =	vmin.u32 v2, $0x4E1FF;
	(pc) =	sbr.rel @p0 .LBB2_3-.Ltmp3, $3  }
0x37: {  	_ =	sdelay $0x1  }
0x38: {  	s16 =	sadd.s32 $0x10, s16  }
0x39: {  	vm1 =	vgt.s32 v0, $0x0;
	s15 =	sadd.s32 $0x10, s15;
	v2 =	vmov v0;
	(ifvalue) =	ssetifvalue $0x7FFFFFFF;
	v0 =	vld.msk [tilespmem:s16+$0x0 ss:$0x1], $0xffff  }
.Ltmp4:
0x3a: {  	_ = 	snop;
	(pc) =	sbr.rel .LBB2_4-.Ltmp4, $1  }
0x3b: {  	_ =	sdelay $0x3  }
.LBB2_6:
0x3c: {  	_ =	sfence.sel $0x180000  }
0x3d: {  	s2 =	simm.s32 $0x2;
	[bflag:$0x0] =	sbarrier.arrive $0xFFFF  }
0x3e: {  	s30 =	simm.s32 $0x3;
	[sflag:s2] =	ssyncpa.u1 $0x1  }
0x3f: {  	s31 =	simm.s32 $0x1;
	[sflag:s30] =	ssyncpa.u1 $0x1  }
0x40: {  	[sflag:s31] =	ssyncpa.u1 $0x1  }
0x41: {  	p0 =	sne.s32 s1, $0x0;
	_ =	strace $0x9000004A  }
0x42: {  	s0 =	sadd.s32 @!p0 $0x100000, s0;
	[bflag:$0x2] =	sbarrier.arrive $0xFFFF  }
0x43: {  	[sflag:s0] =	ssyncadd.tile.s32 @!p0 $0x1;
	_ =	shalt  }
.Lfunc_end2:
_tile_overlayer_lowered:
.L_overlay_start_2:
0x44: {  	(tag) =	ssettag $0x2  }
0x45: {  	s0 =	rddreg [dreg:$0x0];
	s2 =	stileid.u32  }
0x46: {  	s1 =	rddreg [dreg:$0x1];
	p0 =	sne.s32 s2, $0x0  }
0x47: {  	s3 =	rddreg [dreg:$0x2];
	[bflag:$0x3] =	sbarrier.arrive $0xFFFF;
	s2 =	simm.s32 @!p0 $0x1C01  }
0x48: {  	[timem:s3], [sflag:s2] =	dma.local @!p0 [hbm:s0], s1  }
0x49: {  	s0 =	simm.s32 @!p0 $0x1  }
0x4a: {  	_ =	swait.ge @!p0 [sflag:s0], s1  }
0x4b: {  	s1 =	ssub.s32 @!p0 $0x0, s1;
	[sflag:s0] =	ssyncset.done @!p0 $0x0  }
0x4c: {  	[sflag:s0] =	ssyncadd.s32 @!p0 s1  }
0x4d: {  	[bflag:$0x3] =	sbarrier.arrive $0xFFFF  }
0x4e: {  	_ =	shalt  }

// kernel: kernel.19.cloned.1.call-start
scs
__scs_entry_jumppad:
0x0: {  	(pc) =	sbr.rel $0x88, $3  }
0x1: {  	(tag) =	ssettag $0x0;
	lr =	simm.s32 $0x1  }
0x2: {  	[smem:$0x3F8E] =	sst lr;
	_ =	strace $0xD0000000  }
0x3: {  	_ = 	snop  }
0x4: {  	_ = 	snop  }
0x5: {  	_ = 	snop  }
0x6: {  	_ = 	snop  }
0x7: {  	_ = 	snop  }
__scs_overlays_trampoline_lowered:
0x8: {  	[smem:$0x3F9D] =	sst s0  }
0x9: {  	[smem:$0x3F9E] =	sst s1  }
0xa: {  	[smem:$0x3F9F] =	sst s2  }
0xb: {  	[smem:$0x3FA0] =	sst s3  }
0xc: {  	[smem:$0x3FA1] =	sst s4  }
0xd: {  	[smem:$0x3FA2] =	sst s5  }
0xe: {  	[smem:$0x3FA3] =	sst s6  }
0xf: {  	[smem:$0x3FA4] =	sst s7  }
0x10: {  	[smem:$0x3FA5] =	sst s8  }
0x11: {  	[smem:$0x3FA6] =	sst s9;
	s0 =	simm.s32 @!p0 $0x0  }
0x12: {  	s1 =	sld [smem:$0x3F8C];
	s0 =	simm.s32 @p0 $0x1  }
0x13: {  	[smem:$0x3FA7] =	sst s0;
	s0 =	simm.s32 @!p1 $0x0  }
0x14: {  	s2 =	sld [smem:$0x3F8B];
	s0 =	simm.s32 @p1 $0x1  }
0x15: {  	[smem:$0x3FA8] =	sst s0;
	s0 =	simm.s32 @!p2 $0x0  }
0x16: {  	s3 =	sld [smem:$0x3FDB];
	s0 =	simm.s32 @p2 $0x1  }
0x17: {  	s4 =	simm.s32 $0x1BF5;
	[smem:$0x3FAA] =	sst s0  }
0x18: {  	s0 =	sld [smem:$0x3F8D];
	_ =	swait.ge [sflag:s4], $0x0  }
0x19: {  	s7 =	sld [smem:$0x3F8E]  }
0x1a: {  	s8 =	sadd.s32 $0xFFFFE003, lr  }
0x1b: {  	s9 =	sadd.s32 $0xFFFFFEF7, lr;
	s5 =	simm.s32 $0xFFFFFFFF;
	p2 =	slt.u32 s8, $0xFFFFF086  }
0x1c: {  	p1 =	slt.u32 s9, $0xF7A;
	s5 =	simm.s32 @!p2 $0x0  }
0x1d: {  	s5 =	simm.s32 @p1 $0x1;
	p0 =	seq.s32 s7, s2  }
0x1e: {  	s7 =	smul.u32 @!p0 $0xF7A, s2;
	p2 =	seq.s32 @!p0 s5, $0x0  }
0x1f: {  	s9 =	smul.u32 $0xF7A, s1;
	s8 =	simm.s32 @!p0 $0x1BF5;
	p2 =	por !p2, p0  }
0x20: {  	[sflag:s8] =	ssyncset.s32 @!p0 $0xFFFFF086;
	s6 =	sadd.s32 @!p0 s3, s7;
	s7 =	simm.s32 @!p0 $0x108  }
0x21: {  	s3 =	sadd.s32 s3, s9;
	s6 =	sadd.s32 @!p0 $0x88, s6;
	s7 =	simm.s32 @p2 $0x1082  }
0x22: {  	[simem:s7], [sflag:s8] =	dma.local @!p0 [hbm:s6], $0xF7A  }
0x23: {  	s9 =	sor.u32 $0xD0000000, s2;
	s6 =	simm.s32 $0x108;
	_ =	swait.ge @!p0 [sflag:s8], $0x0  }
0x24: {  	s3 =	sadd.s32 $0x88, s3;
	s6 =	simm.s32 @!p1 $0x1082;
	[sflag:s4] =	ssyncset.s32 $0xFFFFF086  }
0x25: {  	[simem:s6], [sflag:s4] =	dma.local [hbm:s3], $0xF7A  }
0x26: {  	[smem:$0x3F8E] =	sst s1;
	(tag) =	ssettag s2;
	_ =	strace s9  }
0x27: {  	s1 =	sld [smem:$0x3F9E]  }
0x28: {  	s2 =	sld [smem:$0x3F9F]  }
0x29: {  	s4 =	sld [smem:$0x3FA1]  }
0x2a: {  	p0 =	seq.s32 s5, $0x0;
	s5 =	sld [smem:$0x3FA2]  }
0x2b: {  	s6 =	sld [smem:$0x3FA3]  }
0x2c: {  	s7 =	sld [smem:$0x3FA4]  }
0x2d: {  	s3 =	simm.s32 $0x108;
	s8 =	sld [smem:$0x3FA5]  }
0x2e: {  	s3 =	simm.s32 @!p0 $0x1082;
	s9 =	sld [smem:$0x3FA6]  }
0x2f: {  	lr =	sadd.s32 s0, s3;
	s0 =	sld [smem:$0x3F9D]  }
0x30: {  	s3 =	sld [smem:$0x3FA0]  }
0x31: {  	[smem:$0x3FA9] =	sst s10  }
0x32: {  	s10 =	sld [smem:$0x3FA7];
	_ =	sdelay $0x3  }
0x33: {  	p0 =	seq.s32 s10, $0x1;
	s10 =	sld [smem:$0x3FA9];
	_ =	sdelay $0x3  }
0x34: {  	[smem:$0x3FA9] =	sst s10  }
0x35: {  	s10 =	sld [smem:$0x3FA8];
	_ =	sdelay $0x3  }
0x36: {  	p1 =	seq.s32 s10, $0x1;
	s10 =	sld [smem:$0x3FA9];
	_ =	sdelay $0x3  }
0x37: {  	[smem:$0x3FA9] =	sst s10  }
0x38: {  	s10 =	sld [smem:$0x3FAA]  }
0x39: {  	_ = 	snop;
	(pc) =	sbr.ind lr, $3  }
0x3a: {  	_ = 	snop  }
0x3b: {  	_ = 	snop  }
0x3c: {  	p2 =	seq.s32 s10, $0x1;
	s10 =	sld [smem:$0x3FA9]  }
0x3d: {  	_ =	shalt  }
0x3e: {  	_ =	shalt  }
0x3f: {  	_ =	shalt  }
0x40: {  	_ =	shalt  }
0x41: {  	_ =	shalt  }
0x42: {  	_ =	shalt  }
0x43: {  	_ =	shalt  }
0x44: {  	_ =	shalt  }
0x45: {  	_ =	shalt  }
0x46: {  	_ =	shalt  }
0x47: {  	_ =	shalt  }
0x48: {  	_ =	shalt  }
0x49: {  	_ =	shalt  }
0x4a: {  	_ =	shalt  }
0x4b: {  	_ =	shalt  }
0x4c: {  	_ =	shalt  }
0x4d: {  	_ =	shalt  }
0x4e: {  	_ =	shalt  }
0x4f: {  	_ =	shalt  }
0x50: {  	_ =	shalt  }
0x51: {  	_ =	shalt  }
0x52: {  	_ =	shalt  }
0x53: {  	_ =	shalt  }
0x54: {  	_ =	shalt  }
0x55: {  	_ =	shalt  }
0x56: {  	_ =	shalt  }
0x57: {  	_ =	shalt  }
0x58: {  	_ =	shalt  }
0x59: {  	_ =	shalt  }
0x5a: {  	_ =	shalt  }
0x5b: {  	_ =	shalt  }
0x5c: {  	_ =	shalt  }
0x5d: {  	_ =	shalt  }
0x5e: {  	_ =	shalt  }
0x5f: {  	_ =	shalt  }
0x60: {  	_ =	shalt  }
0x61: {  	_ =	shalt  }
0x62: {  	_ =	shalt  }
0x63: {  	_ =	shalt  }
0x64: {  	_ =	shalt  }
0x65: {  	_ =	shalt  }
0x66: {  	_ =	shalt  }
0x67: {  	_ =	shalt  }
0x68: {  	_ =	shalt  }
0x69: {  	_ =	shalt  }
0x6a: {  	_ =	shalt  }
0x6b: {  	_ =	shalt  }
0x6c: {  	_ =	shalt  }
0x6d: {  	_ =	shalt  }
0x6e: {  	_ =	shalt  }
0x6f: {  	_ =	shalt  }
0x70: {  	_ =	shalt  }
0x71: {  	_ =	shalt  }
0x72: {  	_ =	shalt  }
0x73: {  	_ =	shalt  }
0x74: {  	_ =	shalt  }
0x75: {  	_ =	shalt  }
0x76: {  	_ =	shalt  }
0x77: {  	_ =	shalt  }
0x78: {  	_ =	shalt  }
0x79: {  	_ =	shalt  }
0x7a: {  	_ =	shalt  }
0x7b: {  	_ =	shalt  }
0x7c: {  	_ =	shalt  }
0x7d: {  	_ =	shalt  }
0x7e: {  	_ =	shalt  }
0x7f: {  	_ =	shalt  }
0x80: {  	_ =	shalt  }
0x81: {  	_ =	shalt  }
0x82: {  	_ =	shalt  }
0x83: {  	_ =	shalt  }
0x84: {  	_ =	shalt  }
0x85: {  	_ =	shalt  }
0x86: {  	_ =	shalt  }
0x87: {  	_ =	shalt  }
.Lfunc_end0:
.L_simem_size_0:
called_computation.3_lowered:
.L_overlay_start_0:
0x88: {  	s2 =	sld [smem:$0x3FD9]  }
0x89: {  	s3 =	sld [smem:$0x3FFE];
	_ =	sdelay $0x1  }
0x8a: {  	s1 =	srdreg.scid  }
0x8b: {  	s0 =	sand.u32 $0x1, s1  }
0x8c: {  	s17 =	sshll.u32 s0, $0xA;
	s2 =	sadd.s32 s3, s2  }
0x8d: {  	s2 =	sadd.s32 s2, s17  }
0x8e: {  	[smem:$0x3FB5] =	sst s2  }
0x8f: {  	_ = 	snop  }
0x90: {  	(tm) =	ssettm $0x1  }
0x91: {  	s18 =	sld [smem:$0x3FFB];
	_ =	sdelay $0x3  }
0x92: {  	_ =	strace s18  }
0x93: {  	s2 =	sld [smem:$0x3FFC];
	_ =	sdelay $0x3  }
0x94: {  	_ =	strace s2  }
0x95: {  	s2 =	sld [smem:$0x3FFD];
	_ =	sdelay $0x3  }
0x96: {  	_ =	strace s2  }
0x97: {  	_ =	strace $0x8FFFFFFF  }
0x98: {  	s19 =	sld [smem:$0x3FDB];
	_ =	sdelay $0x1  }
0x99: {  	s20 =	simm.s32 $_scs_section_size  }
0x9a: {  	s4 =	simm.s32 $_size__tile_overlayer_lowered;
	s5 =	simm.s32 $_tile_overlayer_lowered  }
0x9b: {  	s6 =	simm.s32 $0x1BFF;
	s21 =	sshll.u32 s5, $0x1;
	s3 =	sadd.s32 s20, s19  }
0x9c: {  	s22 =	simm.s32 $0x0;
	s4 =	sshll.u32 s4, $0x1;
	s5 =	sadd.s32 s21, s3  }
0x9d: {  	[timem:s22], [sflag:s6] =	dma.local [hbm:s5], s4  }
0x9e: {  	_ =	swait.ge [sflag:s6], s4  }
0x9f: {  	s4 =	ssub.s32 $0x0, s4;
	[sflag:s6] =	ssyncset.done $0x0  }
0xa0: {  	[sflag:s6] =	ssyncadd.s32 s4;
	_ =	sdelay $0x1  }
0xa1: {  	s23 =	simm.s32 $0x1B8B  }
0xa2: {  	_ =	swait.ge [sflag:s23], $0x1  }
0xa3: {  	[sflag:s23] =	ssyncset.done $0x0  }
0xa4: {  	[sflag:s23] =	ssyncadd.s32 $0xFFFFFFFF  }
0xa5: {  	s4 =	sld [smem:$0x0]  }
0xa6: {  	s5 =	sand.u32 $0xFFFFFFFE, s1  }
0xa7: {  	p0 =	sne.s32 s1, s5  }
0xa8: {  	s5 =	sshll.u32 @p0 s5, $0xE  }
0xa9: {  	s5 =	sadd.s32 @p0 $0x11B8D, s5;
	s6 =	sshll.u32 @p0 s4, $0x11  }
0xaa: {  	s5 =	sor.u32 @p0 s6, s5  }
0xab: {  	[sflag:s5] =	ssyncadd.remote.s32 @p0 $0x1;
	_ =	sdelay $0x1  }
0xac: {  	s5 =	simm.s32 @p0 $0x1B8D  }
0xad: {  	_ =	swait.eq @p0 [sflag:s5], $0x1  }
0xae: {  	[sflag:s5] =	ssyncadd.s32 @p0 $0xFFFFFFFF  }
0xaf: {  	s6 =	sshll.u32 @!p0 s1, $0xE  }
0xb0: {  	s6 =	sor.u32 @!p0 $0x4000, s6;
	s5 =	simm.s32 @!p0 $0x1B8D  }
0xb1: {  	s4 =	sshll.u32 @!p0 s4, $0x11;
	s6 =	sadd.s32 @!p0 $0x11B8D, s6;
	_ =	swait.eq @!p0 [sflag:s5], $0x1  }
0xb2: {  	s4 =	sor.u32 @!p0 s4, s6;
	[sflag:s5] =	ssyncadd.s32 @!p0 $0xFFFFFFFF  }
0xb3: {  	s25 =	simm.s32 $0x1B8E;
	s24 =	sld [smem:$0x3FFE];
	[sflag:s4] =	ssyncadd.remote.s32 @!p0 $0x1  }
0xb4: {  	s26 =	simm.s32 $execute0_lowered;
	[smem:$0x3FD2] =	sst s25  }
0xb5: {  	s5 =	sshll.u32 s26, $0x1;
	_ =	strace $0x8000004F;
	[dreg:$0x1] =	wrdreg $0xFFFFFFFF  }
0xb6: {  	s28 =	simm.s32 $_size_execute0_lowered;
	s3 =	sadd.s32 s3, s5;
	[dreg:$0x0] =	wrdreg $0x0  }
0xb7: {  	s5 =	sshll.u32 s28, $0x1;
	[dreg:$0x2] =	wrdreg s3  }
0xb8: {  	[dreg:$0x3] =	wrdreg s5  }
0xb9: {  	[dreg:$0x4] =	wrdreg $0xC0  }
0xba: {  	_ =	task [dreg:s22], $0x5FFFF  }
0xbb: {  	[dreg:$0x1] =	wrdreg $0xFFFFFFFF  }
0xbc: {  	[dreg:$0x0] =	wrdreg $0x60  }
0xbd: {  	[dreg:$0x2] =	wrdreg s24  }
0xbe: {  	[dreg:$0x3] =	wrdreg $0xA  }
0xbf: {  	_ =	task.clear_ibuf [dreg:s22], $0x4FFFF;
	_ =	strace $0x9000004F  }
0xc0: {  	s29 =	simm.s32 $0xA;
	_ =	strace $0x80000051  }
0xc1: {  	_ =	swait.ge [sflag:s29], $0x1  }
0xc2: {  	[sflag:s29] =	ssyncadd.s32 $0xFFFFFFFF  }
0xc3: {  	_ =	strace $0x90000051  }
0xc4: {  	_ =	sfence  }
0xc5: {  	s30 =	sld [smem:$0x0];
	_ =	sdelay $0x2  }
0xc6: {  	s31 =	sshll.u32 s1, $0xD;
	s1 =	sshrl.u32 s1, $0x2  }
0xc7: {  	s4 =	sand.u32 $0x4000, s31;
	s1 =	sadd.s32 s1, s30  }
0xc8: {  	s0 =	sor.u32 s4, s0;
	s1 =	sshll.u32 s1, $0x11  }
0xc9: {  	s0 =	sor.u32 s1, s0  }
0xca: {  	s0 =	sadd.s32 $0x8F2B, s0  }
0xcb: {  	[sflag:s0] =	ssyncadd.remote.s32 $0x1  }
0xcc: {  	_ =	sfence.sel $0xFFFF  }
0xcd: {  	[dreg:$0x0] =	wrdreg $0xFFFFFFFF;
	(pc) =	sbr.abs _section_cstart, $3  }
0xce: {  	[dreg:$0x1] =	wrdreg $0xFFFFFFFF  }
0xcf: {  	_ =	task.clear_ibuf [dreg:s22], $0x2FFFF;
	_ =	strace $0x9FFFFFFF  }
0xd0: {  	(tm) =	ssettm $0x7FFFFFFF  }
0xd1: {  	_ =	shalt  }
tec
execute0_lowered:
.L_overlay_start_1:
0x0: {  	(tag) =	ssettag $0x1  }
0x1: {  	s5 =	rddreg [dreg:$0x0]  }
0x2: {  	s0 =	rddreg [dreg:$0x1];
	s3 =	srdreg.scid  }
0x3: {  	s2 =	simm.s32 $0x0;
	s1 =	stileid.u32;
	s9 =	sand.u32 $0x1, s3  }
0x4: {  	[smem:$0x7FF] =	sst s2;
	s4 =	sshll.u32 s1, $0x5;
	s3 =	sadd.s32 $0x89600, s5  }
0x5: {  	s10 =	sshll.u32 s1, $0xC;
	s30 =	sshll.u32 s1, $0x1;
	s6 =	sshll.u32 s9, $0x4  }
0x6: {  	_ =	strace $0x80000050;
	s8 =	ssub.s32 $0x2, s9;
	s10 =	sadd.s32 s10, s5  }
0x7: {  	s31 =	sshll.u32 s9, $0xB;
	s9 =	sor.u32 s9, s30;
	s6 =	sor.u32 s6, s4  }
0x8: {  	s4 =	sadd.s32 $0xB0800, s5;
	s11 =	sshrl.u32 s8, $0x1;
	s7 =	sand.u32 $0x180, s6  }
0x9: {  	s29 =	ssub.s32 s8, s11;
	s6 =	sand.u32 $0x70, s6;
	s7 =	sadd.s32 s7, s5  }
0xa: {  	s8 =	sadd.s32 s31, s10;
	s5 =	smax.u32 s29, $0x1;
	s7 =	sadd.s32 s6, s7  }
0xb: {  	s8 =	sadd.s32 $0xD7A00, s8;
	s6 =	sadd.s32 $0x30000, s7;
	s7 =	sadd.s32 $0x26200, s7  }
.LBB2_1:
0xc: {  	p0 =	sgt.u32 s9, $0x9C3  }
0xd: {  	s10 =	sadd.s32 @!p0 $0x0, s6;
	s12 =	simm.s32 @!p0 $0x0;
	s11 =	simm.s32 @!p0 $0x3  }
0xe: {  	[tilespmem:s12], [sflag:$0x3] =	stream.linear.gather @!p0 [hbm4b:s10+s12], $0x80, $0x38;
	[tilespmem:$0x4100] =	vst v63  }
0xf: {  	_ =	swait.ge @!p0 [sflag:s11], $0x80;
	p0 =	por p0, p0  }
0x10: {  	[sflag:s11] =	ssyncset.done @!p0 $0x0  }
0x11: {  	s10 =	sadd.s32 @!p0 $0x0, s7;
	s13 =	simm.s32 @!p0 $0x80;
	[sflag:s11] =	ssyncadd.s32 @!p0 $0xFFFFFF80  }
0x12: {  	[tilespmem:s13], [sflag:$0x3] =	stream.linear.gather @!p0 [hbm4b:s10+s12], $0x80, $0x38;
	[tilespmem:$0x4100] =	vst v63  }
0x13: {  	_ =	swait.ge @!p0 [sflag:s11], $0x80  }
0x14: {  	[sflag:s11] =	ssyncset.done @!p0 $0x0  }
0x15: {  	s14 =	simm.s32 @!p0 $0x1;
	s10 =	simm.s32 @!p0 $0x100;
	[sflag:s11] =	ssyncadd.s32 @!p0 $0xFFFFFF80  }
0x16: {  	[tilespmem:s10], [sflag:$0x1] =	stream.indirect.gather @!p0 [hbm4b:s3+s13], $0x80, s12, s13, $0xb8;
	[tilespmem:$0x4100] =	vst v63  }
0x17: {  	_ =	swait.ge @!p0 [sflag:s14], $0x4000  }
0x18: {  	[sflag:s14] =	ssyncset.done @!p0 $0x0  }
0x19: {  	[sflag:s14] =	ssyncadd.s32 @!p0 $0xFFFFC000  }
0x1a: {  	[tilespmem:s10], [sflag:$0x1] =	stream.indirect.gather.add.f32 @!p0 [hbm:s4], $0x80, s13, s13, $0xb8;
	[tilespmem:$0x4100] =	vst v63  }
0x1b: {  	_ =	swait.ge @!p0 [sflag:s14], $0x4000  }
0x1c: {  	s11 =	simm.s32 $0x200;
	s13 =	sadd.s32 $0x20, s9;
	[sflag:s14] =	ssyncset.done @!p0 $0x0  }
0x1d: {  	p2 =	sgt.u32 s13, $0x9C3;
	[sflag:s14] =	ssyncadd.s32 @!p0 $0xFFFFC000;
	s14 =	simm.s32 @!p0 $0x2  }
0x1e: {  	[hbm4b:s8+s12] =	stream.linear.scatter @!p0 [tilespmem:s10], [sflag:$0x2], $0x4000, $0x38;
	[tilespmem:$0x4100] =	vst v63  }
0x1f: {  	s12 =	simm.s32 $0x400;
	s10 =	sadd.s32 $0x10000, s8;
	_ =	swait.ge @!p0 [sflag:s14], $0x4000  }
.LBB2_2:
0x20: {  	s15 =	sadd.s32 @!p2 s11, s6  }
0x21: {  	s16 =	simm.s32 @!p2 $0x0;
	[sflag:s14] =	ssyncset.done @!p0 $0x0;
	s17 =	smov.u32 s12  }
0x22: {  	s12 =	sadd.s32 $0x200, s12;
	s18 =	simm.s32 @!p2 $0x3;
	[sflag:s14] =	ssyncadd.s32 @!p0 $0xFFFFC000  }
0x23: {  	[tilespmem:s16], [sflag:$0x3] =	stream.linear.gather @!p2 [hbm4b:s15+s16], $0x80, $0x38;
	[tilespmem:$0x4100] =	vst v63  }
0x24: {  	p1 =	sne.s32 s12, $0x9E00;
	p0 =	por p2, p2;
	_ =	swait.ge @!p2 [sflag:s18], $0x80  }
0x25: {  	[sflag:s18] =	ssyncset.done @!p0 $0x0  }
0x26: {  	s11 =	sadd.s32 @!p0 s11, s7;
	s14 =	simm.s32 @!p0 $0x80;
	[sflag:s18] =	ssyncadd.s32 @!p0 $0xFFFFFF80  }
0x27: {  	[tilespmem:s14], [sflag:$0x3] =	stream.linear.gather @!p0 [hbm4b:s11+s16], $0x80, $0x38;
	[tilespmem:$0x4100] =	vst v63  }
0x28: {  	s11 =	smov.u32 s17;
	_ =	swait.ge @!p0 [sflag:s18], $0x80  }
0x29: {  	[sflag:s18] =	ssyncset.done @!p0 $0x0  }
0x2a: {  	s15 =	simm.s32 @!p0 $0x100;
	s17 =	simm.s32 @!p0 $0x1;
	[sflag:s18] =	ssyncadd.s32 @!p0 $0xFFFFFF80  }
0x2b: {  	[tilespmem:s15], [sflag:$0x1] =	stream.indirect.gather @!p0 [hbm4b:s3+s14], $0x80, s16, s14, $0xb8;
	[tilespmem:$0x4100] =	vst v63  }
0x2c: {  	_ =	swait.ge @!p0 [sflag:s17], $0x4000  }
0x2d: {  	[sflag:s17] =	ssyncset.done @!p0 $0x0  }
0x2e: {  	[sflag:s17] =	ssyncadd.s32 @!p0 $0xFFFFC000  }
0x2f: {  	[tilespmem:s15], [sflag:$0x1] =	stream.indirect.gather.add.f32 @!p0 [hbm:s4], $0x80, s14, s14, $0xb8;
	[tilespmem:$0x4100] =	vst v63  }
.Ltmp0:
0x30: {  	_ =	swait.ge @!p0 [sflag:s17], $0x4000;
	(pc) =	sbr.rel @p1 .LBB2_2-.Ltmp0, $4  }
0x31: {  	[sflag:s17] =	ssyncset.done @!p0 $0x0  }
0x32: {  	s13 =	sadd.s32 $0x20, s13;
	s14 =	simm.s32 @!p0 $0x2;
	[sflag:s17] =	ssyncadd.s32 @!p0 $0xFFFFC000  }
0x33: {  	[hbm4b:s10+s16] =	stream.linear.scatter @!p0 [tilespmem:s15], [sflag:$0x2], $0x4000, $0x38;
	[tilespmem:$0x4100] =	vst v63  }
0x34: {  	p2 =	sgt.u32 s13, $0x9C3;
	s10 =	sadd.s32 $0x10000, s10;
	_ =	swait.ge @!p0 [sflag:s14], $0x4000  }
0x35: {  	s12 =	sadd.s32 @!p2 s11, s6;
	[sflag:s14] =	ssyncset.done @!p0 $0x0  }
0x36: {  	s13 =	simm.s32 @!p2 $0x0;
	s15 =	simm.s32 @!p2 $0x3;
	[sflag:s14] =	ssyncadd.s32 @!p0 $0xFFFFC000  }
0x37: {  	[tilespmem:s13], [sflag:$0x3] =	stream.linear.gather @!p2 [hbm4b:s12+s13], $0x80, $0x38;
	[tilespmem:$0x4100] =	vst v63  }
0x38: {  	p0 =	por p2, p2;
	_ =	swait.ge @!p2 [sflag:s15], $0x80  }
0x39: {  	[sflag:s15] =	ssyncset.done @!p0 $0x0  }
0x3a: {  	s11 =	sadd.s32 @!p0 s11, s7;
	s12 =	simm.s32 @!p0 $0x80;
	[sflag:s15] =	ssyncadd.s32 @!p0 $0xFFFFFF80  }
0x3b: {  	[tilespmem:s12], [sflag:$0x3] =	stream.linear.gather @!p0 [hbm4b:s11+s13], $0x80, $0x38;
	[tilespmem:$0x4100] =	vst v63  }
0x3c: {  	_ =	swait.ge @!p0 [sflag:s15], $0x80  }
0x3d: {  	[sflag:s15] =	ssyncset.done @!p0 $0x0  }
0x3e: {  	s14 =	simm.s32 @!p0 $0x1;
	s11 =	simm.s32 @!p0 $0x100;
	[sflag:s15] =	ssyncadd.s32 @!p0 $0xFFFFFF80  }
0x3f: {  	[tilespmem:s11], [sflag:$0x1] =	stream.indirect.gather @!p0 [hbm4b:s3+s12], $0x80, s13, s12, $0xb8;
	[tilespmem:$0x4100] =	vst v63  }
0x40: {  	_ =	swait.ge @!p0 [sflag:s14], $0x4000  }
0x41: {  	[sflag:s14] =	ssyncset.done @!p0 $0x0  }
0x42: {  	[sflag:s14] =	ssyncadd.s32 @!p0 $0xFFFFC000  }
0x43: {  	[tilespmem:s11], [sflag:$0x1] =	stream.indirect.gather.add.f32 @!p0 [hbm:s4], $0x80, s12, s12, $0xb8;
	[tilespmem:$0x4100] =	vst v63  }
0x44: {  	s2 =	sadd.s32 $0x1, s2;
	_ =	swait.ge @!p0 [sflag:s14], $0x4000  }
0x45: {  	p1 =	sne.s32 s2, s5;
	[sflag:s14] =	ssyncset.done @!p0 $0x0  }
.Ltmp1:
0x46: {  	s12 =	simm.s32 @!p0 $0x2;
	[sflag:s14] =	ssyncadd.s32 @!p0 $0xFFFFC000;
	(pc) =	sbr.rel @p1 .LBB2_1-.Ltmp1, $4  }
0x47: {  	[hbm4b:s10+s13] =	stream.linear.scatter @!p0 [tilespmem:s11], [sflag:$0x2], $0x4000, $0x38;
	[tilespmem:$0x4100] =	vst v63  }
0x48: {  	_ =	swait.ge @!p0 [sflag:s12], $0x4000  }
0x49: {  	[sflag:s12] =	ssyncset.done @!p0 $0x0  }
0x4a: {  	[sflag:s12] =	ssyncadd.s32 @!p0 $0xFFFFC000  }
0x4b: {  	_ =	sfence.sel $0x180000  }
0x4c: {  	[bflag:$0x0] =	sbarrier.arrive $0xFFFF  }
0x4d: {  	p0 =	sne.s32 s1, $0x0;
	_ =	strace $0x90000050  }
0x4e: {  	s0 =	sadd.s32 @!p0 $0x100000, s0;
	[bflag:$0x2] =	sbarrier.arrive $0xFFFF  }
0x4f: {  	[sflag:s0] =	ssyncadd.tile.s32 @!p0 $0x1;
	_ =	shalt  }
.Lfunc_end2:
_tile_overlayer_lowered:
.L_overlay_start_2:
0x50: {  	(tag) =	ssettag $0x2  }
0x51: {  	s0 =	rddreg [dreg:$0x0];
	s2 =	stileid.u32  }
0x52: {  	s1 =	rddreg [dreg:$0x1];
	p0 =	sne.s32 s2, $0x0  }
0x53: {  	s3 =	rddreg [dreg:$0x2];
	[bflag:$0x3] =	sbarrier.arrive $0xFFFF;
	s2 =	simm.s32 @!p0 $0x1C02  }
0x54: {  	[timem:s3], [sflag:s2] =	dma.local @!p0 [hbm:s0], s1  }
0x55: {  	s0 =	simm.s32 @!p0 $0x2  }
0x56: {  	_ =	swait.ge @!p0 [sflag:s0], s1  }
0x57: {  	s1 =	ssub.s32 @!p0 $0x0, s1;
	[sflag:s0] =	ssyncset.done @!p0 $0x0  }
0x58: {  	[sflag:s0] =	ssyncadd.s32 @!p0 s1  }
0x59: {  	[bflag:$0x3] =	sbarrier.arrive $0xFFFF  }
0x5a: {  	_ =	shalt  }

// kernel: kernel.22.cloned.1.call-start
scs
__scs_entry_jumppad:
0x0: {  	(pc) =	sbr.rel $0x88, $3  }
0x1: {  	(tag) =	ssettag $0x0;
	lr =	simm.s32 $0x1  }
0x2: {  	[smem:$0x3F8E] =	sst lr;
	_ =	strace $0xD0000000  }
0x3: {  	_ = 	snop  }
0x4: {  	_ = 	snop  }
0x5: {  	_ = 	snop  }
0x6: {  	_ = 	snop  }
0x7: {  	_ = 	snop  }
__scs_overlays_trampoline_lowered:
0x8: {  	[smem:$0x3F9D] =	sst s0  }
0x9: {  	[smem:$0x3F9E] =	sst s1  }
0xa: {  	[smem:$0x3F9F] =	sst s2  }
0xb: {  	[smem:$0x3FA0] =	sst s3  }
0xc: {  	[smem:$0x3FA1] =	sst s4  }
0xd: {  	[smem:$0x3FA2] =	sst s5  }
0xe: {  	[smem:$0x3FA3] =	sst s6  }
0xf: {  	[smem:$0x3FA4] =	sst s7  }
0x10: {  	[smem:$0x3FA5] =	sst s8  }
0x11: {  	[smem:$0x3FA6] =	sst s9;
	s0 =	simm.s32 @!p0 $0x0  }
0x12: {  	s1 =	sld [smem:$0x3F8C];
	s0 =	simm.s32 @p0 $0x1  }
0x13: {  	[smem:$0x3FA7] =	sst s0;
	s0 =	simm.s32 @!p1 $0x0  }
0x14: {  	s2 =	sld [smem:$0x3F8B];
	s0 =	simm.s32 @p1 $0x1  }
0x15: {  	[smem:$0x3FA8] =	sst s0;
	s0 =	simm.s32 @!p2 $0x0  }
0x16: {  	s3 =	sld [smem:$0x3FDB];
	s0 =	simm.s32 @p2 $0x1  }
0x17: {  	s4 =	simm.s32 $0x1BF5;
	[smem:$0x3FAA] =	sst s0  }
0x18: {  	s0 =	sld [smem:$0x3F8D];
	_ =	swait.ge [sflag:s4], $0x0  }
0x19: {  	s7 =	sld [smem:$0x3F8E]  }
0x1a: {  	s8 =	sadd.s32 $0xFFFFE003, lr  }
0x1b: {  	s9 =	sadd.s32 $0xFFFFFEF7, lr;
	s5 =	simm.s32 $0xFFFFFFFF;
	p2 =	slt.u32 s8, $0xFFFFF086  }
0x1c: {  	p1 =	slt.u32 s9, $0xF7A;
	s5 =	simm.s32 @!p2 $0x0  }
0x1d: {  	s5 =	simm.s32 @p1 $0x1;
	p0 =	seq.s32 s7, s2  }
0x1e: {  	s7 =	smul.u32 @!p0 $0xF7A, s2;
	p2 =	seq.s32 @!p0 s5, $0x0  }
0x1f: {  	s9 =	smul.u32 $0xF7A, s1;
	s8 =	simm.s32 @!p0 $0x1BF5;
	p2 =	por !p2, p0  }
0x20: {  	[sflag:s8] =	ssyncset.s32 @!p0 $0xFFFFF086;
	s6 =	sadd.s32 @!p0 s3, s7;
	s7 =	simm.s32 @!p0 $0x108  }
0x21: {  	s3 =	sadd.s32 s3, s9;
	s6 =	sadd.s32 @!p0 $0x88, s6;
	s7 =	simm.s32 @p2 $0x1082  }
0x22: {  	[simem:s7], [sflag:s8] =	dma.local @!p0 [hbm:s6], $0xF7A  }
0x23: {  	s9 =	sor.u32 $0xD0000000, s2;
	s6 =	simm.s32 $0x108;
	_ =	swait.ge @!p0 [sflag:s8], $0x0  }
0x24: {  	s3 =	sadd.s32 $0x88, s3;
	s6 =	simm.s32 @!p1 $0x1082;
	[sflag:s4] =	ssyncset.s32 $0xFFFFF086  }
0x25: {  	[simem:s6], [sflag:s4] =	dma.local [hbm:s3], $0xF7A  }
0x26: {  	[smem:$0x3F8E] =	sst s1;
	(tag) =	ssettag s2;
	_ =	strace s9  }
0x27: {  	s1 =	sld [smem:$0x3F9E]  }
0x28: {  	s2 =	sld [smem:$0x3F9F]  }
0x29: {  	s4 =	sld [smem:$0x3FA1]  }
0x2a: {  	p0 =	seq.s32 s5, $0x0;
	s5 =	sld [smem:$0x3FA2]  }
0x2b: {  	s6 =	sld [smem:$0x3FA3]  }
0x2c: {  	s7 =	sld [smem:$0x3FA4]  }
0x2d: {  	s3 =	simm.s32 $0x108;
	s8 =	sld [smem:$0x3FA5]  }
0x2e: {  	s3 =	simm.s32 @!p0 $0x1082;
	s9 =	sld [smem:$0x3FA6]  }
0x2f: {  	lr =	sadd.s32 s0, s3;
	s0 =	sld [smem:$0x3F9D]  }
0x30: {  	s3 =	sld [smem:$0x3FA0]  }
0x31: {  	[smem:$0x3FA9] =	sst s10  }
0x32: {  	s10 =	sld [smem:$0x3FA7];
	_ =	sdelay $0x3  }
0x33: {  	p0 =	seq.s32 s10, $0x1;
	s10 =	sld [smem:$0x3FA9];
	_ =	sdelay $0x3  }
0x34: {  	[smem:$0x3FA9] =	sst s10  }
0x35: {  	s10 =	sld [smem:$0x3FA8];
	_ =	sdelay $0x3  }
0x36: {  	p1 =	seq.s32 s10, $0x1;
	s10 =	sld [smem:$0x3FA9];
	_ =	sdelay $0x3  }
0x37: {  	[smem:$0x3FA9] =	sst s10  }
0x38: {  	s10 =	sld [smem:$0x3FAA]  }
0x39: {  	_ = 	snop;
	(pc) =	sbr.ind lr, $3  }
0x3a: {  	_ = 	snop  }
0x3b: {  	_ = 	snop  }
0x3c: {  	p2 =	seq.s32 s10, $0x1;
	s10 =	sld [smem:$0x3FA9]  }
0x3d: {  	_ =	shalt  }
0x3e: {  	_ =	shalt  }
0x3f: {  	_ =	shalt  }
0x40: {  	_ =	shalt  }
0x41: {  	_ =	shalt  }
0x42: {  	_ =	shalt  }
0x43: {  	_ =	shalt  }
0x44: {  	_ =	shalt  }
0x45: {  	_ =	shalt  }
0x46: {  	_ =	shalt  }
0x47: {  	_ =	shalt  }
0x48: {  	_ =	shalt  }
0x49: {  	_ =	shalt  }
0x4a: {  	_ =	shalt  }
0x4b: {  	_ =	shalt  }
0x4c: {  	_ =	shalt  }
0x4d: {  	_ =	shalt  }
0x4e: {  	_ =	shalt  }
0x4f: {  	_ =	shalt  }
0x50: {  	_ =	shalt  }
0x51: {  	_ =	shalt  }
0x52: {  	_ =	shalt  }
0x53: {  	_ =	shalt  }
0x54: {  	_ =	shalt  }
0x55: {  	_ =	shalt  }
0x56: {  	_ =	shalt  }
0x57: {  	_ =	shalt  }
0x58: {  	_ =	shalt  }
0x59: {  	_ =	shalt  }
0x5a: {  	_ =	shalt  }
0x5b: {  	_ =	shalt  }
0x5c: {  	_ =	shalt  }
0x5d: {  	_ =	shalt  }
0x5e: {  	_ =	shalt  }
0x5f: {  	_ =	shalt  }
0x60: {  	_ =	shalt  }
0x61: {  	_ =	shalt  }
0x62: {  	_ =	shalt  }
0x63: {  	_ =	shalt  }
0x64: {  	_ =	shalt  }
0x65: {  	_ =	shalt  }
0x66: {  	_ =	shalt  }
0x67: {  	_ =	shalt  }
0x68: {  	_ =	shalt  }
0x69: {  	_ =	shalt  }
0x6a: {  	_ =	shalt  }
0x6b: {  	_ =	shalt  }
0x6c: {  	_ =	shalt  }
0x6d: {  	_ =	shalt  }
0x6e: {  	_ =	shalt  }
0x6f: {  	_ =	shalt  }
0x70: {  	_ =	shalt  }
0x71: {  	_ =	shalt  }
0x72: {  	_ =	shalt  }
0x73: {  	_ =	shalt  }
0x74: {  	_ =	shalt  }
0x75: {  	_ =	shalt  }
0x76: {  	_ =	shalt  }
0x77: {  	_ =	shalt  }
0x78: {  	_ =	shalt  }
0x79: {  	_ =	shalt  }
0x7a: {  	_ =	shalt  }
0x7b: {  	_ =	shalt  }
0x7c: {  	_ =	shalt  }
0x7d: {  	_ =	shalt  }
0x7e: {  	_ =	shalt  }
0x7f: {  	_ =	shalt  }
0x80: {  	_ =	shalt  }
0x81: {  	_ =	shalt  }
0x82: {  	_ =	shalt  }
0x83: {  	_ =	shalt  }
0x84: {  	_ =	shalt  }
0x85: {  	_ =	shalt  }
0x86: {  	_ =	shalt  }
0x87: {  	_ =	shalt  }
.Lfunc_end0:
.L_simem_size_0:
called_computation.4_lowered:
.L_overlay_start_0:
0x88: {  	s2 =	sld [smem:$0x3FD9]  }
0x89: {  	s3 =	sld [smem:$0x3FFE];
	_ =	sdelay $0x1  }
0x8a: {  	s1 =	srdreg.scid  }
0x8b: {  	s0 =	sand.u32 $0x1, s1  }
0x8c: {  	s16 =	sshll.u32 s0, $0xA;
	s2 =	sadd.s32 s3, s2  }
0x8d: {  	s2 =	sadd.s32 s2, s16  }
0x8e: {  	[smem:$0x3FB5] =	sst s2  }
0x8f: {  	_ = 	snop  }
0x90: {  	(tm) =	ssettm $0x1  }
0x91: {  	s17 =	sld [smem:$0x3FFB];
	_ =	sdelay $0x3  }
0x92: {  	_ =	strace s17  }
0x93: {  	s2 =	sld [smem:$0x3FFC];
	_ =	sdelay $0x3  }
0x94: {  	_ =	strace s2  }
0x95: {  	s2 =	sld [smem:$0x3FFD];
	_ =	sdelay $0x3  }
0x96: {  	_ =	strace s2  }
0x97: {  	_ =	strace $0x8FFFFFFF  }
0x98: {  	s18 =	sld [smem:$0x3FDB];
	_ =	sdelay $0x1  }
0x99: {  	s19 =	simm.s32 $_scs_section_size  }
0x9a: {  	s4 =	simm.s32 $_size__tile_overlayer_lowered;
	s5 =	simm.s32 $_tile_overlayer_lowered  }
0x9b: {  	s22 =	simm.s32 $0x1BFF;
	s21 =	sshll.u32 s5, $0x1;
	s2 =	sadd.s32 s19, s18  }
0x9c: {  	s6 =	simm.s32 $0x0;
	s20 =	sshll.u32 s4, $0x1;
	s4 =	sadd.s32 s21, s2  }
0x9d: {  	[timem:s6], [sflag:s22] =	dma.local [hbm:s4], s20  }
0x9e: {  	_ =	swait.ge [sflag:s22], s20  }
0x9f: {  	s3 =	ssub.s32 $0x0, s20;
	[sflag:s22] =	ssyncset.done $0x0  }
0xa0: {  	[sflag:s22] =	ssyncadd.s32 s3;
	_ =	sdelay $0x1  }
0xa1: {  	s23 =	simm.s32 $0x1B8B  }
0xa2: {  	_ =	swait.ge [sflag:s23], $0x1  }
0xa3: {  	[sflag:s23] =	ssyncset.done $0x0  }
0xa4: {  	s25 =	simm.s32 $0x1B8E;
	s24 =	sld [smem:$0x3FFE];
	[sflag:s23] =	ssyncadd.s32 $0xFFFFFFFF  }
0xa5: {  	s26 =	simm.s32 $execute0_lowered;
	[smem:$0x3FD2] =	sst s25  }
0xa6: {  	s4 =	sshll.u32 s26, $0x1;
	_ =	strace $0x80000052;
	[dreg:$0x1] =	wrdreg $0xFFFFFFFF  }
0xa7: {  	s28 =	simm.s32 $_size_execute0_lowered;
	s2 =	sadd.s32 s2, s4;
	[dreg:$0x0] =	wrdreg $0x0  }
0xa8: {  	s4 =	sshll.u32 s28, $0x1;
	[dreg:$0x2] =	wrdreg s2  }
0xa9: {  	[dreg:$0x3] =	wrdreg s4  }
0xaa: {  	[dreg:$0x4] =	wrdreg $0xC0  }
0xab: {  	_ =	task [dreg:s6], $0x5FFFF  }
0xac: {  	[dreg:$0x1] =	wrdreg $0xFFFFFFFF  }
0xad: {  	[dreg:$0x0] =	wrdreg $0x60  }
0xae: {  	[dreg:$0x2] =	wrdreg s24  }
0xaf: {  	[dreg:$0x3] =	wrdreg $0x48800  }
0xb0: {  	[dreg:$0x4] =	wrdreg $0x9  }
0xb1: {  	_ =	task.clear_ibuf [dreg:s6], $0x5FFFF;
	_ =	strace $0x90000052  }
0xb2: {  	s29 =	simm.s32 $0x9;
	_ =	strace $0x80000054  }
0xb3: {  	_ =	swait.ge [sflag:s29], $0x1  }
0xb4: {  	[sflag:s29] =	ssyncadd.s32 $0xFFFFFFFF  }
0xb5: {  	_ =	strace $0x90000054  }
0xb6: {  	_ =	sfence  }
0xb7: {  	s30 =	sld [smem:$0x0];
	_ =	sdelay $0x2  }
0xb8: {  	s31 =	sshll.u32 s1, $0xD;
	s1 =	sshrl.u32 s1, $0x2  }
0xb9: {  	s3 =	sand.u32 $0x4000, s31;
	s1 =	sadd.s32 s1, s30  }
0xba: {  	s0 =	sor.u32 s3, s0;
	s1 =	sshll.u32 s1, $0x11  }
0xbb: {  	s0 =	sor.u32 s1, s0  }
0xbc: {  	s0 =	sadd.s32 $0x8F2B, s0  }
0xbd: {  	[sflag:s0] =	ssyncadd.remote.s32 $0x1  }
0xbe: {  	_ =	sfence.sel $0xFFFF  }
0xbf: {  	[dreg:$0x0] =	wrdreg $0xFFFFFFFF;
	(pc) =	sbr.abs _section_cstart, $3  }
0xc0: {  	[dreg:$0x1] =	wrdreg $0xFFFFFFFF  }
0xc1: {  	_ =	task.clear_ibuf [dreg:s6], $0x2FFFF;
	_ =	strace $0x9FFFFFFF  }
0xc2: {  	(tm) =	ssettm $0x7FFFFFFF  }
0xc3: {  	_ =	shalt  }
tec
execute0_lowered:
.L_overlay_start_1:
0x0: {  	(tag) =	ssettag $0x1  }
0x1: {  	s4 =	rddreg [dreg:$0x0]  }
0x2: {  	s2 =	rddreg [dreg:$0x1];
	s3 =	srdreg.scid  }
0x3: {  	s0 =	rddreg [dreg:$0x2];
	s1 =	stileid.u32;
	s11 =	sand.u32 $0x1, s3  }
0x4: {  	s3 =	simm.s32 $0x0;
	s5 =	sshll.u32 s1, $0x5;
	s25 =	smul.u32 $0x2700, s1  }
0x5: {  	s7 =	sshll.u32 s1, $0xC;
	s26 =	sadd.s32 $0x89600, s4;
	s12 =	smul.u32 $0x4E000, s1  }
0x6: {  	s14 =	sshll.u32 s1, $0x1;
	p0 =	seq.s32 s1, $0xF;
	s6 =	sshll.u32 s11, $0x4  }
0x7: {  	[smem:$0x7FF] =	sst s3;
	s10 =	sadd.s32 s7, s4;
	s29 =	smul.u32 $0x27100, s11  }
0x8: {  	s24 =	ssub.s32 $0x2, s11;
	s15 =	smul.u32 $0x138800, s11;
	s31 =	sshll.u32 s11, $0xB  }
0x9: {  	s11 =	sor.u32 s11, s14;
	s8 =	sor.u32 s6, s5;
	_ =	strace $0x80000053  }
0xa: {  	s28 =	sshrl.u32 s24, $0x1;
	s12 =	sshrl.u32 s12, $0x2;
	s10 =	sadd.s32 s31, s10  }
0xb: {  	s5 =	sand.u32 $0x180, s8;
	s13 =	ssub.s32 s24, s28;
	s6 =	sadd.s32 s25, s29  }
0xc: {  	s30 =	sshrl.u32 s15, $0x3;
	s15 =	sadd.s32 $0x124800, s2;
	s8 =	sand.u32 $0x70, s8  }
0xd: {  	s10 =	sadd.s32 $0xA9BA00, s10;
	s9 =	sadd.s32 s5, s4;
	s4 =	simm.s32 $0x28  }
0xe: {  	s5 =	sadd.s32 s12, s2;
	s6 =	sadd.s32 s26, s6;
	s7 =	sadd.s32 s26, s30  }
0xf: {  	s12 =	simm.s32 $0x4080;
	s14 =	sshrl.u32 @p0 s15, $0x3;
	s15 =	simm.s32 $0x0  }
0x10: {  	s4 =	simm.s32 @!p0 $0x27;
	s7 =	sadd.s32 $0x24900, s7;
	s9 =	sadd.s32 s8, s9  }
0x11: {  	v0 =	vimm.f32 $0.0e+00;
	s8 =	smax.u32 s13, $0x1;
	s13 =	simm.s32 $0x2;
	s9 =	sadd.s32 $0x26200, s9  }
.LBB2_1:
0x12: {  	s16 =	sand.u32 $0x1E00, s3  }
0x13: {  	s17 =	sand.u32 $0x30, s3;
	s18 =	sshrl.u32 s16, $0x2  }
0x14: {  	s16 =	simm.s32 $0x80;
	s18 =	sor.u32 s17, s18;
	s17 =	simm.s32 $0x0  }
.LBB2_2:
0x15: {  	p1 =	sne.s32 s16, $0x1F80  }
0x16: {  	[tilespmem:s18+$0x4080] =	vst v0;
	s17 =	sadd.s32 $0x10, s17;
	s18 =	smov.u32 s16;
	s16 =	sadd.s32 $0x80, s16  }
.Ltmp0:
0x17: {  	(pc) =	sbr.rel @p1 .LBB2_2-.Ltmp0, $4  }
0x18: {  	_ = 	snop  }
0x19: {  	s18 =	sand.u32 $0x1E00, s18  }
0x1a: {  	s19 =	sand.u32 $0x30, s17;
	s18 =	sshrl.u32 s18, $0x2  }
0x1b: {  	s18 =	sor.u32 s19, s18  }
0x1c: {  	p1 =	sne.s32 s4, $0x1  }
.Ltmp1:
0x1d: {  	_ = 	snop;
	(pc) =	sbr.rel @!p1 .LBB2_5-.Ltmp1, $4  }
0x1e: {  	[tilespmem:s18+$0x4080] =	vst v0  }
0x1f: {  	[spmem:s5] =	stream.linear.scatter [tilespmem:s12], [sflag:$0x2], $0x800, $0x38;
	[tilespmem:$0xE4C0] =	vst v63  }
0x20: {  	_ =	swait.ge [sflag:s13], $0x800  }
0x21: {  	s16 =	sadd.s32 $0xFFFFFFFF, s4;
	s17 =	smov.u32 s5;
	[sflag:s13] =	ssyncset.done $0x0  }
.LBB2_4:
0x22: {  	p1 =	sne.s32 s16, $0x1;
	[sflag:s13] =	ssyncadd.s32 $0xFFFFF800;
	s17 =	sadd.s32 $0x800, s17  }
.Ltmp2:
0x23: {  	s16 =	sadd.s32 $0xFFFFFFFF, s16;
	(pc) =	sbr.rel @p1 .LBB2_4-.Ltmp2, $4  }
0x24: {  	_ = 	snop  }
0x25: {  	[spmem:s17] =	stream.linear.scatter [tilespmem:s12], [sflag:$0x2], $0x800, $0x38;
	[tilespmem:$0xE4C0] =	vst v63  }
0x26: {  	_ =	swait.ge [sflag:s13], $0x800  }
0x27: {  	[sflag:s13] =	ssyncset.done $0x0  }
.LBB2_5:
0x28: {  	s16 =	sadd.s32 $0x0, s11  }
0x29: {  	[sflag:s13] =	ssyncadd.s32 $0xFFFFF800;
	p1 =	sgt.u32 s16, $0x9C3  }
0x2a: {  	[bflag:$0x0] =	sbarrier.arrive $0xFFFF;
	s16 =	simm.s32 @!p1 $0x0;
	s18 =	simm.s32 @!p1 $0x2  }
0x2b: {  	[tilespmem:s16], [sflag:$0x2] =	stream.linear.gather @!p1 [hbm4b:s9+s16], $0x80, $0x38;
	[tilespmem:$0xE4C0] =	vst v63  }
0x2c: {  	_ =	swait.ge @!p1 [sflag:s18], $0x80  }
0x2d: {  	[sflag:s18] =	ssyncset.done @!p1 $0x0;
	p1 =	por p1, p1  }
0x2e: {  	[sflag:s18] =	ssyncadd.s32 @!p1 $0xFFFFFF80;
	s20 =	simm.s32 @!p1 $0x80  }
0x2f: {  	[tilespmem:s20], [sflag:$0x2] =	stream.linear.gather @!p1 [hbm4b:s10+s16], $0x4000, $0x38;
	[tilespmem:$0xE4C0] =	vst v63  }
0x30: {  	_ =	swait.ge @!p1 [sflag:s18], $0x4000  }
0x31: {  	[sflag:s18] =	ssyncset.done @!p1 $0x0  }
0x32: {  	s31 =	sadd.s32 $0x20, s11;
	s19 =	simm.s32 @!p1 $0x1;
	[sflag:s18] =	ssyncadd.s32 @!p1 $0xFFFFC000  }
0x33: {  	[spmem:s2] =	stream.indirect.scatter.add.f32 @!p1 [tilespmem:s20], [sflag:$0x1], $0x40, s16, s20, $0xb8;
	[tilespmem:$0xE4C0] =	vst v63  }
0x34: {  	s17 =	simm.s32 $0x40;
	p2 =	sgt.u32 s31, $0x9C3;
	_ =	swait.ge @!p1 [sflag:s19], $0x2000  }
0x35: {  	s18 =	sadd.s32 $0x200, s9;
	s16 =	sadd.s32 $0x10000, s10;
	[sflag:s19] =	ssyncset.done @!p1 $0x0  }
.LBB2_6:
0x36: {  	s20 =	simm.s32 @!p2 $0x0;
	s21 =	simm.s32 @!p2 $0x2;
	[sflag:s19] =	ssyncadd.s32 @!p1 $0xFFFFE000  }
0x37: {  	[tilespmem:s20], [sflag:$0x2] =	stream.linear.gather @!p2 [hbm4b:s18+s20], $0x80, $0x38;
	[tilespmem:$0xE4C0] =	vst v63  }
0x38: {  	s22 =	smov.u32 s17;
	s17 =	sadd.s32 $0x20, s17;
	_ =	swait.ge @!p2 [sflag:s21], $0x80  }
0x39: {  	p1 =	por p2, p2;
	p3 =	sne.s32 s17, $0x9E0;
	[sflag:s21] =	ssyncset.done @!p2 $0x0  }
0x3a: {  	s23 =	simm.s32 @!p1 $0x80;
	[sflag:s21] =	ssyncadd.s32 @!p1 $0xFFFFFF80  }
0x3b: {  	[tilespmem:s23], [sflag:$0x2] =	stream.linear.gather @!p1 [hbm4b:s16+s20], $0x4000, $0x38;
	[tilespmem:$0xE4C0] =	vst v63  }
0x3c: {  	_ =	swait.ge @!p1 [sflag:s21], $0x4000  }
.Ltmp3:
0x3d: {  	[sflag:s21] =	ssyncset.done @!p1 $0x0;
	(pc) =	sbr.rel @p3 .LBB2_6-.Ltmp3, $4  }
0x3e: {  	s19 =	simm.s32 @!p1 $0x1;
	[sflag:s21] =	ssyncadd.s32 @!p1 $0xFFFFC000  }
0x3f: {  	[spmem:s2] =	stream.indirect.scatter.add.f32 @!p1 [tilespmem:s23], [sflag:$0x1], $0x40, s20, s23, $0xb8;
	[tilespmem:$0xE4C0] =	vst v63  }
0x40: {  	s16 =	sadd.s32 $0x10000, s16;
	s20 =	sadd.s32 s22, s11;
	_ =	swait.ge @!p1 [sflag:s19], $0x2000  }
0x41: {  	s18 =	sadd.s32 $0x200, s18;
	p2 =	sgt.u32 s20, $0x9C3;
	[sflag:s19] =	ssyncset.done @!p1 $0x0  }
0x42: {  	s17 =	simm.s32 @!p2 $0x0;
	s20 =	simm.s32 @!p2 $0x2;
	[sflag:s19] =	ssyncadd.s32 @!p1 $0xFFFFE000  }
0x43: {  	[tilespmem:s17], [sflag:$0x2] =	stream.linear.gather @!p2 [hbm4b:s18+s17], $0x80, $0x38;
	[tilespmem:$0xE4C0] =	vst v63  }
0x44: {  	_ =	swait.ge @!p2 [sflag:s20], $0x80  }
0x45: {  	p1 =	por p2, p2;
	[sflag:s20] =	ssyncset.done @!p2 $0x0  }
0x46: {  	s18 =	simm.s32 @!p1 $0x80;
	[sflag:s20] =	ssyncadd.s32 @!p1 $0xFFFFFF80  }
0x47: {  	[tilespmem:s18], [sflag:$0x2] =	stream.linear.gather @!p1 [hbm4b:s16+s17], $0x4000, $0x38;
	[tilespmem:$0xE4C0] =	vst v63  }
0x48: {  	_ =	swait.ge @!p1 [sflag:s20], $0x4000  }
0x49: {  	[sflag:s20] =	ssyncset.done @!p1 $0x0  }
0x4a: {  	s16 =	simm.s32 @!p1 $0x1;
	[sflag:s20] =	ssyncadd.s32 @!p1 $0xFFFFC000  }
0x4b: {  	[spmem:s2] =	stream.indirect.scatter.add.f32 @!p1 [tilespmem:s18], [sflag:$0x1], $0x40, s17, s18, $0xb8;
	[tilespmem:$0xE4C0] =	vst v63  }
0x4c: {  	_ =	swait.ge @!p1 [sflag:s16], $0x2000  }
0x4d: {  	[sflag:s16] =	ssyncset.done @!p1 $0x0  }
0x4e: {  	[sflag:s16] =	ssyncadd.s32 @!p1 $0xFFFFE000  }
0x4f: {  	s16 =	simm.s32 @p0 $0x1FC2;
	[bflag:$0x0] =	sbarrier.arrive $0xFFFF  }
0x50: {  	[hbm:s7], [sflag:s16] =	dma.local @p0 [spmem:s14], $0x2800  }
0x51: {  	s16 =	simm.s32 @p0 $0x2  }
0x52: {  	s15 =	sadd.s32 $0x1, s15;
	_ =	swait.ge @p0 [sflag:s16], $0x2800  }
0x53: {  	s17 =	sshll.u32 @!p0 s1, $0x6;
	p1 =	sne.s32 s15, s8;
	[sflag:s16] =	ssyncset.done @p0 $0x0  }
0x54: {  	[sflag:s16] =	ssyncadd.s32 @p0 $0xFFFFD800;
	s16 =	sor.u32 @!p0 $0x1C02, s17;
	s17 =	sshrl.u32 @!p0 s5, $0x3  }
0x55: {  	[hbm:s6], [sflag:s16] =	dma.local @!p0 [spmem:s17], $0x2700  }
.Ltmp4:
0x56: {  	_ = 	snop;
	(pc) =	sbr.rel @p1 .LBB2_1-.Ltmp4, $4  }
0x57: {  	s16 =	simm.s32 @!p0 $0x2  }
0x58: {  	_ =	swait.ge @!p0 [sflag:s16], $0x2700  }
0x59: {  	[sflag:s16] =	ssyncset.done @!p0 $0x0  }
0x5a: {  	[sflag:s16] =	ssyncadd.s32 @!p0 $0xFFFFD900  }
0x5b: {  	_ =	sfence.sel $0x180000  }
0x5c: {  	[bflag:$0x0] =	sbarrier.arrive $0xFFFF  }
0x5d: {  	p0 =	sne.s32 s1, $0x0;
	_ =	strace $0x90000053  }
0x5e: {  	s0 =	sadd.s32 @!p0 $0x100000, s0;
	[bflag:$0x2] =	sbarrier.arrive $0xFFFF  }
0x5f: {  	[sflag:s0] =	ssyncadd.tile.s32 @!p0 $0x1;
	_ =	shalt  }
.Lfunc_end2:
_tile_overlayer_lowered:
.L_overlay_start_2:
0x60: {  	(tag) =	ssettag $0x2  }
0x61: {  	s0 =	rddreg [dreg:$0x0];
	s2 =	stileid.u32  }
0x62: {  	s1 =	rddreg [dreg:$0x1];
	p0 =	sne.s32 s2, $0x0  }
0x63: {  	s3 =	rddreg [dreg:$0x2];
	[bflag:$0x3] =	sbarrier.arrive $0xFFFF;
	s2 =	simm.s32 @!p0 $0x1C02  }
0x64: {  	[timem:s3], [sflag:s2] =	dma.local @!p0 [hbm:s0], s1  }
0x65: {  	s0 =	simm.s32 @!p0 $0x2  }
0x66: {  	_ =	swait.ge @!p0 [sflag:s0], s1  }
0x67: {  	s1 =	ssub.s32 @!p0 $0x0, s1;
	[sflag:s0] =	ssyncset.done @!p0 $0x0  }
0x68: {  	[sflag:s0] =	ssyncadd.s32 @!p0 s1  }
0x69: {  	[bflag:$0x3] =	sbarrier.arrive $0xFFFF  }
0x6a: {  	_ =	shalt  }

// kernel: kernel.25.cloned.1.call-start
scs
__scs_entry_jumppad:
0x0: {  	(pc) =	sbr.rel $0x88, $3  }
0x1: {  	(tag) =	ssettag $0x0;
	lr =	simm.s32 $0x1  }
0x2: {  	[smem:$0x3F8E] =	sst lr;
	_ =	strace $0xD0000000  }
0x3: {  	_ = 	snop  }
0x4: {  	_ = 	snop  }
0x5: {  	_ = 	snop  }
0x6: {  	_ = 	snop  }
0x7: {  	_ = 	snop  }
__scs_overlays_trampoline_lowered:
0x8: {  	[smem:$0x3F9D] =	sst s0  }
0x9: {  	[smem:$0x3F9E] =	sst s1  }
0xa: {  	[smem:$0x3F9F] =	sst s2  }
0xb: {  	[smem:$0x3FA0] =	sst s3  }
0xc: {  	[smem:$0x3FA1] =	sst s4  }
0xd: {  	[smem:$0x3FA2] =	sst s5  }
0xe: {  	[smem:$0x3FA3] =	sst s6  }
0xf: {  	[smem:$0x3FA4] =	sst s7  }
0x10: {  	[smem:$0x3FA5] =	sst s8  }
0x11: {  	[smem:$0x3FA6] =	sst s9;
	s0 =	simm.s32 @!p0 $0x0  }
0x12: {  	s1 =	sld [smem:$0x3F8C];
	s0 =	simm.s32 @p0 $0x1  }
0x13: {  	[smem:$0x3FA7] =	sst s0;
	s0 =	simm.s32 @!p1 $0x0  }
0x14: {  	s2 =	sld [smem:$0x3F8B];
	s0 =	simm.s32 @p1 $0x1  }
0x15: {  	[smem:$0x3FA8] =	sst s0;
	s0 =	simm.s32 @!p2 $0x0  }
0x16: {  	s3 =	sld [smem:$0x3FDB];
	s0 =	simm.s32 @p2 $0x1  }
0x17: {  	s4 =	simm.s32 $0x1BF5;
	[smem:$0x3FAA] =	sst s0  }
0x18: {  	s0 =	sld [smem:$0x3F8D];
	_ =	swait.ge [sflag:s4], $0x0  }
0x19: {  	s7 =	sld [smem:$0x3F8E]  }
0x1a: {  	s8 =	sadd.s32 $0xFFFFE003, lr  }
0x1b: {  	s9 =	sadd.s32 $0xFFFFFEF7, lr;
	s5 =	simm.s32 $0xFFFFFFFF;
	p2 =	slt.u32 s8, $0xFFFFF086  }
0x1c: {  	p1 =	slt.u32 s9, $0xF7A;
	s5 =	simm.s32 @!p2 $0x0  }
0x1d: {  	s5 =	simm.s32 @p1 $0x1;
	p0 =	seq.s32 s7, s2  }
0x1e: {  	s7 =	smul.u32 @!p0 $0xF7A, s2;
	p2 =	seq.s32 @!p0 s5, $0x0  }
0x1f: {  	s9 =	smul.u32 $0xF7A, s1;
	s8 =	simm.s32 @!p0 $0x1BF5;
	p2 =	por !p2, p0  }
0x20: {  	[sflag:s8] =	ssyncset.s32 @!p0 $0xFFFFF086;
	s6 =	sadd.s32 @!p0 s3, s7;
	s7 =	simm.s32 @!p0 $0x108  }
0x21: {  	s3 =	sadd.s32 s3, s9;
	s6 =	sadd.s32 @!p0 $0x88, s6;
	s7 =	simm.s32 @p2 $0x1082  }
0x22: {  	[simem:s7], [sflag:s8] =	dma.local @!p0 [hbm:s6], $0xF7A  }
0x23: {  	s9 =	sor.u32 $0xD0000000, s2;
	s6 =	simm.s32 $0x108;
	_ =	swait.ge @!p0 [sflag:s8], $0x0  }
0x24: {  	s3 =	sadd.s32 $0x88, s3;
	s6 =	simm.s32 @!p1 $0x1082;
	[sflag:s4] =	ssyncset.s32 $0xFFFFF086  }
0x25: {  	[simem:s6], [sflag:s4] =	dma.local [hbm:s3], $0xF7A  }
0x26: {  	[smem:$0x3F8E] =	sst s1;
	(tag) =	ssettag s2;
	_ =	strace s9  }
0x27: {  	s1 =	sld [smem:$0x3F9E]  }
0x28: {  	s2 =	sld [smem:$0x3F9F]  }
0x29: {  	s4 =	sld [smem:$0x3FA1]  }
0x2a: {  	p0 =	seq.s32 s5, $0x0;
	s5 =	sld [smem:$0x3FA2]  }
0x2b: {  	s6 =	sld [smem:$0x3FA3]  }
0x2c: {  	s7 =	sld [smem:$0x3FA4]  }
0x2d: {  	s3 =	simm.s32 $0x108;
	s8 =	sld [smem:$0x3FA5]  }
0x2e: {  	s3 =	simm.s32 @!p0 $0x1082;
	s9 =	sld [smem:$0x3FA6]  }
0x2f: {  	lr =	sadd.s32 s0, s3;
	s0 =	sld [smem:$0x3F9D]  }
0x30: {  	s3 =	sld [smem:$0x3FA0]  }
0x31: {  	[smem:$0x3FA9] =	sst s10  }
0x32: {  	s10 =	sld [smem:$0x3FA7];
	_ =	sdelay $0x3  }
0x33: {  	p0 =	seq.s32 s10, $0x1;
	s10 =	sld [smem:$0x3FA9];
	_ =	sdelay $0x3  }
0x34: {  	[smem:$0x3FA9] =	sst s10  }
0x35: {  	s10 =	sld [smem:$0x3FA8];
	_ =	sdelay $0x3  }
0x36: {  	p1 =	seq.s32 s10, $0x1;
	s10 =	sld [smem:$0x3FA9];
	_ =	sdelay $0x3  }
0x37: {  	[smem:$0x3FA9] =	sst s10  }
0x38: {  	s10 =	sld [smem:$0x3FAA]  }
0x39: {  	_ = 	snop;
	(pc) =	sbr.ind lr, $3  }
0x3a: {  	_ = 	snop  }
0x3b: {  	_ = 	snop  }
0x3c: {  	p2 =	seq.s32 s10, $0x1;
	s10 =	sld [smem:$0x3FA9]  }
0x3d: {  	_ =	shalt  }
0x3e: {  	_ =	shalt  }
0x3f: {  	_ =	shalt  }
0x40: {  	_ =	shalt  }
0x41: {  	_ =	shalt  }
0x42: {  	_ =	shalt  }
0x43: {  	_ =	shalt  }
0x44: {  	_ =	shalt  }
0x45: {  	_ =	shalt  }
0x46: {  	_ =	shalt  }
0x47: {  	_ =	shalt  }
0x48: {  	_ =	shalt  }
0x49: {  	_ =	shalt  }
0x4a: {  	_ =	shalt  }
0x4b: {  	_ =	shalt  }
0x4c: {  	_ =	shalt  }
0x4d: {  	_ =	shalt  }
0x4e: {  	_ =	shalt  }
0x4f: {  	_ =	shalt  }
0x50: {  	_ =	shalt  }
0x51: {  	_ =	shalt  }
0x52: {  	_ =	shalt  }
0x53: {  	_ =	shalt  }
0x54: {  	_ =	shalt  }
0x55: {  	_ =	shalt  }
0x56: {  	_ =	shalt  }
0x57: {  	_ =	shalt  }
0x58: {  	_ =	shalt  }
0x59: {  	_ =	shalt  }
0x5a: {  	_ =	shalt  }
0x5b: {  	_ =	shalt  }
0x5c: {  	_ =	shalt  }
0x5d: {  	_ =	shalt  }
0x5e: {  	_ =	shalt  }
0x5f: {  	_ =	shalt  }
0x60: {  	_ =	shalt  }
0x61: {  	_ =	shalt  }
0x62: {  	_ =	shalt  }
0x63: {  	_ =	shalt  }
0x64: {  	_ =	shalt  }
0x65: {  	_ =	shalt  }
0x66: {  	_ =	shalt  }
0x67: {  	_ =	shalt  }
0x68: {  	_ =	shalt  }
0x69: {  	_ =	shalt  }
0x6a: {  	_ =	shalt  }
0x6b: {  	_ =	shalt  }
0x6c: {  	_ =	shalt  }
0x6d: {  	_ =	shalt  }
0x6e: {  	_ =	shalt  }
0x6f: {  	_ =	shalt  }
0x70: {  	_ =	shalt  }
0x71: {  	_ =	shalt  }
0x72: {  	_ =	shalt  }
0x73: {  	_ =	shalt  }
0x74: {  	_ =	shalt  }
0x75: {  	_ =	shalt  }
0x76: {  	_ =	shalt  }
0x77: {  	_ =	shalt  }
0x78: {  	_ =	shalt  }
0x79: {  	_ =	shalt  }
0x7a: {  	_ =	shalt  }
0x7b: {  	_ =	shalt  }
0x7c: {  	_ =	shalt  }
0x7d: {  	_ =	shalt  }
0x7e: {  	_ =	shalt  }
0x7f: {  	_ =	shalt  }
0x80: {  	_ =	shalt  }
0x81: {  	_ =	shalt  }
0x82: {  	_ =	shalt  }
0x83: {  	_ =	shalt  }
0x84: {  	_ =	shalt  }
0x85: {  	_ =	shalt  }
0x86: {  	_ =	shalt  }
0x87: {  	_ =	shalt  }
.Lfunc_end0:
.L_simem_size_0:
called_computation.5_lowered:
.L_overlay_start_0:
0x88: {  	s2 =	sld [smem:$0x3FD9]  }
0x89: {  	s3 =	sld [smem:$0x3FFE];
	_ =	sdelay $0x1  }
0x8a: {  	s1 =	srdreg.scid  }
0x8b: {  	s0 =	sand.u32 $0x1, s1  }
0x8c: {  	s16 =	sshll.u32 s0, $0xA;
	s2 =	sadd.s32 s3, s2  }
0x8d: {  	s2 =	sadd.s32 s2, s16  }
0x8e: {  	[smem:$0x3FB5] =	sst s2  }
0x8f: {  	_ = 	snop  }
0x90: {  	(tm) =	ssettm $0x1  }
0x91: {  	s17 =	sld [smem:$0x3FFB];
	_ =	sdelay $0x3  }
0x92: {  	_ =	strace s17  }
0x93: {  	s2 =	sld [smem:$0x3FFC];
	_ =	sdelay $0x3  }
0x94: {  	_ =	strace s2  }
0x95: {  	s2 =	sld [smem:$0x3FFD];
	_ =	sdelay $0x3  }
0x96: {  	_ =	strace s2  }
0x97: {  	_ =	strace $0x8FFFFFFF  }
0x98: {  	s18 =	sld [smem:$0x3FDB];
	_ =	sdelay $0x1  }
0x99: {  	s19 =	simm.s32 $_scs_section_size  }
0x9a: {  	s4 =	simm.s32 $_size__tile_overlayer_lowered;
	s5 =	simm.s32 $_tile_overlayer_lowered  }
0x9b: {  	s22 =	simm.s32 $0x1BFF;
	s21 =	sshll.u32 s5, $0x1;
	s2 =	sadd.s32 s19, s18  }
0x9c: {  	s6 =	simm.s32 $0x0;
	s20 =	sshll.u32 s4, $0x1;
	s4 =	sadd.s32 s21, s2  }
0x9d: {  	[timem:s6], [sflag:s22] =	dma.local [hbm:s4], s20  }
0x9e: {  	_ =	swait.ge [sflag:s22], s20  }
0x9f: {  	s3 =	ssub.s32 $0x0, s20;
	[sflag:s22] =	ssyncset.done $0x0  }
0xa0: {  	[sflag:s22] =	ssyncadd.s32 s3;
	_ =	sdelay $0x1  }
0xa1: {  	s23 =	simm.s32 $0x1B8B  }
0xa2: {  	_ =	swait.ge [sflag:s23], $0x1  }
0xa3: {  	[sflag:s23] =	ssyncset.done $0x0  }
0xa4: {  	s25 =	simm.s32 $0x1B8E;
	s24 =	sld [smem:$0x3FFE];
	[sflag:s23] =	ssyncadd.s32 $0xFFFFFFFF  }
0xa5: {  	s26 =	simm.s32 $execute0_lowered;
	[smem:$0x3FD2] =	sst s25  }
0xa6: {  	s4 =	sshll.u32 s26, $0x1;
	_ =	strace $0x80000055;
	[dreg:$0x1] =	wrdreg $0xFFFFFFFF  }
0xa7: {  	s28 =	simm.s32 $_size_execute0_lowered;
	s2 =	sadd.s32 s2, s4;
	[dreg:$0x0] =	wrdreg $0x0  }
0xa8: {  	s4 =	sshll.u32 s28, $0x1;
	[dreg:$0x2] =	wrdreg s2  }
0xa9: {  	[dreg:$0x3] =	wrdreg s4  }
0xaa: {  	[dreg:$0x4] =	wrdreg $0xC0  }
0xab: {  	_ =	task [dreg:s6], $0x5FFFF  }
0xac: {  	[dreg:$0x1] =	wrdreg $0xFFFFFFFF  }
0xad: {  	[dreg:$0x0] =	wrdreg $0x60  }
0xae: {  	[dreg:$0x2] =	wrdreg s24  }
0xaf: {  	[dreg:$0x3] =	wrdreg $0x9  }
0xb0: {  	_ =	task.clear_ibuf [dreg:s6], $0x4FFFF;
	_ =	strace $0x90000055  }
0xb1: {  	s29 =	simm.s32 $0x9;
	_ =	strace $0x80000057  }
0xb2: {  	_ =	swait.ge [sflag:s29], $0x1  }
0xb3: {  	[sflag:s29] =	ssyncadd.s32 $0xFFFFFFFF  }
0xb4: {  	_ =	strace $0x90000057  }
0xb5: {  	_ =	sfence  }
0xb6: {  	s30 =	sld [smem:$0x0];
	_ =	sdelay $0x2  }
0xb7: {  	s31 =	sshll.u32 s1, $0xD;
	s1 =	sshrl.u32 s1, $0x2  }
0xb8: {  	s3 =	sand.u32 $0x4000, s31;
	s1 =	sadd.s32 s1, s30  }
0xb9: {  	s0 =	sor.u32 s3, s0;
	s1 =	sshll.u32 s1, $0x11  }
0xba: {  	s0 =	sor.u32 s1, s0  }
0xbb: {  	s0 =	sadd.s32 $0x8F2B, s0  }
0xbc: {  	[sflag:s0] =	ssyncadd.remote.s32 $0x1  }
0xbd: {  	_ =	sfence.sel $0xFFFF  }
0xbe: {  	[dreg:$0x0] =	wrdreg $0xFFFFFFFF;
	(pc) =	sbr.abs _section_cstart, $3  }
0xbf: {  	[dreg:$0x1] =	wrdreg $0xFFFFFFFF  }
0xc0: {  	_ =	task.clear_ibuf [dreg:s6], $0x2FFFF;
	_ =	strace $0x9FFFFFFF  }
0xc1: {  	(tm) =	ssettm $0x7FFFFFFF  }
tec
execute0_lowered:
.L_overlay_start_1:
0x0: {  	(tag) =	ssettag $0x1  }
0x1: {  	s5 =	rddreg [dreg:$0x0]  }
0x2: {  	s0 =	rddreg [dreg:$0x1];
	s3 =	srdreg.scid  }
0x3: {  	s2 =	simm.s32 $0x0;
	s1 =	stileid.u32;
	s9 =	sand.u32 $0x1, s3  }
0x4: {  	[smem:$0x7FF] =	sst s2;
	s4 =	sshll.u32 s1, $0x5;
	s3 =	sadd.s32 $0x61C00, s5  }
0x5: {  	s10 =	sshll.u32 s1, $0xC;
	s30 =	sshll.u32 s1, $0x1;
	s6 =	sshll.u32 s9, $0x4  }
0x6: {  	_ =	strace $0x80000056;
	s8 =	ssub.s32 $0x2, s9;
	s10 =	sadd.s32 s10, s5  }
0x7: {  	s31 =	sshll.u32 s9, $0xB;
	s9 =	sor.u32 s9, s30;
	s6 =	sor.u32 s6, s4  }
0x8: {  	s4 =	sadd.s32 $0x88E00, s5;
	s11 =	sshrl.u32 s8, $0x1;
	s7 =	sand.u32 $0x180, s6  }
0x9: {  	s29 =	ssub.s32 s8, s11;
	s6 =	sand.u32 $0x70, s6;
	s7 =	sadd.s32 s7, s5  }
0xa: {  	s8 =	sadd.s32 s31, s10;
	s5 =	smax.u32 s29, $0x1;
	s7 =	sadd.s32 s6, s7  }
0xb: {  	s8 =	sadd.s32 $0xB0000, s8;
	s6 =	sadd.s32 $0x30000, s7;
	s7 =	sadd.s32 $0x26200, s7  }
.LBB2_1:
0xc: {  	p0 =	sgt.u32 s9, $0x9C3  }
0xd: {  	s10 =	sadd.s32 @!p0 $0x0, s6;
	s12 =	simm.s32 @!p0 $0x0;
	s11 =	simm.s32 @!p0 $0x3  }
0xe: {  	[tilespmem:s12], [sflag:$0x3] =	stream.linear.gather @!p0 [hbm4b:s10+s12], $0x80, $0x38;
	[tilespmem:$0x4100] =	vst v63  }
0xf: {  	_ =	swait.ge @!p0 [sflag:s11], $0x80;
	p0 =	por p0, p0  }
0x10: {  	[sflag:s11] =	ssyncset.done @!p0 $0x0  }
0x11: {  	s10 =	sadd.s32 @!p0 $0x0, s7;
	s13 =	simm.s32 @!p0 $0x80;
	[sflag:s11] =	ssyncadd.s32 @!p0 $0xFFFFFF80  }
0x12: {  	[tilespmem:s13], [sflag:$0x3] =	stream.linear.gather @!p0 [hbm4b:s10+s12], $0x80, $0x38;
	[tilespmem:$0x4100] =	vst v63  }
0x13: {  	_ =	swait.ge @!p0 [sflag:s11], $0x80  }
0x14: {  	[sflag:s11] =	ssyncset.done @!p0 $0x0  }
0x15: {  	s14 =	simm.s32 @!p0 $0x1;
	s10 =	simm.s32 @!p0 $0x100;
	[sflag:s11] =	ssyncadd.s32 @!p0 $0xFFFFFF80  }
0x16: {  	[tilespmem:s10], [sflag:$0x1] =	stream.indirect.gather @!p0 [hbm4b:s3+s13], $0x80, s12, s13, $0xb8;
	[tilespmem:$0x4100] =	vst v63  }
0x17: {  	_ =	swait.ge @!p0 [sflag:s14], $0x4000  }
0x18: {  	[sflag:s14] =	ssyncset.done @!p0 $0x0  }
0x19: {  	[sflag:s14] =	ssyncadd.s32 @!p0 $0xFFFFC000  }
0x1a: {  	[tilespmem:s10], [sflag:$0x1] =	stream.indirect.gather.add.f32 @!p0 [hbm:s4], $0x80, s13, s13, $0xb8;
	[tilespmem:$0x4100] =	vst v63  }
0x1b: {  	_ =	swait.ge @!p0 [sflag:s14], $0x4000  }
0x1c: {  	s11 =	simm.s32 $0x200;
	s13 =	sadd.s32 $0x20, s9;
	[sflag:s14] =	ssyncset.done @!p0 $0x0  }
0x1d: {  	p2 =	sgt.u32 s13, $0x9C3;
	[sflag:s14] =	ssyncadd.s32 @!p0 $0xFFFFC000;
	s14 =	simm.s32 @!p0 $0x2  }
0x1e: {  	[hbm4b:s8+s12] =	stream.linear.scatter @!p0 [tilespmem:s10], [sflag:$0x2], $0x4000, $0x38;
	[tilespmem:$0x4100] =	vst v63  }
0x1f: {  	s12 =	simm.s32 $0x400;
	s10 =	sadd.s32 $0x10000, s8;
	_ =	swait.ge @!p0 [sflag:s14], $0x4000  }
.LBB2_2:
0x20: {  	s15 =	sadd.s32 @!p2 s11, s6  }
0x21: {  	s16 =	simm.s32 @!p2 $0x0;
	[sflag:s14] =	ssyncset.done @!p0 $0x0;
	s17 =	smov.u32 s12  }
0x22: {  	s12 =	sadd.s32 $0x200, s12;
	s18 =	simm.s32 @!p2 $0x3;
	[sflag:s14] =	ssyncadd.s32 @!p0 $0xFFFFC000  }
0x23: {  	[tilespmem:s16], [sflag:$0x3] =	stream.linear.gather @!p2 [hbm4b:s15+s16], $0x80, $0x38;
	[tilespmem:$0x4100] =	vst v63  }
0x24: {  	p1 =	sne.s32 s12, $0x9E00;
	p0 =	por p2, p2;
	_ =	swait.ge @!p2 [sflag:s18], $0x80  }
0x25: {  	[sflag:s18] =	ssyncset.done @!p0 $0x0  }
0x26: {  	s11 =	sadd.s32 @!p0 s11, s7;
	s14 =	simm.s32 @!p0 $0x80;
	[sflag:s18] =	ssyncadd.s32 @!p0 $0xFFFFFF80  }
0x27: {  	[tilespmem:s14], [sflag:$0x3] =	stream.linear.gather @!p0 [hbm4b:s11+s16], $0x80, $0x38;
	[tilespmem:$0x4100] =	vst v63  }
0x28: {  	s11 =	smov.u32 s17;
	_ =	swait.ge @!p0 [sflag:s18], $0x80  }
0x29: {  	[sflag:s18] =	ssyncset.done @!p0 $0x0  }
0x2a: {  	s15 =	simm.s32 @!p0 $0x100;
	s17 =	simm.s32 @!p0 $0x1;
	[sflag:s18] =	ssyncadd.s32 @!p0 $0xFFFFFF80  }
0x2b: {  	[tilespmem:s15], [sflag:$0x1] =	stream.indirect.gather @!p0 [hbm4b:s3+s14], $0x80, s16, s14, $0xb8;
	[tilespmem:$0x4100] =	vst v63  }
0x2c: {  	_ =	swait.ge @!p0 [sflag:s17], $0x4000  }
0x2d: {  	[sflag:s17] =	ssyncset.done @!p0 $0x0  }
0x2e: {  	[sflag:s17] =	ssyncadd.s32 @!p0 $0xFFFFC000  }
0x2f: {  	[tilespmem:s15], [sflag:$0x1] =	stream.indirect.gather.add.f32 @!p0 [hbm:s4], $0x80, s14, s14, $0xb8;
	[tilespmem:$0x4100] =	vst v63  }
.Ltmp0:
0x30: {  	_ =	swait.ge @!p0 [sflag:s17], $0x4000;
	(pc) =	sbr.rel @p1 .LBB2_2-.Ltmp0, $4  }
0x31: {  	[sflag:s17] =	ssyncset.done @!p0 $0x0  }
0x32: {  	s13 =	sadd.s32 $0x20, s13;
	s14 =	simm.s32 @!p0 $0x2;
	[sflag:s17] =	ssyncadd.s32 @!p0 $0xFFFFC000  }
0x33: {  	[hbm4b:s10+s16] =	stream.linear.scatter @!p0 [tilespmem:s15], [sflag:$0x2], $0x4000, $0x38;
	[tilespmem:$0x4100] =	vst v63  }
0x34: {  	p2 =	sgt.u32 s13, $0x9C3;
	s10 =	sadd.s32 $0x10000, s10;
	_ =	swait.ge @!p0 [sflag:s14], $0x4000  }
0x35: {  	s12 =	sadd.s32 @!p2 s11, s6;
	[sflag:s14] =	ssyncset.done @!p0 $0x0  }
0x36: {  	s13 =	simm.s32 @!p2 $0x0;
	s15 =	simm.s32 @!p2 $0x3;
	[sflag:s14] =	ssyncadd.s32 @!p0 $0xFFFFC000  }
0x37: {  	[tilespmem:s13], [sflag:$0x3] =	stream.linear.gather @!p2 [hbm4b:s12+s13], $0x80, $0x38;
	[tilespmem:$0x4100] =	vst v63  }
0x38: {  	p0 =	por p2, p2;
	_ =	swait.ge @!p2 [sflag:s15], $0x80  }
0x39: {  	[sflag:s15] =	ssyncset.done @!p0 $0x0  }
0x3a: {  	s11 =	sadd.s32 @!p0 s11, s7;
	s12 =	simm.s32 @!p0 $0x80;
	[sflag:s15] =	ssyncadd.s32 @!p0 $0xFFFFFF80  }
0x3b: {  	[tilespmem:s12], [sflag:$0x3] =	stream.linear.gather @!p0 [hbm4b:s11+s13], $0x80, $0x38;
	[tilespmem:$0x4100] =	vst v63  }
0x3c: {  	_ =	swait.ge @!p0 [sflag:s15], $0x80  }
0x3d: {  	[sflag:s15] =	ssyncset.done @!p0 $0x0  }
0x3e: {  	s14 =	simm.s32 @!p0 $0x1;
	s11 =	simm.s32 @!p0 $0x100;
	[sflag:s15] =	ssyncadd.s32 @!p0 $0xFFFFFF80  }
0x3f: {  	[tilespmem:s11], [sflag:$0x1] =	stream.indirect.gather @!p0 [hbm4b:s3+s12], $0x80, s13, s12, $0xb8;
	[tilespmem:$0x4100] =	vst v63  }
0x40: {  	_ =	swait.ge @!p0 [sflag:s14], $0x4000  }
0x41: {  	[sflag:s14] =	ssyncset.done @!p0 $0x0  }
0x42: {  	[sflag:s14] =	ssyncadd.s32 @!p0 $0xFFFFC000  }
0x43: {  	[tilespmem:s11], [sflag:$0x1] =	stream.indirect.gather.add.f32 @!p0 [hbm:s4], $0x80, s12, s12, $0xb8;
	[tilespmem:$0x4100] =	vst v63  }
0x44: {  	s2 =	sadd.s32 $0x1, s2;
	_ =	swait.ge @!p0 [sflag:s14], $0x4000  }
0x45: {  	p1 =	sne.s32 s2, s5;
	[sflag:s14] =	ssyncset.done @!p0 $0x0  }
.Ltmp1:
0x46: {  	s12 =	simm.s32 @!p0 $0x2;
	[sflag:s14] =	ssyncadd.s32 @!p0 $0xFFFFC000;
	(pc) =	sbr.rel @p1 .LBB2_1-.Ltmp1, $4  }
0x47: {  	[hbm4b:s10+s13] =	stream.linear.scatter @!p0 [tilespmem:s11], [sflag:$0x2], $0x4000, $0x38;
	[tilespmem:$0x4100] =	vst v63  }
0x48: {  	_ =	swait.ge @!p0 [sflag:s12], $0x4000  }
0x49: {  	[sflag:s12] =	ssyncset.done @!p0 $0x0  }
0x4a: {  	[sflag:s12] =	ssyncadd.s32 @!p0 $0xFFFFC000  }
0x4b: {  	_ =	sfence.sel $0x180000  }
0x4c: {  	[bflag:$0x0] =	sbarrier.arrive $0xFFFF  }
0x4d: {  	p0 =	sne.s32 s1, $0x0;
	_ =	strace $0x90000056  }
0x4e: {  	s0 =	sadd.s32 @!p0 $0x100000, s0;
	[bflag:$0x2] =	sbarrier.arrive $0xFFFF  }
0x4f: {  	[sflag:s0] =	ssyncadd.tile.s32 @!p0 $0x1;
	_ =	shalt  }
.Lfunc_end2:
_tile_overlayer_lowered:
.L_overlay_start_2:
0x50: {  	(tag) =	ssettag $0x2  }
0x51: {  	s0 =	rddreg [dreg:$0x0];
	s2 =	stileid.u32  }
0x52: {  	s1 =	rddreg [dreg:$0x1];
	p0 =	sne.s32 s2, $0x0  }
0x53: {  	s3 =	rddreg [dreg:$0x2];
	[bflag:$0x3] =	sbarrier.arrive $0xFFFF;
	s2 =	simm.s32 @!p0 $0x1C02  }
0x54: {  	[timem:s3], [sflag:s2] =	dma.local @!p0 [hbm:s0], s1  }
0x55: {  	s0 =	simm.s32 @!p0 $0x2  }
0x56: {  	_ =	swait.ge @!p0 [sflag:s0], s1  }
0x57: {  	s1 =	ssub.s32 @!p0 $0x0, s1;
	[sflag:s0] =	ssyncset.done @!p0 $0x0  }
0x58: {  	[sflag:s0] =	ssyncadd.s32 @!p0 s1  }
0x59: {  	[bflag:$0x3] =	sbarrier.arrive $0xFFFF  }
0x5a: {  	_ =	shalt  }

// kernel: kernel.28.cloned.1.call-start
scs
__scs_entry_jumppad:
0x0: {  	(pc) =	sbr.rel $0x88, $3  }
0x1: {  	(tag) =	ssettag $0x0;
	lr =	simm.s32 $0x1  }
0x2: {  	[smem:$0x3F8E] =	sst lr;
	_ =	strace $0xD0000000  }
0x3: {  	_ = 	snop  }
0x4: {  	_ = 	snop  }
0x5: {  	_ = 	snop  }
0x6: {  	_ = 	snop  }
0x7: {  	_ = 	snop  }
__scs_overlays_trampoline_lowered:
0x8: {  	[smem:$0x3F9D] =	sst s0  }
0x9: {  	[smem:$0x3F9E] =	sst s1  }
0xa: {  	[smem:$0x3F9F] =	sst s2  }
0xb: {  	[smem:$0x3FA0] =	sst s3  }
0xc: {  	[smem:$0x3FA1] =	sst s4  }
0xd: {  	[smem:$0x3FA2] =	sst s5  }
0xe: {  	[smem:$0x3FA3] =	sst s6  }
0xf: {  	[smem:$0x3FA4] =	sst s7  }
0x10: {  	[smem:$0x3FA5] =	sst s8  }
0x11: {  	[smem:$0x3FA6] =	sst s9;
	s0 =	simm.s32 @!p0 $0x0  }
0x12: {  	s1 =	sld [smem:$0x3F8C];
	s0 =	simm.s32 @p0 $0x1  }
0x13: {  	[smem:$0x3FA7] =	sst s0;
	s0 =	simm.s32 @!p1 $0x0  }
0x14: {  	s2 =	sld [smem:$0x3F8B];
	s0 =	simm.s32 @p1 $0x1  }
0x15: {  	[smem:$0x3FA8] =	sst s0;
	s0 =	simm.s32 @!p2 $0x0  }
0x16: {  	s3 =	sld [smem:$0x3FDB];
	s0 =	simm.s32 @p2 $0x1  }
0x17: {  	s4 =	simm.s32 $0x1BF5;
	[smem:$0x3FAA] =	sst s0  }
0x18: {  	s0 =	sld [smem:$0x3F8D];
	_ =	swait.ge [sflag:s4], $0x0  }
0x19: {  	s7 =	sld [smem:$0x3F8E]  }
0x1a: {  	s8 =	sadd.s32 $0xFFFFE003, lr  }
0x1b: {  	s9 =	sadd.s32 $0xFFFFFEF7, lr;
	s5 =	simm.s32 $0xFFFFFFFF;
	p2 =	slt.u32 s8, $0xFFFFF086  }
0x1c: {  	p1 =	slt.u32 s9, $0xF7A;
	s5 =	simm.s32 @!p2 $0x0  }
0x1d: {  	s5 =	simm.s32 @p1 $0x1;
	p0 =	seq.s32 s7, s2  }
0x1e: {  	s7 =	smul.u32 @!p0 $0xF7A, s2;
	p2 =	seq.s32 @!p0 s5, $0x0  }
0x1f: {  	s9 =	smul.u32 $0xF7A, s1;
	s8 =	simm.s32 @!p0 $0x1BF5;
	p2 =	por !p2, p0  }
0x20: {  	[sflag:s8] =	ssyncset.s32 @!p0 $0xFFFFF086;
	s6 =	sadd.s32 @!p0 s3, s7;
	s7 =	simm.s32 @!p0 $0x108  }
0x21: {  	s3 =	sadd.s32 s3, s9;
	s6 =	sadd.s32 @!p0 $0x88, s6;
	s7 =	simm.s32 @p2 $0x1082  }
0x22: {  	[simem:s7], [sflag:s8] =	dma.local @!p0 [hbm:s6], $0xF7A  }
0x23: {  	s9 =	sor.u32 $0xD0000000, s2;
	s6 =	simm.s32 $0x108;
	_ =	swait.ge @!p0 [sflag:s8], $0x0  }
0x24: {  	s3 =	sadd.s32 $0x88, s3;
	s6 =	simm.s32 @!p1 $0x1082;
	[sflag:s4] =	ssyncset.s32 $0xFFFFF086  }
0x25: {  	[simem:s6], [sflag:s4] =	dma.local [hbm:s3], $0xF7A  }
0x26: {  	[smem:$0x3F8E] =	sst s1;
	(tag) =	ssettag s2;
	_ =	strace s9  }
0x27: {  	s1 =	sld [smem:$0x3F9E]  }
0x28: {  	s2 =	sld [smem:$0x3F9F]  }
0x29: {  	s4 =	sld [smem:$0x3FA1]  }
0x2a: {  	p0 =	seq.s32 s5, $0x0;
	s5 =	sld [smem:$0x3FA2]  }
0x2b: {  	s6 =	sld [smem:$0x3FA3]  }
0x2c: {  	s7 =	sld [smem:$0x3FA4]  }
0x2d: {  	s3 =	simm.s32 $0x108;
	s8 =	sld [smem:$0x3FA5]  }
0x2e: {  	s3 =	simm.s32 @!p0 $0x1082;
	s9 =	sld [smem:$0x3FA6]  }
0x2f: {  	lr =	sadd.s32 s0, s3;
	s0 =	sld [smem:$0x3F9D]  }
0x30: {  	s3 =	sld [smem:$0x3FA0]  }
0x31: {  	[smem:$0x3FA9] =	sst s10  }
0x32: {  	s10 =	sld [smem:$0x3FA7];
	_ =	sdelay $0x3  }
0x33: {  	p0 =	seq.s32 s10, $0x1;
	s10 =	sld [smem:$0x3FA9];
	_ =	sdelay $0x3  }
0x34: {  	[smem:$0x3FA9] =	sst s10  }
0x35: {  	s10 =	sld [smem:$0x3FA8];
	_ =	sdelay $0x3  }
0x36: {  	p1 =	seq.s32 s10, $0x1;
	s10 =	sld [smem:$0x3FA9];
	_ =	sdelay $0x3  }
0x37: {  	[smem:$0x3FA9] =	sst s10  }
0x38: {  	s10 =	sld [smem:$0x3FAA]  }
0x39: {  	_ = 	snop;
	(pc) =	sbr.ind lr, $3  }
0x3a: {  	_ = 	snop  }
0x3b: {  	_ = 	snop  }
0x3c: {  	p2 =	seq.s32 s10, $0x1;
	s10 =	sld [smem:$0x3FA9]  }
0x3d: {  	_ =	shalt  }
0x3e: {  	_ =	shalt  }
0x3f: {  	_ =	shalt  }
0x40: {  	_ =	shalt  }
0x41: {  	_ =	shalt  }
0x42: {  	_ =	shalt  }
0x43: {  	_ =	shalt  }
0x44: {  	_ =	shalt  }
0x45: {  	_ =	shalt  }
0x46: {  	_ =	shalt  }
0x47: {  	_ =	shalt  }
0x48: {  	_ =	shalt  }
0x49: {  	_ =	shalt  }
0x4a: {  	_ =	shalt  }
0x4b: {  	_ =	shalt  }
0x4c: {  	_ =	shalt  }
0x4d: {  	_ =	shalt  }
0x4e: {  	_ =	shalt  }
0x4f: {  	_ =	shalt  }
0x50: {  	_ =	shalt  }
0x51: {  	_ =	shalt  }
0x52: {  	_ =	shalt  }
0x53: {  	_ =	shalt  }
0x54: {  	_ =	shalt  }
0x55: {  	_ =	shalt  }
0x56: {  	_ =	shalt  }
0x57: {  	_ =	shalt  }
0x58: {  	_ =	shalt  }
0x59: {  	_ =	shalt  }
0x5a: {  	_ =	shalt  }
0x5b: {  	_ =	shalt  }
0x5c: {  	_ =	shalt  }
0x5d: {  	_ =	shalt  }
0x5e: {  	_ =	shalt  }
0x5f: {  	_ =	shalt  }
0x60: {  	_ =	shalt  }
0x61: {  	_ =	shalt  }
0x62: {  	_ =	shalt  }
0x63: {  	_ =	shalt  }
0x64: {  	_ =	shalt  }
0x65: {  	_ =	shalt  }
0x66: {  	_ =	shalt  }
0x67: {  	_ =	shalt  }
0x68: {  	_ =	shalt  }
0x69: {  	_ =	shalt  }
0x6a: {  	_ =	shalt  }
0x6b: {  	_ =	shalt  }
0x6c: {  	_ =	shalt  }
0x6d: {  	_ =	shalt  }
0x6e: {  	_ =	shalt  }
0x6f: {  	_ =	shalt  }
0x70: {  	_ =	shalt  }
0x71: {  	_ =	shalt  }
0x72: {  	_ =	shalt  }
0x73: {  	_ =	shalt  }
0x74: {  	_ =	shalt  }
0x75: {  	_ =	shalt  }
0x76: {  	_ =	shalt  }
0x77: {  	_ =	shalt  }
0x78: {  	_ =	shalt  }
0x79: {  	_ =	shalt  }
0x7a: {  	_ =	shalt  }
0x7b: {  	_ =	shalt  }
0x7c: {  	_ =	shalt  }
0x7d: {  	_ =	shalt  }
0x7e: {  	_ =	shalt  }
0x7f: {  	_ =	shalt  }
0x80: {  	_ =	shalt  }
0x81: {  	_ =	shalt  }
0x82: {  	_ =	shalt  }
0x83: {  	_ =	shalt  }
0x84: {  	_ =	shalt  }
0x85: {  	_ =	shalt  }
0x86: {  	_ =	shalt  }
0x87: {  	_ =	shalt  }
.Lfunc_end0:
.L_simem_size_0:
called_computation.6_lowered:
.L_overlay_start_0:
0x88: {  	s2 =	sld [smem:$0x3FD9]  }
0x89: {  	s3 =	sld [smem:$0x3FFE];
	_ =	sdelay $0x1  }
0x8a: {  	s1 =	srdreg.scid  }
0x8b: {  	s0 =	sand.u32 $0x1, s1  }
0x8c: {  	s16 =	sshll.u32 s0, $0xA;
	s2 =	sadd.s32 s3, s2  }
0x8d: {  	s2 =	sadd.s32 s2, s16  }
0x8e: {  	[smem:$0x3FB5] =	sst s2  }
0x8f: {  	_ = 	snop  }
0x90: {  	(tm) =	ssettm $0x1  }
0x91: {  	s17 =	sld [smem:$0x3FFB];
	_ =	sdelay $0x3  }
0x92: {  	_ =	strace s17  }
0x93: {  	s2 =	sld [smem:$0x3FFC];
	_ =	sdelay $0x3  }
0x94: {  	_ =	strace s2  }
0x95: {  	s2 =	sld [smem:$0x3FFD];
	_ =	sdelay $0x3  }
0x96: {  	_ =	strace s2  }
0x97: {  	_ =	strace $0x8FFFFFFF  }
0x98: {  	s18 =	sld [smem:$0x3FDB];
	_ =	sdelay $0x1  }
0x99: {  	s19 =	simm.s32 $_scs_section_size  }
0x9a: {  	s4 =	simm.s32 $_size__tile_overlayer_lowered;
	s5 =	simm.s32 $_tile_overlayer_lowered  }
0x9b: {  	s22 =	simm.s32 $0x1BFF;
	s21 =	sshll.u32 s5, $0x1;
	s2 =	sadd.s32 s19, s18  }
0x9c: {  	s6 =	simm.s32 $0x0;
	s20 =	sshll.u32 s4, $0x1;
	s4 =	sadd.s32 s21, s2  }
0x9d: {  	[timem:s6], [sflag:s22] =	dma.local [hbm:s4], s20  }
0x9e: {  	_ =	swait.ge [sflag:s22], s20  }
0x9f: {  	s3 =	ssub.s32 $0x0, s20;
	[sflag:s22] =	ssyncset.done $0x0  }
0xa0: {  	[sflag:s22] =	ssyncadd.s32 s3;
	_ =	sdelay $0x1  }
0xa1: {  	s23 =	simm.s32 $0x1B8B  }
0xa2: {  	_ =	swait.ge [sflag:s23], $0x1  }
0xa3: {  	[sflag:s23] =	ssyncset.done $0x0  }
0xa4: {  	s25 =	simm.s32 $0x1B8E;
	s24 =	sld [smem:$0x3FFE];
	[sflag:s23] =	ssyncadd.s32 $0xFFFFFFFF  }
0xa5: {  	s26 =	simm.s32 $execute0_lowered;
	[smem:$0x3FD2] =	sst s25  }
0xa6: {  	s4 =	sshll.u32 s26, $0x1;
	_ =	strace $0x80000058;
	[dreg:$0x1] =	wrdreg $0xFFFFFFFF  }
0xa7: {  	s28 =	simm.s32 $_size_execute0_lowered;
	s2 =	sadd.s32 s2, s4;
	[dreg:$0x0] =	wrdreg $0x0  }
0xa8: {  	s4 =	sshll.u32 s28, $0x1;
	[dreg:$0x2] =	wrdreg s2  }
0xa9: {  	[dreg:$0x3] =	wrdreg s4  }
0xaa: {  	[dreg:$0x4] =	wrdreg $0xC0  }
0xab: {  	_ =	task [dreg:s6], $0x5FFFF  }
0xac: {  	[dreg:$0x1] =	wrdreg $0xFFFFFFFF  }
0xad: {  	[dreg:$0x0] =	wrdreg $0x60  }
0xae: {  	[dreg:$0x2] =	wrdreg s24  }
0xaf: {  	[dreg:$0x3] =	wrdreg $0x48800  }
0xb0: {  	[dreg:$0x4] =	wrdreg $0x9  }
0xb1: {  	_ =	task.clear_ibuf [dreg:s6], $0x5FFFF;
	_ =	strace $0x90000058  }
0xb2: {  	s29 =	simm.s32 $0x9;
	_ =	strace $0x8000005A  }
0xb3: {  	_ =	swait.ge [sflag:s29], $0x1  }
0xb4: {  	[sflag:s29] =	ssyncadd.s32 $0xFFFFFFFF  }
0xb5: {  	_ =	strace $0x9000005A  }
0xb6: {  	_ =	sfence  }
0xb7: {  	s30 =	sld [smem:$0x0];
	_ =	sdelay $0x2  }
0xb8: {  	s31 =	sshll.u32 s1, $0xD;
	s1 =	sshrl.u32 s1, $0x2  }
0xb9: {  	s3 =	sand.u32 $0x4000, s31;
	s1 =	sadd.s32 s1, s30  }
0xba: {  	s0 =	sor.u32 s3, s0;
	s1 =	sshll.u32 s1, $0x11  }
0xbb: {  	s0 =	sor.u32 s1, s0  }
0xbc: {  	s0 =	sadd.s32 $0x8F2B, s0  }
0xbd: {  	[sflag:s0] =	ssyncadd.remote.s32 $0x1  }
0xbe: {  	_ =	sfence.sel $0xFFFF  }
0xbf: {  	[dreg:$0x0] =	wrdreg $0xFFFFFFFF;
	(pc) =	sbr.abs _section_cstart, $3  }
0xc0: {  	[dreg:$0x1] =	wrdreg $0xFFFFFFFF  }
0xc1: {  	_ =	task.clear_ibuf [dreg:s6], $0x2FFFF;
	_ =	strace $0x9FFFFFFF  }
0xc2: {  	(tm) =	ssettm $0x7FFFFFFF  }
0xc3: {  	_ =	shalt  }
tec
execute0_lowered:
.L_overlay_start_1:
0x0: {  	(tag) =	ssettag $0x1  }
0x1: {  	s4 =	rddreg [dreg:$0x0]  }
0x2: {  	s2 =	rddreg [dreg:$0x1];
	s3 =	srdreg.scid  }
0x3: {  	s0 =	rddreg [dreg:$0x2];
	s1 =	stileid.u32;
	s11 =	sand.u32 $0x1, s3  }
0x4: {  	s3 =	simm.s32 $0x0;
	s5 =	sshll.u32 s1, $0x5;
	s25 =	smul.u32 $0x2700, s1  }
0x5: {  	s7 =	sshll.u32 s1, $0xC;
	s26 =	sadd.s32 $0x61C00, s4;
	s12 =	smul.u32 $0x4E000, s1  }
0x6: {  	s14 =	sshll.u32 s1, $0x1;
	p0 =	seq.s32 s1, $0xF;
	s6 =	sshll.u32 s11, $0x4  }
0x7: {  	[smem:$0x7FF] =	sst s3;
	s10 =	sadd.s32 s7, s4;
	s29 =	smul.u32 $0x27100, s11  }
0x8: {  	s24 =	ssub.s32 $0x2, s11;
	s15 =	smul.u32 $0x138800, s11;
	s31 =	sshll.u32 s11, $0xB  }
0x9: {  	s11 =	sor.u32 s11, s14;
	s8 =	sor.u32 s6, s5;
	_ =	strace $0x80000059  }
0xa: {  	s28 =	sshrl.u32 s24, $0x1;
	s12 =	sshrl.u32 s12, $0x2;
	s10 =	sadd.s32 s31, s10  }
0xb: {  	s5 =	sand.u32 $0x180, s8;
	s13 =	ssub.s32 s24, s28;
	s6 =	sadd.s32 s25, s29  }
0xc: {  	s30 =	sshrl.u32 s15, $0x3;
	s15 =	sadd.s32 $0x124800, s2;
	s8 =	sand.u32 $0x70, s8  }
0xd: {  	s10 =	sadd.s32 $0xA9BA00, s10;
	s9 =	sadd.s32 s5, s4;
	s4 =	simm.s32 $0x28  }
0xe: {  	s5 =	sadd.s32 s12, s2;
	s6 =	sadd.s32 s26, s6;
	s7 =	sadd.s32 s26, s30  }
0xf: {  	s12 =	simm.s32 $0x4080;
	s14 =	sshrl.u32 @p0 s15, $0x3;
	s15 =	simm.s32 $0x0  }
0x10: {  	s4 =	simm.s32 @!p0 $0x27;
	s7 =	sadd.s32 $0x24900, s7;
	s9 =	sadd.s32 s8, s9  }
0x11: {  	v0 =	vimm.f32 $0.0e+00;
	s8 =	smax.u32 s13, $0x1;
	s13 =	simm.s32 $0x2;
	s9 =	sadd.s32 $0x26200, s9  }
.LBB2_1:
0x12: {  	s16 =	sand.u32 $0x1E00, s3  }
0x13: {  	s17 =	sand.u32 $0x30, s3;
	s18 =	sshrl.u32 s16, $0x2  }
0x14: {  	s16 =	simm.s32 $0x80;
	s18 =	sor.u32 s17, s18;
	s17 =	simm.s32 $0x0  }
.LBB2_2:
0x15: {  	p1 =	sne.s32 s16, $0x1F80  }
0x16: {  	[tilespmem:s18+$0x4080] =	vst v0;
	s17 =	sadd.s32 $0x10, s17;
	s18 =	smov.u32 s16;
	s16 =	sadd.s32 $0x80, s16  }
.Ltmp0:
0x17: {  	(pc) =	sbr.rel @p1 .LBB2_2-.Ltmp0, $4  }
0x18: {  	_ = 	snop  }
0x19: {  	s18 =	sand.u32 $0x1E00, s18  }
0x1a: {  	s19 =	sand.u32 $0x30, s17;
	s18 =	sshrl.u32 s18, $0x2  }
0x1b: {  	s18 =	sor.u32 s19, s18  }
0x1c: {  	p1 =	sne.s32 s4, $0x1  }
.Ltmp1:
0x1d: {  	_ = 	snop;
	(pc) =	sbr.rel @!p1 .LBB2_5-.Ltmp1, $4  }
0x1e: {  	[tilespmem:s18+$0x4080] =	vst v0  }
0x1f: {  	[spmem:s5] =	stream.linear.scatter [tilespmem:s12], [sflag:$0x2], $0x800, $0x38;
	[tilespmem:$0xE4C0] =	vst v63  }
0x20: {  	_ =	swait.ge [sflag:s13], $0x800  }
0x21: {  	s16 =	sadd.s32 $0xFFFFFFFF, s4;
	s17 =	smov.u32 s5;
	[sflag:s13] =	ssyncset.done $0x0  }
.LBB2_4:
0x22: {  	p1 =	sne.s32 s16, $0x1;
	[sflag:s13] =	ssyncadd.s32 $0xFFFFF800;
	s17 =	sadd.s32 $0x800, s17  }
.Ltmp2:
0x23: {  	s16 =	sadd.s32 $0xFFFFFFFF, s16;
	(pc) =	sbr.rel @p1 .LBB2_4-.Ltmp2, $4  }
0x24: {  	_ = 	snop  }
0x25: {  	[spmem:s17] =	stream.linear.scatter [tilespmem:s12], [sflag:$0x2], $0x800, $0x38;
	[tilespmem:$0xE4C0] =	vst v63  }
0x26: {  	_ =	swait.ge [sflag:s13], $0x800  }
0x27: {  	[sflag:s13] =	ssyncset.done $0x0  }
.LBB2_5:
0x28: {  	s16 =	sadd.s32 $0x0, s11  }
0x29: {  	[sflag:s13] =	ssyncadd.s32 $0xFFFFF800;
	p1 =	sgt.u32 s16, $0x9C3  }
0x2a: {  	[bflag:$0x0] =	sbarrier.arrive $0xFFFF;
	s16 =	simm.s32 @!p1 $0x0;
	s18 =	simm.s32 @!p1 $0x2  }
0x2b: {  	[tilespmem:s16], [sflag:$0x2] =	stream.linear.gather @!p1 [hbm4b:s9+s16], $0x80, $0x38;
	[tilespmem:$0xE4C0] =	vst v63  }
0x2c: {  	_ =	swait.ge @!p1 [sflag:s18], $0x80  }
0x2d: {  	[sflag:s18] =	ssyncset.done @!p1 $0x0;
	p1 =	por p1, p1  }
0x2e: {  	[sflag:s18] =	ssyncadd.s32 @!p1 $0xFFFFFF80;
	s20 =	simm.s32 @!p1 $0x80  }
0x2f: {  	[tilespmem:s20], [sflag:$0x2] =	stream.linear.gather @!p1 [hbm4b:s10+s16], $0x4000, $0x38;
	[tilespmem:$0xE4C0] =	vst v63  }
0x30: {  	_ =	swait.ge @!p1 [sflag:s18], $0x4000  }
0x31: {  	[sflag:s18] =	ssyncset.done @!p1 $0x0  }
0x32: {  	s31 =	sadd.s32 $0x20, s11;
	s19 =	simm.s32 @!p1 $0x1;
	[sflag:s18] =	ssyncadd.s32 @!p1 $0xFFFFC000  }
0x33: {  	[spmem:s2] =	stream.indirect.scatter.add.f32 @!p1 [tilespmem:s20], [sflag:$0x1], $0x40, s16, s20, $0xb8;
	[tilespmem:$0xE4C0] =	vst v63  }
0x34: {  	s17 =	simm.s32 $0x40;
	p2 =	sgt.u32 s31, $0x9C3;
	_ =	swait.ge @!p1 [sflag:s19], $0x2000  }
0x35: {  	s18 =	sadd.s32 $0x200, s9;
	s16 =	sadd.s32 $0x10000, s10;
	[sflag:s19] =	ssyncset.done @!p1 $0x0  }
.LBB2_6:
0x36: {  	s20 =	simm.s32 @!p2 $0x0;
	s21 =	simm.s32 @!p2 $0x2;
	[sflag:s19] =	ssyncadd.s32 @!p1 $0xFFFFE000  }
0x37: {  	[tilespmem:s20], [sflag:$0x2] =	stream.linear.gather @!p2 [hbm4b:s18+s20], $0x80, $0x38;
	[tilespmem:$0xE4C0] =	vst v63  }
0x38: {  	s22 =	smov.u32 s17;
	s17 =	sadd.s32 $0x20, s17;
	_ =	swait.ge @!p2 [sflag:s21], $0x80  }
0x39: {  	p1 =	por p2, p2;
	p3 =	sne.s32 s17, $0x9E0;
	[sflag:s21] =	ssyncset.done @!p2 $0x0  }
0x3a: {  	s23 =	simm.s32 @!p1 $0x80;
	[sflag:s21] =	ssyncadd.s32 @!p1 $0xFFFFFF80  }
0x3b: {  	[tilespmem:s23], [sflag:$0x2] =	stream.linear.gather @!p1 [hbm4b:s16+s20], $0x4000, $0x38;
	[tilespmem:$0xE4C0] =	vst v63  }
0x3c: {  	_ =	swait.ge @!p1 [sflag:s21], $0x4000  }
.Ltmp3:
0x3d: {  	[sflag:s21] =	ssyncset.done @!p1 $0x0;
	(pc) =	sbr.rel @p3 .LBB2_6-.Ltmp3, $4  }
0x3e: {  	s19 =	simm.s32 @!p1 $0x1;
	[sflag:s21] =	ssyncadd.s32 @!p1 $0xFFFFC000  }
0x3f: {  	[spmem:s2] =	stream.indirect.scatter.add.f32 @!p1 [tilespmem:s23], [sflag:$0x1], $0x40, s20, s23, $0xb8;
	[tilespmem:$0xE4C0] =	vst v63  }
0x40: {  	s16 =	sadd.s32 $0x10000, s16;
	s20 =	sadd.s32 s22, s11;
	_ =	swait.ge @!p1 [sflag:s19], $0x2000  }
0x41: {  	s18 =	sadd.s32 $0x200, s18;
	p2 =	sgt.u32 s20, $0x9C3;
	[sflag:s19] =	ssyncset.done @!p1 $0x0  }
0x42: {  	s17 =	simm.s32 @!p2 $0x0;
	s20 =	simm.s32 @!p2 $0x2;
	[sflag:s19] =	ssyncadd.s32 @!p1 $0xFFFFE000  }
0x43: {  	[tilespmem:s17], [sflag:$0x2] =	stream.linear.gather @!p2 [hbm4b:s18+s17], $0x80, $0x38;
	[tilespmem:$0xE4C0] =	vst v63  }
0x44: {  	_ =	swait.ge @!p2 [sflag:s20], $0x80  }
0x45: {  	p1 =	por p2, p2;
	[sflag:s20] =	ssyncset.done @!p2 $0x0  }
0x46: {  	s18 =	simm.s32 @!p1 $0x80;
	[sflag:s20] =	ssyncadd.s32 @!p1 $0xFFFFFF80  }
0x47: {  	[tilespmem:s18], [sflag:$0x2] =	stream.linear.gather @!p1 [hbm4b:s16+s17], $0x4000, $0x38;
	[tilespmem:$0xE4C0] =	vst v63  }
0x48: {  	_ =	swait.ge @!p1 [sflag:s20], $0x4000  }
0x49: {  	[sflag:s20] =	ssyncset.done @!p1 $0x0  }
0x4a: {  	s16 =	simm.s32 @!p1 $0x1;
	[sflag:s20] =	ssyncadd.s32 @!p1 $0xFFFFC000  }
0x4b: {  	[spmem:s2] =	stream.indirect.scatter.add.f32 @!p1 [tilespmem:s18], [sflag:$0x1], $0x40, s17, s18, $0xb8;
	[tilespmem:$0xE4C0] =	vst v63  }
0x4c: {  	_ =	swait.ge @!p1 [sflag:s16], $0x2000  }
0x4d: {  	[sflag:s16] =	ssyncset.done @!p1 $0x0  }
0x4e: {  	[sflag:s16] =	ssyncadd.s32 @!p1 $0xFFFFE000  }
0x4f: {  	s16 =	simm.s32 @p0 $0x1FC2;
	[bflag:$0x0] =	sbarrier.arrive $0xFFFF  }
0x50: {  	[hbm:s7], [sflag:s16] =	dma.local @p0 [spmem:s14], $0x2800  }
0x51: {  	s16 =	simm.s32 @p0 $0x2  }
0x52: {  	s15 =	sadd.s32 $0x1, s15;
	_ =	swait.ge @p0 [sflag:s16], $0x2800  }
0x53: {  	s17 =	sshll.u32 @!p0 s1, $0x6;
	p1 =	sne.s32 s15, s8;
	[sflag:s16] =	ssyncset.done @p0 $0x0  }
0x54: {  	[sflag:s16] =	ssyncadd.s32 @p0 $0xFFFFD800;
	s16 =	sor.u32 @!p0 $0x1C02, s17;
	s17 =	sshrl.u32 @!p0 s5, $0x3  }
0x55: {  	[hbm:s6], [sflag:s16] =	dma.local @!p0 [spmem:s17], $0x2700  }
.Ltmp4:
0x56: {  	_ = 	snop;
	(pc) =	sbr.rel @p1 .LBB2_1-.Ltmp4, $4  }
0x57: {  	s16 =	simm.s32 @!p0 $0x2  }
0x58: {  	_ =	swait.ge @!p0 [sflag:s16], $0x2700  }
0x59: {  	[sflag:s16] =	ssyncset.done @!p0 $0x0  }
0x5a: {  	[sflag:s16] =	ssyncadd.s32 @!p0 $0xFFFFD900  }
0x5b: {  	_ =	sfence.sel $0x180000  }
0x5c: {  	[bflag:$0x0] =	sbarrier.arrive $0xFFFF  }
0x5d: {  	p0 =	sne.s32 s1, $0x0;
	_ =	strace $0x90000059  }
0x5e: {  	s0 =	sadd.s32 @!p0 $0x100000, s0;
	[bflag:$0x2] =	sbarrier.arrive $0xFFFF  }
0x5f: {  	[sflag:s0] =	ssyncadd.tile.s32 @!p0 $0x1;
	_ =	shalt  }
.Lfunc_end2:
_tile_overlayer_lowered:
.L_overlay_start_2:
0x60: {  	(tag) =	ssettag $0x2  }
0x61: {  	s0 =	rddreg [dreg:$0x0];
	s2 =	stileid.u32  }
0x62: {  	s1 =	rddreg [dreg:$0x1];
	p0 =	sne.s32 s2, $0x0  }
0x63: {  	s3 =	rddreg [dreg:$0x2];
	[bflag:$0x3] =	sbarrier.arrive $0xFFFF;
	s2 =	simm.s32 @!p0 $0x1C02  }
0x64: {  	[timem:s3], [sflag:s2] =	dma.local @!p0 [hbm:s0], s1  }
0x65: {  	s0 =	simm.s32 @!p0 $0x2  }
0x66: {  	_ =	swait.ge @!p0 [sflag:s0], s1  }
0x67: {  	s1 =	ssub.s32 @!p0 $0x0, s1;
	[sflag:s0] =	ssyncset.done @!p0 $0x0  }
0x68: {  	[sflag:s0] =	ssyncadd.s32 @!p0 s1  }
0x69: {  	[bflag:$0x3] =	sbarrier.arrive $0xFFFF  }
0x6a: {  	_ =	shalt  }

// kernel: kernel.31.cloned.1.call-start
scs
__scs_entry_jumppad:
0x0: {  	(pc) =	sbr.rel $0x88, $3  }
0x1: {  	(tag) =	ssettag $0x0;
	lr =	simm.s32 $0x1  }
0x2: {  	[smem:$0x3F8E] =	sst lr;
	_ =	strace $0xD0000000  }
0x3: {  	_ = 	snop  }
0x4: {  	_ = 	snop  }
0x5: {  	_ = 	snop  }
0x6: {  	_ = 	snop  }
0x7: {  	_ = 	snop  }
__scs_overlays_trampoline_lowered:
0x8: {  	[smem:$0x3F9D] =	sst s0  }
0x9: {  	[smem:$0x3F9E] =	sst s1  }
0xa: {  	[smem:$0x3F9F] =	sst s2  }
0xb: {  	[smem:$0x3FA0] =	sst s3  }
0xc: {  	[smem:$0x3FA1] =	sst s4  }
0xd: {  	[smem:$0x3FA2] =	sst s5  }
0xe: {  	[smem:$0x3FA3] =	sst s6  }
0xf: {  	[smem:$0x3FA4] =	sst s7  }
0x10: {  	[smem:$0x3FA5] =	sst s8  }
0x11: {  	[smem:$0x3FA6] =	sst s9;
	s0 =	simm.s32 @!p0 $0x0  }
0x12: {  	s1 =	sld [smem:$0x3F8C];
	s0 =	simm.s32 @p0 $0x1  }
0x13: {  	[smem:$0x3FA7] =	sst s0;
	s0 =	simm.s32 @!p1 $0x0  }
0x14: {  	s2 =	sld [smem:$0x3F8B];
	s0 =	simm.s32 @p1 $0x1  }
0x15: {  	[smem:$0x3FA8] =	sst s0;
	s0 =	simm.s32 @!p2 $0x0  }
0x16: {  	s3 =	sld [smem:$0x3FDB];
	s0 =	simm.s32 @p2 $0x1  }
0x17: {  	s4 =	simm.s32 $0x1BF5;
	[smem:$0x3FAA] =	sst s0  }
0x18: {  	s0 =	sld [smem:$0x3F8D];
	_ =	swait.ge [sflag:s4], $0x0  }
0x19: {  	s7 =	sld [smem:$0x3F8E]  }
0x1a: {  	s8 =	sadd.s32 $0xFFFFE003, lr  }
0x1b: {  	s9 =	sadd.s32 $0xFFFFFEF7, lr;
	s5 =	simm.s32 $0xFFFFFFFF;
	p2 =	slt.u32 s8, $0xFFFFF086  }
0x1c: {  	p1 =	slt.u32 s9, $0xF7A;
	s5 =	simm.s32 @!p2 $0x0  }
0x1d: {  	s5 =	simm.s32 @p1 $0x1;
	p0 =	seq.s32 s7, s2  }
0x1e: {  	s7 =	smul.u32 @!p0 $0xF7A, s2;
	p2 =	seq.s32 @!p0 s5, $0x0  }
0x1f: {  	s9 =	smul.u32 $0xF7A, s1;
	s8 =	simm.s32 @!p0 $0x1BF5;
	p2 =	por !p2, p0  }
0x20: {  	[sflag:s8] =	ssyncset.s32 @!p0 $0xFFFFF086;
	s6 =	sadd.s32 @!p0 s3, s7;
	s7 =	simm.s32 @!p0 $0x108  }
0x21: {  	s3 =	sadd.s32 s3, s9;
	s6 =	sadd.s32 @!p0 $0x88, s6;
	s7 =	simm.s32 @p2 $0x1082  }
0x22: {  	[simem:s7], [sflag:s8] =	dma.local @!p0 [hbm:s6], $0xF7A  }
0x23: {  	s9 =	sor.u32 $0xD0000000, s2;
	s6 =	simm.s32 $0x108;
	_ =	swait.ge @!p0 [sflag:s8], $0x0  }
0x24: {  	s3 =	sadd.s32 $0x88, s3;
	s6 =	simm.s32 @!p1 $0x1082;
	[sflag:s4] =	ssyncset.s32 $0xFFFFF086  }
0x25: {  	[simem:s6], [sflag:s4] =	dma.local [hbm:s3], $0xF7A  }
0x26: {  	[smem:$0x3F8E] =	sst s1;
	(tag) =	ssettag s2;
	_ =	strace s9  }
0x27: {  	s1 =	sld [smem:$0x3F9E]  }
0x28: {  	s2 =	sld [smem:$0x3F9F]  }
0x29: {  	s4 =	sld [smem:$0x3FA1]  }
0x2a: {  	p0 =	seq.s32 s5, $0x0;
	s5 =	sld [smem:$0x3FA2]  }
0x2b: {  	s6 =	sld [smem:$0x3FA3]  }
0x2c: {  	s7 =	sld [smem:$0x3FA4]  }
0x2d: {  	s3 =	simm.s32 $0x108;
	s8 =	sld [smem:$0x3FA5]  }
0x2e: {  	s3 =	simm.s32 @!p0 $0x1082;
	s9 =	sld [smem:$0x3FA6]  }
0x2f: {  	lr =	sadd.s32 s0, s3;
	s0 =	sld [smem:$0x3F9D]  }
0x30: {  	s3 =	sld [smem:$0x3FA0]  }
0x31: {  	[smem:$0x3FA9] =	sst s10  }
0x32: {  	s10 =	sld [smem:$0x3FA7];
	_ =	sdelay $0x3  }
0x33: {  	p0 =	seq.s32 s10, $0x1;
	s10 =	sld [smem:$0x3FA9];
	_ =	sdelay $0x3  }
0x34: {  	[smem:$0x3FA9] =	sst s10  }
0x35: {  	s10 =	sld [smem:$0x3FA8];
	_ =	sdelay $0x3  }
0x36: {  	p1 =	seq.s32 s10, $0x1;
	s10 =	sld [smem:$0x3FA9];
	_ =	sdelay $0x3  }
0x37: {  	[smem:$0x3FA9] =	sst s10  }
0x38: {  	s10 =	sld [smem:$0x3FAA]  }
0x39: {  	_ = 	snop;
	(pc) =	sbr.ind lr, $3  }
0x3a: {  	_ = 	snop  }
0x3b: {  	_ = 	snop  }
0x3c: {  	p2 =	seq.s32 s10, $0x1;
	s10 =	sld [smem:$0x3FA9]  }
0x3d: {  	_ =	shalt  }
0x3e: {  	_ =	shalt  }
0x3f: {  	_ =	shalt  }
0x40: {  	_ =	shalt  }
0x41: {  	_ =	shalt  }
0x42: {  	_ =	shalt  }
0x43: {  	_ =	shalt  }
0x44: {  	_ =	shalt  }
0x45: {  	_ =	shalt  }
0x46: {  	_ =	shalt  }
0x47: {  	_ =	shalt  }
0x48: {  	_ =	shalt  }
0x49: {  	_ =	shalt  }
0x4a: {  	_ =	shalt  }
0x4b: {  	_ =	shalt  }
0x4c: {  	_ =	shalt  }
0x4d: {  	_ =	shalt  }
0x4e: {  	_ =	shalt  }
0x4f: {  	_ =	shalt  }
0x50: {  	_ =	shalt  }
0x51: {  	_ =	shalt  }
0x52: {  	_ =	shalt  }
0x53: {  	_ =	shalt  }
0x54: {  	_ =	shalt  }
0x55: {  	_ =	shalt  }
0x56: {  	_ =	shalt  }
0x57: {  	_ =	shalt  }
0x58: {  	_ =	shalt  }
0x59: {  	_ =	shalt  }
0x5a: {  	_ =	shalt  }
0x5b: {  	_ =	shalt  }
0x5c: {  	_ =	shalt  }
0x5d: {  	_ =	shalt  }
0x5e: {  	_ =	shalt  }
0x5f: {  	_ =	shalt  }
0x60: {  	_ =	shalt  }
0x61: {  	_ =	shalt  }
0x62: {  	_ =	shalt  }
0x63: {  	_ =	shalt  }
0x64: {  	_ =	shalt  }
0x65: {  	_ =	shalt  }
0x66: {  	_ =	shalt  }
0x67: {  	_ =	shalt  }
0x68: {  	_ =	shalt  }
0x69: {  	_ =	shalt  }
0x6a: {  	_ =	shalt  }
0x6b: {  	_ =	shalt  }
0x6c: {  	_ =	shalt  }
0x6d: {  	_ =	shalt  }
0x6e: {  	_ =	shalt  }
0x6f: {  	_ =	shalt  }
0x70: {  	_ =	shalt  }
0x71: {  	_ =	shalt  }
0x72: {  	_ =	shalt  }
0x73: {  	_ =	shalt  }
0x74: {  	_ =	shalt  }
0x75: {  	_ =	shalt  }
0x76: {  	_ =	shalt  }
0x77: {  	_ =	shalt  }
0x78: {  	_ =	shalt  }
0x79: {  	_ =	shalt  }
0x7a: {  	_ =	shalt  }
0x7b: {  	_ =	shalt  }
0x7c: {  	_ =	shalt  }
0x7d: {  	_ =	shalt  }
0x7e: {  	_ =	shalt  }
0x7f: {  	_ =	shalt  }
0x80: {  	_ =	shalt  }
0x81: {  	_ =	shalt  }
0x82: {  	_ =	shalt  }
0x83: {  	_ =	shalt  }
0x84: {  	_ =	shalt  }
0x85: {  	_ =	shalt  }
0x86: {  	_ =	shalt  }
0x87: {  	_ =	shalt  }
.Lfunc_end0:
.L_simem_size_0:
called_computation.7_lowered:
.L_overlay_start_0:
0x88: {  	s2 =	sld [smem:$0x3FD9]  }
0x89: {  	s3 =	sld [smem:$0x3FFE];
	_ =	sdelay $0x1  }
0x8a: {  	s1 =	srdreg.scid  }
0x8b: {  	s0 =	sand.u32 $0x1, s1  }
0x8c: {  	s16 =	sshll.u32 s0, $0xA;
	s2 =	sadd.s32 s3, s2  }
0x8d: {  	s2 =	sadd.s32 s2, s16  }
0x8e: {  	[smem:$0x3FB5] =	sst s2  }
0x8f: {  	_ = 	snop  }
0x90: {  	(tm) =	ssettm $0x1  }
0x91: {  	s17 =	sld [smem:$0x3FFB];
	_ =	sdelay $0x3  }
0x92: {  	_ =	strace s17  }
0x93: {  	s2 =	sld [smem:$0x3FFC];
	_ =	sdelay $0x3  }
0x94: {  	_ =	strace s2  }
0x95: {  	s2 =	sld [smem:$0x3FFD];
	_ =	sdelay $0x3  }
0x96: {  	_ =	strace s2  }
0x97: {  	_ =	strace $0x8FFFFFFF  }
0x98: {  	s18 =	sld [smem:$0x3FDB];
	_ =	sdelay $0x1  }
0x99: {  	s19 =	simm.s32 $_scs_section_size  }
0x9a: {  	s4 =	simm.s32 $_size__tile_overlayer_lowered;
	s5 =	simm.s32 $_tile_overlayer_lowered  }
0x9b: {  	s22 =	simm.s32 $0x1BFF;
	s21 =	sshll.u32 s5, $0x1;
	s2 =	sadd.s32 s19, s18  }
0x9c: {  	s6 =	simm.s32 $0x0;
	s20 =	sshll.u32 s4, $0x1;
	s4 =	sadd.s32 s21, s2  }
0x9d: {  	[timem:s6], [sflag:s22] =	dma.local [hbm:s4], s20  }
0x9e: {  	_ =	swait.ge [sflag:s22], s20  }
0x9f: {  	s3 =	ssub.s32 $0x0, s20;
	[sflag:s22] =	ssyncset.done $0x0  }
0xa0: {  	[sflag:s22] =	ssyncadd.s32 s3;
	_ =	sdelay $0x1  }
0xa1: {  	s23 =	simm.s32 $0x1B8B  }
0xa2: {  	_ =	swait.ge [sflag:s23], $0x1  }
0xa3: {  	[sflag:s23] =	ssyncset.done $0x0  }
0xa4: {  	s25 =	simm.s32 $0x1B8E;
	s24 =	sld [smem:$0x3FFE];
	[sflag:s23] =	ssyncadd.s32 $0xFFFFFFFF  }
0xa5: {  	s26 =	simm.s32 $execute0_lowered;
	[smem:$0x3FD2] =	sst s25  }
0xa6: {  	s4 =	sshll.u32 s26, $0x1;
	_ =	strace $0x8000005B;
	[dreg:$0x1] =	wrdreg $0xFFFFFFFF  }
0xa7: {  	s28 =	simm.s32 $_size_execute0_lowered;
	s2 =	sadd.s32 s2, s4;
	[dreg:$0x0] =	wrdreg $0x0  }
0xa8: {  	s4 =	sshll.u32 s28, $0x1;
	[dreg:$0x2] =	wrdreg s2  }
0xa9: {  	[dreg:$0x3] =	wrdreg s4  }
0xaa: {  	[dreg:$0x4] =	wrdreg $0xC0  }
0xab: {  	_ =	task [dreg:s6], $0x5FFFF  }
0xac: {  	[dreg:$0x1] =	wrdreg $0xFFFFFFFF  }
0xad: {  	[dreg:$0x0] =	wrdreg $0x60  }
0xae: {  	[dreg:$0x2] =	wrdreg s24  }
0xaf: {  	[dreg:$0x3] =	wrdreg $0x9  }
0xb0: {  	_ =	task.clear_ibuf [dreg:s6], $0x4FFFF;
	_ =	strace $0x9000005B  }
0xb1: {  	s29 =	simm.s32 $0x9;
	_ =	strace $0x8000005D  }
0xb2: {  	_ =	swait.ge [sflag:s29], $0x1  }
0xb3: {  	[sflag:s29] =	ssyncadd.s32 $0xFFFFFFFF  }
0xb4: {  	_ =	strace $0x9000005D  }
0xb5: {  	_ =	sfence  }
0xb6: {  	s30 =	sld [smem:$0x0];
	_ =	sdelay $0x2  }
0xb7: {  	s31 =	sshll.u32 s1, $0xD;
	s1 =	sshrl.u32 s1, $0x2  }
0xb8: {  	s3 =	sand.u32 $0x4000, s31;
	s1 =	sadd.s32 s1, s30  }
0xb9: {  	s0 =	sor.u32 s3, s0;
	s1 =	sshll.u32 s1, $0x11  }
0xba: {  	s0 =	sor.u32 s1, s0  }
0xbb: {  	s0 =	sadd.s32 $0x8F2B, s0  }
0xbc: {  	[sflag:s0] =	ssyncadd.remote.s32 $0x1  }
0xbd: {  	_ =	sfence.sel $0xFFFF  }
0xbe: {  	[dreg:$0x0] =	wrdreg $0xFFFFFFFF;
	(pc) =	sbr.abs _section_cstart, $3  }
0xbf: {  	[dreg:$0x1] =	wrdreg $0xFFFFFFFF  }
0xc0: {  	_ =	task.clear_ibuf [dreg:s6], $0x2FFFF;
	_ =	strace $0x9FFFFFFF  }
0xc1: {  	(tm) =	ssettm $0x7FFFFFFF  }
tec
execute0_lowered:
.L_overlay_start_1:
0x0: {  	(tag) =	ssettag $0x1  }
0x1: {  	s5 =	rddreg [dreg:$0x0]  }
0x2: {  	s0 =	rddreg [dreg:$0x1];
	s3 =	srdreg.scid  }
0x3: {  	s2 =	simm.s32 $0x0;
	s1 =	stileid.u32;
	s9 =	sand.u32 $0x1, s3  }
0x4: {  	[smem:$0x7FF] =	sst s2;
	s4 =	sshll.u32 s1, $0x5;
	s3 =	sadd.s32 $0x61000, s5  }
0x5: {  	s10 =	sshll.u32 s1, $0xC;
	s30 =	sshll.u32 s1, $0x1;
	s6 =	sshll.u32 s9, $0x4  }
0x6: {  	_ =	strace $0x8000005C;
	s8 =	ssub.s32 $0x2, s9;
	s10 =	sadd.s32 s10, s5  }
0x7: {  	s31 =	sshll.u32 s9, $0xB;
	s9 =	sor.u32 s9, s30;
	s6 =	sor.u32 s6, s4  }
0x8: {  	s4 =	sadd.s32 $0x88200, s5;
	s11 =	sshrl.u32 s8, $0x1;
	s7 =	sand.u32 $0x180, s6  }
0x9: {  	s29 =	ssub.s32 s8, s11;
	s6 =	sand.u32 $0x70, s6;
	s7 =	sadd.s32 s7, s5  }
0xa: {  	s8 =	sadd.s32 s31, s10;
	s5 =	smax.u32 s29, $0x1;
	s7 =	sadd.s32 s6, s7  }
0xb: {  	s8 =	sadd.s32 $0xAF400, s8;
	s6 =	sadd.s32 $0x30000, s7;
	s7 =	sadd.s32 $0x26200, s7  }
.LBB2_1:
0xc: {  	p0 =	sgt.u32 s9, $0x9C3  }
0xd: {  	s10 =	sadd.s32 @!p0 $0x0, s6;
	s12 =	simm.s32 @!p0 $0x0;
	s11 =	simm.s32 @!p0 $0x3  }
0xe: {  	[tilespmem:s12], [sflag:$0x3] =	stream.linear.gather @!p0 [hbm4b:s10+s12], $0x80, $0x38;
	[tilespmem:$0x4100] =	vst v63  }
0xf: {  	_ =	swait.ge @!p0 [sflag:s11], $0x80;
	p0 =	por p0, p0  }
0x10: {  	[sflag:s11] =	ssyncset.done @!p0 $0x0  }
0x11: {  	s10 =	sadd.s32 @!p0 $0x0, s7;
	s13 =	simm.s32 @!p0 $0x80;
	[sflag:s11] =	ssyncadd.s32 @!p0 $0xFFFFFF80  }
0x12: {  	[tilespmem:s13], [sflag:$0x3] =	stream.linear.gather @!p0 [hbm4b:s10+s12], $0x80, $0x38;
	[tilespmem:$0x4100] =	vst v63  }
0x13: {  	_ =	swait.ge @!p0 [sflag:s11], $0x80  }
0x14: {  	[sflag:s11] =	ssyncset.done @!p0 $0x0  }
0x15: {  	s14 =	simm.s32 @!p0 $0x1;
	s10 =	simm.s32 @!p0 $0x100;
	[sflag:s11] =	ssyncadd.s32 @!p0 $0xFFFFFF80  }
0x16: {  	[tilespmem:s10], [sflag:$0x1] =	stream.indirect.gather @!p0 [hbm4b:s3+s13], $0x80, s12, s13, $0xb8;
	[tilespmem:$0x4100] =	vst v63  }
0x17: {  	_ =	swait.ge @!p0 [sflag:s14], $0x4000  }
0x18: {  	[sflag:s14] =	ssyncset.done @!p0 $0x0  }
0x19: {  	[sflag:s14] =	ssyncadd.s32 @!p0 $0xFFFFC000  }
0x1a: {  	[tilespmem:s10], [sflag:$0x1] =	stream.indirect.gather.add.f32 @!p0 [hbm:s4], $0x80, s13, s13, $0xb8;
	[tilespmem:$0x4100] =	vst v63  }
0x1b: {  	_ =	swait.ge @!p0 [sflag:s14], $0x4000  }
0x1c: {  	s11 =	simm.s32 $0x200;
	s13 =	sadd.s32 $0x20, s9;
	[sflag:s14] =	ssyncset.done @!p0 $0x0  }
0x1d: {  	p2 =	sgt.u32 s13, $0x9C3;
	[sflag:s14] =	ssyncadd.s32 @!p0 $0xFFFFC000;
	s14 =	simm.s32 @!p0 $0x2  }
0x1e: {  	[hbm4b:s8+s12] =	stream.linear.scatter @!p0 [tilespmem:s10], [sflag:$0x2], $0x4000, $0x38;
	[tilespmem:$0x4100] =	vst v63  }
0x1f: {  	s12 =	simm.s32 $0x400;
	s10 =	sadd.s32 $0x10000, s8;
	_ =	swait.ge @!p0 [sflag:s14], $0x4000  }
.LBB2_2:
0x20: {  	s15 =	sadd.s32 @!p2 s11, s6  }
0x21: {  	s16 =	simm.s32 @!p2 $0x0;
	[sflag:s14] =	ssyncset.done @!p0 $0x0;
	s17 =	smov.u32 s12  }
0x22: {  	s12 =	sadd.s32 $0x200, s12;
	s18 =	simm.s32 @!p2 $0x3;
	[sflag:s14] =	ssyncadd.s32 @!p0 $0xFFFFC000  }
0x23: {  	[tilespmem:s16], [sflag:$0x3] =	stream.linear.gather @!p2 [hbm4b:s15+s16], $0x80, $0x38;
	[tilespmem:$0x4100] =	vst v63  }
0x24: {  	p1 =	sne.s32 s12, $0x9E00;
	p0 =	por p2, p2;
	_ =	swait.ge @!p2 [sflag:s18], $0x80  }
0x25: {  	[sflag:s18] =	ssyncset.done @!p0 $0x0  }
0x26: {  	s11 =	sadd.s32 @!p0 s11, s7;
	s14 =	simm.s32 @!p0 $0x80;
	[sflag:s18] =	ssyncadd.s32 @!p0 $0xFFFFFF80  }
0x27: {  	[tilespmem:s14], [sflag:$0x3] =	stream.linear.gather @!p0 [hbm4b:s11+s16], $0x80, $0x38;
	[tilespmem:$0x4100] =	vst v63  }
0x28: {  	s11 =	smov.u32 s17;
	_ =	swait.ge @!p0 [sflag:s18], $0x80  }
0x29: {  	[sflag:s18] =	ssyncset.done @!p0 $0x0  }
0x2a: {  	s15 =	simm.s32 @!p0 $0x100;
	s17 =	simm.s32 @!p0 $0x1;
	[sflag:s18] =	ssyncadd.s32 @!p0 $0xFFFFFF80  }
0x2b: {  	[tilespmem:s15], [sflag:$0x1] =	stream.indirect.gather @!p0 [hbm4b:s3+s14], $0x80, s16, s14, $0xb8;
	[tilespmem:$0x4100] =	vst v63  }
0x2c: {  	_ =	swait.ge @!p0 [sflag:s17], $0x4000  }
0x2d: {  	[sflag:s17] =	ssyncset.done @!p0 $0x0  }
0x2e: {  	[sflag:s17] =	ssyncadd.s32 @!p0 $0xFFFFC000  }
0x2f: {  	[tilespmem:s15], [sflag:$0x1] =	stream.indirect.gather.add.f32 @!p0 [hbm:s4], $0x80, s14, s14, $0xb8;
	[tilespmem:$0x4100] =	vst v63  }
.Ltmp0:
0x30: {  	_ =	swait.ge @!p0 [sflag:s17], $0x4000;
	(pc) =	sbr.rel @p1 .LBB2_2-.Ltmp0, $4  }
0x31: {  	[sflag:s17] =	ssyncset.done @!p0 $0x0  }
0x32: {  	s13 =	sadd.s32 $0x20, s13;
	s14 =	simm.s32 @!p0 $0x2;
	[sflag:s17] =	ssyncadd.s32 @!p0 $0xFFFFC000  }
0x33: {  	[hbm4b:s10+s16] =	stream.linear.scatter @!p0 [tilespmem:s15], [sflag:$0x2], $0x4000, $0x38;
	[tilespmem:$0x4100] =	vst v63  }
0x34: {  	p2 =	sgt.u32 s13, $0x9C3;
	s10 =	sadd.s32 $0x10000, s10;
	_ =	swait.ge @!p0 [sflag:s14], $0x4000  }
0x35: {  	s12 =	sadd.s32 @!p2 s11, s6;
	[sflag:s14] =	ssyncset.done @!p0 $0x0  }
0x36: {  	s13 =	simm.s32 @!p2 $0x0;
	s15 =	simm.s32 @!p2 $0x3;
	[sflag:s14] =	ssyncadd.s32 @!p0 $0xFFFFC000  }
0x37: {  	[tilespmem:s13], [sflag:$0x3] =	stream.linear.gather @!p2 [hbm4b:s12+s13], $0x80, $0x38;
	[tilespmem:$0x4100] =	vst v63  }
0x38: {  	p0 =	por p2, p2;
	_ =	swait.ge @!p2 [sflag:s15], $0x80  }
0x39: {  	[sflag:s15] =	ssyncset.done @!p0 $0x0  }
0x3a: {  	s11 =	sadd.s32 @!p0 s11, s7;
	s12 =	simm.s32 @!p0 $0x80;
	[sflag:s15] =	ssyncadd.s32 @!p0 $0xFFFFFF80  }
0x3b: {  	[tilespmem:s12], [sflag:$0x3] =	stream.linear.gather @!p0 [hbm4b:s11+s13], $0x80, $0x38;
	[tilespmem:$0x4100] =	vst v63  }
0x3c: {  	_ =	swait.ge @!p0 [sflag:s15], $0x80  }
0x3d: {  	[sflag:s15] =	ssyncset.done @!p0 $0x0  }
0x3e: {  	s14 =	simm.s32 @!p0 $0x1;
	s11 =	simm.s32 @!p0 $0x100;
	[sflag:s15] =	ssyncadd.s32 @!p0 $0xFFFFFF80  }
0x3f: {  	[tilespmem:s11], [sflag:$0x1] =	stream.indirect.gather @!p0 [hbm4b:s3+s12], $0x80, s13, s12, $0xb8;
	[tilespmem:$0x4100] =	vst v63  }
0x40: {  	_ =	swait.ge @!p0 [sflag:s14], $0x4000  }
0x41: {  	[sflag:s14] =	ssyncset.done @!p0 $0x0  }
0x42: {  	[sflag:s14] =	ssyncadd.s32 @!p0 $0xFFFFC000  }
0x43: {  	[tilespmem:s11], [sflag:$0x1] =	stream.indirect.gather.add.f32 @!p0 [hbm:s4], $0x80, s12, s12, $0xb8;
	[tilespmem:$0x4100] =	vst v63  }
0x44: {  	s2 =	sadd.s32 $0x1, s2;
	_ =	swait.ge @!p0 [sflag:s14], $0x4000  }
0x45: {  	p1 =	sne.s32 s2, s5;
	[sflag:s14] =	ssyncset.done @!p0 $0x0  }
.Ltmp1:
0x46: {  	s12 =	simm.s32 @!p0 $0x2;
	[sflag:s14] =	ssyncadd.s32 @!p0 $0xFFFFC000;
	(pc) =	sbr.rel @p1 .LBB2_1-.Ltmp1, $4  }
0x47: {  	[hbm4b:s10+s13] =	stream.linear.scatter @!p0 [tilespmem:s11], [sflag:$0x2], $0x4000, $0x38;
	[tilespmem:$0x4100] =	vst v63  }
0x48: {  	_ =	swait.ge @!p0 [sflag:s12], $0x4000  }
0x49: {  	[sflag:s12] =	ssyncset.done @!p0 $0x0  }
0x4a: {  	[sflag:s12] =	ssyncadd.s32 @!p0 $0xFFFFC000  }
0x4b: {  	_ =	sfence.sel $0x180000  }
0x4c: {  	[bflag:$0x0] =	sbarrier.arrive $0xFFFF  }
0x4d: {  	p0 =	sne.s32 s1, $0x0;
	_ =	strace $0x9000005C  }
0x4e: {  	s0 =	sadd.s32 @!p0 $0x100000, s0;
	[bflag:$0x2] =	sbarrier.arrive $0xFFFF  }
0x4f: {  	[sflag:s0] =	ssyncadd.tile.s32 @!p0 $0x1;
	_ =	shalt  }
.Lfunc_end2:
_tile_overlayer_lowered:
.L_overlay_start_2:
0x50: {  	(tag) =	ssettag $0x2  }
0x51: {  	s0 =	rddreg [dreg:$0x0];
	s2 =	stileid.u32  }
0x52: {  	s1 =	rddreg [dreg:$0x1];
	p0 =	sne.s32 s2, $0x0  }
0x53: {  	s3 =	rddreg [dreg:$0x2];
	[bflag:$0x3] =	sbarrier.arrive $0xFFFF;
	s2 =	simm.s32 @!p0 $0x1C02  }
0x54: {  	[timem:s3], [sflag:s2] =	dma.local @!p0 [hbm:s0], s1  }
0x55: {  	s0 =	simm.s32 @!p0 $0x2  }
0x56: {  	_ =	swait.ge @!p0 [sflag:s0], s1  }
0x57: {  	s1 =	ssub.s32 @!p0 $0x0, s1;
	[sflag:s0] =	ssyncset.done @!p0 $0x0  }
0x58: {  	[sflag:s0] =	ssyncadd.s32 @!p0 s1  }
0x59: {  	[bflag:$0x3] =	sbarrier.arrive $0xFFFF  }
0x5a: {  	_ =	shalt  }

// kernel: kernel.34.cloned.1.call-start
scs
__scs_entry_jumppad:
0x0: {  	(pc) =	sbr.rel $0x88, $3  }
0x1: {  	(tag) =	ssettag $0x0;
	lr =	simm.s32 $0x1  }
0x2: {  	[smem:$0x3F8E] =	sst lr;
	_ =	strace $0xD0000000  }
0x3: {  	_ = 	snop  }
0x4: {  	_ = 	snop  }
0x5: {  	_ = 	snop  }
0x6: {  	_ = 	snop  }
0x7: {  	_ = 	snop  }
__scs_overlays_trampoline_lowered:
0x8: {  	[smem:$0x3F9D] =	sst s0  }
0x9: {  	[smem:$0x3F9E] =	sst s1  }
0xa: {  	[smem:$0x3F9F] =	sst s2  }
0xb: {  	[smem:$0x3FA0] =	sst s3  }
0xc: {  	[smem:$0x3FA1] =	sst s4  }
0xd: {  	[smem:$0x3FA2] =	sst s5  }
0xe: {  	[smem:$0x3FA3] =	sst s6  }
0xf: {  	[smem:$0x3FA4] =	sst s7  }
0x10: {  	[smem:$0x3FA5] =	sst s8  }
0x11: {  	[smem:$0x3FA6] =	sst s9;
	s0 =	simm.s32 @!p0 $0x0  }
0x12: {  	s1 =	sld [smem:$0x3F8C];
	s0 =	simm.s32 @p0 $0x1  }
0x13: {  	[smem:$0x3FA7] =	sst s0;
	s0 =	simm.s32 @!p1 $0x0  }
0x14: {  	s2 =	sld [smem:$0x3F8B];
	s0 =	simm.s32 @p1 $0x1  }
0x15: {  	[smem:$0x3FA8] =	sst s0;
	s0 =	simm.s32 @!p2 $0x0  }
0x16: {  	s3 =	sld [smem:$0x3FDB];
	s0 =	simm.s32 @p2 $0x1  }
0x17: {  	s4 =	simm.s32 $0x1BF5;
	[smem:$0x3FAA] =	sst s0  }
0x18: {  	s0 =	sld [smem:$0x3F8D];
	_ =	swait.ge [sflag:s4], $0x0  }
0x19: {  	s7 =	sld [smem:$0x3F8E]  }
0x1a: {  	s8 =	sadd.s32 $0xFFFFE003, lr  }
0x1b: {  	s9 =	sadd.s32 $0xFFFFFEF7, lr;
	s5 =	simm.s32 $0xFFFFFFFF;
	p2 =	slt.u32 s8, $0xFFFFF086  }
0x1c: {  	p1 =	slt.u32 s9, $0xF7A;
	s5 =	simm.s32 @!p2 $0x0  }
0x1d: {  	s5 =	simm.s32 @p1 $0x1;
	p0 =	seq.s32 s7, s2  }
0x1e: {  	s7 =	smul.u32 @!p0 $0xF7A, s2;
	p2 =	seq.s32 @!p0 s5, $0x0  }
0x1f: {  	s9 =	smul.u32 $0xF7A, s1;
	s8 =	simm.s32 @!p0 $0x1BF5;
	p2 =	por !p2, p0  }
0x20: {  	[sflag:s8] =	ssyncset.s32 @!p0 $0xFFFFF086;
	s6 =	sadd.s32 @!p0 s3, s7;
	s7 =	simm.s32 @!p0 $0x108  }
0x21: {  	s3 =	sadd.s32 s3, s9;
	s6 =	sadd.s32 @!p0 $0x88, s6;
	s7 =	simm.s32 @p2 $0x1082  }
0x22: {  	[simem:s7], [sflag:s8] =	dma.local @!p0 [hbm:s6], $0xF7A  }
0x23: {  	s9 =	sor.u32 $0xD0000000, s2;
	s6 =	simm.s32 $0x108;
	_ =	swait.ge @!p0 [sflag:s8], $0x0  }
0x24: {  	s3 =	sadd.s32 $0x88, s3;
	s6 =	simm.s32 @!p1 $0x1082;
	[sflag:s4] =	ssyncset.s32 $0xFFFFF086  }
0x25: {  	[simem:s6], [sflag:s4] =	dma.local [hbm:s3], $0xF7A  }
0x26: {  	[smem:$0x3F8E] =	sst s1;
	(tag) =	ssettag s2;
	_ =	strace s9  }
0x27: {  	s1 =	sld [smem:$0x3F9E]  }
0x28: {  	s2 =	sld [smem:$0x3F9F]  }
0x29: {  	s4 =	sld [smem:$0x3FA1]  }
0x2a: {  	p0 =	seq.s32 s5, $0x0;
	s5 =	sld [smem:$0x3FA2]  }
0x2b: {  	s6 =	sld [smem:$0x3FA3]  }
0x2c: {  	s7 =	sld [smem:$0x3FA4]  }
0x2d: {  	s3 =	simm.s32 $0x108;
	s8 =	sld [smem:$0x3FA5]  }
0x2e: {  	s3 =	simm.s32 @!p0 $0x1082;
	s9 =	sld [smem:$0x3FA6]  }
0x2f: {  	lr =	sadd.s32 s0, s3;
	s0 =	sld [smem:$0x3F9D]  }
0x30: {  	s3 =	sld [smem:$0x3FA0]  }
0x31: {  	[smem:$0x3FA9] =	sst s10  }
0x32: {  	s10 =	sld [smem:$0x3FA7];
	_ =	sdelay $0x3  }
0x33: {  	p0 =	seq.s32 s10, $0x1;
	s10 =	sld [smem:$0x3FA9];
	_ =	sdelay $0x3  }
0x34: {  	[smem:$0x3FA9] =	sst s10  }
0x35: {  	s10 =	sld [smem:$0x3FA8];
	_ =	sdelay $0x3  }
0x36: {  	p1 =	seq.s32 s10, $0x1;
	s10 =	sld [smem:$0x3FA9];
	_ =	sdelay $0x3  }
0x37: {  	[smem:$0x3FA9] =	sst s10  }
0x38: {  	s10 =	sld [smem:$0x3FAA]  }
0x39: {  	_ = 	snop;
	(pc) =	sbr.ind lr, $3  }
0x3a: {  	_ = 	snop  }
0x3b: {  	_ = 	snop  }
0x3c: {  	p2 =	seq.s32 s10, $0x1;
	s10 =	sld [smem:$0x3FA9]  }
0x3d: {  	_ =	shalt  }
0x3e: {  	_ =	shalt  }
0x3f: {  	_ =	shalt  }
0x40: {  	_ =	shalt  }
0x41: {  	_ =	shalt  }
0x42: {  	_ =	shalt  }
0x43: {  	_ =	shalt  }
0x44: {  	_ =	shalt  }
0x45: {  	_ =	shalt  }
0x46: {  	_ =	shalt  }
0x47: {  	_ =	shalt  }
0x48: {  	_ =	shalt  }
0x49: {  	_ =	shalt  }
0x4a: {  	_ =	shalt  }
0x4b: {  	_ =	shalt  }
0x4c: {  	_ =	shalt  }
0x4d: {  	_ =	shalt  }
0x4e: {  	_ =	shalt  }
0x4f: {  	_ =	shalt  }
0x50: {  	_ =	shalt  }
0x51: {  	_ =	shalt  }
0x52: {  	_ =	shalt  }
0x53: {  	_ =	shalt  }
0x54: {  	_ =	shalt  }
0x55: {  	_ =	shalt  }
0x56: {  	_ =	shalt  }
0x57: {  	_ =	shalt  }
0x58: {  	_ =	shalt  }
0x59: {  	_ =	shalt  }
0x5a: {  	_ =	shalt  }
0x5b: {  	_ =	shalt  }
0x5c: {  	_ =	shalt  }
0x5d: {  	_ =	shalt  }
0x5e: {  	_ =	shalt  }
0x5f: {  	_ =	shalt  }
0x60: {  	_ =	shalt  }
0x61: {  	_ =	shalt  }
0x62: {  	_ =	shalt  }
0x63: {  	_ =	shalt  }
0x64: {  	_ =	shalt  }
0x65: {  	_ =	shalt  }
0x66: {  	_ =	shalt  }
0x67: {  	_ =	shalt  }
0x68: {  	_ =	shalt  }
0x69: {  	_ =	shalt  }
0x6a: {  	_ =	shalt  }
0x6b: {  	_ =	shalt  }
0x6c: {  	_ =	shalt  }
0x6d: {  	_ =	shalt  }
0x6e: {  	_ =	shalt  }
0x6f: {  	_ =	shalt  }
0x70: {  	_ =	shalt  }
0x71: {  	_ =	shalt  }
0x72: {  	_ =	shalt  }
0x73: {  	_ =	shalt  }
0x74: {  	_ =	shalt  }
0x75: {  	_ =	shalt  }
0x76: {  	_ =	shalt  }
0x77: {  	_ =	shalt  }
0x78: {  	_ =	shalt  }
0x79: {  	_ =	shalt  }
0x7a: {  	_ =	shalt  }
0x7b: {  	_ =	shalt  }
0x7c: {  	_ =	shalt  }
0x7d: {  	_ =	shalt  }
0x7e: {  	_ =	shalt  }
0x7f: {  	_ =	shalt  }
0x80: {  	_ =	shalt  }
0x81: {  	_ =	shalt  }
0x82: {  	_ =	shalt  }
0x83: {  	_ =	shalt  }
0x84: {  	_ =	shalt  }
0x85: {  	_ =	shalt  }
0x86: {  	_ =	shalt  }
0x87: {  	_ =	shalt  }
.Lfunc_end0:
.L_simem_size_0:
called_computation.8_lowered:
.L_overlay_start_0:
0x88: {  	s2 =	sld [smem:$0x3FD9]  }
0x89: {  	s3 =	sld [smem:$0x3FFE];
	_ =	sdelay $0x1  }
0x8a: {  	s1 =	srdreg.scid  }
0x8b: {  	s0 =	sand.u32 $0x1, s1  }
0x8c: {  	s16 =	sshll.u32 s0, $0xA;
	s2 =	sadd.s32 s3, s2  }
0x8d: {  	s2 =	sadd.s32 s2, s16  }
0x8e: {  	[smem:$0x3FB5] =	sst s2  }
0x8f: {  	_ = 	snop  }
0x90: {  	(tm) =	ssettm $0x1  }
0x91: {  	s17 =	sld [smem:$0x3FFB];
	_ =	sdelay $0x3  }
0x92: {  	_ =	strace s17  }
0x93: {  	s2 =	sld [smem:$0x3FFC];
	_ =	sdelay $0x3  }
0x94: {  	_ =	strace s2  }
0x95: {  	s2 =	sld [smem:$0x3FFD];
	_ =	sdelay $0x3  }
0x96: {  	_ =	strace s2  }
0x97: {  	_ =	strace $0x8FFFFFFF  }
0x98: {  	s18 =	sld [smem:$0x3FDB];
	_ =	sdelay $0x1  }
0x99: {  	s19 =	simm.s32 $_scs_section_size  }
0x9a: {  	s4 =	simm.s32 $_size__tile_overlayer_lowered;
	s5 =	simm.s32 $_tile_overlayer_lowered  }
0x9b: {  	s22 =	simm.s32 $0x1BFF;
	s21 =	sshll.u32 s5, $0x1;
	s2 =	sadd.s32 s19, s18  }
0x9c: {  	s6 =	simm.s32 $0x0;
	s20 =	sshll.u32 s4, $0x1;
	s4 =	sadd.s32 s21, s2  }
0x9d: {  	[timem:s6], [sflag:s22] =	dma.local [hbm:s4], s20  }
0x9e: {  	_ =	swait.ge [sflag:s22], s20  }
0x9f: {  	s3 =	ssub.s32 $0x0, s20;
	[sflag:s22] =	ssyncset.done $0x0  }
0xa0: {  	[sflag:s22] =	ssyncadd.s32 s3;
	_ =	sdelay $0x1  }
0xa1: {  	s23 =	simm.s32 $0x1B8B  }
0xa2: {  	_ =	swait.ge [sflag:s23], $0x1  }
0xa3: {  	[sflag:s23] =	ssyncset.done $0x0  }
0xa4: {  	s25 =	simm.s32 $0x1B8E;
	s24 =	sld [smem:$0x3FFE];
	[sflag:s23] =	ssyncadd.s32 $0xFFFFFFFF  }
0xa5: {  	s26 =	simm.s32 $execute0_lowered;
	[smem:$0x3FD2] =	sst s25  }
0xa6: {  	s4 =	sshll.u32 s26, $0x1;
	_ =	strace $0x8000005E;
	[dreg:$0x1] =	wrdreg $0xFFFFFFFF  }
0xa7: {  	s28 =	simm.s32 $_size_execute0_lowered;
	s2 =	sadd.s32 s2, s4;
	[dreg:$0x0] =	wrdreg $0x0  }
0xa8: {  	s4 =	sshll.u32 s28, $0x1;
	[dreg:$0x2] =	wrdreg s2  }
0xa9: {  	[dreg:$0x3] =	wrdreg s4  }
0xaa: {  	[dreg:$0x4] =	wrdreg $0xC0  }
0xab: {  	_ =	task [dreg:s6], $0x5FFFF  }
0xac: {  	[dreg:$0x1] =	wrdreg $0xFFFFFFFF  }
0xad: {  	[dreg:$0x0] =	wrdreg $0x60  }
0xae: {  	[dreg:$0x2] =	wrdreg s24  }
0xaf: {  	[dreg:$0x3] =	wrdreg $0x48800  }
0xb0: {  	[dreg:$0x4] =	wrdreg $0x9  }
0xb1: {  	_ =	task.clear_ibuf [dreg:s6], $0x5FFFF;
	_ =	strace $0x9000005E  }
0xb2: {  	s29 =	simm.s32 $0x9;
	_ =	strace $0x80000060  }
0xb3: {  	_ =	swait.ge [sflag:s29], $0x1  }
0xb4: {  	[sflag:s29] =	ssyncadd.s32 $0xFFFFFFFF  }
0xb5: {  	_ =	strace $0x90000060  }
0xb6: {  	_ =	sfence  }
0xb7: {  	s30 =	sld [smem:$0x0];
	_ =	sdelay $0x2  }
0xb8: {  	s31 =	sshll.u32 s1, $0xD;
	s1 =	sshrl.u32 s1, $0x2  }
0xb9: {  	s3 =	sand.u32 $0x4000, s31;
	s1 =	sadd.s32 s1, s30  }
0xba: {  	s0 =	sor.u32 s3, s0;
	s1 =	sshll.u32 s1, $0x11  }
0xbb: {  	s0 =	sor.u32 s1, s0  }
0xbc: {  	s0 =	sadd.s32 $0x8F2B, s0  }
0xbd: {  	[sflag:s0] =	ssyncadd.remote.s32 $0x1  }
0xbe: {  	_ =	sfence.sel $0xFFFF  }
0xbf: {  	[dreg:$0x0] =	wrdreg $0xFFFFFFFF;
	(pc) =	sbr.abs _section_cstart, $3  }
0xc0: {  	[dreg:$0x1] =	wrdreg $0xFFFFFFFF  }
0xc1: {  	_ =	task.clear_ibuf [dreg:s6], $0x2FFFF;
	_ =	strace $0x9FFFFFFF  }
0xc2: {  	(tm) =	ssettm $0x7FFFFFFF  }
0xc3: {  	_ =	shalt  }
tec
execute0_lowered:
.L_overlay_start_1:
0x0: {  	(tag) =	ssettag $0x1  }
0x1: {  	s4 =	rddreg [dreg:$0x0]  }
0x2: {  	s2 =	rddreg [dreg:$0x1];
	s3 =	srdreg.scid  }
0x3: {  	s0 =	rddreg [dreg:$0x2];
	s1 =	stileid.u32;
	s11 =	sand.u32 $0x1, s3  }
0x4: {  	s3 =	simm.s32 $0x0;
	s5 =	sshll.u32 s1, $0x5;
	s25 =	smul.u32 $0x2700, s1  }
0x5: {  	s7 =	sshll.u32 s1, $0xC;
	s26 =	sadd.s32 $0x61000, s4;
	s12 =	smul.u32 $0x4E000, s1  }
0x6: {  	s14 =	sshll.u32 s1, $0x1;
	p0 =	seq.s32 s1, $0xF;
	s6 =	sshll.u32 s11, $0x4  }
0x7: {  	[smem:$0x7FF] =	sst s3;
	s10 =	sadd.s32 s7, s4;
	s29 =	smul.u32 $0x27100, s11  }
0x8: {  	s24 =	ssub.s32 $0x2, s11;
	s15 =	smul.u32 $0x138800, s11;
	s31 =	sshll.u32 s11, $0xB  }
0x9: {  	s11 =	sor.u32 s11, s14;
	s8 =	sor.u32 s6, s5;
	_ =	strace $0x8000005F  }
0xa: {  	s28 =	sshrl.u32 s24, $0x1;
	s12 =	sshrl.u32 s12, $0x2;
	s10 =	sadd.s32 s31, s10  }
0xb: {  	s5 =	sand.u32 $0x180, s8;
	s13 =	ssub.s32 s24, s28;
	s6 =	sadd.s32 s25, s29  }
0xc: {  	s30 =	sshrl.u32 s15, $0x3;
	s15 =	sadd.s32 $0x124800, s2;
	s8 =	sand.u32 $0x70, s8  }
0xd: {  	s10 =	sadd.s32 $0xA9BA00, s10;
	s9 =	sadd.s32 s5, s4;
	s4 =	simm.s32 $0x28  }
0xe: {  	s5 =	sadd.s32 s12, s2;
	s6 =	sadd.s32 s26, s6;
	s7 =	sadd.s32 s26, s30  }
0xf: {  	s12 =	simm.s32 $0x4080;
	s14 =	sshrl.u32 @p0 s15, $0x3;
	s15 =	simm.s32 $0x0  }
0x10: {  	s4 =	simm.s32 @!p0 $0x27;
	s7 =	sadd.s32 $0x24900, s7;
	s9 =	sadd.s32 s8, s9  }
0x11: {  	v0 =	vimm.f32 $0.0e+00;
	s8 =	smax.u32 s13, $0x1;
	s13 =	simm.s32 $0x2;
	s9 =	sadd.s32 $0x26200, s9  }
.LBB2_1:
0x12: {  	s16 =	sand.u32 $0x1E00, s3  }
0x13: {  	s17 =	sand.u32 $0x30, s3;
	s18 =	sshrl.u32 s16, $0x2  }
0x14: {  	s16 =	simm.s32 $0x80;
	s18 =	sor.u32 s17, s18;
	s17 =	simm.s32 $0x0  }
.LBB2_2:
0x15: {  	p1 =	sne.s32 s16, $0x1F80  }
0x16: {  	[tilespmem:s18+$0x4080] =	vst v0;
	s17 =	sadd.s32 $0x10, s17;
	s18 =	smov.u32 s16;
	s16 =	sadd.s32 $0x80, s16  }
.Ltmp0:
0x17: {  	(pc) =	sbr.rel @p1 .LBB2_2-.Ltmp0, $4  }
0x18: {  	_ = 	snop  }
0x19: {  	s18 =	sand.u32 $0x1E00, s18  }
0x1a: {  	s19 =	sand.u32 $0x30, s17;
	s18 =	sshrl.u32 s18, $0x2  }
0x1b: {  	s18 =	sor.u32 s19, s18  }
0x1c: {  	p1 =	sne.s32 s4, $0x1  }
.Ltmp1:
0x1d: {  	_ = 	snop;
	(pc) =	sbr.rel @!p1 .LBB2_5-.Ltmp1, $4  }
0x1e: {  	[tilespmem:s18+$0x4080] =	vst v0  }
0x1f: {  	[spmem:s5] =	stream.linear.scatter [tilespmem:s12], [sflag:$0x2], $0x800, $0x38;
	[tilespmem:$0xE4C0] =	vst v63  }
0x20: {  	_ =	swait.ge [sflag:s13], $0x800  }
0x21: {  	s16 =	sadd.s32 $0xFFFFFFFF, s4;
	s17 =	smov.u32 s5;
	[sflag:s13] =	ssyncset.done $0x0  }
.LBB2_4:
0x22: {  	p1 =	sne.s32 s16, $0x1;
	[sflag:s13] =	ssyncadd.s32 $0xFFFFF800;
	s17 =	sadd.s32 $0x800, s17  }
.Ltmp2:
0x23: {  	s16 =	sadd.s32 $0xFFFFFFFF, s16;
	(pc) =	sbr.rel @p1 .LBB2_4-.Ltmp2, $4  }
0x24: {  	_ = 	snop  }
0x25: {  	[spmem:s17] =	stream.linear.scatter [tilespmem:s12], [sflag:$0x2], $0x800, $0x38;
	[tilespmem:$0xE4C0] =	vst v63  }
0x26: {  	_ =	swait.ge [sflag:s13], $0x800  }
0x27: {  	[sflag:s13] =	ssyncset.done $0x0  }
.LBB2_5:
0x28: {  	s16 =	sadd.s32 $0x0, s11  }
0x29: {  	[sflag:s13] =	ssyncadd.s32 $0xFFFFF800;
	p1 =	sgt.u32 s16, $0x9C3  }
0x2a: {  	[bflag:$0x0] =	sbarrier.arrive $0xFFFF;
	s16 =	simm.s32 @!p1 $0x0;
	s18 =	simm.s32 @!p1 $0x2  }
0x2b: {  	[tilespmem:s16], [sflag:$0x2] =	stream.linear.gather @!p1 [hbm4b:s9+s16], $0x80, $0x38;
	[tilespmem:$0xE4C0] =	vst v63  }
0x2c: {  	_ =	swait.ge @!p1 [sflag:s18], $0x80  }
0x2d: {  	[sflag:s18] =	ssyncset.done @!p1 $0x0;
	p1 =	por p1, p1  }
0x2e: {  	[sflag:s18] =	ssyncadd.s32 @!p1 $0xFFFFFF80;
	s20 =	simm.s32 @!p1 $0x80  }
0x2f: {  	[tilespmem:s20], [sflag:$0x2] =	stream.linear.gather @!p1 [hbm4b:s10+s16], $0x4000, $0x38;
	[tilespmem:$0xE4C0] =	vst v63  }
0x30: {  	_ =	swait.ge @!p1 [sflag:s18], $0x4000  }
0x31: {  	[sflag:s18] =	ssyncset.done @!p1 $0x0  }
0x32: {  	s31 =	sadd.s32 $0x20, s11;
	s19 =	simm.s32 @!p1 $0x1;
	[sflag:s18] =	ssyncadd.s32 @!p1 $0xFFFFC000  }
0x33: {  	[spmem:s2] =	stream.indirect.scatter.add.f32 @!p1 [tilespmem:s20], [sflag:$0x1], $0x40, s16, s20, $0xb8;
	[tilespmem:$0xE4C0] =	vst v63  }
0x34: {  	s17 =	simm.s32 $0x40;
	p2 =	sgt.u32 s31, $0x9C3;
	_ =	swait.ge @!p1 [sflag:s19], $0x2000  }
0x35: {  	s18 =	sadd.s32 $0x200, s9;
	s16 =	sadd.s32 $0x10000, s10;
	[sflag:s19] =	ssyncset.done @!p1 $0x0  }
.LBB2_6:
0x36: {  	s20 =	simm.s32 @!p2 $0x0;
	s21 =	simm.s32 @!p2 $0x2;
	[sflag:s19] =	ssyncadd.s32 @!p1 $0xFFFFE000  }
0x37: {  	[tilespmem:s20], [sflag:$0x2] =	stream.linear.gather @!p2 [hbm4b:s18+s20], $0x80, $0x38;
	[tilespmem:$0xE4C0] =	vst v63  }
0x38: {  	s22 =	smov.u32 s17;
	s17 =	sadd.s32 $0x20, s17;
	_ =	swait.ge @!p2 [sflag:s21], $0x80  }
0x39: {  	p1 =	por p2, p2;
	p3 =	sne.s32 s17, $0x9E0;
	[sflag:s21] =	ssyncset.done @!p2 $0x0  }
0x3a: {  	s23 =	simm.s32 @!p1 $0x80;
	[sflag:s21] =	ssyncadd.s32 @!p1 $0xFFFFFF80  }
0x3b: {  	[tilespmem:s23], [sflag:$0x2] =	stream.linear.gather @!p1 [hbm4b:s16+s20], $0x4000, $0x38;
	[tilespmem:$0xE4C0] =	vst v63  }
0x3c: {  	_ =	swait.ge @!p1 [sflag:s21], $0x4000  }
.Ltmp3:
0x3d: {  	[sflag:s21] =	ssyncset.done @!p1 $0x0;
	(pc) =	sbr.rel @p3 .LBB2_6-.Ltmp3, $4  }
0x3e: {  	s19 =	simm.s32 @!p1 $0x1;
	[sflag:s21] =	ssyncadd.s32 @!p1 $0xFFFFC000  }
0x3f: {  	[spmem:s2] =	stream.indirect.scatter.add.f32 @!p1 [tilespmem:s23], [sflag:$0x1], $0x40, s20, s23, $0xb8;
	[tilespmem:$0xE4C0] =	vst v63  }
0x40: {  	s16 =	sadd.s32 $0x10000, s16;
	s20 =	sadd.s32 s22, s11;
	_ =	swait.ge @!p1 [sflag:s19], $0x2000  }
0x41: {  	s18 =	sadd.s32 $0x200, s18;
	p2 =	sgt.u32 s20, $0x9C3;
	[sflag:s19] =	ssyncset.done @!p1 $0x0  }
0x42: {  	s17 =	simm.s32 @!p2 $0x0;
	s20 =	simm.s32 @!p2 $0x2;
	[sflag:s19] =	ssyncadd.s32 @!p1 $0xFFFFE000  }
0x43: {  	[tilespmem:s17], [sflag:$0x2] =	stream.linear.gather @!p2 [hbm4b:s18+s17], $0x80, $0x38;
	[tilespmem:$0xE4C0] =	vst v63  }
0x44: {  	_ =	swait.ge @!p2 [sflag:s20], $0x80  }
0x45: {  	p1 =	por p2, p2;
	[sflag:s20] =	ssyncset.done @!p2 $0x0  }
0x46: {  	s18 =	simm.s32 @!p1 $0x80;
	[sflag:s20] =	ssyncadd.s32 @!p1 $0xFFFFFF80  }
0x47: {  	[tilespmem:s18], [sflag:$0x2] =	stream.linear.gather @!p1 [hbm4b:s16+s17], $0x4000, $0x38;
	[tilespmem:$0xE4C0] =	vst v63  }
0x48: {  	_ =	swait.ge @!p1 [sflag:s20], $0x4000  }
0x49: {  	[sflag:s20] =	ssyncset.done @!p1 $0x0  }
0x4a: {  	s16 =	simm.s32 @!p1 $0x1;
	[sflag:s20] =	ssyncadd.s32 @!p1 $0xFFFFC000  }
0x4b: {  	[spmem:s2] =	stream.indirect.scatter.add.f32 @!p1 [tilespmem:s18], [sflag:$0x1], $0x40, s17, s18, $0xb8;
	[tilespmem:$0xE4C0] =	vst v63  }
0x4c: {  	_ =	swait.ge @!p1 [sflag:s16], $0x2000  }
0x4d: {  	[sflag:s16] =	ssyncset.done @!p1 $0x0  }
0x4e: {  	[sflag:s16] =	ssyncadd.s32 @!p1 $0xFFFFE000  }
0x4f: {  	s16 =	simm.s32 @p0 $0x1FC2;
	[bflag:$0x0] =	sbarrier.arrive $0xFFFF  }
0x50: {  	[hbm:s7], [sflag:s16] =	dma.local @p0 [spmem:s14], $0x2800  }
0x51: {  	s16 =	simm.s32 @p0 $0x2  }
0x52: {  	s15 =	sadd.s32 $0x1, s15;
	_ =	swait.ge @p0 [sflag:s16], $0x2800  }
0x53: {  	s17 =	sshll.u32 @!p0 s1, $0x6;
	p1 =	sne.s32 s15, s8;
	[sflag:s16] =	ssyncset.done @p0 $0x0  }
0x54: {  	[sflag:s16] =	ssyncadd.s32 @p0 $0xFFFFD800;
	s16 =	sor.u32 @!p0 $0x1C02, s17;
	s17 =	sshrl.u32 @!p0 s5, $0x3  }
0x55: {  	[hbm:s6], [sflag:s16] =	dma.local @!p0 [spmem:s17], $0x2700  }
.Ltmp4:
0x56: {  	_ = 	snop;
	(pc) =	sbr.rel @p1 .LBB2_1-.Ltmp4, $4  }
0x57: {  	s16 =	simm.s32 @!p0 $0x2  }
0x58: {  	_ =	swait.ge @!p0 [sflag:s16], $0x2700  }
0x59: {  	[sflag:s16] =	ssyncset.done @!p0 $0x0  }
0x5a: {  	[sflag:s16] =	ssyncadd.s32 @!p0 $0xFFFFD900  }
0x5b: {  	_ =	sfence.sel $0x180000  }
0x5c: {  	[bflag:$0x0] =	sbarrier.arrive $0xFFFF  }
0x5d: {  	p0 =	sne.s32 s1, $0x0;
	_ =	strace $0x9000005F  }
0x5e: {  	s0 =	sadd.s32 @!p0 $0x100000, s0;
	[bflag:$0x2] =	sbarrier.arrive $0xFFFF  }
0x5f: {  	[sflag:s0] =	ssyncadd.tile.s32 @!p0 $0x1;
	_ =	shalt  }
.Lfunc_end2:
_tile_overlayer_lowered:
.L_overlay_start_2:
0x60: {  	(tag) =	ssettag $0x2  }
0x61: {  	s0 =	rddreg [dreg:$0x0];
	s2 =	stileid.u32  }
0x62: {  	s1 =	rddreg [dreg:$0x1];
	p0 =	sne.s32 s2, $0x0  }
0x63: {  	s3 =	rddreg [dreg:$0x2];
	[bflag:$0x3] =	sbarrier.arrive $0xFFFF;
	s2 =	simm.s32 @!p0 $0x1C02  }
0x64: {  	[timem:s3], [sflag:s2] =	dma.local @!p0 [hbm:s0], s1  }
0x65: {  	s0 =	simm.s32 @!p0 $0x2  }
0x66: {  	_ =	swait.ge @!p0 [sflag:s0], s1  }
0x67: {  	s1 =	ssub.s32 @!p0 $0x0, s1;
	[sflag:s0] =	ssyncset.done @!p0 $0x0  }
0x68: {  	[sflag:s0] =	ssyncadd.s32 @!p0 s1  }
0x69: {  	[bflag:$0x3] =	sbarrier.arrive $0xFFFF  }
0x6a: {  	_ =	shalt  }

</sc_bundles>
